<compile_context>
chip_gen: v7x
topology: tpu7x:2x2x1
jax: 0.10.2.dev20260603
libtpu: 0.0.44.dev20260713+nightly
codegen_flags: <defaults>
</compile_context>

<pallas_src>
import functools
import math

import jax
import jax.numpy as jnp
from jax import lax
from jax.experimental import pallas as pl
from jax.experimental.pallas import tpu as pltpu
from jax.experimental.pallas import tpu_sc as plsc

N = 10000
E = 320000
D = 128
DE = 16

_NC = 2
_NS = 16
_NW = _NC * _NS
_EPT = E // _NW
_C = 80
_NCH = _EPT // _C
_RT = 624
_TAIL = N - _RT * _NS
_C2 = 40
_NCH2 = _EPT // _C2

_BN = 1.0 / math.sqrt(1.0 + 1e-5)
_RB = 2000
_EB = 4000

_INTERPRET = False


def _nspec(shape, imap):
    return pl.BlockSpec(shape, imap)


def _pack2(t):
    f = lax.bitcast_convert_type(t[:, :D], jnp.uint32)
    s = lax.bitcast_convert_type(t[:, D:], jnp.uint32)
    f = (f + jnp.uint32(0x7FFF) + ((f >> 16) & jnp.uint32(1))) >> 16
    s = (s + jnp.uint32(0x7FFF) + ((s >> 16) & jnp.uint32(1))) & jnp.uint32(
        0xFFFF0000)
    return f | s


def _unpack_f(w):
    return lax.bitcast_convert_type(w << 16, jnp.float32)


def _unpack_s(w):
    return lax.bitcast_convert_type(w & jnp.uint32(0xFFFF0000), jnp.float32)


def _pre_body(x_ref, wd_ref, ws_ref, td_ref, ts_ref):
    xb = x_ref[...]
    td_ref[...] = _pack2(
        jnp.dot(xb, wd_ref[...], preferred_element_type=jnp.float32))
    ts_ref[...] = _pack2(
        jnp.dot(xb, ws_ref[...], preferred_element_type=jnp.float32))


def _tc_pre(x, wd, ws):
    return pl.pallas_call(
        _pre_body,
        grid=(N // _RB,),
        in_specs=[
            _nspec((_RB, D), lambda i: (i, 0)),
            _nspec((D, 2 * D), lambda i: (0, 0)),
            _nspec((D, 2 * D), lambda i: (0, 0)),
        ],
        out_specs=[
            _nspec((_RB, D), lambda i: (i, 0)),
            _nspec((_RB, D), lambda i: (i, 0)),
        ],
        out_shape=[
            jax.ShapeDtypeStruct((N, D), jnp.uint32),
            jax.ShapeDtypeStruct((N, D), jnp.uint32),
        ],
        interpret=_INTERPRET,
    )(x, wd, ws)


def _mid_body(x_ref, p_ref, g_ref, be_ref, wd_ref, ws_ref,
              h_ref, td_ref, ts_ref):
    agg = (p_ref[0] + p_ref[1]) * _BN
    h = jnp.maximum(x_ref[...] + g_ref[...] * agg + be_ref[...], 0.0)
    h_ref[...] = h
    td_ref[...] = _pack2(
        jnp.dot(h, wd_ref[...], preferred_element_type=jnp.float32))
    ts_ref[...] = _pack2(
        jnp.dot(h, ws_ref[...], preferred_element_type=jnp.float32))


def _tc_mid(x, parts, g, be, wd, ws):
    return pl.pallas_call(
        _mid_body,
        grid=(N // _RB,),
        in_specs=[
            _nspec((_RB, D), lambda i: (i, 0)),
            _nspec((2, _RB, D), lambda i: (0, i, 0)),
            _nspec((1, D), lambda i: (0, 0)),
            _nspec((1, D), lambda i: (0, 0)),
            _nspec((D, 2 * D), lambda i: (0, 0)),
            _nspec((D, 2 * D), lambda i: (0, 0)),
        ],
        out_specs=[
            _nspec((_RB, D), lambda i: (i, 0)),
            _nspec((_RB, D), lambda i: (i, 0)),
            _nspec((_RB, D), lambda i: (i, 0)),
        ],
        out_shape=[
            jax.ShapeDtypeStruct((N, D), jnp.float32),
            jax.ShapeDtypeStruct((N, D), jnp.uint32),
            jax.ShapeDtypeStruct((N, D), jnp.uint32),
        ],
        interpret=_INTERPRET,
    )(x, parts, g.reshape(1, D), be.reshape(1, D), wd, ws)


def _act_body(fd_ref, fs_ref, ea_ref, we_ref, bfs_ref, o_ref):
    wd_ = fd_ref[...]
    ws_ = fs_ref[...]
    g = jnp.dot(ea_ref[...], we_ref[...],
                preferred_element_type=jnp.float32) + bfs_ref[...]
    f = _unpack_f(wd_) + _unpack_f(ws_) + g[:, :D]
    s = _unpack_s(wd_) + _unpack_s(ws_) + g[:, D:]
    o_ref[...] = jax.nn.sigmoid(f) * jax.nn.softplus(s)


def _tc_act(fd, fs, ea, we, bfs):
    return pl.pallas_call(
        _act_body,
        grid=(E // _EB,),
        in_specs=[
            _nspec((_EB, D), lambda i: (i, 0)),
            _nspec((_EB, D), lambda i: (i, 0)),
            _nspec((_EB, DE), lambda i: (i, 0)),
            _nspec((DE, 2 * D), lambda i: (0, 0)),
            _nspec((1, 2 * D), lambda i: (0, 0)),
        ],
        out_specs=_nspec((_EB, D), lambda i: (i, 0)),
        out_shape=jax.ShapeDtypeStruct((E, D), jnp.float32),
        interpret=_INTERPRET,
    )(fd, fs, ea, we, bfs.reshape(1, 2 * D))


def _gcn_prep_body(h_ref, p_ref, g_ref, be_ref, deg_ref, w_ref,
                   hv_ref, dinv_ref):
    agg = (p_ref[0] + p_ref[1]) * _BN
    h2 = jnp.maximum(h_ref[...] + g_ref[...] * agg + be_ref[...], 0.0)
    deg = deg_ref[...] + 1.0
    dinv = lax.rsqrt(deg)
    hw = jnp.dot(h2, w_ref[...], preferred_element_type=jnp.float32)
    hv_ref[...] = dinv * hw
    dinv_ref[...] = jnp.broadcast_to(dinv, hw.shape)


def _tc_gcn_prep(h, parts, g, be, deg, w):
    return pl.pallas_call(
        _gcn_prep_body,
        grid=(N // _RB,),
        in_specs=[
            _nspec((_RB, D), lambda i: (i, 0)),
            _nspec((2, _RB, D), lambda i: (0, i, 0)),
            _nspec((1, D), lambda i: (0, 0)),
            _nspec((1, D), lambda i: (0, 0)),
            _nspec((_RB, 1), lambda i: (i, 0)),
            _nspec((D, D), lambda i: (0, 0)),
        ],
        out_specs=[
            _nspec((_RB, D), lambda i: (i, 0)),
            _nspec((_RB, D), lambda i: (i, 0)),
        ],
        out_shape=[
            jax.ShapeDtypeStruct((N, D), jnp.float32),
            jax.ShapeDtypeStruct((N, D), jnp.float32),
        ],
        interpret=_INTERPRET,
    )(h, parts, g.reshape(1, D), be.reshape(1, D), deg, w)


def _gcn_mid_body(p_ref, hv_ref, dinv_ref, b_ref, w_ref, hv4_ref):
    agg = p_ref[0] + p_ref[1] + hv_ref[...]
    h3 = jnp.maximum(dinv_ref[...] * agg + b_ref[...], 0.0)
    hv4_ref[...] = dinv_ref[...] * jnp.dot(
        h3, w_ref[...], preferred_element_type=jnp.float32)


def _tc_gcn_mid(parts, hv, dinv, b, w):
    return pl.pallas_call(
        _gcn_mid_body,
        grid=(N // _RB,),
        in_specs=[
            _nspec((2, _RB, D), lambda i: (0, i, 0)),
            _nspec((_RB, D), lambda i: (i, 0)),
            _nspec((_RB, D), lambda i: (i, 0)),
            _nspec((1, D), lambda i: (0, 0)),
            _nspec((D, D), lambda i: (0, 0)),
        ],
        out_specs=_nspec((_RB, D), lambda i: (i, 0)),
        out_shape=jax.ShapeDtypeStruct((N, D), jnp.float32),
        interpret=_INTERPRET,
    )(parts, hv, dinv, b.reshape(1, D), w)


def _final_body(p_ref, hv_ref, dinv_ref, b4_ref, goal_ref, d1wh_ref,
                d1wg_ref, d1b_ref, d2w_ref, d2b_ref, o_ref):
    agg = p_ref[0] + p_ref[1] + hv_ref[...]
    h4 = jnp.maximum(dinv_ref[...] * agg + b4_ref[...], 0.0)
    gterm = jnp.dot(goal_ref[...], d1wg_ref[...],
                    preferred_element_type=jnp.float32) + d1b_ref[...]
    hid = jnp.maximum(
        jnp.dot(h4, d1wh_ref[...], preferred_element_type=jnp.float32)
        + gterm, 0.0)
    o_ref[...] = jnp.dot(hid, d2w_ref[...],
                         preferred_element_type=jnp.float32) + d2b_ref[...]


def _tc_final(parts, hv, dinv, b4, goal, d1wh, d1wg, d1b, d2w, d2b):
    return pl.pallas_call(
        _final_body,
        grid=(N // _RB,),
        in_specs=[
            _nspec((2, _RB, D), lambda i: (0, i, 0)),
            _nspec((_RB, D), lambda i: (i, 0)),
            _nspec((_RB, D), lambda i: (i, 0)),
            _nspec((1, D), lambda i: (0, 0)),
            _nspec((1, D), lambda i: (0, 0)),
            _nspec((D, D), lambda i: (0, 0)),
            _nspec((D, D), lambda i: (0, 0)),
            _nspec((1, D), lambda i: (0, 0)),
            _nspec((D, 1), lambda i: (0, 0)),
            _nspec((1, 1), lambda i: (0, 0)),
        ],
        out_specs=_nspec((_RB, 1), lambda i: (i, 0)),
        out_shape=jax.ShapeDtypeStruct((N, 1), jnp.float32),
        interpret=_INTERPRET,
    )(parts, hv, dinv, b4.reshape(1, D), goal, d1wh, d1wg,
      d1b.reshape(1, D), d2w, d2b.reshape(1, 1))



_SC_MESH = plsc.VectorSubcoreMesh(core_axis_name="c", subcore_axis_name="s",
                                  num_cores=_NC, num_subcores=_NS)


def _rowcopy(sid, src_ref, dst_ref):
    pltpu.sync_copy(src_ref.at[pl.ds(sid * _RT, _RT)],
                    dst_ref.at[pl.ds(sid * _RT, _RT)])

    @pl.when(sid == _NS - 1)
    def _():
        pltpu.sync_copy(src_ref.at[pl.ds(_RT * _NS, _TAIL)],
                        dst_ref.at[pl.ds(_RT * _NS, _TAIL)])


def _scat_body(msg_hbm, dstx_hbm, zero_hbm, out_hbm, didx, buf0, accum):
    cid = lax.axis_index("c")
    sid = lax.axis_index("s")
    base = (cid * _NS + sid) * _EPT
    pltpu.sync_copy(dstx_hbm.at[cid, sid], didx)
    _rowcopy(sid, zero_hbm, accum)
    plsc.subcore_barrier()

    def step(j, carry):
        pltpu.sync_copy(msg_hbm.at[pl.ds(base + j * _C, _C)], buf0)
        pltpu.sync_copy(buf0, accum.at[didx.at[j]], add=True)
        return carry

    lax.fori_loop(0, _NCH, step, 0)
    plsc.subcore_barrier()
    _rowcopy(sid, accum, out_hbm.at[cid])


_sc_scat = pl.kernel(
    _scat_body,
    out_type=jax.ShapeDtypeStruct((_NC, N, D), jnp.float32),
    mesh=_SC_MESH,
    scratch_types=[
        pltpu.VMEM((_NCH, _C), jnp.int32),
        pltpu.VMEM((_C, D), jnp.float32),
        pltpu.VMEM_SHARED((N, D), jnp.float32),
    ],
)


def _gcn_body(hv_hbm, srcx_hbm, dstx_hbm, zero_hbm, out_hbm,
              sidx, didx, buf0, accum):
    cid = lax.axis_index("c")
    sid = lax.axis_index("s")
    pltpu.sync_copy(srcx_hbm.at[cid, sid], sidx)
    pltpu.sync_copy(dstx_hbm.at[cid, sid], didx)
    _rowcopy(sid, zero_hbm, accum)
    plsc.subcore_barrier()

    def step(j, carry):
        pltpu.sync_copy(hv_hbm.at[sidx.at[j]], buf0)
        pltpu.sync_copy(buf0, accum.at[didx.at[j]], add=True)
        return carry

    lax.fori_loop(0, _NCH, step, 0)
    plsc.subcore_barrier()
    _rowcopy(sid, accum, out_hbm.at[cid])


_sc_gcn = pl.kernel(
    _gcn_body,
    out_type=jax.ShapeDtypeStruct((_NC, N, D), jnp.float32),
    mesh=_SC_MESH,
    scratch_types=[
        pltpu.VMEM((_NCH, _C), jnp.int32),
        pltpu.VMEM((_NCH, _C), jnp.int32),
        pltpu.VMEM((_C, D), jnp.float32),
        pltpu.VMEM_SHARED((N, D), jnp.float32),
    ],
)


def _ga_body(td_hbm, ts_hbm, dstx_hbm, srcx_hbm, outd_hbm, outs_hbm,
             didx, sidx, bufa0, bufa1, bufb0, bufb1,
             ga0, ga1, gb0, gb1, wa0, wa1, wb0, wb1):
    cid = lax.axis_index("c")
    sid = lax.axis_index("s")
    base = (cid * _NS + sid) * _EPT
    pltpu.sync_copy(dstx_hbm.at[cid, sid], didx)
    pltpu.sync_copy(srcx_hbm.at[cid, sid], sidx)

    bas = (bufa0, bufa1)
    bbs = (bufb0, bufb1)
    gas = (ga0, ga1)
    gbs = (gb0, gb1)
    was = (wa0, wa1)
    wbs = (wb0, wb1)
    pltpu.async_copy(td_hbm.at[didx.at[0]], bufa0, ga0)
    pltpu.async_copy(ts_hbm.at[sidx.at[0]], bufb0, gb0)

    def steppair(jj, carry):
        for b in range(2):
            j = jj * 2 + b
            nb = 1 - b
            rows = pl.ds(base + j * _C, _C)
            pltpu.make_async_copy(td_hbm.at[didx.at[j]], bas[b],
                                  gas[b]).wait()
            pltpu.make_async_copy(ts_hbm.at[sidx.at[j]], bbs[b],
                                  gbs[b]).wait()

            @pl.when(j > 0)
            def _():
                pltpu.make_async_copy(bas[nb], outd_hbm.at[rows],
                                      was[nb]).wait()
                pltpu.make_async_copy(bbs[nb], outs_hbm.at[rows],
                                      wbs[nb]).wait()

            @pl.when(j + 1 < _NCH)
            def _():
                pltpu.async_copy(td_hbm.at[didx.at[j + 1]], bas[nb], gas[nb])
                pltpu.async_copy(ts_hbm.at[sidx.at[j + 1]], bbs[nb], gbs[nb])

            pltpu.async_copy(bas[b], outd_hbm.at[rows], was[b])
            pltpu.async_copy(bbs[b], outs_hbm.at[rows], wbs[b])
        return carry

    lax.fori_loop(0, _NCH // 2, steppair, 0)
    last = pl.ds(base + (_NCH - 1) * _C, _C)
    pltpu.make_async_copy(td_hbm.at[didx.at[0]], bufa0, ga0).wait()
    pltpu.make_async_copy(ts_hbm.at[sidx.at[0]], bufb0, gb0).wait()
    pltpu.make_async_copy(bufa1, outd_hbm.at[last], wa1).wait()
    pltpu.make_async_copy(bufb1, outs_hbm.at[last], wb1).wait()
    pltpu.sync_copy(bufa0, outd_hbm.at[last])
    pltpu.sync_copy(bufb0, outs_hbm.at[last])


_sc_gather_add = pl.kernel(
    _ga_body,
    out_type=[jax.ShapeDtypeStruct((E, D), jnp.uint32),
              jax.ShapeDtypeStruct((E, D), jnp.uint32)],
    mesh=_SC_MESH,
    scratch_types=[
        pltpu.VMEM((_NCH, _C), jnp.int32),
        pltpu.VMEM((_NCH, _C), jnp.int32),
        pltpu.VMEM((_C, D), jnp.uint32),
        pltpu.VMEM((_C, D), jnp.uint32),
        pltpu.VMEM((_C, D), jnp.uint32),
        pltpu.VMEM((_C, D), jnp.uint32),
        pltpu.SemaphoreType.DMA,
        pltpu.SemaphoreType.DMA,
        pltpu.SemaphoreType.DMA,
        pltpu.SemaphoreType.DMA,
        pltpu.SemaphoreType.DMA,
        pltpu.SemaphoreType.DMA,
        pltpu.SemaphoreType.DMA,
        pltpu.SemaphoreType.DMA,
    ],
)


def _gather_add(td, ts, dst, src):
    return td[dst] + ts[src]


def kernel(x, edge_index, edge_attr, batch, goal_feat, f1W, f1b, s1W, s1b,
           g1, be1, f2W, f2b, s2W, s2b, g2, be2, W3, b3, W4, b4,
           D1W, D1b, D2W, D2b):
    src = edge_index[0]
    dst = edge_index[1]
    srcx = src.reshape(_NC, _NS, _NCH, _C)
    dstx = dst.reshape(_NC, _NS, _NCH, _C)
    srcx2 = src.reshape(_NC, _NS, _NCH2, _C2)
    dstx2 = dst.reshape(_NC, _NS, _NCH2, _C2)
    zero_nd = jnp.zeros((N, D), jnp.float32)
    deg = jax.ops.segment_sum(jnp.ones((E,), jnp.float32), dst,
                              num_segments=N).reshape(N, 1)

    wd1 = jnp.concatenate([f1W[:D], s1W[:D]], axis=1)
    ws1 = jnp.concatenate([f1W[D:2 * D], s1W[D:2 * D]], axis=1)
    we1 = jnp.concatenate([f1W[2 * D:], s1W[2 * D:]], axis=1)
    bfs1 = jnp.concatenate([f1b, s1b])
    wd2 = jnp.concatenate([f2W[:D], s2W[:D]], axis=1)
    ws2 = jnp.concatenate([f2W[D:2 * D], s2W[D:2 * D]], axis=1)
    we2 = jnp.concatenate([f2W[2 * D:], s2W[2 * D:]], axis=1)
    bfs2 = jnp.concatenate([f2b, s2b])

    td1, ts1 = _tc_pre(x, wd1, ws1)
    fd1, fs1 = _sc_gather_add(td1, ts1, dstx, srcx)
    msg1 = _tc_act(fd1, fs1, edge_attr, we1, bfs1)
    parts1 = _sc_scat(msg1, dstx, zero_nd)

    h1, td2, ts2 = _tc_mid(x, parts1, g1, be1, wd2, ws2)
    fd2, fs2 = _sc_gather_add(td2, ts2, dstx, srcx)
    msg2 = _tc_act(fd2, fs2, edge_attr, we2, bfs2)
    parts2 = _sc_scat(msg2, dstx, zero_nd)

    hv3, dinv = _tc_gcn_prep(h1, parts2, g2, be2, deg, W3)
    parts3 = _sc_gcn(hv3, srcx, dstx, zero_nd)

    hv4 = _tc_gcn_mid(parts3, hv3, dinv, b3, W4)
    parts4 = _sc_gcn(hv4, srcx, dstx, zero_nd)

    return _tc_final(parts4, hv4, dinv, b4, goal_feat, D1W[:D], D1W[D:],
                     D1b, D2W, D2b)

# --- scband reference (transcript-rebuilt; emitter-appended) ---
"""Pipeline reference for scband-topo-gcn-71829033058960 (READ-ONLY COPY).

The authoritative reference and input builder live on the scoring server;
editing this copy changes nothing except your own understanding.
"""

import jax, jax.numpy as jnp
import numpy as np

N = 10000
E = 320000
D = 128
DE = 16
H = 128

def _lin(k, fi, fo):
    return (jax.random.normal(k, (fi, fo), dtype=jnp.float32) / np.sqrt(fi)).astype(jnp.float32)

def setup_inputs(seed: int = 0):
    key = jax.random.key(seed)
    ks = jax.random.split(key, 16)
    inp = {}
    inp['x'] = jax.random.normal(ks[0], (N, D), dtype=jnp.float32)
    inp['edge_index'] = jax.random.randint(ks[1], (2, E), 0, N, dtype=jnp.int32)
    inp['edge_attr'] = jax.random.normal(ks[2], (E, DE), dtype=jnp.float32)
    inp['batch'] = jnp.zeros((N,), dtype=jnp.int32)
    inp['goal_feat'] = jax.random.normal(ks[3], (1, D), dtype=jnp.float32)
    zin = 2 * D + DE
    inp['f1W'] = _lin(ks[4], zin, D); inp['f1b'] = jnp.zeros((D,), jnp.float32)
    inp['s1W'] = _lin(ks[5], zin, D); inp['s1b'] = jnp.zeros((D,), jnp.float32)
    inp['g1'] = jnp.ones((D,), jnp.float32); inp['be1'] = jnp.zeros((D,), jnp.float32)
    inp['f2W'] = _lin(ks[6], zin, D); inp['f2b'] = jnp.zeros((D,), jnp.float32)
    inp['s2W'] = _lin(ks[7], zin, D); inp['s2b'] = jnp.zeros((D,), jnp.float32)
    inp['g2'] = jnp.ones((D,), jnp.float32); inp['be2'] = jnp.zeros((D,), jnp.float32)
    inp['W3'] = _lin(ks[8], D, H); inp['b3'] = jnp.zeros((H,), jnp.float32)
    inp['W4'] = _lin(ks[9], H, H); inp['b4'] = jnp.zeros((H,), jnp.float32)
    inp['D1W'] = _lin(ks[10], H + D, D); inp['D1b'] = jnp.zeros((D,), jnp.float32)
    inp['D2W'] = _lin(ks[11], D, 1); inp['D2b'] = jnp.zeros((1,), jnp.float32)
    return inp

def _cgconv(x, edge_index, edge_attr, Wf, bf, Ws, bs, gamma, beta):
    # PyG CGConv: message z = [x_i, x_j, e_ij]; out = x + BN(sum_j sigmoid(lin_f(z)) * softplus(lin_s(z)))
    src = edge_index[0]
    dst = edge_index[1]
    z = jnp.concatenate([x[dst], x[src], edge_attr], axis=1)
    msg = jax.nn.sigmoid(z @ Wf + bf) * jax.nn.softplus(z @ Ws + bs)
    agg = jax.ops.segment_sum(msg, dst, num_segments=x.shape[0])
    # eval-mode BatchNorm1d with running_mean=0, running_var=1
    agg = gamma * (agg / jnp.sqrt(1.0 + 1e-5)) + beta
    return agg + x

def _gcnconv(x, edge_index, W, b):
    # PyG GCNConv: D^-1/2 (A+I) D^-1/2 X W + b
    n = x.shape[0]
    loop = jnp.arange(n, dtype=edge_index.dtype)
    row = jnp.concatenate([edge_index[0], loop])
    col = jnp.concatenate([edge_index[1], loop])
    deg = jax.ops.segment_sum(jnp.ones(row.shape[0], dtype=x.dtype), col, num_segments=n)
    dinv = jnp.where(deg > 0, jax.lax.rsqrt(deg), 0.0)
    norm = dinv[row] * dinv[col]
    h = x @ W
    out = jax.ops.segment_sum(norm[:, None] * h[row], col, num_segments=n)
    return out + b

def reference(x, edge_index, edge_attr, batch, goal_feat, f1W, f1b, s1W, s1b, g1, be1, f2W, f2b, s2W, s2b, g2, be2, W3, b3, W4, b4, D1W, D1b, D2W, D2b):
    num_nodes = batch.shape[0]
    h = jax.nn.relu(_cgconv(x, edge_index, edge_attr, f1W, f1b, s1W, s1b, g1, be1))
    h = jax.nn.relu(_cgconv(h, edge_index, edge_attr, f2W, f2b, s2W, s2b, g2, be2))
    h = jax.nn.relu(_gcnconv(h, edge_index, W3, b3))
    h = jax.nn.relu(_gcnconv(h, edge_index, W4, b4))
    cat = jnp.concatenate([h, jnp.tile(goal_feat, (num_nodes, 1))], axis=1)
    hid = jax.nn.relu(cat @ D1W + D1b)
    pred_dist = hid @ D2W + D2b
    return pred_dist

if __name__ == "__main__":
    import jax
    _d = setup_inputs()
    print(jax.jit(kernel)(*tuple(_d.values())))

</pallas_src>

<mosaic_0001>
#map = affine_map<(d0, d1) -> (0, 0)>
#map1 = affine_map<(d0, d1) -> (0, 0, 0, 0)>
module attributes {stable_mosaic.version = 14 : i64} {
  func.func @_ga_body(%arg0: i32, %arg1: i32, %arg2: memref<10000x128xi32, #tpu.memory_space<hbm>>, %arg3: memref<10000x128xi32, #tpu.memory_space<hbm>>, %arg4: memref<2x16x125x80xi32, #tpu.memory_space<hbm>>, %arg5: memref<2x16x125x80xi32, #tpu.memory_space<hbm>>, %arg6: memref<320000x128xi32, #tpu.memory_space<hbm>>, %arg7: memref<320000x128xi32, #tpu.memory_space<hbm>>, %arg8: memref<125x80xi32, #tpu.memory_space<vmem>>, %arg9: memref<125x80xi32, #tpu.memory_space<vmem>>, %arg10: memref<80x128xi32, #tpu.memory_space<vmem>>, %arg11: memref<80x128xi32, #tpu.memory_space<vmem>>, %arg12: memref<80x128xi32, #tpu.memory_space<vmem>>, %arg13: memref<80x128xi32, #tpu.memory_space<vmem>>, %arg14: memref<!tpu.dma_semaphore, #tpu.memory_space<semaphore_mem>>, %arg15: memref<!tpu.dma_semaphore, #tpu.memory_space<semaphore_mem>>, %arg16: memref<!tpu.dma_semaphore, #tpu.memory_space<semaphore_mem>>, %arg17: memref<!tpu.dma_semaphore, #tpu.memory_space<semaphore_mem>>, %arg18: memref<!tpu.dma_semaphore, #tpu.memory_space<semaphore_mem>>, %arg19: memref<!tpu.dma_semaphore, #tpu.memory_space<semaphore_mem>>, %arg20: memref<!tpu.dma_semaphore, #tpu.memory_space<semaphore_mem>>, %arg21: memref<!tpu.dma_semaphore, #tpu.memory_space<semaphore_mem>>) attributes {dimension_semantics = [#tpu.dimension_semantics<core_parallel>, #tpu.dimension_semantics<subcore_parallel>], iteration_bounds = array<i64: 2, 16>, scalar_prefetch = 0 : i64, scratch_operands = 14 : i64, tpu.core_type = #tpu.core_type<sc_vector_subcore>, window_params = [{transform_indices = #map}, {transform_indices = #map}, {transform_indices = #map1}, {transform_indices = #map1}, {transform_indices = #map}, {transform_indices = #map}]} {
    %mul3A = arith.constant 16 : i32
    %mul3A_0 = arith.muli %arg0, %mul3A : i32
    %add3A = arith.addi %mul3A_0, %arg1 : i32
    %mul3A_1 = arith.constant 10000 : i32
    %mul3A_2 = arith.muli %add3A, %mul3A_1 : i32
    "tpu.region"() ({
      %run_scoped3A = tpu.sem_alloc : memref<!tpu.dma_semaphore, #tpu.memory_space<semaphore_mem>>
      %dma_start3A_44 = arith.constant 0 : i32
      %dma_start3A_45 = arith.constant 0 : i32
      %dma_start3A_46 = tpu.memref_slice %arg4[%arg0, %arg1, %dma_start3A_44, %dma_start3A_45] : memref<2x16x125x80xi32, #tpu.memory_space<hbm>> -> memref<1x1x125x80xi32, #tpu.memory_space<hbm>>
      %dma_start3A_47 = tpu.memref_squeeze %dma_start3A_46 : memref<1x1x125x80xi32, #tpu.memory_space<hbm>> -> memref<125x80xi32, #tpu.memory_space<hbm>>
      %dma_start3A_48 = arith.constant 0 : i32
      %dma_start3A_49 = arith.constant 0 : i32
      %dma_start3A_50 = tpu.memref_slice %arg4[%arg0, %arg1, %dma_start3A_48, %dma_start3A_49] : memref<2x16x125x80xi32, #tpu.memory_space<hbm>> -> memref<1x1x125x80xi32, #tpu.memory_space<hbm>>
      %dma_start3A_51 = tpu.memref_squeeze %dma_start3A_50 : memref<1x1x125x80xi32, #tpu.memory_space<hbm>> -> memref<125x80xi32, #tpu.memory_space<hbm>>
      tpu.enqueue_dma source(%dma_start3A_51 : memref<125x80xi32, #tpu.memory_space<hbm>>) target(%arg8 : memref<125x80xi32, #tpu.memory_space<vmem>>) target_semaphore(%run_scoped3A : memref<!tpu.dma_semaphore, #tpu.memory_space<semaphore_mem>>)
      %dma_wait3A_52 = arith.constant 0 : i32
      %dma_wait3A_53 = arith.constant 0 : i32
      %dma_wait3A_54 = tpu.memref_slice %arg4[%arg0, %arg1, %dma_wait3A_52, %dma_wait3A_53] : memref<2x16x125x80xi32, #tpu.memory_space<hbm>> -> memref<1x1x125x80xi32, #tpu.memory_space<hbm>>
      %dma_wait3A_55 = tpu.memref_squeeze %dma_wait3A_54 : memref<1x1x125x80xi32, #tpu.memory_space<hbm>> -> memref<125x80xi32, #tpu.memory_space<hbm>>
      %dma_wait3A_56 = arith.constant 0 : i32
      %dma_wait3A_57 = arith.constant 0 : i32
      %dma_wait3A_58 = tpu.memref_slice %arg4[%arg0, %arg1, %dma_wait3A_56, %dma_wait3A_57] : memref<2x16x125x80xi32, #tpu.memory_space<hbm>> -> memref<1x1x125x80xi32, #tpu.memory_space<hbm>>
      %dma_wait3A_59 = tpu.memref_squeeze %dma_wait3A_58 : memref<1x1x125x80xi32, #tpu.memory_space<hbm>> -> memref<125x80xi32, #tpu.memory_space<hbm>>
      tpu.wait_dma2 semaphore(%run_scoped3A : memref<!tpu.dma_semaphore, #tpu.memory_space<semaphore_mem>>) src(%dma_wait3A_59 : memref<125x80xi32, #tpu.memory_space<hbm>>) dst(%arg8 : memref<125x80xi32, #tpu.memory_space<vmem>>)
      tpu.yield
    }) : () -> ()
    "tpu.region"() ({
      %run_scoped3A = tpu.sem_alloc : memref<!tpu.dma_semaphore, #tpu.memory_space<semaphore_mem>>
      %dma_start3A_44 = arith.constant 0 : i32
      %dma_start3A_45 = arith.constant 0 : i32
      %dma_start3A_46 = tpu.memref_slice %arg5[%arg0, %arg1, %dma_start3A_44, %dma_start3A_45] : memref<2x16x125x80xi32, #tpu.memory_space<hbm>> -> memref<1x1x125x80xi32, #tpu.memory_space<hbm>>
      %dma_start3A_47 = tpu.memref_squeeze %dma_start3A_46 : memref<1x1x125x80xi32, #tpu.memory_space<hbm>> -> memref<125x80xi32, #tpu.memory_space<hbm>>
      %dma_start3A_48 = arith.constant 0 : i32
      %dma_start3A_49 = arith.constant 0 : i32
      %dma_start3A_50 = tpu.memref_slice %arg5[%arg0, %arg1, %dma_start3A_48, %dma_start3A_49] : memref<2x16x125x80xi32, #tpu.memory_space<hbm>> -> memref<1x1x125x80xi32, #tpu.memory_space<hbm>>
      %dma_start3A_51 = tpu.memref_squeeze %dma_start3A_50 : memref<1x1x125x80xi32, #tpu.memory_space<hbm>> -> memref<125x80xi32, #tpu.memory_space<hbm>>
      tpu.enqueue_dma source(%dma_start3A_51 : memref<125x80xi32, #tpu.memory_space<hbm>>) target(%arg9 : memref<125x80xi32, #tpu.memory_space<vmem>>) target_semaphore(%run_scoped3A : memref<!tpu.dma_semaphore, #tpu.memory_space<semaphore_mem>>)
      %dma_wait3A_52 = arith.constant 0 : i32
      %dma_wait3A_53 = arith.constant 0 : i32
      %dma_wait3A_54 = tpu.memref_slice %arg5[%arg0, %arg1, %dma_wait3A_52, %dma_wait3A_53] : memref<2x16x125x80xi32, #tpu.memory_space<hbm>> -> memref<1x1x125x80xi32, #tpu.memory_space<hbm>>
      %dma_wait3A_55 = tpu.memref_squeeze %dma_wait3A_54 : memref<1x1x125x80xi32, #tpu.memory_space<hbm>> -> memref<125x80xi32, #tpu.memory_space<hbm>>
      %dma_wait3A_56 = arith.constant 0 : i32
      %dma_wait3A_57 = arith.constant 0 : i32
      %dma_wait3A_58 = tpu.memref_slice %arg5[%arg0, %arg1, %dma_wait3A_56, %dma_wait3A_57] : memref<2x16x125x80xi32, #tpu.memory_space<hbm>> -> memref<1x1x125x80xi32, #tpu.memory_space<hbm>>
      %dma_wait3A_59 = tpu.memref_squeeze %dma_wait3A_58 : memref<1x1x125x80xi32, #tpu.memory_space<hbm>> -> memref<125x80xi32, #tpu.memory_space<hbm>>
      tpu.wait_dma2 semaphore(%run_scoped3A : memref<!tpu.dma_semaphore, #tpu.memory_space<semaphore_mem>>) src(%dma_wait3A_59 : memref<125x80xi32, #tpu.memory_space<hbm>>) dst(%arg9 : memref<125x80xi32, #tpu.memory_space<vmem>>)
      tpu.yield
    }) : () -> ()
    %dma_start3A = arith.constant 0 : i32
    %dma_start3A_3 = arith.constant 0 : i32
    %dma_start3A_4 = tpu.memref_slice %arg8[%dma_start3A, %dma_start3A_3] : memref<125x80xi32, #tpu.memory_space<vmem>> -> memref<1x80xi32, #tpu.memory_space<vmem>>
    %dma_start3A_5 = tpu.memref_squeeze %dma_start3A_4 : memref<1x80xi32, #tpu.memory_space<vmem>> -> memref<80xi32, #tpu.memory_space<vmem>>
    %dma_start3A_6 = arith.constant 0 : i32
    %dma_start3A_7 = arith.constant 0 : i32
    %dma_start3A_8 = tpu.memref_slice %arg2[%dma_start3A_6, %dma_start3A_7] : memref<10000x128xi32, #tpu.memory_space<hbm>> -> memref<10000x128xi32, #tpu.memory_space<hbm>>
    tpu.enqueue_indirect_dma source(%dma_start3A_8 : memref<10000x128xi32, #tpu.memory_space<hbm>>) target(%arg10 : memref<80x128xi32, #tpu.memory_space<vmem>>) offsets(%dma_start3A_5 : memref<80xi32, #tpu.memory_space<vmem>>) semaphore(%arg14 : memref<!tpu.dma_semaphore, #tpu.memory_space<semaphore_mem>>)
    %dma_start3A_9 = arith.constant 0 : i32
    %dma_start3A_10 = arith.constant 0 : i32
    %dma_start3A_11 = tpu.memref_slice %arg9[%dma_start3A_9, %dma_start3A_10] : memref<125x80xi32, #tpu.memory_space<vmem>> -> memref<1x80xi32, #tpu.memory_space<vmem>>
    %dma_start3A_12 = tpu.memref_squeeze %dma_start3A_11 : memref<1x80xi32, #tpu.memory_space<vmem>> -> memref<80xi32, #tpu.memory_space<vmem>>
    %dma_start3A_13 = arith.constant 0 : i32
    %dma_start3A_14 = arith.constant 0 : i32
    %dma_start3A_15 = tpu.memref_slice %arg3[%dma_start3A_13, %dma_start3A_14] : memref<10000x128xi32, #tpu.memory_space<hbm>> -> memref<10000x128xi32, #tpu.memory_space<hbm>>
    tpu.enqueue_indirect_dma source(%dma_start3A_15 : memref<10000x128xi32, #tpu.memory_space<hbm>>) target(%arg12 : memref<80x128xi32, #tpu.memory_space<vmem>>) offsets(%dma_start3A_12 : memref<80xi32, #tpu.memory_space<vmem>>) semaphore(%arg16 : memref<!tpu.dma_semaphore, #tpu.memory_space<semaphore_mem>>)
    %scan3A = arith.constant 0 : i32
    %scan3A_16 = arith.constant 0 : i32
    %scan3A_17 = arith.constant 62 : i32
    %scan3A_18 = arith.addi %scan3A_16, %scan3A_17 : i32
    %scan3A_19 = arith.constant 1 : i32
    scf.for %scan3A_44 = %scan3A_16 to %scan3A_18 step %scan3A_19  : i32 {
      %mul3A_45 = arith.constant 2 : i32
      %mul3A_46 = arith.muli %scan3A_44, %mul3A_45 : i32
      %add3A_47 = arith.constant 0 : i32
      %add3A_48 = arith.addi %mul3A_46, %add3A_47 : i32
      %mul3A_49 = arith.constant 80 : i32
      %mul3A_50 = arith.muli %add3A_48, %mul3A_49 : i32
      %add3A_51 = arith.addi %mul3A_2, %mul3A_50 : i32
      %dma_wait3A_52 = arith.constant 0 : i32
      %dma_wait3A_53 = tpu.memref_slice %arg8[%add3A_48, %dma_wait3A_52] : memref<125x80xi32, #tpu.memory_space<vmem>> -> memref<1x80xi32, #tpu.memory_space<vmem>>
      %dma_wait3A_54 = tpu.memref_squeeze %dma_wait3A_53 : memref<1x80xi32, #tpu.memory_space<vmem>> -> memref<80xi32, #tpu.memory_space<vmem>>
      %dma_wait3A_55 = arith.constant 0 : i32
      %dma_wait3A_56 = arith.constant 0 : i32
      %dma_wait3A_57 = tpu.memref_slice %arg2[%dma_wait3A_55, %dma_wait3A_56] : memref<10000x128xi32, #tpu.memory_space<hbm>> -> memref<10000x128xi32, #tpu.memory_space<hbm>>
      tpu.wait_indirect_dma semaphore(%arg14 : memref<!tpu.dma_semaphore, #tpu.memory_space<semaphore_mem>>) src(%dma_wait3A_57 : memref<10000x128xi32, #tpu.memory_space<hbm>>) dst(%arg10 : memref<80x128xi32, #tpu.memory_space<vmem>>)
      %dma_wait3A_58 = arith.constant 0 : i32
      %dma_wait3A_59 = tpu.memref_slice %arg9[%add3A_48, %dma_wait3A_58] : memref<125x80xi32, #tpu.memory_space<vmem>> -> memref<1x80xi32, #tpu.memory_space<vmem>>
      %dma_wait3A_60 = tpu.memref_squeeze %dma_wait3A_59 : memref<1x80xi32, #tpu.memory_space<vmem>> -> memref<80xi32, #tpu.memory_space<vmem>>
      %dma_wait3A_61 = arith.constant 0 : i32
      %dma_wait3A_62 = arith.constant 0 : i32
      %dma_wait3A_63 = tpu.memref_slice %arg3[%dma_wait3A_61, %dma_wait3A_62] : memref<10000x128xi32, #tpu.memory_space<hbm>> -> memref<10000x128xi32, #tpu.memory_space<hbm>>
      tpu.wait_indirect_dma semaphore(%arg16 : memref<!tpu.dma_semaphore, #tpu.memory_space<semaphore_mem>>) src(%dma_wait3A_63 : memref<10000x128xi32, #tpu.memory_space<hbm>>) dst(%arg12 : memref<80x128xi32, #tpu.memory_space<vmem>>)
      %gt3A = arith.constant 0 : i32
      %gt3A_64 = arith.cmpi sgt, %add3A_48, %gt3A : i32
      %convert_element_type3A = arith.extui %gt3A_64 : i1 to i32
      %cond3A = arith.constant 0 : i32
      %cond3A_65 = arith.cmpi ne, %convert_element_type3A, %cond3A : i32
      scf.if %cond3A_65 {
        %dma_wait3A_119 = arith.constant 0 : i32
        %dma_wait3A_120 = tpu.memref_slice %arg6[%add3A_51, %dma_wait3A_119] : memref<320000x128xi32, #tpu.memory_space<hbm>> -> memref<80x128xi32, #tpu.memory_space<hbm>>
        %dma_wait3A_121 = arith.constant 0 : i32
        %dma_wait3A_122 = tpu.memref_slice %arg6[%add3A_51, %dma_wait3A_121] : memref<320000x128xi32, #tpu.memory_space<hbm>> -> memref<80x128xi32, #tpu.memory_space<hbm>>
        tpu.wait_dma2 semaphore(%arg19 : memref<!tpu.dma_semaphore, #tpu.memory_space<semaphore_mem>>) src(%arg11 : memref<80x128xi32, #tpu.memory_space<vmem>>) dst(%dma_wait3A_122 : memref<80x128xi32, #tpu.memory_space<hbm>>)
        %dma_wait3A_123 = arith.constant 0 : i32
        %dma_wait3A_124 = tpu.memref_slice %arg7[%add3A_51, %dma_wait3A_123] : memref<320000x128xi32, #tpu.memory_space<hbm>> -> memref<80x128xi32, #tpu.memory_space<hbm>>
        %dma_wait3A_125 = arith.constant 0 : i32
        %dma_wait3A_126 = tpu.memref_slice %arg7[%add3A_51, %dma_wait3A_125] : memref<320000x128xi32, #tpu.memory_space<hbm>> -> memref<80x128xi32, #tpu.memory_space<hbm>>
        tpu.wait_dma2 semaphore(%arg21 : memref<!tpu.dma_semaphore, #tpu.memory_space<semaphore_mem>>) src(%arg13 : memref<80x128xi32, #tpu.memory_space<vmem>>) dst(%dma_wait3A_126 : memref<80x128xi32, #tpu.memory_space<hbm>>)
      } else {
      }
      %add3A_66 = arith.constant 1 : i32
      %add3A_67 = arith.addi %add3A_48, %add3A_66 : i32
      %lt3A = arith.constant 125 : i32
      %lt3A_68 = arith.cmpi slt, %add3A_67, %lt3A : i32
      %convert_element_type3A_69 = arith.extui %lt3A_68 : i1 to i32
      %cond3A_70 = arith.constant 0 : i32
      %cond3A_71 = arith.cmpi ne, %convert_element_type3A_69, %cond3A_70 : i32
      scf.if %cond3A_71 {
        %add3A_119 = arith.constant 1 : i32
        %add3A_120 = arith.addi %add3A_48, %add3A_119 : i32
        %dma_start3A_121 = arith.constant 0 : i32
        %dma_start3A_122 = tpu.memref_slice %arg8[%add3A_120, %dma_start3A_121] : memref<125x80xi32, #tpu.memory_space<vmem>> -> memref<1x80xi32, #tpu.memory_space<vmem>>
        %dma_start3A_123 = tpu.memref_squeeze %dma_start3A_122 : memref<1x80xi32, #tpu.memory_space<vmem>> -> memref<80xi32, #tpu.memory_space<vmem>>
        %dma_start3A_124 = arith.constant 0 : i32
        %dma_start3A_125 = arith.constant 0 : i32
        %dma_start3A_126 = tpu.memref_slice %arg2[%dma_start3A_124, %dma_start3A_125] : memref<10000x128xi32, #tpu.memory_space<hbm>> -> memref<10000x128xi32, #tpu.memory_space<hbm>>
        tpu.enqueue_indirect_dma source(%dma_start3A_126 : memref<10000x128xi32, #tpu.memory_space<hbm>>) target(%arg11 : memref<80x128xi32, #tpu.memory_space<vmem>>) offsets(%dma_start3A_123 : memref<80xi32, #tpu.memory_space<vmem>>) semaphore(%arg15 : memref<!tpu.dma_semaphore, #tpu.memory_space<semaphore_mem>>)
        %add3A_127 = arith.constant 1 : i32
        %add3A_128 = arith.addi %add3A_48, %add3A_127 : i32
        %dma_start3A_129 = arith.constant 0 : i32
        %dma_start3A_130 = tpu.memref_slice %arg9[%add3A_128, %dma_start3A_129] : memref<125x80xi32, #tpu.memory_space<vmem>> -> memref<1x80xi32, #tpu.memory_space<vmem>>
        %dma_start3A_131 = tpu.memref_squeeze %dma_start3A_130 : memref<1x80xi32, #tpu.memory_space<vmem>> -> memref<80xi32, #tpu.memory_space<vmem>>
        %dma_start3A_132 = arith.constant 0 : i32
        %dma_start3A_133 = arith.constant 0 : i32
        %dma_start3A_134 = tpu.memref_slice %arg3[%dma_start3A_132, %dma_start3A_133] : memref<10000x128xi32, #tpu.memory_space<hbm>> -> memref<10000x128xi32, #tpu.memory_space<hbm>>
        tpu.enqueue_indirect_dma source(%dma_start3A_134 : memref<10000x128xi32, #tpu.memory_space<hbm>>) target(%arg13 : memref<80x128xi32, #tpu.memory_space<vmem>>) offsets(%dma_start3A_131 : memref<80xi32, #tpu.memory_space<vmem>>) semaphore(%arg17 : memref<!tpu.dma_semaphore, #tpu.memory_space<semaphore_mem>>)
      } else {
      }
      %dma_start3A_72 = arith.constant 0 : i32
      %dma_start3A_73 = tpu.memref_slice %arg6[%add3A_51, %dma_start3A_72] : memref<320000x128xi32, #tpu.memory_space<hbm>> -> memref<80x128xi32, #tpu.memory_space<hbm>>
      %dma_start3A_74 = arith.constant 0 : i32
      %dma_start3A_75 = tpu.memref_slice %arg6[%add3A_51, %dma_start3A_74] : memref<320000x128xi32, #tpu.memory_space<hbm>> -> memref<80x128xi32, #tpu.memory_space<hbm>>
      tpu.enqueue_dma source(%arg10 : memref<80x128xi32, #tpu.memory_space<vmem>>) target(%dma_start3A_75 : memref<80x128xi32, #tpu.memory_space<hbm>>) target_semaphore(%arg18 : memref<!tpu.dma_semaphore, #tpu.memory_space<semaphore_mem>>)
      %dma_start3A_76 = arith.constant 0 : i32
      %dma_start3A_77 = tpu.memref_slice %arg7[%add3A_51, %dma_start3A_76] : memref<320000x128xi32, #tpu.memory_space<hbm>> -> memref<80x128xi32, #tpu.memory_space<hbm>>
      %dma_start3A_78 = arith.constant 0 : i32
      %dma_start3A_79 = tpu.memref_slice %arg7[%add3A_51, %dma_start3A_78] : memref<320000x128xi32, #tpu.memory_space<hbm>> -> memref<80x128xi32, #tpu.memory_space<hbm>>
      tpu.enqueue_dma source(%arg12 : memref<80x128xi32, #tpu.memory_space<vmem>>) target(%dma_start3A_79 : memref<80x128xi32, #tpu.memory_space<hbm>>) target_semaphore(%arg20 : memref<!tpu.dma_semaphore, #tpu.memory_space<semaphore_mem>>)
      %mul3A_80 = arith.constant 2 : i32
      %mul3A_81 = arith.muli %scan3A_44, %mul3A_80 : i32
      %add3A_82 = arith.constant 1 : i32
      %add3A_83 = arith.addi %mul3A_81, %add3A_82 : i32
      %mul3A_84 = arith.constant 80 : i32
      %mul3A_85 = arith.muli %add3A_83, %mul3A_84 : i32
      %add3A_86 = arith.addi %mul3A_2, %mul3A_85 : i32
      %dma_wait3A_87 = arith.constant 0 : i32
      %dma_wait3A_88 = tpu.memref_slice %arg8[%add3A_83, %dma_wait3A_87] : memref<125x80xi32, #tpu.memory_space<vmem>> -> memref<1x80xi32, #tpu.memory_space<vmem>>
      %dma_wait3A_89 = tpu.memref_squeeze %dma_wait3A_88 : memref<1x80xi32, #tpu.memory_space<vmem>> -> memref<80xi32, #tpu.memory_space<vmem>>
      %dma_wait3A_90 = arith.constant 0 : i32
      %dma_wait3A_91 = arith.constant 0 : i32
      %dma_wait3A_92 = tpu.memref_slice %arg2[%dma_wait3A_90, %dma_wait3A_91] : memref<10000x128xi32, #tpu.memory_space<hbm>> -> memref<10000x128xi32, #tpu.memory_space<hbm>>
      tpu.wait_indirect_dma semaphore(%arg15 : memref<!tpu.dma_semaphore, #tpu.memory_space<semaphore_mem>>) src(%dma_wait3A_92 : memref<10000x128xi32, #tpu.memory_space<hbm>>) dst(%arg11 : memref<80x128xi32, #tpu.memory_space<vmem>>)
      %dma_wait3A_93 = arith.constant 0 : i32
      %dma_wait3A_94 = tpu.memref_slice %arg9[%add3A_83, %dma_wait3A_93] : memref<125x80xi32, #tpu.memory_space<vmem>> -> memref<1x80xi32, #tpu.memory_space<vmem>>
      %dma_wait3A_95 = tpu.memref_squeeze %dma_wait3A_94 : memref<1x80xi32, #tpu.memory_space<vmem>> -> memref<80xi32, #tpu.memory_space<vmem>>
      %dma_wait3A_96 = arith.constant 0 : i32
      %dma_wait3A_97 = arith.constant 0 : i32
      %dma_wait3A_98 = tpu.memref_slice %arg3[%dma_wait3A_96, %dma_wait3A_97] : memref<10000x128xi32, #tpu.memory_space<hbm>> -> memref<10000x128xi32, #tpu.memory_space<hbm>>
      tpu.wait_indirect_dma semaphore(%arg17 : memref<!tpu.dma_semaphore, #tpu.memory_space<semaphore_mem>>) src(%dma_wait3A_98 : memref<10000x128xi32, #tpu.memory_space<hbm>>) dst(%arg13 : memref<80x128xi32, #tpu.memory_space<vmem>>)
      %gt3A_99 = arith.constant 0 : i32
      %gt3A_100 = arith.cmpi sgt, %add3A_83, %gt3A_99 : i32
      %convert_element_type3A_101 = arith.extui %gt3A_100 : i1 to i32
      %cond3A_102 = arith.constant 0 : i32
      %cond3A_103 = arith.cmpi ne, %convert_element_type3A_101, %cond3A_102 : i32
      scf.if %cond3A_103 {
        %dma_wait3A_119 = arith.constant 0 : i32
        %dma_wait3A_120 = tpu.memref_slice %arg6[%add3A_86, %dma_wait3A_119] : memref<320000x128xi32, #tpu.memory_space<hbm>> -> memref<80x128xi32, #tpu.memory_space<hbm>>
        %dma_wait3A_121 = arith.constant 0 : i32
        %dma_wait3A_122 = tpu.memref_slice %arg6[%add3A_86, %dma_wait3A_121] : memref<320000x128xi32, #tpu.memory_space<hbm>> -> memref<80x128xi32, #tpu.memory_space<hbm>>
        tpu.wait_dma2 semaphore(%arg18 : memref<!tpu.dma_semaphore, #tpu.memory_space<semaphore_mem>>) src(%arg10 : memref<80x128xi32, #tpu.memory_space<vmem>>) dst(%dma_wait3A_122 : memref<80x128xi32, #tpu.memory_space<hbm>>)
        %dma_wait3A_123 = arith.constant 0 : i32
        %dma_wait3A_124 = tpu.memref_slice %arg7[%add3A_86, %dma_wait3A_123] : memref<320000x128xi32, #tpu.memory_space<hbm>> -> memref<80x128xi32, #tpu.memory_space<hbm>>
        %dma_wait3A_125 = arith.constant 0 : i32
        %dma_wait3A_126 = tpu.memref_slice %arg7[%add3A_86, %dma_wait3A_125] : memref<320000x128xi32, #tpu.memory_space<hbm>> -> memref<80x128xi32, #tpu.memory_space<hbm>>
        tpu.wait_dma2 semaphore(%arg20 : memref<!tpu.dma_semaphore, #tpu.memory_space<semaphore_mem>>) src(%arg12 : memref<80x128xi32, #tpu.memory_space<vmem>>) dst(%dma_wait3A_126 : memref<80x128xi32, #tpu.memory_space<hbm>>)
      } else {
      }
      %add3A_104 = arith.constant 1 : i32
      %add3A_105 = arith.addi %add3A_83, %add3A_104 : i32
      %lt3A_106 = arith.constant 125 : i32
      %lt3A_107 = arith.cmpi slt, %add3A_105, %lt3A_106 : i32
      %convert_element_type3A_108 = arith.extui %lt3A_107 : i1 to i32
      %cond3A_109 = arith.constant 0 : i32
      %cond3A_110 = arith.cmpi ne, %convert_element_type3A_108, %cond3A_109 : i32
      scf.if %cond3A_110 {
        %add3A_119 = arith.constant 1 : i32
        %add3A_120 = arith.addi %add3A_83, %add3A_119 : i32
        %dma_start3A_121 = arith.constant 0 : i32
        %dma_start3A_122 = tpu.memref_slice %arg8[%add3A_120, %dma_start3A_121] : memref<125x80xi32, #tpu.memory_space<vmem>> -> memref<1x80xi32, #tpu.memory_space<vmem>>
        %dma_start3A_123 = tpu.memref_squeeze %dma_start3A_122 : memref<1x80xi32, #tpu.memory_space<vmem>> -> memref<80xi32, #tpu.memory_space<vmem>>
        %dma_start3A_124 = arith.constant 0 : i32
        %dma_start3A_125 = arith.constant 0 : i32
        %dma_start3A_126 = tpu.memref_slice %arg2[%dma_start3A_124, %dma_start3A_125] : memref<10000x128xi32, #tpu.memory_space<hbm>> -> memref<10000x128xi32, #tpu.memory_space<hbm>>
        tpu.enqueue_indirect_dma source(%dma_start3A_126 : memref<10000x128xi32, #tpu.memory_space<hbm>>) target(%arg10 : memref<80x128xi32, #tpu.memory_space<vmem>>) offsets(%dma_start3A_123 : memref<80xi32, #tpu.memory_space<vmem>>) semaphore(%arg14 : memref<!tpu.dma_semaphore, #tpu.memory_space<semaphore_mem>>)
        %add3A_127 = arith.constant 1 : i32
        %add3A_128 = arith.addi %add3A_83, %add3A_127 : i32
        %dma_start3A_129 = arith.constant 0 : i32
        %dma_start3A_130 = tpu.memref_slice %arg9[%add3A_128, %dma_start3A_129] : memref<125x80xi32, #tpu.memory_space<vmem>> -> memref<1x80xi32, #tpu.memory_space<vmem>>
        %dma_start3A_131 = tpu.memref_squeeze %dma_start3A_130 : memref<1x80xi32, #tpu.memory_space<vmem>> -> memref<80xi32, #tpu.memory_space<vmem>>
        %dma_start3A_132 = arith.constant 0 : i32
        %dma_start3A_133 = arith.constant 0 : i32
        %dma_start3A_134 = tpu.memref_slice %arg3[%dma_start3A_132, %dma_start3A_133] : memref<10000x128xi32, #tpu.memory_space<hbm>> -> memref<10000x128xi32, #tpu.memory_space<hbm>>
        tpu.enqueue_indirect_dma source(%dma_start3A_134 : memref<10000x128xi32, #tpu.memory_space<hbm>>) target(%arg12 : memref<80x128xi32, #tpu.memory_space<vmem>>) offsets(%dma_start3A_131 : memref<80xi32, #tpu.memory_space<vmem>>) semaphore(%arg16 : memref<!tpu.dma_semaphore, #tpu.memory_space<semaphore_mem>>)
      } else {
      }
      %dma_start3A_111 = arith.constant 0 : i32
      %dma_start3A_112 = tpu.memref_slice %arg6[%add3A_86, %dma_start3A_111] : memref<320000x128xi32, #tpu.memory_space<hbm>> -> memref<80x128xi32, #tpu.memory_space<hbm>>
      %dma_start3A_113 = arith.constant 0 : i32
      %dma_start3A_114 = tpu.memref_slice %arg6[%add3A_86, %dma_start3A_113] : memref<320000x128xi32, #tpu.memory_space<hbm>> -> memref<80x128xi32, #tpu.memory_space<hbm>>
      tpu.enqueue_dma source(%arg11 : memref<80x128xi32, #tpu.memory_space<vmem>>) target(%dma_start3A_114 : memref<80x128xi32, #tpu.memory_space<hbm>>) target_semaphore(%arg19 : memref<!tpu.dma_semaphore, #tpu.memory_space<semaphore_mem>>)
      %dma_start3A_115 = arith.constant 0 : i32
      %dma_start3A_116 = tpu.memref_slice %arg7[%add3A_86, %dma_start3A_115] : memref<320000x128xi32, #tpu.memory_space<hbm>> -> memref<80x128xi32, #tpu.memory_space<hbm>>
      %dma_start3A_117 = arith.constant 0 : i32
      %dma_start3A_118 = tpu.memref_slice %arg7[%add3A_86, %dma_start3A_117] : memref<320000x128xi32, #tpu.memory_space<hbm>> -> memref<80x128xi32, #tpu.memory_space<hbm>>
      tpu.enqueue_dma source(%arg13 : memref<80x128xi32, #tpu.memory_space<vmem>>) target(%dma_start3A_118 : memref<80x128xi32, #tpu.memory_space<hbm>>) target_semaphore(%arg21 : memref<!tpu.dma_semaphore, #tpu.memory_space<semaphore_mem>>)
    }
    %scan3A_20 = arith.constant 62 : i32
    %add3A_21 = arith.constant 9920 : i32
    %add3A_22 = arith.addi %mul3A_2, %add3A_21 : i32
    %dma_wait3A = arith.constant 0 : i32
    %dma_wait3A_23 = arith.constant 0 : i32
    %dma_wait3A_24 = tpu.memref_slice %arg8[%dma_wait3A, %dma_wait3A_23] : memref<125x80xi32, #tpu.memory_space<vmem>> -> memref<1x80xi32, #tpu.memory_space<vmem>>
    %dma_wait3A_25 = tpu.memref_squeeze %dma_wait3A_24 : memref<1x80xi32, #tpu.memory_space<vmem>> -> memref<80xi32, #tpu.memory_space<vmem>>
    %dma_wait3A_26 = arith.constant 0 : i32
    %dma_wait3A_27 = arith.constant 0 : i32
    %dma_wait3A_28 = tpu.memref_slice %arg2[%dma_wait3A_26, %dma_wait3A_27] : memref<10000x128xi32, #tpu.memory_space<hbm>> -> memref<10000x128xi32, #tpu.memory_space<hbm>>
    tpu.wait_indirect_dma semaphore(%arg14 : memref<!tpu.dma_semaphore, #tpu.memory_space<semaphore_mem>>) src(%dma_wait3A_28 : memref<10000x128xi32, #tpu.memory_space<hbm>>) dst(%arg10 : memref<80x128xi32, #tpu.memory_space<vmem>>)
    %dma_wait3A_29 = arith.constant 0 : i32
    %dma_wait3A_30 = arith.constant 0 : i32
    %dma_wait3A_31 = tpu.memref_slice %arg9[%dma_wait3A_29, %dma_wait3A_30] : memref<125x80xi32, #tpu.memory_space<vmem>> -> memref<1x80xi32, #tpu.memory_space<vmem>>
    %dma_wait3A_32 = tpu.memref_squeeze %dma_wait3A_31 : memref<1x80xi32, #tpu.memory_space<vmem>> -> memref<80xi32, #tpu.memory_space<vmem>>
    %dma_wait3A_33 = arith.constant 0 : i32
    %dma_wait3A_34 = arith.constant 0 : i32
    %dma_wait3A_35 = tpu.memref_slice %arg3[%dma_wait3A_33, %dma_wait3A_34] : memref<10000x128xi32, #tpu.memory_space<hbm>> -> memref<10000x128xi32, #tpu.memory_space<hbm>>
    tpu.wait_indirect_dma semaphore(%arg16 : memref<!tpu.dma_semaphore, #tpu.memory_space<semaphore_mem>>) src(%dma_wait3A_35 : memref<10000x128xi32, #tpu.memory_space<hbm>>) dst(%arg12 : memref<80x128xi32, #tpu.memory_space<vmem>>)
    %dma_wait3A_36 = arith.constant 0 : i32
    %dma_wait3A_37 = tpu.memref_slice %arg6[%add3A_22, %dma_wait3A_36] : memref<320000x128xi32, #tpu.memory_space<hbm>> -> memref<80x128xi32, #tpu.memory_space<hbm>>
    %dma_wait3A_38 = arith.constant 0 : i32
    %dma_wait3A_39 = tpu.memref_slice %arg6[%add3A_22, %dma_wait3A_38] : memref<320000x128xi32, #tpu.memory_space<hbm>> -> memref<80x128xi32, #tpu.memory_space<hbm>>
    tpu.wait_dma2 semaphore(%arg19 : memref<!tpu.dma_semaphore, #tpu.memory_space<semaphore_mem>>) src(%arg11 : memref<80x128xi32, #tpu.memory_space<vmem>>) dst(%dma_wait3A_39 : memref<80x128xi32, #tpu.memory_space<hbm>>)
    %dma_wait3A_40 = arith.constant 0 : i32
    %dma_wait3A_41 = tpu.memref_slice %arg7[%add3A_22, %dma_wait3A_40] : memref<320000x128xi32, #tpu.memory_space<hbm>> -> memref<80x128xi32, #tpu.memory_space<hbm>>
    %dma_wait3A_42 = arith.constant 0 : i32
    %dma_wait3A_43 = tpu.memref_slice %arg7[%add3A_22, %dma_wait3A_42] : memref<320000x128xi32, #tpu.memory_space<hbm>> -> memref<80x128xi32, #tpu.memory_space<hbm>>
    tpu.wait_dma2 semaphore(%arg21 : memref<!tpu.dma_semaphore, #tpu.memory_space<semaphore_mem>>) src(%arg13 : memref<80x128xi32, #tpu.memory_space<vmem>>) dst(%dma_wait3A_43 : memref<80x128xi32, #tpu.memory_space<hbm>>)
    "tpu.region"() ({
      %run_scoped3A = tpu.sem_alloc : memref<!tpu.dma_semaphore, #tpu.memory_space<semaphore_mem>>
      %dma_start3A_44 = arith.constant 0 : i32
      %dma_start3A_45 = tpu.memref_slice %arg6[%add3A_22, %dma_start3A_44] : memref<320000x128xi32, #tpu.memory_space<hbm>> -> memref<80x128xi32, #tpu.memory_space<hbm>>
      %dma_start3A_46 = arith.constant 0 : i32
      %dma_start3A_47 = tpu.memref_slice %arg6[%add3A_22, %dma_start3A_46] : memref<320000x128xi32, #tpu.memory_space<hbm>> -> memref<80x128xi32, #tpu.memory_space<hbm>>
      tpu.enqueue_dma source(%arg10 : memref<80x128xi32, #tpu.memory_space<vmem>>) target(%dma_start3A_47 : memref<80x128xi32, #tpu.memory_space<hbm>>) target_semaphore(%run_scoped3A : memref<!tpu.dma_semaphore, #tpu.memory_space<semaphore_mem>>)
      %dma_wait3A_48 = arith.constant 0 : i32
      %dma_wait3A_49 = tpu.memref_slice %arg6[%add3A_22, %dma_wait3A_48] : memref<320000x128xi32, #tpu.memory_space<hbm>> -> memref<80x128xi32, #tpu.memory_space<hbm>>
      %dma_wait3A_50 = arith.constant 0 : i32
      %dma_wait3A_51 = tpu.memref_slice %arg6[%add3A_22, %dma_wait3A_50] : memref<320000x128xi32, #tpu.memory_space<hbm>> -> memref<80x128xi32, #tpu.memory_space<hbm>>
      tpu.wait_dma2 semaphore(%run_scoped3A : memref<!tpu.dma_semaphore, #tpu.memory_space<semaphore_mem>>) src(%arg10 : memref<80x128xi32, #tpu.memory_space<vmem>>) dst(%dma_wait3A_51 : memref<80x128xi32, #tpu.memory_space<hbm>>)
      tpu.yield
    }) : () -> ()
    "tpu.region"() ({
      %run_scoped3A = tpu.sem_alloc : memref<!tpu.dma_semaphore, #tpu.memory_space<semaphore_mem>>
      %dma_start3A_44 = arith.constant 0 : i32
      %dma_start3A_45 = tpu.memref_slice %arg7[%add3A_22, %dma_start3A_44] : memref<320000x128xi32, #tpu.memory_space<hbm>> -> memref<80x128xi32, #tpu.memory_space<hbm>>
      %dma_start3A_46 = arith.constant 0 : i32
      %dma_start3A_47 = tpu.memref_slice %arg7[%add3A_22, %dma_start3A_46] : memref<320000x128xi32, #tpu.memory_space<hbm>> -> memref<80x128xi32, #tpu.memory_space<hbm>>
      tpu.enqueue_dma source(%arg12 : memref<80x128xi32, #tpu.memory_space<vmem>>) target(%dma_start3A_47 : memref<80x128xi32, #tpu.memory_space<hbm>>) target_semaphore(%run_scoped3A : memref<!tpu.dma_semaphore, #tpu.memory_space<semaphore_mem>>)
      %dma_wait3A_48 = arith.constant 0 : i32
      %dma_wait3A_49 = tpu.memref_slice %arg7[%add3A_22, %dma_wait3A_48] : memref<320000x128xi32, #tpu.memory_space<hbm>> -> memref<80x128xi32, #tpu.memory_space<hbm>>
      %dma_wait3A_50 = arith.constant 0 : i32
      %dma_wait3A_51 = tpu.memref_slice %arg7[%add3A_22, %dma_wait3A_50] : memref<320000x128xi32, #tpu.memory_space<hbm>> -> memref<80x128xi32, #tpu.memory_space<hbm>>
      tpu.wait_dma2 semaphore(%run_scoped3A : memref<!tpu.dma_semaphore, #tpu.memory_space<semaphore_mem>>) src(%arg12 : memref<80x128xi32, #tpu.memory_space<vmem>>) dst(%dma_wait3A_51 : memref<80x128xi32, #tpu.memory_space<hbm>>)
      tpu.yield
    }) : () -> ()
    return
  }
}

#map = affine_map<(d0, d1) -> (0, 0)>
#map1 = affine_map<(d0, d1) -> (0, 0, 0, 0)>
module attributes {stable_mosaic.version = 14 : i64} {
  func.func @_ga_body(%arg0: i32, %arg1: i32, %arg2: memref<10000x128xi32, #tpu.memory_space<hbm>>, %arg3: memref<10000x128xi32, #tpu.memory_space<hbm>>, %arg4: memref<2x16x125x80xi32, #tpu.memory_space<hbm>>, %arg5: memref<2x16x125x80xi32, #tpu.memory_space<hbm>>, %arg6: memref<320000x128xi32, #tpu.memory_space<hbm>>, %arg7: memref<320000x128xi32, #tpu.memory_space<hbm>>, %arg8: memref<125x80xi32, #tpu.memory_space<vmem>>, %arg9: memref<125x80xi32, #tpu.memory_space<vmem>>, %arg10: memref<80x128xi32, #tpu.memory_space<vmem>>, %arg11: memref<80x128xi32, #tpu.memory_space<vmem>>, %arg12: memref<80x128xi32, #tpu.memory_space<vmem>>, %arg13: memref<80x128xi32, #tpu.memory_space<vmem>>, %arg14: memref<!tpu.dma_semaphore, #tpu.memory_space<semaphore_mem>>, %arg15: memref<!tpu.dma_semaphore, #tpu.memory_space<semaphore_mem>>, %arg16: memref<!tpu.dma_semaphore, #tpu.memory_space<semaphore_mem>>, %arg17: memref<!tpu.dma_semaphore, #tpu.memory_space<semaphore_mem>>, %arg18: memref<!tpu.dma_semaphore, #tpu.memory_space<semaphore_mem>>, %arg19: memref<!tpu.dma_semaphore, #tpu.memory_space<semaphore_mem>>, %arg20: memref<!tpu.dma_semaphore, #tpu.memory_space<semaphore_mem>>, %arg21: memref<!tpu.dma_semaphore, #tpu.memory_space<semaphore_mem>>) attributes {dimension_semantics = [#tpu.dimension_semantics<core_parallel>, #tpu.dimension_semantics<subcore_parallel>], iteration_bounds = array<i64: 2, 16>, scalar_prefetch = 0 : i64, scratch_operands = 14 : i64, tpu.core_type = #tpu.core_type<sc_vector_subcore>, window_params = [{transform_indices = #map}, {transform_indices = #map}, {transform_indices = #map1}, {transform_indices = #map1}, {transform_indices = #map}, {transform_indices = #map}]} {
    %mul3A = arith.constant 16 : i32
    %mul3A_0 = arith.muli %arg0, %mul3A : i32
    %add3A = arith.addi %mul3A_0, %arg1 : i32
    %mul3A_1 = arith.constant 10000 : i32
    %mul3A_2 = arith.muli %add3A, %mul3A_1 : i32
    "tpu.region"() ({
      %run_scoped3A = tpu.sem_alloc : memref<!tpu.dma_semaphore, #tpu.memory_space<semaphore_mem>>
      %dma_start3A_44 = arith.constant 0 : i32
      %dma_start3A_45 = arith.constant 0 : i32
      %dma_start3A_46 = tpu.memref_slice %arg4[%arg0, %arg1, %dma_start3A_44, %dma_start3A_45] : memref<2x16x125x80xi32, #tpu.memory_space<hbm>> -> memref<1x1x125x80xi32, #tpu.memory_space<hbm>>
      %dma_start3A_47 = tpu.memref_squeeze %dma_start3A_46 : memref<1x1x125x80xi32, #tpu.memory_space<hbm>> -> memref<125x80xi32, #tpu.memory_space<hbm>>
      %dma_start3A_48 = arith.constant 0 : i32
      %dma_start3A_49 = arith.constant 0 : i32
      %dma_start3A_50 = tpu.memref_slice %arg4[%arg0, %arg1, %dma_start3A_48, %dma_start3A_49] : memref<2x16x125x80xi32, #tpu.memory_space<hbm>> -> memref<1x1x125x80xi32, #tpu.memory_space<hbm>>
      %dma_start3A_51 = tpu.memref_squeeze %dma_start3A_50 : memref<1x1x125x80xi32, #tpu.memory_space<hbm>> -> memref<125x80xi32, #tpu.memory_space<hbm>>
      tpu.enqueue_dma source(%dma_start3A_51 : memref<125x80xi32, #tpu.memory_space<hbm>>) target(%arg8 : memref<125x80xi32, #tpu.memory_space<vmem>>) target_semaphore(%run_scoped3A : memref<!tpu.dma_semaphore, #tpu.memory_space<semaphore_mem>>)
      %dma_wait3A_52 = arith.constant 0 : i32
      %dma_wait3A_53 = arith.constant 0 : i32
      %dma_wait3A_54 = tpu.memref_slice %arg4[%arg0, %arg1, %dma_wait3A_52, %dma_wait3A_53] : memref<2x16x125x80xi32, #tpu.memory_space<hbm>> -> memref<1x1x125x80xi32, #tpu.memory_space<hbm>>
      %dma_wait3A_55 = tpu.memref_squeeze %dma_wait3A_54 : memref<1x1x125x80xi32, #tpu.memory_space<hbm>> -> memref<125x80xi32, #tpu.memory_space<hbm>>
      %dma_wait3A_56 = arith.constant 0 : i32
      %dma_wait3A_57 = arith.constant 0 : i32
      %dma_wait3A_58 = tpu.memref_slice %arg4[%arg0, %arg1, %dma_wait3A_56, %dma_wait3A_57] : memref<2x16x125x80xi32, #tpu.memory_space<hbm>> -> memref<1x1x125x80xi32, #tpu.memory_space<hbm>>
      %dma_wait3A_59 = tpu.memref_squeeze %dma_wait3A_58 : memref<1x1x125x80xi32, #tpu.memory_space<hbm>> -> memref<125x80xi32, #tpu.memory_space<hbm>>
      tpu.wait_dma2 semaphore(%run_scoped3A : memref<!tpu.dma_semaphore, #tpu.memory_space<semaphore_mem>>) src(%dma_wait3A_59 : memref<125x80xi32, #tpu.memory_space<hbm>>) dst(%arg8 : memref<125x80xi32, #tpu.memory_space<vmem>>)
      tpu.yield
    }) : () -> ()
    "tpu.region"() ({
      %run_scoped3A = tpu.sem_alloc : memref<!tpu.dma_semaphore, #tpu.memory_space<semaphore_mem>>
      %dma_start3A_44 = arith.constant 0 : i32
      %dma_start3A_45 = arith.constant 0 : i32
      %dma_start3A_46 = tpu.memref_slice %arg5[%arg0, %arg1, %dma_start3A_44, %dma_start3A_45] : memref<2x16x125x80xi32, #tpu.memory_space<hbm>> -> memref<1x1x125x80xi32, #tpu.memory_space<hbm>>
      %dma_start3A_47 = tpu.memref_squeeze %dma_start3A_46 : memref<1x1x125x80xi32, #tpu.memory_space<hbm>> -> memref<125x80xi32, #tpu.memory_space<hbm>>
      %dma_start3A_48 = arith.constant 0 : i32
      %dma_start3A_49 = arith.constant 0 : i32
      %dma_start3A_50 = tpu.memref_slice %arg5[%arg0, %arg1, %dma_start3A_48, %dma_start3A_49] : memref<2x16x125x80xi32, #tpu.memory_space<hbm>> -> memref<1x1x125x80xi32, #tpu.memory_space<hbm>>
      %dma_start3A_51 = tpu.memref_squeeze %dma_start3A_50 : memref<1x1x125x80xi32, #tpu.memory_space<hbm>> -> memref<125x80xi32, #tpu.memory_space<hbm>>
      tpu.enqueue_dma source(%dma_start3A_51 : memref<125x80xi32, #tpu.memory_space<hbm>>) target(%arg9 : memref<125x80xi32, #tpu.memory_space<vmem>>) target_semaphore(%run_scoped3A : memref<!tpu.dma_semaphore, #tpu.memory_space<semaphore_mem>>)
      %dma_wait3A_52 = arith.constant 0 : i32
      %dma_wait3A_53 = arith.constant 0 : i32
      %dma_wait3A_54 = tpu.memref_slice %arg5[%arg0, %arg1, %dma_wait3A_52, %dma_wait3A_53] : memref<2x16x125x80xi32, #tpu.memory_space<hbm>> -> memref<1x1x125x80xi32, #tpu.memory_space<hbm>>
      %dma_wait3A_55 = tpu.memref_squeeze %dma_wait3A_54 : memref<1x1x125x80xi32, #tpu.memory_space<hbm>> -> memref<125x80xi32, #tpu.memory_space<hbm>>
      %dma_wait3A_56 = arith.constant 0 : i32
      %dma_wait3A_57 = arith.constant 0 : i32
      %dma_wait3A_58 = tpu.memref_slice %arg5[%arg0, %arg1, %dma_wait3A_56, %dma_wait3A_57] : memref<2x16x125x80xi32, #tpu.memory_space<hbm>> -> memref<1x1x125x80xi32, #tpu.memory_space<hbm>>
      %dma_wait3A_59 = tpu.memref_squeeze %dma_wait3A_58 : memref<1x1x125x80xi32, #tpu.memory_space<hbm>> -> memref<125x80xi32, #tpu.memory_space<hbm>>
      tpu.wait_dma2 semaphore(%run_scoped3A : memref<!tpu.dma_semaphore, #tpu.memory_space<semaphore_mem>>) src(%dma_wait3A_59 : memref<125x80xi32, #tpu.memory_space<hbm>>) dst(%arg9 : memref<125x80xi32, #tpu.memory_space<vmem>>)
      tpu.yield
    }) : () -> ()
    %dma_start3A = arith.constant 0 : i32
    %dma_start3A_3 = arith.constant 0 : i32
    %dma_start3A_4 = tpu.memref_slice %arg8[%dma_start3A, %dma_start3A_3] : memref<125x80xi32, #tpu.memory_space<vmem>> -> memref<1x80xi32, #tpu.memory_space<vmem>>
    %dma_start3A_5 = tpu.memref_squeeze %dma_start3A_4 : memref<1x80xi32, #tpu.memory_space<vmem>> -> memref<80xi32, #tpu.memory_space<vmem>>
    %dma_start3A_6 = arith.constant 0 : i32
    %dma_start3A_7 = arith.constant 0 : i32
    %dma_start3A_8 = tpu.memref_slice %arg2[%dma_start3A_6, %dma_start3A_7] : memref<10000x128xi32, #tpu.memory_space<hbm>> -> memref<10000x128xi32, #tpu.memory_space<hbm>>
    tpu.enqueue_indirect_dma source(%dma_start3A_8 : memref<10000x128xi32, #tpu.memory_space<hbm>>) target(%arg10 : memref<80x128xi32, #tpu.memory_space<vmem>>) offsets(%dma_start3A_5 : memref<80xi32, #tpu.memory_space<vmem>>) semaphore(%arg14 : memref<!tpu.dma_semaphore, #tpu.memory_space<semaphore_mem>>)
    %dma_start3A_9 = arith.constant 0 : i32
    %dma_start3A_10 = arith.constant 0 : i32
    %dma_start3A_11 = tpu.memref_slice %arg9[%dma_start3A_9, %dma_start3A_10] : memref<125x80xi32, #tpu.memory_space<vmem>> -> memref<1x80xi32, #tpu.memory_space<vmem>>
    %dma_start3A_12 = tpu.memref_squeeze %dma_start3A_11 : memref<1x80xi32, #tpu.memory_space<vmem>> -> memref<80xi32, #tpu.memory_space<vmem>>
    %dma_start3A_13 = arith.constant 0 : i32
    %dma_start3A_14 = arith.constant 0 : i32
    %dma_start3A_15 = tpu.memref_slice %arg3[%dma_start3A_13, %dma_start3A_14] : memref<10000x128xi32, #tpu.memory_space<hbm>> -> memref<10000x128xi32, #tpu.memory_space<hbm>>
    tpu.enqueue_indirect_dma source(%dma_start3A_15 : memref<10000x128xi32, #tpu.memory_space<hbm>>) target(%arg12 : memref<80x128xi32, #tpu.memory_space<vmem>>) offsets(%dma_start3A_12 : memref<80xi32, #tpu.memory_space<vmem>>) semaphore(%arg16 : memref<!tpu.dma_semaphore, #tpu.memory_space<semaphore_mem>>)
    %scan3A = arith.constant 0 : i32
    %scan3A_16 = arith.constant 0 : i32
    %scan3A_17 = arith.constant 62 : i32
    %scan3A_18 = arith.addi %scan3A_16, %scan3A_17 : i32
    %scan3A_19 = arith.constant 1 : i32
    scf.for %scan3A_44 = %scan3A_16 to %scan3A_18 step %scan3A_19  : i32 {
      %mul3A_45 = arith.constant 2 : i32
      %mul3A_46 = arith.muli %scan3A_44, %mul3A_45 : i32
      %add3A_47 = arith.constant 0 : i32
      %add3A_48 = arith.addi %mul3A_46, %add3A_47 : i32
      %mul3A_49 = arith.constant 80 : i32
      %mul3A_50 = arith.muli %add3A_48, %mul3A_49 : i32
      %add3A_51 = arith.addi %mul3A_2, %mul3A_50 : i32
      %dma_wait3A_52 = arith.constant 0 : i32
      %dma_wait3A_53 = tpu.memref_slice %arg8[%add3A_48, %dma_wait3A_52] : memref<125x80xi32, #tpu.memory_space<vmem>> -> memref<1x80xi32, #tpu.memory_space<vmem>>
      %dma_wait3A_54 = tpu.memref_squeeze %dma_wait3A_53 : memref<1x80xi32, #tpu.memory_space<vmem>> -> memref<80xi32, #tpu.memory_space<vmem>>
      %dma_wait3A_55 = arith.constant 0 : i32
      %dma_wait3A_56 = arith.constant 0 : i32
      %dma_wait3A_57 = tpu.memref_slice %arg2[%dma_wait3A_55, %dma_wait3A_56] : memref<10000x128xi32, #tpu.memory_space<hbm>> -> memref<10000x128xi32, #tpu.memory_space<hbm>>
      tpu.wait_indirect_dma semaphore(%arg14 : memref<!tpu.dma_semaphore, #tpu.memory_space<semaphore_mem>>) src(%dma_wait3A_57 : memref<10000x128xi32, #tpu.memory_space<hbm>>) dst(%arg10 : memref<80x128xi32, #tpu.memory_space<vmem>>)
      %dma_wait3A_58 = arith.constant 0 : i32
      %dma_wait3A_59 = tpu.memref_slice %arg9[%add3A_48, %dma_wait3A_58] : memref<125x80xi32, #tpu.memory_space<vmem>> -> memref<1x80xi32, #tpu.memory_space<vmem>>
      %dma_wait3A_60 = tpu.memref_squeeze %dma_wait3A_59 : memref<1x80xi32, #tpu.memory_space<vmem>> -> memref<80xi32, #tpu.memory_space<vmem>>
      %dma_wait3A_61 = arith.constant 0 : i32
      %dma_wait3A_62 = arith.constant 0 : i32
      %dma_wait3A_63 = tpu.memref_slice %arg3[%dma_wait3A_61, %dma_wait3A_62] : memref<10000x128xi32, #tpu.memory_space<hbm>> -> memref<10000x128xi32, #tpu.memory_space<hbm>>
      tpu.wait_indirect_dma semaphore(%arg16 : memref<!tpu.dma_semaphore, #tpu.memory_space<semaphore_mem>>) src(%dma_wait3A_63 : memref<10000x128xi32, #tpu.memory_space<hbm>>) dst(%arg12 : memref<80x128xi32, #tpu.memory_space<vmem>>)
      %gt3A = arith.constant 0 : i32
      %gt3A_64 = arith.cmpi sgt, %add3A_48, %gt3A : i32
      %convert_element_type3A = arith.extui %gt3A_64 : i1 to i32
      %cond3A = arith.constant 0 : i32
      %cond3A_65 = arith.cmpi ne, %convert_element_type3A, %cond3A : i32
      scf.if %cond3A_65 {
        %dma_wait3A_119 = arith.constant 0 : i32
        %dma_wait3A_120 = tpu.memref_slice %arg6[%add3A_51, %dma_wait3A_119] : memref<320000x128xi32, #tpu.memory_space<hbm>> -> memref<80x128xi32, #tpu.memory_space<hbm>>
        %dma_wait3A_121 = arith.constant 0 : i32
        %dma_wait3A_122 = tpu.memref_slice %arg6[%add3A_51, %dma_wait3A_121] : memref<320000x128xi32, #tpu.memory_space<hbm>> -> memref<80x128xi32, #tpu.memory_space<hbm>>
        tpu.wait_dma2 semaphore(%arg19 : memref<!tpu.dma_semaphore, #tpu.memory_space<semaphore_mem>>) src(%arg11 : memref<80x128xi32, #tpu.memory_space<vmem>>) dst(%dma_wait3A_122 : memref<80x128xi32, #tpu.memory_space<hbm>>)
        %dma_wait3A_123 = arith.constant 0 : i32
        %dma_wait3A_124 = tpu.memref_slice %arg7[%add3A_51, %dma_wait3A_123] : memref<320000x128xi32, #tpu.memory_space<hbm>> -> memref<80x128xi32, #tpu.memory_space<hbm>>
        %dma_wait3A_125 = arith.constant 0 : i32
        %dma_wait3A_126 = tpu.memref_slice %arg7[%add3A_51, %dma_wait3A_125] : memref<320000x128xi32, #tpu.memory_space<hbm>> -> memref<80x128xi32, #tpu.memory_space<hbm>>
        tpu.wait_dma2 semaphore(%arg21 : memref<!tpu.dma_semaphore, #tpu.memory_space<semaphore_mem>>) src(%arg13 : memref<80x128xi32, #tpu.memory_space<vmem>>) dst(%dma_wait3A_126 : memref<80x128xi32, #tpu.memory_space<hbm>>)
      } else {
      }
      %add3A_66 = arith.constant 1 : i32
      %add3A_67 = arith.addi %add3A_48, %add3A_66 : i32
      %lt3A = arith.constant 125 : i32
      %lt3A_68 = arith.cmpi slt, %add3A_67, %lt3A : i32
      %convert_element_type3A_69 = arith.extui %lt3A_68 : i1 to i32
      %cond3A_70 = arith.constant 0 : i32
      %cond3A_71 = arith.cmpi ne, %convert_element_type3A_69, %cond3A_70 : i32
      scf.if %cond3A_71 {
        %add3A_119 = arith.constant 1 : i32
        %add3A_120 = arith.addi %add3A_48, %add3A_119 : i32
        %dma_start3A_121 = arith.constant 0 : i32
        %dma_start3A_122 = tpu.memref_slice %arg8[%add3A_120, %dma_start3A_121] : memref<125x80xi32, #tpu.memory_space<vmem>> -> memref<1x80xi32, #tpu.memory_space<vmem>>
        %dma_start3A_123 = tpu.memref_squeeze %dma_start3A_122 : memref<1x80xi32, #tpu.memory_space<vmem>> -> memref<80xi32, #tpu.memory_space<vmem>>
        %dma_start3A_124 = arith.constant 0 : i32
        %dma_start3A_125 = arith.constant 0 : i32
        %dma_start3A_126 = tpu.memref_slice %arg2[%dma_start3A_124, %dma_start3A_125] : memref<10000x128xi32, #tpu.memory_space<hbm>> -> memref<10000x128xi32, #tpu.memory_space<hbm>>
        tpu.enqueue_indirect_dma source(%dma_start3A_126 : memref<10000x128xi32, #tpu.memory_space<hbm>>) target(%arg11 : memref<80x128xi32, #tpu.memory_space<vmem>>) offsets(%dma_start3A_123 : memref<80xi32, #tpu.memory_space<vmem>>) semaphore(%arg15 : memref<!tpu.dma_semaphore, #tpu.memory_space<semaphore_mem>>)
        %add3A_127 = arith.constant 1 : i32
        %add3A_128 = arith.addi %add3A_48, %add3A_127 : i32
        %dma_start3A_129 = arith.constant 0 : i32
        %dma_start3A_130 = tpu.memref_slice %arg9[%add3A_128, %dma_start3A_129] : memref<125x80xi32, #tpu.memory_space<vmem>> -> memref<1x80xi32, #tpu.memory_space<vmem>>
        %dma_start3A_131 = tpu.memref_squeeze %dma_start3A_130 : memref<1x80xi32, #tpu.memory_space<vmem>> -> memref<80xi32, #tpu.memory_space<vmem>>
        %dma_start3A_132 = arith.constant 0 : i32
        %dma_start3A_133 = arith.constant 0 : i32
        %dma_start3A_134 = tpu.memref_slice %arg3[%dma_start3A_132, %dma_start3A_133] : memref<10000x128xi32, #tpu.memory_space<hbm>> -> memref<10000x128xi32, #tpu.memory_space<hbm>>
        tpu.enqueue_indirect_dma source(%dma_start3A_134 : memref<10000x128xi32, #tpu.memory_space<hbm>>) target(%arg13 : memref<80x128xi32, #tpu.memory_space<vmem>>) offsets(%dma_start3A_131 : memref<80xi32, #tpu.memory_space<vmem>>) semaphore(%arg17 : memref<!tpu.dma_semaphore, #tpu.memory_space<semaphore_mem>>)
      } else {
      }
      %dma_start3A_72 = arith.constant 0 : i32
      %dma_start3A_73 = tpu.memref_slice %arg6[%add3A_51, %dma_start3A_72] : memref<320000x128xi32, #tpu.memory_space<hbm>> -> memref<80x128xi32, #tpu.memory_space<hbm>>
      %dma_start3A_74 = arith.constant 0 : i32
      %dma_start3A_75 = tpu.memref_slice %arg6[%add3A_51, %dma_start3A_74] : memref<320000x128xi32, #tpu.memory_space<hbm>> -> memref<80x128xi32, #tpu.memory_space<hbm>>
      tpu.enqueue_dma source(%arg10 : memref<80x128xi32, #tpu.memory_space<vmem>>) target(%dma_start3A_75 : memref<80x128xi32, #tpu.memory_space<hbm>>) target_semaphore(%arg18 : memref<!tpu.dma_semaphore, #tpu.memory_space<semaphore_mem>>)
      %dma_start3A_76 = arith.constant 0 : i32
      %dma_start3A_77 = tpu.memref_slice %arg7[%add3A_51, %dma_start3A_76] : memref<320000x128xi32, #tpu.memory_space<hbm>> -> memref<80x128xi32, #tpu.memory_space<hbm>>
      %dma_start3A_78 = arith.constant 0 : i32
      %dma_start3A_79 = tpu.memref_slice %arg7[%add3A_51, %dma_start3A_78] : memref<320000x128xi32, #tpu.memory_space<hbm>> -> memref<80x128xi32, #tpu.memory_space<hbm>>
      tpu.enqueue_dma source(%arg12 : memref<80x128xi32, #tpu.memory_space<vmem>>) target(%dma_start3A_79 : memref<80x128xi32, #tpu.memory_space<hbm>>) target_semaphore(%arg20 : memref<!tpu.dma_semaphore, #tpu.memory_space<semaphore_mem>>)
      %mul3A_80 = arith.constant 2 : i32
      %mul3A_81 = arith.muli %scan3A_44, %mul3A_80 : i32
      %add3A_82 = arith.constant 1 : i32
      %add3A_83 = arith.addi %mul3A_81, %add3A_82 : i32
      %mul3A_84 = arith.constant 80 : i32
      %mul3A_85 = arith.muli %add3A_83, %mul3A_84 : i32
      %add3A_86 = arith.addi %mul3A_2, %mul3A_85 : i32
      %dma_wait3A_87 = arith.constant 0 : i32
      %dma_wait3A_88 = tpu.memref_slice %arg8[%add3A_83, %dma_wait3A_87] : memref<125x80xi32, #tpu.memory_space<vmem>> -> memref<1x80xi32, #tpu.memory_space<vmem>>
      %dma_wait3A_89 = tpu.memref_squeeze %dma_wait3A_88 : memref<1x80xi32, #tpu.memory_space<vmem>> -> memref<80xi32, #tpu.memory_space<vmem>>
      %dma_wait3A_90 = arith.constant 0 : i32
      %dma_wait3A_91 = arith.constant 0 : i32
      %dma_wait3A_92 = tpu.memref_slice %arg2[%dma_wait3A_90, %dma_wait3A_91] : memref<10000x128xi32, #tpu.memory_space<hbm>> -> memref<10000x128xi32, #tpu.memory_space<hbm>>
      tpu.wait_indirect_dma semaphore(%arg15 : memref<!tpu.dma_semaphore, #tpu.memory_space<semaphore_mem>>) src(%dma_wait3A_92 : memref<10000x128xi32, #tpu.memory_space<hbm>>) dst(%arg11 : memref<80x128xi32, #tpu.memory_space<vmem>>)
      %dma_wait3A_93 = arith.constant 0 : i32
      %dma_wait3A_94 = tpu.memref_slice %arg9[%add3A_83, %dma_wait3A_93] : memref<125x80xi32, #tpu.memory_space<vmem>> -> memref<1x80xi32, #tpu.memory_space<vmem>>
      %dma_wait3A_95 = tpu.memref_squeeze %dma_wait3A_94 : memref<1x80xi32, #tpu.memory_space<vmem>> -> memref<80xi32, #tpu.memory_space<vmem>>
      %dma_wait3A_96 = arith.constant 0 : i32
      %dma_wait3A_97 = arith.constant 0 : i32
      %dma_wait3A_98 = tpu.memref_slice %arg3[%dma_wait3A_96, %dma_wait3A_97] : memref<10000x128xi32, #tpu.memory_space<hbm>> -> memref<10000x128xi32, #tpu.memory_space<hbm>>
      tpu.wait_indirect_dma semaphore(%arg17 : memref<!tpu.dma_semaphore, #tpu.memory_space<semaphore_mem>>) src(%dma_wait3A_98 : memref<10000x128xi32, #tpu.memory_space<hbm>>) dst(%arg13 : memref<80x128xi32, #tpu.memory_space<vmem>>)
      %gt3A_99 = arith.constant 0 : i32
      %gt3A_100 = arith.cmpi sgt, %add3A_83, %gt3A_99 : i32
      %convert_element_type3A_101 = arith.extui %gt3A_100 : i1 to i32
      %cond3A_102 = arith.constant 0 : i32
      %cond3A_103 = arith.cmpi ne, %convert_element_type3A_101, %cond3A_102 : i32
      scf.if %cond3A_103 {
        %dma_wait3A_119 = arith.constant 0 : i32
        %dma_wait3A_120 = tpu.memref_slice %arg6[%add3A_86, %dma_wait3A_119] : memref<320000x128xi32, #tpu.memory_space<hbm>> -> memref<80x128xi32, #tpu.memory_space<hbm>>
        %dma_wait3A_121 = arith.constant 0 : i32
        %dma_wait3A_122 = tpu.memref_slice %arg6[%add3A_86, %dma_wait3A_121] : memref<320000x128xi32, #tpu.memory_space<hbm>> -> memref<80x128xi32, #tpu.memory_space<hbm>>
        tpu.wait_dma2 semaphore(%arg18 : memref<!tpu.dma_semaphore, #tpu.memory_space<semaphore_mem>>) src(%arg10 : memref<80x128xi32, #tpu.memory_space<vmem>>) dst(%dma_wait3A_122 : memref<80x128xi32, #tpu.memory_space<hbm>>)
        %dma_wait3A_123 = arith.constant 0 : i32
        %dma_wait3A_124 = tpu.memref_slice %arg7[%add3A_86, %dma_wait3A_123] : memref<320000x128xi32, #tpu.memory_space<hbm>> -> memref<80x128xi32, #tpu.memory_space<hbm>>
        %dma_wait3A_125 = arith.constant 0 : i32
        %dma_wait3A_126 = tpu.memref_slice %arg7[%add3A_86, %dma_wait3A_125] : memref<320000x128xi32, #tpu.memory_space<hbm>> -> memref<80x128xi32, #tpu.memory_space<hbm>>
        tpu.wait_dma2 semaphore(%arg20 : memref<!tpu.dma_semaphore, #tpu.memory_space<semaphore_mem>>) src(%arg12 : memref<80x128xi32, #tpu.memory_space<vmem>>) dst(%dma_wait3A_126 : memref<80x128xi32, #tpu.memory_space<hbm>>)
      } else {
      }
      %add3A_104 = arith.constant 1 : i32
      %add3A_105 = arith.addi %add3A_83, %add3A_104 : i32
      %lt3A_106 = arith.constant 125 : i32
      %lt3A_107 = arith.cmpi slt, %add3A_105, %lt3A_106 : i32
      %convert_element_type3A_108 = arith.extui %lt3A_107 : i1 to i32
      %cond3A_109 = arith.constant 0 : i32
      %cond3A_110 = arith.cmpi ne, %convert_element_type3A_108, %cond3A_109 : i32
      scf.if %cond3A_110 {
        %add3A_119 = arith.constant 1 : i32
        %add3A_120 = arith.addi %add3A_83, %add3A_119 : i32
        %dma_start3A_121 = arith.constant 0 : i32
        %dma_start3A_122 = tpu.memref_slice %arg8[%add3A_120, %dma_start3A_121] : memref<125x80xi32, #tpu.memory_space<vmem>> -> memref<1x80xi32, #tpu.memory_space<vmem>>
        %dma_start3A_123 = tpu.memref_squeeze %dma_start3A_122 : memref<1x80xi32, #tpu.memory_space<vmem>> -> memref<80xi32, #tpu.memory_space<vmem>>
        %dma_start3A_124 = arith.constant 0 : i32
        %dma_start3A_125 = arith.constant 0 : i32
        %dma_start3A_126 = tpu.memref_slice %arg2[%dma_start3A_124, %dma_start3A_125] : memref<10000x128xi32, #tpu.memory_space<hbm>> -> memref<10000x128xi32, #tpu.memory_space<hbm>>
        tpu.enqueue_indirect_dma source(%dma_start3A_126 : memref<10000x128xi32, #tpu.memory_space<hbm>>) target(%arg10 : memref<80x128xi32, #tpu.memory_space<vmem>>) offsets(%dma_start3A_123 : memref<80xi32, #tpu.memory_space<vmem>>) semaphore(%arg14 : memref<!tpu.dma_semaphore, #tpu.memory_space<semaphore_mem>>)
        %add3A_127 = arith.constant 1 : i32
        %add3A_128 = arith.addi %add3A_83, %add3A_127 : i32
        %dma_start3A_129 = arith.constant 0 : i32
        %dma_start3A_130 = tpu.memref_slice %arg9[%add3A_128, %dma_start3A_129] : memref<125x80xi32, #tpu.memory_space<vmem>> -> memref<1x80xi32, #tpu.memory_space<vmem>>
        %dma_start3A_131 = tpu.memref_squeeze %dma_start3A_130 : memref<1x80xi32, #tpu.memory_space<vmem>> -> memref<80xi32, #tpu.memory_space<vmem>>
        %dma_start3A_132 = arith.constant 0 : i32
        %dma_start3A_133 = arith.constant 0 : i32
        %dma_start3A_134 = tpu.memref_slice %arg3[%dma_start3A_132, %dma_start3A_133] : memref<10000x128xi32, #tpu.memory_space<hbm>> -> memref<10000x128xi32, #tpu.memory_space<hbm>>
        tpu.enqueue_indirect_dma source(%dma_start3A_134 : memref<10000x128xi32, #tpu.memory_space<hbm>>) target(%arg12 : memref<80x128xi32, #tpu.memory_space<vmem>>) offsets(%dma_start3A_131 : memref<80xi32, #tpu.memory_space<vmem>>) semaphore(%arg16 : memref<!tpu.dma_semaphore, #tpu.memory_space<semaphore_mem>>)
      } else {
      }
      %dma_start3A_111 = arith.constant 0 : i32
      %dma_start3A_112 = tpu.memref_slice %arg6[%add3A_86, %dma_start3A_111] : memref<320000x128xi32, #tpu.memory_space<hbm>> -> memref<80x128xi32, #tpu.memory_space<hbm>>
      %dma_start3A_113 = arith.constant 0 : i32
      %dma_start3A_114 = tpu.memref_slice %arg6[%add3A_86, %dma_start3A_113] : memref<320000x128xi32, #tpu.memory_space<hbm>> -> memref<80x128xi32, #tpu.memory_space<hbm>>
      tpu.enqueue_dma source(%arg11 : memref<80x128xi32, #tpu.memory_space<vmem>>) target(%dma_start3A_114 : memref<80x128xi32, #tpu.memory_space<hbm>>) target_semaphore(%arg19 : memref<!tpu.dma_semaphore, #tpu.memory_space<semaphore_mem>>)
      %dma_start3A_115 = arith.constant 0 : i32
      %dma_start3A_116 = tpu.memref_slice %arg7[%add3A_86, %dma_start3A_115] : memref<320000x128xi32, #tpu.memory_space<hbm>> -> memref<80x128xi32, #tpu.memory_space<hbm>>
      %dma_start3A_117 = arith.constant 0 : i32
      %dma_start3A_118 = tpu.memref_slice %arg7[%add3A_86, %dma_start3A_117] : memref<320000x128xi32, #tpu.memory_space<hbm>> -> memref<80x128xi32, #tpu.memory_space<hbm>>
      tpu.enqueue_dma source(%arg13 : memref<80x128xi32, #tpu.memory_space<vmem>>) target(%dma_start3A_118 : memref<80x128xi32, #tpu.memory_space<hbm>>) target_semaphore(%arg21 : memref<!tpu.dma_semaphore, #tpu.memory_space<semaphore_mem>>)
    }
    %scan3A_20 = arith.constant 62 : i32
    %add3A_21 = arith.constant 9920 : i32
    %add3A_22 = arith.addi %mul3A_2, %add3A_21 : i32
    %dma_wait3A = arith.constant 0 : i32
    %dma_wait3A_23 = arith.constant 0 : i32
    %dma_wait3A_24 = tpu.memref_slice %arg8[%dma_wait3A, %dma_wait3A_23] : memref<125x80xi32, #tpu.memory_space<vmem>> -> memref<1x80xi32, #tpu.memory_space<vmem>>
    %dma_wait3A_25 = tpu.memref_squeeze %dma_wait3A_24 : memref<1x80xi32, #tpu.memory_space<vmem>> -> memref<80xi32, #tpu.memory_space<vmem>>
    %dma_wait3A_26 = arith.constant 0 : i32
    %dma_wait3A_27 = arith.constant 0 : i32
    %dma_wait3A_28 = tpu.memref_slice %arg2[%dma_wait3A_26, %dma_wait3A_27] : memref<10000x128xi32, #tpu.memory_space<hbm>> -> memref<10000x128xi32, #tpu.memory_space<hbm>>
    tpu.wait_indirect_dma semaphore(%arg14 : memref<!tpu.dma_semaphore, #tpu.memory_space<semaphore_mem>>) src(%dma_wait3A_28 : memref<10000x128xi32, #tpu.memory_space<hbm>>) dst(%arg10 : memref<80x128xi32, #tpu.memory_space<vmem>>)
    %dma_wait3A_29 = arith.constant 0 : i32
    %dma_wait3A_30 = arith.constant 0 : i32
    %dma_wait3A_31 = tpu.memref_slice %arg9[%dma_wait3A_29, %dma_wait3A_30] : memref<125x80xi32, #tpu.memory_space<vmem>> -> memref<1x80xi32, #tpu.memory_space<vmem>>
    %dma_wait3A_32 = tpu.memref_squeeze %dma_wait3A_31 : memref<1x80xi32, #tpu.memory_space<vmem>> -> memref<80xi32, #tpu.memory_space<vmem>>
    %dma_wait3A_33 = arith.constant 0 : i32
    %dma_wait3A_34 = arith.constant 0 : i32
    %dma_wait3A_35 = tpu.memref_slice %arg3[%dma_wait3A_33, %dma_wait3A_34] : memref<10000x128xi32, #tpu.memory_space<hbm>> -> memref<10000x128xi32, #tpu.memory_space<hbm>>
    tpu.wait_indirect_dma semaphore(%arg16 : memref<!tpu.dma_semaphore, #tpu.memory_space<semaphore_mem>>) src(%dma_wait3A_35 : memref<10000x128xi32, #tpu.memory_space<hbm>>) dst(%arg12 : memref<80x128xi32, #tpu.memory_space<vmem>>)
    %dma_wait3A_36 = arith.constant 0 : i32
    %dma_wait3A_37 = tpu.memref_slice %arg6[%add3A_22, %dma_wait3A_36] : memref<320000x128xi32, #tpu.memory_space<hbm>> -> memref<80x128xi32, #tpu.memory_space<hbm>>
    %dma_wait3A_38 = arith.constant 0 : i32
    %dma_wait3A_39 = tpu.memref_slice %arg6[%add3A_22, %dma_wait3A_38] : memref<320000x128xi32, #tpu.memory_space<hbm>> -> memref<80x128xi32, #tpu.memory_space<hbm>>
    tpu.wait_dma2 semaphore(%arg19 : memref<!tpu.dma_semaphore, #tpu.memory_space<semaphore_mem>>) src(%arg11 : memref<80x128xi32, #tpu.memory_space<vmem>>) dst(%dma_wait3A_39 : memref<80x128xi32, #tpu.memory_space<hbm>>)
    %dma_wait3A_40 = arith.constant 0 : i32
    %dma_wait3A_41 = tpu.memref_slice %arg7[%add3A_22, %dma_wait3A_40] : memref<320000x128xi32, #tpu.memory_space<hbm>> -> memref<80x128xi32, #tpu.memory_space<hbm>>
    %dma_wait3A_42 = arith.constant 0 : i32
    %dma_wait3A_43 = tpu.memref_slice %arg7[%add3A_22, %dma_wait3A_42] : memref<320000x128xi32, #tpu.memory_space<hbm>> -> memref<80x128xi32, #tpu.memory_space<hbm>>
    tpu.wait_dma2 semaphore(%arg21 : memref<!tpu.dma_semaphore, #tpu.memory_space<semaphore_mem>>) src(%arg13 : memref<80x128xi32, #tpu.memory_space<vmem>>) dst(%dma_wait3A_43 : memref<80x128xi32, #tpu.memory_space<hbm>>)
    "tpu.region"() ({
      %run_scoped3A = tpu.sem_alloc : memref<!tpu.dma_semaphore, #tpu.memory_space<semaphore_mem>>
      %dma_start3A_44 = arith.constant 0 : i32
      %dma_start3A_45 = tpu.memref_slice %arg6[%add3A_22, %dma_start3A_44] : memref<320000x128xi32, #tpu.memory_space<hbm>> -> memref<80x128xi32, #tpu.memory_space<hbm>>
      %dma_start3A_46 = arith.constant 0 : i32
      %dma_start3A_47 = tpu.memref_slice %arg6[%add3A_22, %dma_start3A_46] : memref<320000x128xi32, #tpu.memory_space<hbm>> -> memref<80x128xi32, #tpu.memory_space<hbm>>
      tpu.enqueue_dma source(%arg10 : memref<80x128xi32, #tpu.memory_space<vmem>>) target(%dma_start3A_47 : memref<80x128xi32, #tpu.memory_space<hbm>>) target_semaphore(%run_scoped3A : memref<!tpu.dma_semaphore, #tpu.memory_space<semaphore_mem>>)
      %dma_wait3A_48 = arith.constant 0 : i32
      %dma_wait3A_49 = tpu.memref_slice %arg6[%add3A_22, %dma_wait3A_48] : memref<320000x128xi32, #tpu.memory_space<hbm>> -> memref<80x128xi32, #tpu.memory_space<hbm>>
      %dma_wait3A_50 = arith.constant 0 : i32
      %dma_wait3A_51 = tpu.memref_slice %arg6[%add3A_22, %dma_wait3A_50] : memref<320000x128xi32, #tpu.memory_space<hbm>> -> memref<80x128xi32, #tpu.memory_space<hbm>>
      tpu.wait_dma2 semaphore(%run_scoped3A : memref<!tpu.dma_semaphore, #tpu.memory_space<semaphore_mem>>) src(%arg10 : memref<80x128xi32, #tpu.memory_space<vmem>>) dst(%dma_wait3A_51 : memref<80x128xi32, #tpu.memory_space<hbm>>)
      tpu.yield
    }) : () -> ()
    "tpu.region"() ({
      %run_scoped3A = tpu.sem_alloc : memref<!tpu.dma_semaphore, #tpu.memory_space<semaphore_mem>>
      %dma_start3A_44 = arith.constant 0 : i32
      %dma_start3A_45 = tpu.memref_slice %arg7[%add3A_22, %dma_start3A_44] : memref<320000x128xi32, #tpu.memory_space<hbm>> -> memref<80x128xi32, #tpu.memory_space<hbm>>
      %dma_start3A_46 = arith.constant 0 : i32
      %dma_start3A_47 = tpu.memref_slice %arg7[%add3A_22, %dma_start3A_46] : memref<320000x128xi32, #tpu.memory_space<hbm>> -> memref<80x128xi32, #tpu.memory_space<hbm>>
      tpu.enqueue_dma source(%arg12 : memref<80x128xi32, #tpu.memory_space<vmem>>) target(%dma_start3A_47 : memref<80x128xi32, #tpu.memory_space<hbm>>) target_semaphore(%run_scoped3A : memref<!tpu.dma_semaphore, #tpu.memory_space<semaphore_mem>>)
      %dma_wait3A_48 = arith.constant 0 : i32
      %dma_wait3A_49 = tpu.memref_slice %arg7[%add3A_22, %dma_wait3A_48] : memref<320000x128xi32, #tpu.memory_space<hbm>> -> memref<80x128xi32, #tpu.memory_space<hbm>>
      %dma_wait3A_50 = arith.constant 0 : i32
      %dma_wait3A_51 = tpu.memref_slice %arg7[%add3A_22, %dma_wait3A_50] : memref<320000x128xi32, #tpu.memory_space<hbm>> -> memref<80x128xi32, #tpu.memory_space<hbm>>
      tpu.wait_dma2 semaphore(%run_scoped3A : memref<!tpu.dma_semaphore, #tpu.memory_space<semaphore_mem>>) src(%arg12 : memref<80x128xi32, #tpu.memory_space<vmem>>) dst(%dma_wait3A_51 : memref<80x128xi32, #tpu.memory_space<hbm>>)
      tpu.yield
    }) : () -> ()
    return
  }
}

#map = affine_map<(d0, d1) -> (0, 0)>
#map1 = affine_map<(d0, d1) -> (0, 0, 0, 0)>
#map2 = affine_map<(d0, d1) -> (0, 0, 0)>
module attributes {stable_mosaic.version = 14 : i64} {
  func.func @_scat_body(%arg0: i32, %arg1: i32, %arg2: memref<320000x128xf32, #tpu.memory_space<hbm>>, %arg3: memref<2x16x125x80xi32, #tpu.memory_space<hbm>>, %arg4: memref<10000x128xf32, #tpu.memory_space<hbm>>, %arg5: memref<2x10000x128xf32, #tpu.memory_space<hbm>>, %arg6: memref<125x80xi32, #tpu.memory_space<vmem>>, %arg7: memref<80x128xf32, #tpu.memory_space<vmem>>, %arg8: memref<10000x128xf32, #tpu.memory_space<vmem_shared>>) attributes {dimension_semantics = [#tpu.dimension_semantics<core_parallel>, #tpu.dimension_semantics<subcore_parallel>], iteration_bounds = array<i64: 2, 16>, scalar_prefetch = 0 : i64, scratch_operands = 3 : i64, tpu.core_type = #tpu.core_type<sc_vector_subcore>, window_params = [{transform_indices = #map}, {transform_indices = #map1}, {transform_indices = #map}, {transform_indices = #map2}]} {
    %mul3A = arith.constant 16 : i32
    %mul3A_0 = arith.muli %arg0, %mul3A : i32
    %add3A = arith.addi %mul3A_0, %arg1 : i32
    %mul3A_1 = arith.constant 10000 : i32
    %mul3A_2 = arith.muli %add3A, %mul3A_1 : i32
    "tpu.region"() ({
      %run_scoped3A = tpu.sem_alloc : memref<!tpu.dma_semaphore, #tpu.memory_space<semaphore_mem>>
      %dma_start3A = arith.constant 0 : i32
      %dma_start3A_24 = arith.constant 0 : i32
      %dma_start3A_25 = tpu.memref_slice %arg3[%arg0, %arg1, %dma_start3A, %dma_start3A_24] : memref<2x16x125x80xi32, #tpu.memory_space<hbm>> -> memref<1x1x125x80xi32, #tpu.memory_space<hbm>>
      %dma_start3A_26 = tpu.memref_squeeze %dma_start3A_25 : memref<1x1x125x80xi32, #tpu.memory_space<hbm>> -> memref<125x80xi32, #tpu.memory_space<hbm>>
      %dma_start3A_27 = arith.constant 0 : i32
      %dma_start3A_28 = arith.constant 0 : i32
      %dma_start3A_29 = tpu.memref_slice %arg3[%arg0, %arg1, %dma_start3A_27, %dma_start3A_28] : memref<2x16x125x80xi32, #tpu.memory_space<hbm>> -> memref<1x1x125x80xi32, #tpu.memory_space<hbm>>
      %dma_start3A_30 = tpu.memref_squeeze %dma_start3A_29 : memref<1x1x125x80xi32, #tpu.memory_space<hbm>> -> memref<125x80xi32, #tpu.memory_space<hbm>>
      tpu.enqueue_dma source(%dma_start3A_30 : memref<125x80xi32, #tpu.memory_space<hbm>>) target(%arg6 : memref<125x80xi32, #tpu.memory_space<vmem>>) target_semaphore(%run_scoped3A : memref<!tpu.dma_semaphore, #tpu.memory_space<semaphore_mem>>)
      %dma_wait3A = arith.constant 0 : i32
      %dma_wait3A_31 = arith.constant 0 : i32
      %dma_wait3A_32 = tpu.memref_slice %arg3[%arg0, %arg1, %dma_wait3A, %dma_wait3A_31] : memref<2x16x125x80xi32, #tpu.memory_space<hbm>> -> memref<1x1x125x80xi32, #tpu.memory_space<hbm>>
      %dma_wait3A_33 = tpu.memref_squeeze %dma_wait3A_32 : memref<1x1x125x80xi32, #tpu.memory_space<hbm>> -> memref<125x80xi32, #tpu.memory_space<hbm>>
      %dma_wait3A_34 = arith.constant 0 : i32
      %dma_wait3A_35 = arith.constant 0 : i32
      %dma_wait3A_36 = tpu.memref_slice %arg3[%arg0, %arg1, %dma_wait3A_34, %dma_wait3A_35] : memref<2x16x125x80xi32, #tpu.memory_space<hbm>> -> memref<1x1x125x80xi32, #tpu.memory_space<hbm>>
      %dma_wait3A_37 = tpu.memref_squeeze %dma_wait3A_36 : memref<1x1x125x80xi32, #tpu.memory_space<hbm>> -> memref<125x80xi32, #tpu.memory_space<hbm>>
      tpu.wait_dma2 semaphore(%run_scoped3A : memref<!tpu.dma_semaphore, #tpu.memory_space<semaphore_mem>>) src(%dma_wait3A_37 : memref<125x80xi32, #tpu.memory_space<hbm>>) dst(%arg6 : memref<125x80xi32, #tpu.memory_space<vmem>>)
      tpu.yield
    }) : () -> ()
    %mul3A_3 = arith.constant 624 : i32
    %mul3A_4 = arith.muli %arg1, %mul3A_3 : i32
    %mul3A_5 = arith.constant 624 : i32
    %mul3A_6 = arith.muli %arg1, %mul3A_5 : i32
    "tpu.region"() ({
      %run_scoped3A = tpu.sem_alloc : memref<!tpu.dma_semaphore, #tpu.memory_space<semaphore_mem>>
      %dma_start3A = arith.constant 0 : i32
      %dma_start3A_24 = tpu.memref_slice %arg8[%mul3A_6, %dma_start3A] : memref<10000x128xf32, #tpu.memory_space<vmem_shared>> -> memref<624x128xf32, #tpu.memory_space<vmem_shared>>
      %dma_start3A_25 = arith.constant 0 : i32
      %dma_start3A_26 = tpu.memref_slice %arg4[%mul3A_4, %dma_start3A_25] : memref<10000x128xf32, #tpu.memory_space<hbm>> -> memref<624x128xf32, #tpu.memory_space<hbm>>
      tpu.enqueue_dma source(%dma_start3A_26 : memref<624x128xf32, #tpu.memory_space<hbm>>) target(%dma_start3A_24 : memref<624x128xf32, #tpu.memory_space<vmem_shared>>) target_semaphore(%run_scoped3A : memref<!tpu.dma_semaphore, #tpu.memory_space<semaphore_mem>>)
      %dma_wait3A = arith.constant 0 : i32
      %dma_wait3A_27 = tpu.memref_slice %arg8[%mul3A_6, %dma_wait3A] : memref<10000x128xf32, #tpu.memory_space<vmem_shared>> -> memref<624x128xf32, #tpu.memory_space<vmem_shared>>
      %dma_wait3A_28 = arith.constant 0 : i32
      %dma_wait3A_29 = tpu.memref_slice %arg4[%mul3A_4, %dma_wait3A_28] : memref<10000x128xf32, #tpu.memory_space<hbm>> -> memref<624x128xf32, #tpu.memory_space<hbm>>
      tpu.wait_dma2 semaphore(%run_scoped3A : memref<!tpu.dma_semaphore, #tpu.memory_space<semaphore_mem>>) src(%dma_wait3A_29 : memref<624x128xf32, #tpu.memory_space<hbm>>) dst(%dma_wait3A_27 : memref<624x128xf32, #tpu.memory_space<vmem_shared>>)
      tpu.yield
    }) : () -> ()
    %eq3A = arith.constant 15 : i32
    %eq3A_7 = arith.cmpi eq, %arg1, %eq3A : i32
    %convert_element_type3A = arith.extui %eq3A_7 : i1 to i32
    %cond3A = arith.constant 0 : i32
    %cond3A_8 = arith.cmpi ne, %convert_element_type3A, %cond3A : i32
    scf.if %cond3A_8 {
      "tpu.region"() ({
        %run_scoped3A = tpu.sem_alloc : memref<!tpu.dma_semaphore, #tpu.memory_space<semaphore_mem>>
        %dma_start3A = arith.constant 9984 : i32
        %dma_start3A_24 = arith.constant 0 : i32
        %dma_start3A_25 = tpu.memref_slice %arg8[%dma_start3A, %dma_start3A_24] : memref<10000x128xf32, #tpu.memory_space<vmem_shared>> -> memref<16x128xf32, #tpu.memory_space<vmem_shared>>
        %dma_start3A_26 = arith.constant 9984 : i32
        %dma_start3A_27 = arith.constant 0 : i32
        %dma_start3A_28 = tpu.memref_slice %arg4[%dma_start3A_26, %dma_start3A_27] : memref<10000x128xf32, #tpu.memory_space<hbm>> -> memref<16x128xf32, #tpu.memory_space<hbm>>
        tpu.enqueue_dma source(%dma_start3A_28 : memref<16x128xf32, #tpu.memory_space<hbm>>) target(%dma_start3A_25 : memref<16x128xf32, #tpu.memory_space<vmem_shared>>) target_semaphore(%run_scoped3A : memref<!tpu.dma_semaphore, #tpu.memory_space<semaphore_mem>>)
        %dma_wait3A = arith.constant 9984 : i32
        %dma_wait3A_29 = arith.constant 0 : i32
        %dma_wait3A_30 = tpu.memref_slice %arg8[%dma_wait3A, %dma_wait3A_29] : memref<10000x128xf32, #tpu.memory_space<vmem_shared>> -> memref<16x128xf32, #tpu.memory_space<vmem_shared>>
        %dma_wait3A_31 = arith.constant 9984 : i32
        %dma_wait3A_32 = arith.constant 0 : i32
        %dma_wait3A_33 = tpu.memref_slice %arg4[%dma_wait3A_31, %dma_wait3A_32] : memref<10000x128xf32, #tpu.memory_space<hbm>> -> memref<16x128xf32, #tpu.memory_space<hbm>>
        tpu.wait_dma2 semaphore(%run_scoped3A : memref<!tpu.dma_semaphore, #tpu.memory_space<semaphore_mem>>) src(%dma_wait3A_33 : memref<16x128xf32, #tpu.memory_space<hbm>>) dst(%dma_wait3A_30 : memref<16x128xf32, #tpu.memory_space<vmem_shared>>)
        tpu.yield
      }) : () -> ()
    } else {
    }
    %barrier3A = arith.constant 0 : index
    tpu.barrier barrier_id(%barrier3A)
    %scan3A = arith.constant 0 : i32
    %scan3A_9 = arith.constant 0 : i32
    %scan3A_10 = arith.constant 125 : i32
    %scan3A_11 = arith.addi %scan3A_9, %scan3A_10 : i32
    %scan3A_12 = arith.constant 1 : i32
    scf.for %scan3A_24 = %scan3A_9 to %scan3A_11 step %scan3A_12  : i32 {
      %mul3A_25 = arith.constant 80 : i32
      %mul3A_26 = arith.muli %scan3A_24, %mul3A_25 : i32
      %add3A_27 = arith.addi %mul3A_2, %mul3A_26 : i32
      "tpu.region"() ({
        %run_scoped3A = tpu.sem_alloc : memref<!tpu.dma_semaphore, #tpu.memory_space<semaphore_mem>>
        %dma_start3A = arith.constant 0 : i32
        %dma_start3A_28 = tpu.memref_slice %arg2[%add3A_27, %dma_start3A] : memref<320000x128xf32, #tpu.memory_space<hbm>> -> memref<80x128xf32, #tpu.memory_space<hbm>>
        %dma_start3A_29 = arith.constant 0 : i32
        %dma_start3A_30 = tpu.memref_slice %arg2[%add3A_27, %dma_start3A_29] : memref<320000x128xf32, #tpu.memory_space<hbm>> -> memref<80x128xf32, #tpu.memory_space<hbm>>
        tpu.enqueue_dma source(%dma_start3A_30 : memref<80x128xf32, #tpu.memory_space<hbm>>) target(%arg7 : memref<80x128xf32, #tpu.memory_space<vmem>>) target_semaphore(%run_scoped3A : memref<!tpu.dma_semaphore, #tpu.memory_space<semaphore_mem>>)
        %dma_wait3A = arith.constant 0 : i32
        %dma_wait3A_31 = tpu.memref_slice %arg2[%add3A_27, %dma_wait3A] : memref<320000x128xf32, #tpu.memory_space<hbm>> -> memref<80x128xf32, #tpu.memory_space<hbm>>
        %dma_wait3A_32 = arith.constant 0 : i32
        %dma_wait3A_33 = tpu.memref_slice %arg2[%add3A_27, %dma_wait3A_32] : memref<320000x128xf32, #tpu.memory_space<hbm>> -> memref<80x128xf32, #tpu.memory_space<hbm>>
        tpu.wait_dma2 semaphore(%run_scoped3A : memref<!tpu.dma_semaphore, #tpu.memory_space<semaphore_mem>>) src(%dma_wait3A_33 : memref<80x128xf32, #tpu.memory_space<hbm>>) dst(%arg7 : memref<80x128xf32, #tpu.memory_space<vmem>>)
        tpu.yield
      }) : () -> ()
      "tpu.region"() ({
        %run_scoped3A = tpu.sem_alloc : memref<!tpu.dma_semaphore, #tpu.memory_space<semaphore_mem>>
        %dma_start3A = arith.constant 0 : i32
        %dma_start3A_28 = tpu.memref_slice %arg6[%scan3A_24, %dma_start3A] : memref<125x80xi32, #tpu.memory_space<vmem>> -> memref<1x80xi32, #tpu.memory_space<vmem>>
        %dma_start3A_29 = tpu.memref_squeeze %dma_start3A_28 : memref<1x80xi32, #tpu.memory_space<vmem>> -> memref<80xi32, #tpu.memory_space<vmem>>
        %dma_start3A_30 = arith.constant 0 : i32
        %dma_start3A_31 = arith.constant 0 : i32
        %dma_start3A_32 = tpu.memref_slice %arg8[%dma_start3A_30, %dma_start3A_31] : memref<10000x128xf32, #tpu.memory_space<vmem_shared>> -> memref<10000x128xf32, #tpu.memory_space<vmem_shared>>
        tpu.enqueue_indirect_dma source(%arg7 : memref<80x128xf32, #tpu.memory_space<vmem>>) target(%dma_start3A_32 : memref<10000x128xf32, #tpu.memory_space<vmem_shared>>) offsets(%dma_start3A_29 : memref<80xi32, #tpu.memory_space<vmem>>) semaphore(%run_scoped3A : memref<!tpu.dma_semaphore, #tpu.memory_space<semaphore_mem>>) {add = true}
        %dma_wait3A = arith.constant 0 : i32
        %dma_wait3A_33 = tpu.memref_slice %arg6[%scan3A_24, %dma_wait3A] : memref<125x80xi32, #tpu.memory_space<vmem>> -> memref<1x80xi32, #tpu.memory_space<vmem>>
        %dma_wait3A_34 = tpu.memref_squeeze %dma_wait3A_33 : memref<1x80xi32, #tpu.memory_space<vmem>> -> memref<80xi32, #tpu.memory_space<vmem>>
        %dma_wait3A_35 = arith.constant 0 : i32
        %dma_wait3A_36 = arith.constant 0 : i32
        %dma_wait3A_37 = tpu.memref_slice %arg8[%dma_wait3A_35, %dma_wait3A_36] : memref<10000x128xf32, #tpu.memory_space<vmem_shared>> -> memref<10000x128xf32, #tpu.memory_space<vmem_shared>>
        tpu.wait_indirect_dma semaphore(%run_scoped3A : memref<!tpu.dma_semaphore, #tpu.memory_space<semaphore_mem>>) src(%arg7 : memref<80x128xf32, #tpu.memory_space<vmem>>) dst(%dma_wait3A_37 : memref<10000x128xf32, #tpu.memory_space<vmem_shared>>)
        tpu.yield
      }) : () -> ()
    }
    %scan3A_13 = arith.constant 125 : i32
    %barrier3A_14 = arith.constant 0 : index
    tpu.barrier barrier_id(%barrier3A_14)
    %mul3A_15 = arith.constant 624 : i32
    %mul3A_16 = arith.muli %arg1, %mul3A_15 : i32
    %mul3A_17 = arith.constant 624 : i32
    %mul3A_18 = arith.muli %arg1, %mul3A_17 : i32
    "tpu.region"() ({
      %run_scoped3A = tpu.sem_alloc : memref<!tpu.dma_semaphore, #tpu.memory_space<semaphore_mem>>
      %dma_start3A = arith.constant 0 : i32
      %dma_start3A_24 = arith.constant 0 : i32
      %dma_start3A_25 = tpu.memref_slice %arg5[%arg0, %dma_start3A, %dma_start3A_24] : memref<2x10000x128xf32, #tpu.memory_space<hbm>> -> memref<1x10000x128xf32, #tpu.memory_space<hbm>>
      %dma_start3A_26 = tpu.memref_squeeze %dma_start3A_25 : memref<1x10000x128xf32, #tpu.memory_space<hbm>> -> memref<10000x128xf32, #tpu.memory_space<hbm>>
      %dma_start3A_27 = arith.constant 0 : i32
      %dma_start3A_28 = tpu.memref_slice %dma_start3A_26[%mul3A_18, %dma_start3A_27] : memref<10000x128xf32, #tpu.memory_space<hbm>> -> memref<624x128xf32, #tpu.memory_space<hbm>>
      %dma_start3A_29 = arith.constant 0 : i32
      %dma_start3A_30 = tpu.memref_slice %arg8[%mul3A_16, %dma_start3A_29] : memref<10000x128xf32, #tpu.memory_space<vmem_shared>> -> memref<624x128xf32, #tpu.memory_space<vmem_shared>>
      tpu.enqueue_dma source(%dma_start3A_30 : memref<624x128xf32, #tpu.memory_space<vmem_shared>>) target(%dma_start3A_28 : memref<624x128xf32, #tpu.memory_space<hbm>>) target_semaphore(%run_scoped3A : memref<!tpu.dma_semaphore, #tpu.memory_space<semaphore_mem>>)
      %dma_wait3A = arith.constant 0 : i32
      %dma_wait3A_31 = arith.constant 0 : i32
      %dma_wait3A_32 = tpu.memref_slice %arg5[%arg0, %dma_wait3A, %dma_wait3A_31] : memref<2x10000x128xf32, #tpu.memory_space<hbm>> -> memref<1x10000x128xf32, #tpu.memory_space<hbm>>
      %dma_wait3A_33 = tpu.memref_squeeze %dma_wait3A_32 : memref<1x10000x128xf32, #tpu.memory_space<hbm>> -> memref<10000x128xf32, #tpu.memory_space<hbm>>
      %dma_wait3A_34 = arith.constant 0 : i32
      %dma_wait3A_35 = tpu.memref_slice %dma_wait3A_33[%mul3A_18, %dma_wait3A_34] : memref<10000x128xf32, #tpu.memory_space<hbm>> -> memref<624x128xf32, #tpu.memory_space<hbm>>
      %dma_wait3A_36 = arith.constant 0 : i32
      %dma_wait3A_37 = tpu.memref_slice %arg8[%mul3A_16, %dma_wait3A_36] : memref<10000x128xf32, #tpu.memory_space<vmem_shared>> -> memref<624x128xf32, #tpu.memory_space<vmem_shared>>
      tpu.wait_dma2 semaphore(%run_scoped3A : memref<!tpu.dma_semaphore, #tpu.memory_space<semaphore_mem>>) src(%dma_wait3A_37 : memref<624x128xf32, #tpu.memory_space<vmem_shared>>) dst(%dma_wait3A_35 : memref<624x128xf32, #tpu.memory_space<hbm>>)
      tpu.yield
    }) : () -> ()
    %eq3A_19 = arith.constant 15 : i32
    %eq3A_20 = arith.cmpi eq, %arg1, %eq3A_19 : i32
    %convert_element_type3A_21 = arith.extui %eq3A_20 : i1 to i32
    %cond3A_22 = arith.constant 0 : i32
    %cond3A_23 = arith.cmpi ne, %convert_element_type3A_21, %cond3A_22 : i32
    scf.if %cond3A_23 {
      "tpu.region"() ({
        %run_scoped3A = tpu.sem_alloc : memref<!tpu.dma_semaphore, #tpu.memory_space<semaphore_mem>>
        %dma_start3A = arith.constant 0 : i32
        %dma_start3A_24 = arith.constant 0 : i32
        %dma_start3A_25 = tpu.memref_slice %arg5[%arg0, %dma_start3A, %dma_start3A_24] : memref<2x10000x128xf32, #tpu.memory_space<hbm>> -> memref<1x10000x128xf32, #tpu.memory_space<hbm>>
        %dma_start3A_26 = tpu.memref_squeeze %dma_start3A_25 : memref<1x10000x128xf32, #tpu.memory_space<hbm>> -> memref<10000x128xf32, #tpu.memory_space<hbm>>
        %dma_start3A_27 = arith.constant 9984 : i32
        %dma_start3A_28 = arith.constant 0 : i32
        %dma_start3A_29 = tpu.memref_slice %dma_start3A_26[%dma_start3A_27, %dma_start3A_28] : memref<10000x128xf32, #tpu.memory_space<hbm>> -> memref<16x128xf32, #tpu.memory_space<hbm>>
        %dma_start3A_30 = arith.constant 9984 : i32
        %dma_start3A_31 = arith.constant 0 : i32
        %dma_start3A_32 = tpu.memref_slice %arg8[%dma_start3A_30, %dma_start3A_31] : memref<10000x128xf32, #tpu.memory_space<vmem_shared>> -> memref<16x128xf32, #tpu.memory_space<vmem_shared>>
        tpu.enqueue_dma source(%dma_start3A_32 : memref<16x128xf32, #tpu.memory_space<vmem_shared>>) target(%dma_start3A_29 : memref<16x128xf32, #tpu.memory_space<hbm>>) target_semaphore(%run_scoped3A : memref<!tpu.dma_semaphore, #tpu.memory_space<semaphore_mem>>)
        %dma_wait3A = arith.constant 0 : i32
        %dma_wait3A_33 = arith.constant 0 : i32
        %dma_wait3A_34 = tpu.memref_slice %arg5[%arg0, %dma_wait3A, %dma_wait3A_33] : memref<2x10000x128xf32, #tpu.memory_space<hbm>> -> memref<1x10000x128xf32, #tpu.memory_space<hbm>>
        %dma_wait3A_35 = tpu.memref_squeeze %dma_wait3A_34 : memref<1x10000x128xf32, #tpu.memory_space<hbm>> -> memref<10000x128xf32, #tpu.memory_space<hbm>>
        %dma_wait3A_36 = arith.constant 9984 : i32
        %dma_wait3A_37 = arith.constant 0 : i32
        %dma_wait3A_38 = tpu.memref_slice %dma_wait3A_35[%dma_wait3A_36, %dma_wait3A_37] : memref<10000x128xf32, #tpu.memory_space<hbm>> -> memref<16x128xf32, #tpu.memory_space<hbm>>
        %dma_wait3A_39 = arith.constant 9984 : i32
        %dma_wait3A_40 = arith.constant 0 : i32
        %dma_wait3A_41 = tpu.memref_slice %arg8[%dma_wait3A_39, %dma_wait3A_40] : memref<10000x128xf32, #tpu.memory_space<vmem_shared>> -> memref<16x128xf32, #tpu.memory_space<vmem_shared>>
        tpu.wait_dma2 semaphore(%run_scoped3A : memref<!tpu.dma_semaphore, #tpu.memory_space<semaphore_mem>>) src(%dma_wait3A_41 : memref<16x128xf32, #tpu.memory_space<vmem_shared>>) dst(%dma_wait3A_38 : memref<16x128xf32, #tpu.memory_space<hbm>>)
        tpu.yield
      }) : () -> ()
    } else {
    }
    return
  }
}

#map = affine_map<(d0, d1) -> (0, 0)>
#map1 = affine_map<(d0, d1) -> (0, 0, 0, 0)>
#map2 = affine_map<(d0, d1) -> (0, 0, 0)>
module attributes {stable_mosaic.version = 14 : i64} {
  func.func @_scat_body(%arg0: i32, %arg1: i32, %arg2: memref<320000x128xf32, #tpu.memory_space<hbm>>, %arg3: memref<2x16x125x80xi32, #tpu.memory_space<hbm>>, %arg4: memref<10000x128xf32, #tpu.memory_space<hbm>>, %arg5: memref<2x10000x128xf32, #tpu.memory_space<hbm>>, %arg6: memref<125x80xi32, #tpu.memory_space<vmem>>, %arg7: memref<80x128xf32, #tpu.memory_space<vmem>>, %arg8: memref<10000x128xf32, #tpu.memory_space<vmem_shared>>) attributes {dimension_semantics = [#tpu.dimension_semantics<core_parallel>, #tpu.dimension_semantics<subcore_parallel>], iteration_bounds = array<i64: 2, 16>, scalar_prefetch = 0 : i64, scratch_operands = 3 : i64, tpu.core_type = #tpu.core_type<sc_vector_subcore>, window_params = [{transform_indices = #map}, {transform_indices = #map1}, {transform_indices = #map}, {transform_indices = #map2}]} {
    %mul3A = arith.constant 16 : i32
    %mul3A_0 = arith.muli %arg0, %mul3A : i32
    %add3A = arith.addi %mul3A_0, %arg1 : i32
    %mul3A_1 = arith.constant 10000 : i32
    %mul3A_2 = arith.muli %add3A, %mul3A_1 : i32
    "tpu.region"() ({
      %run_scoped3A = tpu.sem_alloc : memref<!tpu.dma_semaphore, #tpu.memory_space<semaphore_mem>>
      %dma_start3A = arith.constant 0 : i32
      %dma_start3A_24 = arith.constant 0 : i32
      %dma_start3A_25 = tpu.memref_slice %arg3[%arg0, %arg1, %dma_start3A, %dma_start3A_24] : memref<2x16x125x80xi32, #tpu.memory_space<hbm>> -> memref<1x1x125x80xi32, #tpu.memory_space<hbm>>
      %dma_start3A_26 = tpu.memref_squeeze %dma_start3A_25 : memref<1x1x125x80xi32, #tpu.memory_space<hbm>> -> memref<125x80xi32, #tpu.memory_space<hbm>>
      %dma_start3A_27 = arith.constant 0 : i32
      %dma_start3A_28 = arith.constant 0 : i32
      %dma_start3A_29 = tpu.memref_slice %arg3[%arg0, %arg1, %dma_start3A_27, %dma_start3A_28] : memref<2x16x125x80xi32, #tpu.memory_space<hbm>> -> memref<1x1x125x80xi32, #tpu.memory_space<hbm>>
      %dma_start3A_30 = tpu.memref_squeeze %dma_start3A_29 : memref<1x1x125x80xi32, #tpu.memory_space<hbm>> -> memref<125x80xi32, #tpu.memory_space<hbm>>
      tpu.enqueue_dma source(%dma_start3A_30 : memref<125x80xi32, #tpu.memory_space<hbm>>) target(%arg6 : memref<125x80xi32, #tpu.memory_space<vmem>>) target_semaphore(%run_scoped3A : memref<!tpu.dma_semaphore, #tpu.memory_space<semaphore_mem>>)
      %dma_wait3A = arith.constant 0 : i32
      %dma_wait3A_31 = arith.constant 0 : i32
      %dma_wait3A_32 = tpu.memref_slice %arg3[%arg0, %arg1, %dma_wait3A, %dma_wait3A_31] : memref<2x16x125x80xi32, #tpu.memory_space<hbm>> -> memref<1x1x125x80xi32, #tpu.memory_space<hbm>>
      %dma_wait3A_33 = tpu.memref_squeeze %dma_wait3A_32 : memref<1x1x125x80xi32, #tpu.memory_space<hbm>> -> memref<125x80xi32, #tpu.memory_space<hbm>>
      %dma_wait3A_34 = arith.constant 0 : i32
      %dma_wait3A_35 = arith.constant 0 : i32
      %dma_wait3A_36 = tpu.memref_slice %arg3[%arg0, %arg1, %dma_wait3A_34, %dma_wait3A_35] : memref<2x16x125x80xi32, #tpu.memory_space<hbm>> -> memref<1x1x125x80xi32, #tpu.memory_space<hbm>>
      %dma_wait3A_37 = tpu.memref_squeeze %dma_wait3A_36 : memref<1x1x125x80xi32, #tpu.memory_space<hbm>> -> memref<125x80xi32, #tpu.memory_space<hbm>>
      tpu.wait_dma2 semaphore(%run_scoped3A : memref<!tpu.dma_semaphore, #tpu.memory_space<semaphore_mem>>) src(%dma_wait3A_37 : memref<125x80xi32, #tpu.memory_space<hbm>>) dst(%arg6 : memref<125x80xi32, #tpu.memory_space<vmem>>)
      tpu.yield
    }) : () -> ()
    %mul3A_3 = arith.constant 624 : i32
    %mul3A_4 = arith.muli %arg1, %mul3A_3 : i32
    %mul3A_5 = arith.constant 624 : i32
    %mul3A_6 = arith.muli %arg1, %mul3A_5 : i32
    "tpu.region"() ({
      %run_scoped3A = tpu.sem_alloc : memref<!tpu.dma_semaphore, #tpu.memory_space<semaphore_mem>>
      %dma_start3A = arith.constant 0 : i32
      %dma_start3A_24 = tpu.memref_slice %arg8[%mul3A_6, %dma_start3A] : memref<10000x128xf32, #tpu.memory_space<vmem_shared>> -> memref<624x128xf32, #tpu.memory_space<vmem_shared>>
      %dma_start3A_25 = arith.constant 0 : i32
      %dma_start3A_26 = tpu.memref_slice %arg4[%mul3A_4, %dma_start3A_25] : memref<10000x128xf32, #tpu.memory_space<hbm>> -> memref<624x128xf32, #tpu.memory_space<hbm>>
      tpu.enqueue_dma source(%dma_start3A_26 : memref<624x128xf32, #tpu.memory_space<hbm>>) target(%dma_start3A_24 : memref<624x128xf32, #tpu.memory_space<vmem_shared>>) target_semaphore(%run_scoped3A : memref<!tpu.dma_semaphore, #tpu.memory_space<semaphore_mem>>)
      %dma_wait3A = arith.constant 0 : i32
      %dma_wait3A_27 = tpu.memref_slice %arg8[%mul3A_6, %dma_wait3A] : memref<10000x128xf32, #tpu.memory_space<vmem_shared>> -> memref<624x128xf32, #tpu.memory_space<vmem_shared>>
      %dma_wait3A_28 = arith.constant 0 : i32
      %dma_wait3A_29 = tpu.memref_slice %arg4[%mul3A_4, %dma_wait3A_28] : memref<10000x128xf32, #tpu.memory_space<hbm>> -> memref<624x128xf32, #tpu.memory_space<hbm>>
      tpu.wait_dma2 semaphore(%run_scoped3A : memref<!tpu.dma_semaphore, #tpu.memory_space<semaphore_mem>>) src(%dma_wait3A_29 : memref<624x128xf32, #tpu.memory_space<hbm>>) dst(%dma_wait3A_27 : memref<624x128xf32, #tpu.memory_space<vmem_shared>>)
      tpu.yield
    }) : () -> ()
    %eq3A = arith.constant 15 : i32
    %eq3A_7 = arith.cmpi eq, %arg1, %eq3A : i32
    %convert_element_type3A = arith.extui %eq3A_7 : i1 to i32
    %cond3A = arith.constant 0 : i32
    %cond3A_8 = arith.cmpi ne, %convert_element_type3A, %cond3A : i32
    scf.if %cond3A_8 {
      "tpu.region"() ({
        %run_scoped3A = tpu.sem_alloc : memref<!tpu.dma_semaphore, #tpu.memory_space<semaphore_mem>>
        %dma_start3A = arith.constant 9984 : i32
        %dma_start3A_24 = arith.constant 0 : i32
        %dma_start3A_25 = tpu.memref_slice %arg8[%dma_start3A, %dma_start3A_24] : memref<10000x128xf32, #tpu.memory_space<vmem_shared>> -> memref<16x128xf32, #tpu.memory_space<vmem_shared>>
        %dma_start3A_26 = arith.constant 9984 : i32
        %dma_start3A_27 = arith.constant 0 : i32
        %dma_start3A_28 = tpu.memref_slice %arg4[%dma_start3A_26, %dma_start3A_27] : memref<10000x128xf32, #tpu.memory_space<hbm>> -> memref<16x128xf32, #tpu.memory_space<hbm>>
        tpu.enqueue_dma source(%dma_start3A_28 : memref<16x128xf32, #tpu.memory_space<hbm>>) target(%dma_start3A_25 : memref<16x128xf32, #tpu.memory_space<vmem_shared>>) target_semaphore(%run_scoped3A : memref<!tpu.dma_semaphore, #tpu.memory_space<semaphore_mem>>)
        %dma_wait3A = arith.constant 9984 : i32
        %dma_wait3A_29 = arith.constant 0 : i32
        %dma_wait3A_30 = tpu.memref_slice %arg8[%dma_wait3A, %dma_wait3A_29] : memref<10000x128xf32, #tpu.memory_space<vmem_shared>> -> memref<16x128xf32, #tpu.memory_space<vmem_shared>>
        %dma_wait3A_31 = arith.constant 9984 : i32
        %dma_wait3A_32 = arith.constant 0 : i32
        %dma_wait3A_33 = tpu.memref_slice %arg4[%dma_wait3A_31, %dma_wait3A_32] : memref<10000x128xf32, #tpu.memory_space<hbm>> -> memref<16x128xf32, #tpu.memory_space<hbm>>
        tpu.wait_dma2 semaphore(%run_scoped3A : memref<!tpu.dma_semaphore, #tpu.memory_space<semaphore_mem>>) src(%dma_wait3A_33 : memref<16x128xf32, #tpu.memory_space<hbm>>) dst(%dma_wait3A_30 : memref<16x128xf32, #tpu.memory_space<vmem_shared>>)
        tpu.yield
      }) : () -> ()
    } else {
    }
    %barrier3A = arith.constant 0 : index
    tpu.barrier barrier_id(%barrier3A)
    %scan3A = arith.constant 0 : i32
    %scan3A_9 = arith.constant 0 : i32
    %scan3A_10 = arith.constant 125 : i32
    %scan3A_11 = arith.addi %scan3A_9, %scan3A_10 : i32
    %scan3A_12 = arith.constant 1 : i32
    scf.for %scan3A_24 = %scan3A_9 to %scan3A_11 step %scan3A_12  : i32 {
      %mul3A_25 = arith.constant 80 : i32
      %mul3A_26 = arith.muli %scan3A_24, %mul3A_25 : i32
      %add3A_27 = arith.addi %mul3A_2, %mul3A_26 : i32
      "tpu.region"() ({
        %run_scoped3A = tpu.sem_alloc : memref<!tpu.dma_semaphore, #tpu.memory_space<semaphore_mem>>
        %dma_start3A = arith.constant 0 : i32
        %dma_start3A_28 = tpu.memref_slice %arg2[%add3A_27, %dma_start3A] : memref<320000x128xf32, #tpu.memory_space<hbm>> -> memref<80x128xf32, #tpu.memory_space<hbm>>
        %dma_start3A_29 = arith.constant 0 : i32
        %dma_start3A_30 = tpu.memref_slice %arg2[%add3A_27, %dma_start3A_29] : memref<320000x128xf32, #tpu.memory_space<hbm>> -> memref<80x128xf32, #tpu.memory_space<hbm>>
        tpu.enqueue_dma source(%dma_start3A_30 : memref<80x128xf32, #tpu.memory_space<hbm>>) target(%arg7 : memref<80x128xf32, #tpu.memory_space<vmem>>) target_semaphore(%run_scoped3A : memref<!tpu.dma_semaphore, #tpu.memory_space<semaphore_mem>>)
        %dma_wait3A = arith.constant 0 : i32
        %dma_wait3A_31 = tpu.memref_slice %arg2[%add3A_27, %dma_wait3A] : memref<320000x128xf32, #tpu.memory_space<hbm>> -> memref<80x128xf32, #tpu.memory_space<hbm>>
        %dma_wait3A_32 = arith.constant 0 : i32
        %dma_wait3A_33 = tpu.memref_slice %arg2[%add3A_27, %dma_wait3A_32] : memref<320000x128xf32, #tpu.memory_space<hbm>> -> memref<80x128xf32, #tpu.memory_space<hbm>>
        tpu.wait_dma2 semaphore(%run_scoped3A : memref<!tpu.dma_semaphore, #tpu.memory_space<semaphore_mem>>) src(%dma_wait3A_33 : memref<80x128xf32, #tpu.memory_space<hbm>>) dst(%arg7 : memref<80x128xf32, #tpu.memory_space<vmem>>)
        tpu.yield
      }) : () -> ()
      "tpu.region"() ({
        %run_scoped3A = tpu.sem_alloc : memref<!tpu.dma_semaphore, #tpu.memory_space<semaphore_mem>>
        %dma_start3A = arith.constant 0 : i32
        %dma_start3A_28 = tpu.memref_slice %arg6[%scan3A_24, %dma_start3A] : memref<125x80xi32, #tpu.memory_space<vmem>> -> memref<1x80xi32, #tpu.memory_space<vmem>>
        %dma_start3A_29 = tpu.memref_squeeze %dma_start3A_28 : memref<1x80xi32, #tpu.memory_space<vmem>> -> memref<80xi32, #tpu.memory_space<vmem>>
        %dma_start3A_30 = arith.constant 0 : i32
        %dma_start3A_31 = arith.constant 0 : i32
        %dma_start3A_32 = tpu.memref_slice %arg8[%dma_start3A_30, %dma_start3A_31] : memref<10000x128xf32, #tpu.memory_space<vmem_shared>> -> memref<10000x128xf32, #tpu.memory_space<vmem_shared>>
        tpu.enqueue_indirect_dma source(%arg7 : memref<80x128xf32, #tpu.memory_space<vmem>>) target(%dma_start3A_32 : memref<10000x128xf32, #tpu.memory_space<vmem_shared>>) offsets(%dma_start3A_29 : memref<80xi32, #tpu.memory_space<vmem>>) semaphore(%run_scoped3A : memref<!tpu.dma_semaphore, #tpu.memory_space<semaphore_mem>>) {add = true}
        %dma_wait3A = arith.constant 0 : i32
        %dma_wait3A_33 = tpu.memref_slice %arg6[%scan3A_24, %dma_wait3A] : memref<125x80xi32, #tpu.memory_space<vmem>> -> memref<1x80xi32, #tpu.memory_space<vmem>>
        %dma_wait3A_34 = tpu.memref_squeeze %dma_wait3A_33 : memref<1x80xi32, #tpu.memory_space<vmem>> -> memref<80xi32, #tpu.memory_space<vmem>>
        %dma_wait3A_35 = arith.constant 0 : i32
        %dma_wait3A_36 = arith.constant 0 : i32
        %dma_wait3A_37 = tpu.memref_slice %arg8[%dma_wait3A_35, %dma_wait3A_36] : memref<10000x128xf32, #tpu.memory_space<vmem_shared>> -> memref<10000x128xf32, #tpu.memory_space<vmem_shared>>
        tpu.wait_indirect_dma semaphore(%run_scoped3A : memref<!tpu.dma_semaphore, #tpu.memory_space<semaphore_mem>>) src(%arg7 : memref<80x128xf32, #tpu.memory_space<vmem>>) dst(%dma_wait3A_37 : memref<10000x128xf32, #tpu.memory_space<vmem_shared>>)
        tpu.yield
      }) : () -> ()
    }
    %scan3A_13 = arith.constant 125 : i32
    %barrier3A_14 = arith.constant 0 : index
    tpu.barrier barrier_id(%barrier3A_14)
    %mul3A_15 = arith.constant 624 : i32
    %mul3A_16 = arith.muli %arg1, %mul3A_15 : i32
    %mul3A_17 = arith.constant 624 : i32
    %mul3A_18 = arith.muli %arg1, %mul3A_17 : i32
    "tpu.region"() ({
      %run_scoped3A = tpu.sem_alloc : memref<!tpu.dma_semaphore, #tpu.memory_space<semaphore_mem>>
      %dma_start3A = arith.constant 0 : i32
      %dma_start3A_24 = arith.constant 0 : i32
      %dma_start3A_25 = tpu.memref_slice %arg5[%arg0, %dma_start3A, %dma_start3A_24] : memref<2x10000x128xf32, #tpu.memory_space<hbm>> -> memref<1x10000x128xf32, #tpu.memory_space<hbm>>
      %dma_start3A_26 = tpu.memref_squeeze %dma_start3A_25 : memref<1x10000x128xf32, #tpu.memory_space<hbm>> -> memref<10000x128xf32, #tpu.memory_space<hbm>>
      %dma_start3A_27 = arith.constant 0 : i32
      %dma_start3A_28 = tpu.memref_slice %dma_start3A_26[%mul3A_18, %dma_start3A_27] : memref<10000x128xf32, #tpu.memory_space<hbm>> -> memref<624x128xf32, #tpu.memory_space<hbm>>
      %dma_start3A_29 = arith.constant 0 : i32
      %dma_start3A_30 = tpu.memref_slice %arg8[%mul3A_16, %dma_start3A_29] : memref<10000x128xf32, #tpu.memory_space<vmem_shared>> -> memref<624x128xf32, #tpu.memory_space<vmem_shared>>
      tpu.enqueue_dma source(%dma_start3A_30 : memref<624x128xf32, #tpu.memory_space<vmem_shared>>) target(%dma_start3A_28 : memref<624x128xf32, #tpu.memory_space<hbm>>) target_semaphore(%run_scoped3A : memref<!tpu.dma_semaphore, #tpu.memory_space<semaphore_mem>>)
      %dma_wait3A = arith.constant 0 : i32
      %dma_wait3A_31 = arith.constant 0 : i32
      %dma_wait3A_32 = tpu.memref_slice %arg5[%arg0, %dma_wait3A, %dma_wait3A_31] : memref<2x10000x128xf32, #tpu.memory_space<hbm>> -> memref<1x10000x128xf32, #tpu.memory_space<hbm>>
      %dma_wait3A_33 = tpu.memref_squeeze %dma_wait3A_32 : memref<1x10000x128xf32, #tpu.memory_space<hbm>> -> memref<10000x128xf32, #tpu.memory_space<hbm>>
      %dma_wait3A_34 = arith.constant 0 : i32
      %dma_wait3A_35 = tpu.memref_slice %dma_wait3A_33[%mul3A_18, %dma_wait3A_34] : memref<10000x128xf32, #tpu.memory_space<hbm>> -> memref<624x128xf32, #tpu.memory_space<hbm>>
      %dma_wait3A_36 = arith.constant 0 : i32
      %dma_wait3A_37 = tpu.memref_slice %arg8[%mul3A_16, %dma_wait3A_36] : memref<10000x128xf32, #tpu.memory_space<vmem_shared>> -> memref<624x128xf32, #tpu.memory_space<vmem_shared>>
      tpu.wait_dma2 semaphore(%run_scoped3A : memref<!tpu.dma_semaphore, #tpu.memory_space<semaphore_mem>>) src(%dma_wait3A_37 : memref<624x128xf32, #tpu.memory_space<vmem_shared>>) dst(%dma_wait3A_35 : memref<624x128xf32, #tpu.memory_space<hbm>>)
      tpu.yield
    }) : () -> ()
    %eq3A_19 = arith.constant 15 : i32
    %eq3A_20 = arith.cmpi eq, %arg1, %eq3A_19 : i32
    %convert_element_type3A_21 = arith.extui %eq3A_20 : i1 to i32
    %cond3A_22 = arith.constant 0 : i32
    %cond3A_23 = arith.cmpi ne, %convert_element_type3A_21, %cond3A_22 : i32
    scf.if %cond3A_23 {
      "tpu.region"() ({
        %run_scoped3A = tpu.sem_alloc : memref<!tpu.dma_semaphore, #tpu.memory_space<semaphore_mem>>
        %dma_start3A = arith.constant 0 : i32
        %dma_start3A_24 = arith.constant 0 : i32
        %dma_start3A_25 = tpu.memref_slice %arg5[%arg0, %dma_start3A, %dma_start3A_24] : memref<2x10000x128xf32, #tpu.memory_space<hbm>> -> memref<1x10000x128xf32, #tpu.memory_space<hbm>>
        %dma_start3A_26 = tpu.memref_squeeze %dma_start3A_25 : memref<1x10000x128xf32, #tpu.memory_space<hbm>> -> memref<10000x128xf32, #tpu.memory_space<hbm>>
        %dma_start3A_27 = arith.constant 9984 : i32
        %dma_start3A_28 = arith.constant 0 : i32
        %dma_start3A_29 = tpu.memref_slice %dma_start3A_26[%dma_start3A_27, %dma_start3A_28] : memref<10000x128xf32, #tpu.memory_space<hbm>> -> memref<16x128xf32, #tpu.memory_space<hbm>>
        %dma_start3A_30 = arith.constant 9984 : i32
        %dma_start3A_31 = arith.constant 0 : i32
        %dma_start3A_32 = tpu.memref_slice %arg8[%dma_start3A_30, %dma_start3A_31] : memref<10000x128xf32, #tpu.memory_space<vmem_shared>> -> memref<16x128xf32, #tpu.memory_space<vmem_shared>>
        tpu.enqueue_dma source(%dma_start3A_32 : memref<16x128xf32, #tpu.memory_space<vmem_shared>>) target(%dma_start3A_29 : memref<16x128xf32, #tpu.memory_space<hbm>>) target_semaphore(%run_scoped3A : memref<!tpu.dma_semaphore, #tpu.memory_space<semaphore_mem>>)
        %dma_wait3A = arith.constant 0 : i32
        %dma_wait3A_33 = arith.constant 0 : i32
        %dma_wait3A_34 = tpu.memref_slice %arg5[%arg0, %dma_wait3A, %dma_wait3A_33] : memref<2x10000x128xf32, #tpu.memory_space<hbm>> -> memref<1x10000x128xf32, #tpu.memory_space<hbm>>
        %dma_wait3A_35 = tpu.memref_squeeze %dma_wait3A_34 : memref<1x10000x128xf32, #tpu.memory_space<hbm>> -> memref<10000x128xf32, #tpu.memory_space<hbm>>
        %dma_wait3A_36 = arith.constant 9984 : i32
        %dma_wait3A_37 = arith.constant 0 : i32
        %dma_wait3A_38 = tpu.memref_slice %dma_wait3A_35[%dma_wait3A_36, %dma_wait3A_37] : memref<10000x128xf32, #tpu.memory_space<hbm>> -> memref<16x128xf32, #tpu.memory_space<hbm>>
        %dma_wait3A_39 = arith.constant 9984 : i32
        %dma_wait3A_40 = arith.constant 0 : i32
        %dma_wait3A_41 = tpu.memref_slice %arg8[%dma_wait3A_39, %dma_wait3A_40] : memref<10000x128xf32, #tpu.memory_space<vmem_shared>> -> memref<16x128xf32, #tpu.memory_space<vmem_shared>>
        tpu.wait_dma2 semaphore(%run_scoped3A : memref<!tpu.dma_semaphore, #tpu.memory_space<semaphore_mem>>) src(%dma_wait3A_41 : memref<16x128xf32, #tpu.memory_space<vmem_shared>>) dst(%dma_wait3A_38 : memref<16x128xf32, #tpu.memory_space<hbm>>)
        tpu.yield
      }) : () -> ()
    } else {
    }
    return
  }
}

#map = affine_map<(d0, d1) -> (0, 0)>
#map1 = affine_map<(d0, d1) -> (0, 0, 0, 0)>
#map2 = affine_map<(d0, d1) -> (0, 0, 0)>
module attributes {stable_mosaic.version = 14 : i64} {
  func.func @_gcn_body(%arg0: i32, %arg1: i32, %arg2: memref<10000x128xf32, #tpu.memory_space<hbm>>, %arg3: memref<2x16x125x80xi32, #tpu.memory_space<hbm>>, %arg4: memref<2x16x125x80xi32, #tpu.memory_space<hbm>>, %arg5: memref<10000x128xf32, #tpu.memory_space<hbm>>, %arg6: memref<2x10000x128xf32, #tpu.memory_space<hbm>>, %arg7: memref<125x80xi32, #tpu.memory_space<vmem>>, %arg8: memref<125x80xi32, #tpu.memory_space<vmem>>, %arg9: memref<80x128xf32, #tpu.memory_space<vmem>>, %arg10: memref<10000x128xf32, #tpu.memory_space<vmem_shared>>) attributes {dimension_semantics = [#tpu.dimension_semantics<core_parallel>, #tpu.dimension_semantics<subcore_parallel>], iteration_bounds = array<i64: 2, 16>, scalar_prefetch = 0 : i64, scratch_operands = 4 : i64, tpu.core_type = #tpu.core_type<sc_vector_subcore>, window_params = [{transform_indices = #map}, {transform_indices = #map1}, {transform_indices = #map1}, {transform_indices = #map}, {transform_indices = #map2}]} {
    "tpu.region"() ({
      %run_scoped3A = tpu.sem_alloc : memref<!tpu.dma_semaphore, #tpu.memory_space<semaphore_mem>>
      %dma_start3A = arith.constant 0 : i32
      %dma_start3A_20 = arith.constant 0 : i32
      %dma_start3A_21 = tpu.memref_slice %arg3[%arg0, %arg1, %dma_start3A, %dma_start3A_20] : memref<2x16x125x80xi32, #tpu.memory_space<hbm>> -> memref<1x1x125x80xi32, #tpu.memory_space<hbm>>
      %dma_start3A_22 = tpu.memref_squeeze %dma_start3A_21 : memref<1x1x125x80xi32, #tpu.memory_space<hbm>> -> memref<125x80xi32, #tpu.memory_space<hbm>>
      %dma_start3A_23 = arith.constant 0 : i32
      %dma_start3A_24 = arith.constant 0 : i32
      %dma_start3A_25 = tpu.memref_slice %arg3[%arg0, %arg1, %dma_start3A_23, %dma_start3A_24] : memref<2x16x125x80xi32, #tpu.memory_space<hbm>> -> memref<1x1x125x80xi32, #tpu.memory_space<hbm>>
      %dma_start3A_26 = tpu.memref_squeeze %dma_start3A_25 : memref<1x1x125x80xi32, #tpu.memory_space<hbm>> -> memref<125x80xi32, #tpu.memory_space<hbm>>
      tpu.enqueue_dma source(%dma_start3A_26 : memref<125x80xi32, #tpu.memory_space<hbm>>) target(%arg7 : memref<125x80xi32, #tpu.memory_space<vmem>>) target_semaphore(%run_scoped3A : memref<!tpu.dma_semaphore, #tpu.memory_space<semaphore_mem>>)
      %dma_wait3A = arith.constant 0 : i32
      %dma_wait3A_27 = arith.constant 0 : i32
      %dma_wait3A_28 = tpu.memref_slice %arg3[%arg0, %arg1, %dma_wait3A, %dma_wait3A_27] : memref<2x16x125x80xi32, #tpu.memory_space<hbm>> -> memref<1x1x125x80xi32, #tpu.memory_space<hbm>>
      %dma_wait3A_29 = tpu.memref_squeeze %dma_wait3A_28 : memref<1x1x125x80xi32, #tpu.memory_space<hbm>> -> memref<125x80xi32, #tpu.memory_space<hbm>>
      %dma_wait3A_30 = arith.constant 0 : i32
      %dma_wait3A_31 = arith.constant 0 : i32
      %dma_wait3A_32 = tpu.memref_slice %arg3[%arg0, %arg1, %dma_wait3A_30, %dma_wait3A_31] : memref<2x16x125x80xi32, #tpu.memory_space<hbm>> -> memref<1x1x125x80xi32, #tpu.memory_space<hbm>>
      %dma_wait3A_33 = tpu.memref_squeeze %dma_wait3A_32 : memref<1x1x125x80xi32, #tpu.memory_space<hbm>> -> memref<125x80xi32, #tpu.memory_space<hbm>>
      tpu.wait_dma2 semaphore(%run_scoped3A : memref<!tpu.dma_semaphore, #tpu.memory_space<semaphore_mem>>) src(%dma_wait3A_33 : memref<125x80xi32, #tpu.memory_space<hbm>>) dst(%arg7 : memref<125x80xi32, #tpu.memory_space<vmem>>)
      tpu.yield
    }) : () -> ()
    "tpu.region"() ({
      %run_scoped3A = tpu.sem_alloc : memref<!tpu.dma_semaphore, #tpu.memory_space<semaphore_mem>>
      %dma_start3A = arith.constant 0 : i32
      %dma_start3A_20 = arith.constant 0 : i32
      %dma_start3A_21 = tpu.memref_slice %arg4[%arg0, %arg1, %dma_start3A, %dma_start3A_20] : memref<2x16x125x80xi32, #tpu.memory_space<hbm>> -> memref<1x1x125x80xi32, #tpu.memory_space<hbm>>
      %dma_start3A_22 = tpu.memref_squeeze %dma_start3A_21 : memref<1x1x125x80xi32, #tpu.memory_space<hbm>> -> memref<125x80xi32, #tpu.memory_space<hbm>>
      %dma_start3A_23 = arith.constant 0 : i32
      %dma_start3A_24 = arith.constant 0 : i32
      %dma_start3A_25 = tpu.memref_slice %arg4[%arg0, %arg1, %dma_start3A_23, %dma_start3A_24] : memref<2x16x125x80xi32, #tpu.memory_space<hbm>> -> memref<1x1x125x80xi32, #tpu.memory_space<hbm>>
      %dma_start3A_26 = tpu.memref_squeeze %dma_start3A_25 : memref<1x1x125x80xi32, #tpu.memory_space<hbm>> -> memref<125x80xi32, #tpu.memory_space<hbm>>
      tpu.enqueue_dma source(%dma_start3A_26 : memref<125x80xi32, #tpu.memory_space<hbm>>) target(%arg8 : memref<125x80xi32, #tpu.memory_space<vmem>>) target_semaphore(%run_scoped3A : memref<!tpu.dma_semaphore, #tpu.memory_space<semaphore_mem>>)
      %dma_wait3A = arith.constant 0 : i32
      %dma_wait3A_27 = arith.constant 0 : i32
      %dma_wait3A_28 = tpu.memref_slice %arg4[%arg0, %arg1, %dma_wait3A, %dma_wait3A_27] : memref<2x16x125x80xi32, #tpu.memory_space<hbm>> -> memref<1x1x125x80xi32, #tpu.memory_space<hbm>>
      %dma_wait3A_29 = tpu.memref_squeeze %dma_wait3A_28 : memref<1x1x125x80xi32, #tpu.memory_space<hbm>> -> memref<125x80xi32, #tpu.memory_space<hbm>>
      %dma_wait3A_30 = arith.constant 0 : i32
      %dma_wait3A_31 = arith.constant 0 : i32
      %dma_wait3A_32 = tpu.memref_slice %arg4[%arg0, %arg1, %dma_wait3A_30, %dma_wait3A_31] : memref<2x16x125x80xi32, #tpu.memory_space<hbm>> -> memref<1x1x125x80xi32, #tpu.memory_space<hbm>>
      %dma_wait3A_33 = tpu.memref_squeeze %dma_wait3A_32 : memref<1x1x125x80xi32, #tpu.memory_space<hbm>> -> memref<125x80xi32, #tpu.memory_space<hbm>>
      tpu.wait_dma2 semaphore(%run_scoped3A : memref<!tpu.dma_semaphore, #tpu.memory_space<semaphore_mem>>) src(%dma_wait3A_33 : memref<125x80xi32, #tpu.memory_space<hbm>>) dst(%arg8 : memref<125x80xi32, #tpu.memory_space<vmem>>)
      tpu.yield
    }) : () -> ()
    %mul3A = arith.constant 624 : i32
    %mul3A_0 = arith.muli %arg1, %mul3A : i32
    %mul3A_1 = arith.constant 624 : i32
    %mul3A_2 = arith.muli %arg1, %mul3A_1 : i32
    "tpu.region"() ({
      %run_scoped3A = tpu.sem_alloc : memref<!tpu.dma_semaphore, #tpu.memory_space<semaphore_mem>>
      %dma_start3A = arith.constant 0 : i32
      %dma_start3A_20 = tpu.memref_slice %arg10[%mul3A_2, %dma_start3A] : memref<10000x128xf32, #tpu.memory_space<vmem_shared>> -> memref<624x128xf32, #tpu.memory_space<vmem_shared>>
      %dma_start3A_21 = arith.constant 0 : i32
      %dma_start3A_22 = tpu.memref_slice %arg5[%mul3A_0, %dma_start3A_21] : memref<10000x128xf32, #tpu.memory_space<hbm>> -> memref<624x128xf32, #tpu.memory_space<hbm>>
      tpu.enqueue_dma source(%dma_start3A_22 : memref<624x128xf32, #tpu.memory_space<hbm>>) target(%dma_start3A_20 : memref<624x128xf32, #tpu.memory_space<vmem_shared>>) target_semaphore(%run_scoped3A : memref<!tpu.dma_semaphore, #tpu.memory_space<semaphore_mem>>)
      %dma_wait3A = arith.constant 0 : i32
      %dma_wait3A_23 = tpu.memref_slice %arg10[%mul3A_2, %dma_wait3A] : memref<10000x128xf32, #tpu.memory_space<vmem_shared>> -> memref<624x128xf32, #tpu.memory_space<vmem_shared>>
      %dma_wait3A_24 = arith.constant 0 : i32
      %dma_wait3A_25 = tpu.memref_slice %arg5[%mul3A_0, %dma_wait3A_24] : memref<10000x128xf32, #tpu.memory_space<hbm>> -> memref<624x128xf32, #tpu.memory_space<hbm>>
      tpu.wait_dma2 semaphore(%run_scoped3A : memref<!tpu.dma_semaphore, #tpu.memory_space<semaphore_mem>>) src(%dma_wait3A_25 : memref<624x128xf32, #tpu.memory_space<hbm>>) dst(%dma_wait3A_23 : memref<624x128xf32, #tpu.memory_space<vmem_shared>>)
      tpu.yield
    }) : () -> ()
    %eq3A = arith.constant 15 : i32
    %eq3A_3 = arith.cmpi eq, %arg1, %eq3A : i32
    %convert_element_type3A = arith.extui %eq3A_3 : i1 to i32
    %cond3A = arith.constant 0 : i32
    %cond3A_4 = arith.cmpi ne, %convert_element_type3A, %cond3A : i32
    scf.if %cond3A_4 {
      "tpu.region"() ({
        %run_scoped3A = tpu.sem_alloc : memref<!tpu.dma_semaphore, #tpu.memory_space<semaphore_mem>>
        %dma_start3A = arith.constant 9984 : i32
        %dma_start3A_20 = arith.constant 0 : i32
        %dma_start3A_21 = tpu.memref_slice %arg10[%dma_start3A, %dma_start3A_20] : memref<10000x128xf32, #tpu.memory_space<vmem_shared>> -> memref<16x128xf32, #tpu.memory_space<vmem_shared>>
        %dma_start3A_22 = arith.constant 9984 : i32
        %dma_start3A_23 = arith.constant 0 : i32
        %dma_start3A_24 = tpu.memref_slice %arg5[%dma_start3A_22, %dma_start3A_23] : memref<10000x128xf32, #tpu.memory_space<hbm>> -> memref<16x128xf32, #tpu.memory_space<hbm>>
        tpu.enqueue_dma source(%dma_start3A_24 : memref<16x128xf32, #tpu.memory_space<hbm>>) target(%dma_start3A_21 : memref<16x128xf32, #tpu.memory_space<vmem_shared>>) target_semaphore(%run_scoped3A : memref<!tpu.dma_semaphore, #tpu.memory_space<semaphore_mem>>)
        %dma_wait3A = arith.constant 9984 : i32
        %dma_wait3A_25 = arith.constant 0 : i32
        %dma_wait3A_26 = tpu.memref_slice %arg10[%dma_wait3A, %dma_wait3A_25] : memref<10000x128xf32, #tpu.memory_space<vmem_shared>> -> memref<16x128xf32, #tpu.memory_space<vmem_shared>>
        %dma_wait3A_27 = arith.constant 9984 : i32
        %dma_wait3A_28 = arith.constant 0 : i32
        %dma_wait3A_29 = tpu.memref_slice %arg5[%dma_wait3A_27, %dma_wait3A_28] : memref<10000x128xf32, #tpu.memory_space<hbm>> -> memref<16x128xf32, #tpu.memory_space<hbm>>
        tpu.wait_dma2 semaphore(%run_scoped3A : memref<!tpu.dma_semaphore, #tpu.memory_space<semaphore_mem>>) src(%dma_wait3A_29 : memref<16x128xf32, #tpu.memory_space<hbm>>) dst(%dma_wait3A_26 : memref<16x128xf32, #tpu.memory_space<vmem_shared>>)
        tpu.yield
      }) : () -> ()
    } else {
    }
    %barrier3A = arith.constant 0 : index
    tpu.barrier barrier_id(%barrier3A)
    %scan3A = arith.constant 0 : i32
    %scan3A_5 = arith.constant 0 : i32
    %scan3A_6 = arith.constant 125 : i32
    %scan3A_7 = arith.addi %scan3A_5, %scan3A_6 : i32
    %scan3A_8 = arith.constant 1 : i32
    scf.for %scan3A_20 = %scan3A_5 to %scan3A_7 step %scan3A_8  : i32 {
      "tpu.region"() ({
        %run_scoped3A = tpu.sem_alloc : memref<!tpu.dma_semaphore, #tpu.memory_space<semaphore_mem>>
        %dma_start3A = arith.constant 0 : i32
        %dma_start3A_21 = tpu.memref_slice %arg7[%scan3A_20, %dma_start3A] : memref<125x80xi32, #tpu.memory_space<vmem>> -> memref<1x80xi32, #tpu.memory_space<vmem>>
        %dma_start3A_22 = tpu.memref_squeeze %dma_start3A_21 : memref<1x80xi32, #tpu.memory_space<vmem>> -> memref<80xi32, #tpu.memory_space<vmem>>
        %dma_start3A_23 = arith.constant 0 : i32
        %dma_start3A_24 = arith.constant 0 : i32
        %dma_start3A_25 = tpu.memref_slice %arg2[%dma_start3A_23, %dma_start3A_24] : memref<10000x128xf32, #tpu.memory_space<hbm>> -> memref<10000x128xf32, #tpu.memory_space<hbm>>
        tpu.enqueue_indirect_dma source(%dma_start3A_25 : memref<10000x128xf32, #tpu.memory_space<hbm>>) target(%arg9 : memref<80x128xf32, #tpu.memory_space<vmem>>) offsets(%dma_start3A_22 : memref<80xi32, #tpu.memory_space<vmem>>) semaphore(%run_scoped3A : memref<!tpu.dma_semaphore, #tpu.memory_space<semaphore_mem>>)
        %dma_wait3A = arith.constant 0 : i32
        %dma_wait3A_26 = tpu.memref_slice %arg7[%scan3A_20, %dma_wait3A] : memref<125x80xi32, #tpu.memory_space<vmem>> -> memref<1x80xi32, #tpu.memory_space<vmem>>
        %dma_wait3A_27 = tpu.memref_squeeze %dma_wait3A_26 : memref<1x80xi32, #tpu.memory_space<vmem>> -> memref<80xi32, #tpu.memory_space<vmem>>
        %dma_wait3A_28 = arith.constant 0 : i32
        %dma_wait3A_29 = arith.constant 0 : i32
        %dma_wait3A_30 = tpu.memref_slice %arg2[%dma_wait3A_28, %dma_wait3A_29] : memref<10000x128xf32, #tpu.memory_space<hbm>> -> memref<10000x128xf32, #tpu.memory_space<hbm>>
        tpu.wait_indirect_dma semaphore(%run_scoped3A : memref<!tpu.dma_semaphore, #tpu.memory_space<semaphore_mem>>) src(%dma_wait3A_30 : memref<10000x128xf32, #tpu.memory_space<hbm>>) dst(%arg9 : memref<80x128xf32, #tpu.memory_space<vmem>>)
        tpu.yield
      }) : () -> ()
      "tpu.region"() ({
        %run_scoped3A = tpu.sem_alloc : memref<!tpu.dma_semaphore, #tpu.memory_space<semaphore_mem>>
        %dma_start3A = arith.constant 0 : i32
        %dma_start3A_21 = tpu.memref_slice %arg8[%scan3A_20, %dma_start3A] : memref<125x80xi32, #tpu.memory_space<vmem>> -> memref<1x80xi32, #tpu.memory_space<vmem>>
        %dma_start3A_22 = tpu.memref_squeeze %dma_start3A_21 : memref<1x80xi32, #tpu.memory_space<vmem>> -> memref<80xi32, #tpu.memory_space<vmem>>
        %dma_start3A_23 = arith.constant 0 : i32
        %dma_start3A_24 = arith.constant 0 : i32
        %dma_start3A_25 = tpu.memref_slice %arg10[%dma_start3A_23, %dma_start3A_24] : memref<10000x128xf32, #tpu.memory_space<vmem_shared>> -> memref<10000x128xf32, #tpu.memory_space<vmem_shared>>
        tpu.enqueue_indirect_dma source(%arg9 : memref<80x128xf32, #tpu.memory_space<vmem>>) target(%dma_start3A_25 : memref<10000x128xf32, #tpu.memory_space<vmem_shared>>) offsets(%dma_start3A_22 : memref<80xi32, #tpu.memory_space<vmem>>) semaphore(%run_scoped3A : memref<!tpu.dma_semaphore, #tpu.memory_space<semaphore_mem>>) {add = true}
        %dma_wait3A = arith.constant 0 : i32
        %dma_wait3A_26 = tpu.memref_slice %arg8[%scan3A_20, %dma_wait3A] : memref<125x80xi32, #tpu.memory_space<vmem>> -> memref<1x80xi32, #tpu.memory_space<vmem>>
        %dma_wait3A_27 = tpu.memref_squeeze %dma_wait3A_26 : memref<1x80xi32, #tpu.memory_space<vmem>> -> memref<80xi32, #tpu.memory_space<vmem>>
        %dma_wait3A_28 = arith.constant 0 : i32
        %dma_wait3A_29 = arith.constant 0 : i32
        %dma_wait3A_30 = tpu.memref_slice %arg10[%dma_wait3A_28, %dma_wait3A_29] : memref<10000x128xf32, #tpu.memory_space<vmem_shared>> -> memref<10000x128xf32, #tpu.memory_space<vmem_shared>>
        tpu.wait_indirect_dma semaphore(%run_scoped3A : memref<!tpu.dma_semaphore, #tpu.memory_space<semaphore_mem>>) src(%arg9 : memref<80x128xf32, #tpu.memory_space<vmem>>) dst(%dma_wait3A_30 : memref<10000x128xf32, #tpu.memory_space<vmem_shared>>)
        tpu.yield
      }) : () -> ()
    }
    %scan3A_9 = arith.constant 125 : i32
    %barrier3A_10 = arith.constant 0 : index
    tpu.barrier barrier_id(%barrier3A_10)
    %mul3A_11 = arith.constant 624 : i32
    %mul3A_12 = arith.muli %arg1, %mul3A_11 : i32
    %mul3A_13 = arith.constant 624 : i32
    %mul3A_14 = arith.muli %arg1, %mul3A_13 : i32
    "tpu.region"() ({
      %run_scoped3A = tpu.sem_alloc : memref<!tpu.dma_semaphore, #tpu.memory_space<semaphore_mem>>
      %dma_start3A = arith.constant 0 : i32
      %dma_start3A_20 = arith.constant 0 : i32
      %dma_start3A_21 = tpu.memref_slice %arg6[%arg0, %dma_start3A, %dma_start3A_20] : memref<2x10000x128xf32, #tpu.memory_space<hbm>> -> memref<1x10000x128xf32, #tpu.memory_space<hbm>>
      %dma_start3A_22 = tpu.memref_squeeze %dma_start3A_21 : memref<1x10000x128xf32, #tpu.memory_space<hbm>> -> memref<10000x128xf32, #tpu.memory_space<hbm>>
      %dma_start3A_23 = arith.constant 0 : i32
      %dma_start3A_24 = tpu.memref_slice %dma_start3A_22[%mul3A_14, %dma_start3A_23] : memref<10000x128xf32, #tpu.memory_space<hbm>> -> memref<624x128xf32, #tpu.memory_space<hbm>>
      %dma_start3A_25 = arith.constant 0 : i32
      %dma_start3A_26 = tpu.memref_slice %arg10[%mul3A_12, %dma_start3A_25] : memref<10000x128xf32, #tpu.memory_space<vmem_shared>> -> memref<624x128xf32, #tpu.memory_space<vmem_shared>>
      tpu.enqueue_dma source(%dma_start3A_26 : memref<624x128xf32, #tpu.memory_space<vmem_shared>>) target(%dma_start3A_24 : memref<624x128xf32, #tpu.memory_space<hbm>>) target_semaphore(%run_scoped3A : memref<!tpu.dma_semaphore, #tpu.memory_space<semaphore_mem>>)
      %dma_wait3A = arith.constant 0 : i32
      %dma_wait3A_27 = arith.constant 0 : i32
      %dma_wait3A_28 = tpu.memref_slice %arg6[%arg0, %dma_wait3A, %dma_wait3A_27] : memref<2x10000x128xf32, #tpu.memory_space<hbm>> -> memref<1x10000x128xf32, #tpu.memory_space<hbm>>
      %dma_wait3A_29 = tpu.memref_squeeze %dma_wait3A_28 : memref<1x10000x128xf32, #tpu.memory_space<hbm>> -> memref<10000x128xf32, #tpu.memory_space<hbm>>
      %dma_wait3A_30 = arith.constant 0 : i32
      %dma_wait3A_31 = tpu.memref_slice %dma_wait3A_29[%mul3A_14, %dma_wait3A_30] : memref<10000x128xf32, #tpu.memory_space<hbm>> -> memref<624x128xf32, #tpu.memory_space<hbm>>
      %dma_wait3A_32 = arith.constant 0 : i32
      %dma_wait3A_33 = tpu.memref_slice %arg10[%mul3A_12, %dma_wait3A_32] : memref<10000x128xf32, #tpu.memory_space<vmem_shared>> -> memref<624x128xf32, #tpu.memory_space<vmem_shared>>
      tpu.wait_dma2 semaphore(%run_scoped3A : memref<!tpu.dma_semaphore, #tpu.memory_space<semaphore_mem>>) src(%dma_wait3A_33 : memref<624x128xf32, #tpu.memory_space<vmem_shared>>) dst(%dma_wait3A_31 : memref<624x128xf32, #tpu.memory_space<hbm>>)
      tpu.yield
    }) : () -> ()
    %eq3A_15 = arith.constant 15 : i32
    %eq3A_16 = arith.cmpi eq, %arg1, %eq3A_15 : i32
    %convert_element_type3A_17 = arith.extui %eq3A_16 : i1 to i32
    %cond3A_18 = arith.constant 0 : i32
    %cond3A_19 = arith.cmpi ne, %convert_element_type3A_17, %cond3A_18 : i32
    scf.if %cond3A_19 {
      "tpu.region"() ({
        %run_scoped3A = tpu.sem_alloc : memref<!tpu.dma_semaphore, #tpu.memory_space<semaphore_mem>>
        %dma_start3A = arith.constant 0 : i32
        %dma_start3A_20 = arith.constant 0 : i32
        %dma_start3A_21 = tpu.memref_slice %arg6[%arg0, %dma_start3A, %dma_start3A_20] : memref<2x10000x128xf32, #tpu.memory_space<hbm>> -> memref<1x10000x128xf32, #tpu.memory_space<hbm>>
        %dma_start3A_22 = tpu.memref_squeeze %dma_start3A_21 : memref<1x10000x128xf32, #tpu.memory_space<hbm>> -> memref<10000x128xf32, #tpu.memory_space<hbm>>
        %dma_start3A_23 = arith.constant 9984 : i32
        %dma_start3A_24 = arith.constant 0 : i32
        %dma_start3A_25 = tpu.memref_slice %dma_start3A_22[%dma_start3A_23, %dma_start3A_24] : memref<10000x128xf32, #tpu.memory_space<hbm>> -> memref<16x128xf32, #tpu.memory_space<hbm>>
        %dma_start3A_26 = arith.constant 9984 : i32
        %dma_start3A_27 = arith.constant 0 : i32
        %dma_start3A_28 = tpu.memref_slice %arg10[%dma_start3A_26, %dma_start3A_27] : memref<10000x128xf32, #tpu.memory_space<vmem_shared>> -> memref<16x128xf32, #tpu.memory_space<vmem_shared>>
        tpu.enqueue_dma source(%dma_start3A_28 : memref<16x128xf32, #tpu.memory_space<vmem_shared>>) target(%dma_start3A_25 : memref<16x128xf32, #tpu.memory_space<hbm>>) target_semaphore(%run_scoped3A : memref<!tpu.dma_semaphore, #tpu.memory_space<semaphore_mem>>)
        %dma_wait3A = arith.constant 0 : i32
        %dma_wait3A_29 = arith.constant 0 : i32
        %dma_wait3A_30 = tpu.memref_slice %arg6[%arg0, %dma_wait3A, %dma_wait3A_29] : memref<2x10000x128xf32, #tpu.memory_space<hbm>> -> memref<1x10000x128xf32, #tpu.memory_space<hbm>>
        %dma_wait3A_31 = tpu.memref_squeeze %dma_wait3A_30 : memref<1x10000x128xf32, #tpu.memory_space<hbm>> -> memref<10000x128xf32, #tpu.memory_space<hbm>>
        %dma_wait3A_32 = arith.constant 9984 : i32
        %dma_wait3A_33 = arith.constant 0 : i32
        %dma_wait3A_34 = tpu.memref_slice %dma_wait3A_31[%dma_wait3A_32, %dma_wait3A_33] : memref<10000x128xf32, #tpu.memory_space<hbm>> -> memref<16x128xf32, #tpu.memory_space<hbm>>
        %dma_wait3A_35 = arith.constant 9984 : i32
        %dma_wait3A_36 = arith.constant 0 : i32
        %dma_wait3A_37 = tpu.memref_slice %arg10[%dma_wait3A_35, %dma_wait3A_36] : memref<10000x128xf32, #tpu.memory_space<vmem_shared>> -> memref<16x128xf32, #tpu.memory_space<vmem_shared>>
        tpu.wait_dma2 semaphore(%run_scoped3A : memref<!tpu.dma_semaphore, #tpu.memory_space<semaphore_mem>>) src(%dma_wait3A_37 : memref<16x128xf32, #tpu.memory_space<vmem_shared>>) dst(%dma_wait3A_34 : memref<16x128xf32, #tpu.memory_space<hbm>>)
        tpu.yield
      }) : () -> ()
    } else {
    }
    return
  }
}

#map = affine_map<(d0, d1) -> (0, 0)>
#map1 = affine_map<(d0, d1) -> (0, 0, 0, 0)>
#map2 = affine_map<(d0, d1) -> (0, 0, 0)>
module attributes {stable_mosaic.version = 14 : i64} {
  func.func @_gcn_body(%arg0: i32, %arg1: i32, %arg2: memref<10000x128xf32, #tpu.memory_space<hbm>>, %arg3: memref<2x16x125x80xi32, #tpu.memory_space<hbm>>, %arg4: memref<2x16x125x80xi32, #tpu.memory_space<hbm>>, %arg5: memref<10000x128xf32, #tpu.memory_space<hbm>>, %arg6: memref<2x10000x128xf32, #tpu.memory_space<hbm>>, %arg7: memref<125x80xi32, #tpu.memory_space<vmem>>, %arg8: memref<125x80xi32, #tpu.memory_space<vmem>>, %arg9: memref<80x128xf32, #tpu.memory_space<vmem>>, %arg10: memref<10000x128xf32, #tpu.memory_space<vmem_shared>>) attributes {dimension_semantics = [#tpu.dimension_semantics<core_parallel>, #tpu.dimension_semantics<subcore_parallel>], iteration_bounds = array<i64: 2, 16>, scalar_prefetch = 0 : i64, scratch_operands = 4 : i64, tpu.core_type = #tpu.core_type<sc_vector_subcore>, window_params = [{transform_indices = #map}, {transform_indices = #map1}, {transform_indices = #map1}, {transform_indices = #map}, {transform_indices = #map2}]} {
    "tpu.region"() ({
      %run_scoped3A = tpu.sem_alloc : memref<!tpu.dma_semaphore, #tpu.memory_space<semaphore_mem>>
      %dma_start3A = arith.constant 0 : i32
      %dma_start3A_20 = arith.constant 0 : i32
      %dma_start3A_21 = tpu.memref_slice %arg3[%arg0, %arg1, %dma_start3A, %dma_start3A_20] : memref<2x16x125x80xi32, #tpu.memory_space<hbm>> -> memref<1x1x125x80xi32, #tpu.memory_space<hbm>>
      %dma_start3A_22 = tpu.memref_squeeze %dma_start3A_21 : memref<1x1x125x80xi32, #tpu.memory_space<hbm>> -> memref<125x80xi32, #tpu.memory_space<hbm>>
      %dma_start3A_23 = arith.constant 0 : i32
      %dma_start3A_24 = arith.constant 0 : i32
      %dma_start3A_25 = tpu.memref_slice %arg3[%arg0, %arg1, %dma_start3A_23, %dma_start3A_24] : memref<2x16x125x80xi32, #tpu.memory_space<hbm>> -> memref<1x1x125x80xi32, #tpu.memory_space<hbm>>
      %dma_start3A_26 = tpu.memref_squeeze %dma_start3A_25 : memref<1x1x125x80xi32, #tpu.memory_space<hbm>> -> memref<125x80xi32, #tpu.memory_space<hbm>>
      tpu.enqueue_dma source(%dma_start3A_26 : memref<125x80xi32, #tpu.memory_space<hbm>>) target(%arg7 : memref<125x80xi32, #tpu.memory_space<vmem>>) target_semaphore(%run_scoped3A : memref<!tpu.dma_semaphore, #tpu.memory_space<semaphore_mem>>)
      %dma_wait3A = arith.constant 0 : i32
      %dma_wait3A_27 = arith.constant 0 : i32
      %dma_wait3A_28 = tpu.memref_slice %arg3[%arg0, %arg1, %dma_wait3A, %dma_wait3A_27] : memref<2x16x125x80xi32, #tpu.memory_space<hbm>> -> memref<1x1x125x80xi32, #tpu.memory_space<hbm>>
      %dma_wait3A_29 = tpu.memref_squeeze %dma_wait3A_28 : memref<1x1x125x80xi32, #tpu.memory_space<hbm>> -> memref<125x80xi32, #tpu.memory_space<hbm>>
      %dma_wait3A_30 = arith.constant 0 : i32
      %dma_wait3A_31 = arith.constant 0 : i32
      %dma_wait3A_32 = tpu.memref_slice %arg3[%arg0, %arg1, %dma_wait3A_30, %dma_wait3A_31] : memref<2x16x125x80xi32, #tpu.memory_space<hbm>> -> memref<1x1x125x80xi32, #tpu.memory_space<hbm>>
      %dma_wait3A_33 = tpu.memref_squeeze %dma_wait3A_32 : memref<1x1x125x80xi32, #tpu.memory_space<hbm>> -> memref<125x80xi32, #tpu.memory_space<hbm>>
      tpu.wait_dma2 semaphore(%run_scoped3A : memref<!tpu.dma_semaphore, #tpu.memory_space<semaphore_mem>>) src(%dma_wait3A_33 : memref<125x80xi32, #tpu.memory_space<hbm>>) dst(%arg7 : memref<125x80xi32, #tpu.memory_space<vmem>>)
      tpu.yield
    }) : () -> ()
    "tpu.region"() ({
      %run_scoped3A = tpu.sem_alloc : memref<!tpu.dma_semaphore, #tpu.memory_space<semaphore_mem>>
      %dma_start3A = arith.constant 0 : i32
      %dma_start3A_20 = arith.constant 0 : i32
      %dma_start3A_21 = tpu.memref_slice %arg4[%arg0, %arg1, %dma_start3A, %dma_start3A_20] : memref<2x16x125x80xi32, #tpu.memory_space<hbm>> -> memref<1x1x125x80xi32, #tpu.memory_space<hbm>>
      %dma_start3A_22 = tpu.memref_squeeze %dma_start3A_21 : memref<1x1x125x80xi32, #tpu.memory_space<hbm>> -> memref<125x80xi32, #tpu.memory_space<hbm>>
      %dma_start3A_23 = arith.constant 0 : i32
      %dma_start3A_24 = arith.constant 0 : i32
      %dma_start3A_25 = tpu.memref_slice %arg4[%arg0, %arg1, %dma_start3A_23, %dma_start3A_24] : memref<2x16x125x80xi32, #tpu.memory_space<hbm>> -> memref<1x1x125x80xi32, #tpu.memory_space<hbm>>
      %dma_start3A_26 = tpu.memref_squeeze %dma_start3A_25 : memref<1x1x125x80xi32, #tpu.memory_space<hbm>> -> memref<125x80xi32, #tpu.memory_space<hbm>>
      tpu.enqueue_dma source(%dma_start3A_26 : memref<125x80xi32, #tpu.memory_space<hbm>>) target(%arg8 : memref<125x80xi32, #tpu.memory_space<vmem>>) target_semaphore(%run_scoped3A : memref<!tpu.dma_semaphore, #tpu.memory_space<semaphore_mem>>)
      %dma_wait3A = arith.constant 0 : i32
      %dma_wait3A_27 = arith.constant 0 : i32
      %dma_wait3A_28 = tpu.memref_slice %arg4[%arg0, %arg1, %dma_wait3A, %dma_wait3A_27] : memref<2x16x125x80xi32, #tpu.memory_space<hbm>> -> memref<1x1x125x80xi32, #tpu.memory_space<hbm>>
      %dma_wait3A_29 = tpu.memref_squeeze %dma_wait3A_28 : memref<1x1x125x80xi32, #tpu.memory_space<hbm>> -> memref<125x80xi32, #tpu.memory_space<hbm>>
      %dma_wait3A_30 = arith.constant 0 : i32
      %dma_wait3A_31 = arith.constant 0 : i32
      %dma_wait3A_32 = tpu.memref_slice %arg4[%arg0, %arg1, %dma_wait3A_30, %dma_wait3A_31] : memref<2x16x125x80xi32, #tpu.memory_space<hbm>> -> memref<1x1x125x80xi32, #tpu.memory_space<hbm>>
      %dma_wait3A_33 = tpu.memref_squeeze %dma_wait3A_32 : memref<1x1x125x80xi32, #tpu.memory_space<hbm>> -> memref<125x80xi32, #tpu.memory_space<hbm>>
      tpu.wait_dma2 semaphore(%run_scoped3A : memref<!tpu.dma_semaphore, #tpu.memory_space<semaphore_mem>>) src(%dma_wait3A_33 : memref<125x80xi32, #tpu.memory_space<hbm>>) dst(%arg8 : memref<125x80xi32, #tpu.memory_space<vmem>>)
      tpu.yield
    }) : () -> ()
    %mul3A = arith.constant 624 : i32
    %mul3A_0 = arith.muli %arg1, %mul3A : i32
    %mul3A_1 = arith.constant 624 : i32
    %mul3A_2 = arith.muli %arg1, %mul3A_1 : i32
    "tpu.region"() ({
      %run_scoped3A = tpu.sem_alloc : memref<!tpu.dma_semaphore, #tpu.memory_space<semaphore_mem>>
      %dma_start3A = arith.constant 0 : i32
      %dma_start3A_20 = tpu.memref_slice %arg10[%mul3A_2, %dma_start3A] : memref<10000x128xf32, #tpu.memory_space<vmem_shared>> -> memref<624x128xf32, #tpu.memory_space<vmem_shared>>
      %dma_start3A_21 = arith.constant 0 : i32
      %dma_start3A_22 = tpu.memref_slice %arg5[%mul3A_0, %dma_start3A_21] : memref<10000x128xf32, #tpu.memory_space<hbm>> -> memref<624x128xf32, #tpu.memory_space<hbm>>
      tpu.enqueue_dma source(%dma_start3A_22 : memref<624x128xf32, #tpu.memory_space<hbm>>) target(%dma_start3A_20 : memref<624x128xf32, #tpu.memory_space<vmem_shared>>) target_semaphore(%run_scoped3A : memref<!tpu.dma_semaphore, #tpu.memory_space<semaphore_mem>>)
      %dma_wait3A = arith.constant 0 : i32
      %dma_wait3A_23 = tpu.memref_slice %arg10[%mul3A_2, %dma_wait3A] : memref<10000x128xf32, #tpu.memory_space<vmem_shared>> -> memref<624x128xf32, #tpu.memory_space<vmem_shared>>
      %dma_wait3A_24 = arith.constant 0 : i32
      %dma_wait3A_25 = tpu.memref_slice %arg5[%mul3A_0, %dma_wait3A_24] : memref<10000x128xf32, #tpu.memory_space<hbm>> -> memref<624x128xf32, #tpu.memory_space<hbm>>
      tpu.wait_dma2 semaphore(%run_scoped3A : memref<!tpu.dma_semaphore, #tpu.memory_space<semaphore_mem>>) src(%dma_wait3A_25 : memref<624x128xf32, #tpu.memory_space<hbm>>) dst(%dma_wait3A_23 : memref<624x128xf32, #tpu.memory_space<vmem_shared>>)
      tpu.yield
    }) : () -> ()
    %eq3A = arith.constant 15 : i32
    %eq3A_3 = arith.cmpi eq, %arg1, %eq3A : i32
    %convert_element_type3A = arith.extui %eq3A_3 : i1 to i32
    %cond3A = arith.constant 0 : i32
    %cond3A_4 = arith.cmpi ne, %convert_element_type3A, %cond3A : i32
    scf.if %cond3A_4 {
      "tpu.region"() ({
        %run_scoped3A = tpu.sem_alloc : memref<!tpu.dma_semaphore, #tpu.memory_space<semaphore_mem>>
        %dma_start3A = arith.constant 9984 : i32
        %dma_start3A_20 = arith.constant 0 : i32
        %dma_start3A_21 = tpu.memref_slice %arg10[%dma_start3A, %dma_start3A_20] : memref<10000x128xf32, #tpu.memory_space<vmem_shared>> -> memref<16x128xf32, #tpu.memory_space<vmem_shared>>
        %dma_start3A_22 = arith.constant 9984 : i32
        %dma_start3A_23 = arith.constant 0 : i32
        %dma_start3A_24 = tpu.memref_slice %arg5[%dma_start3A_22, %dma_start3A_23] : memref<10000x128xf32, #tpu.memory_space<hbm>> -> memref<16x128xf32, #tpu.memory_space<hbm>>
        tpu.enqueue_dma source(%dma_start3A_24 : memref<16x128xf32, #tpu.memory_space<hbm>>) target(%dma_start3A_21 : memref<16x128xf32, #tpu.memory_space<vmem_shared>>) target_semaphore(%run_scoped3A : memref<!tpu.dma_semaphore, #tpu.memory_space<semaphore_mem>>)
        %dma_wait3A = arith.constant 9984 : i32
        %dma_wait3A_25 = arith.constant 0 : i32
        %dma_wait3A_26 = tpu.memref_slice %arg10[%dma_wait3A, %dma_wait3A_25] : memref<10000x128xf32, #tpu.memory_space<vmem_shared>> -> memref<16x128xf32, #tpu.memory_space<vmem_shared>>
        %dma_wait3A_27 = arith.constant 9984 : i32
        %dma_wait3A_28 = arith.constant 0 : i32
        %dma_wait3A_29 = tpu.memref_slice %arg5[%dma_wait3A_27, %dma_wait3A_28] : memref<10000x128xf32, #tpu.memory_space<hbm>> -> memref<16x128xf32, #tpu.memory_space<hbm>>
        tpu.wait_dma2 semaphore(%run_scoped3A : memref<!tpu.dma_semaphore, #tpu.memory_space<semaphore_mem>>) src(%dma_wait3A_29 : memref<16x128xf32, #tpu.memory_space<hbm>>) dst(%dma_wait3A_26 : memref<16x128xf32, #tpu.memory_space<vmem_shared>>)
        tpu.yield
      }) : () -> ()
    } else {
    }
    %barrier3A = arith.constant 0 : index
    tpu.barrier barrier_id(%barrier3A)
    %scan3A = arith.constant 0 : i32
    %scan3A_5 = arith.constant 0 : i32
    %scan3A_6 = arith.constant 125 : i32
    %scan3A_7 = arith.addi %scan3A_5, %scan3A_6 : i32
    %scan3A_8 = arith.constant 1 : i32
    scf.for %scan3A_20 = %scan3A_5 to %scan3A_7 step %scan3A_8  : i32 {
      "tpu.region"() ({
        %run_scoped3A = tpu.sem_alloc : memref<!tpu.dma_semaphore, #tpu.memory_space<semaphore_mem>>
        %dma_start3A = arith.constant 0 : i32
        %dma_start3A_21 = tpu.memref_slice %arg7[%scan3A_20, %dma_start3A] : memref<125x80xi32, #tpu.memory_space<vmem>> -> memref<1x80xi32, #tpu.memory_space<vmem>>
        %dma_start3A_22 = tpu.memref_squeeze %dma_start3A_21 : memref<1x80xi32, #tpu.memory_space<vmem>> -> memref<80xi32, #tpu.memory_space<vmem>>
        %dma_start3A_23 = arith.constant 0 : i32
        %dma_start3A_24 = arith.constant 0 : i32
        %dma_start3A_25 = tpu.memref_slice %arg2[%dma_start3A_23, %dma_start3A_24] : memref<10000x128xf32, #tpu.memory_space<hbm>> -> memref<10000x128xf32, #tpu.memory_space<hbm>>
        tpu.enqueue_indirect_dma source(%dma_start3A_25 : memref<10000x128xf32, #tpu.memory_space<hbm>>) target(%arg9 : memref<80x128xf32, #tpu.memory_space<vmem>>) offsets(%dma_start3A_22 : memref<80xi32, #tpu.memory_space<vmem>>) semaphore(%run_scoped3A : memref<!tpu.dma_semaphore, #tpu.memory_space<semaphore_mem>>)
        %dma_wait3A = arith.constant 0 : i32
        %dma_wait3A_26 = tpu.memref_slice %arg7[%scan3A_20, %dma_wait3A] : memref<125x80xi32, #tpu.memory_space<vmem>> -> memref<1x80xi32, #tpu.memory_space<vmem>>
        %dma_wait3A_27 = tpu.memref_squeeze %dma_wait3A_26 : memref<1x80xi32, #tpu.memory_space<vmem>> -> memref<80xi32, #tpu.memory_space<vmem>>
        %dma_wait3A_28 = arith.constant 0 : i32
        %dma_wait3A_29 = arith.constant 0 : i32
        %dma_wait3A_30 = tpu.memref_slice %arg2[%dma_wait3A_28, %dma_wait3A_29] : memref<10000x128xf32, #tpu.memory_space<hbm>> -> memref<10000x128xf32, #tpu.memory_space<hbm>>
        tpu.wait_indirect_dma semaphore(%run_scoped3A : memref<!tpu.dma_semaphore, #tpu.memory_space<semaphore_mem>>) src(%dma_wait3A_30 : memref<10000x128xf32, #tpu.memory_space<hbm>>) dst(%arg9 : memref<80x128xf32, #tpu.memory_space<vmem>>)
        tpu.yield
      }) : () -> ()
      "tpu.region"() ({
        %run_scoped3A = tpu.sem_alloc : memref<!tpu.dma_semaphore, #tpu.memory_space<semaphore_mem>>
        %dma_start3A = arith.constant 0 : i32
        %dma_start3A_21 = tpu.memref_slice %arg8[%scan3A_20, %dma_start3A] : memref<125x80xi32, #tpu.memory_space<vmem>> -> memref<1x80xi32, #tpu.memory_space<vmem>>
        %dma_start3A_22 = tpu.memref_squeeze %dma_start3A_21 : memref<1x80xi32, #tpu.memory_space<vmem>> -> memref<80xi32, #tpu.memory_space<vmem>>
        %dma_start3A_23 = arith.constant 0 : i32
        %dma_start3A_24 = arith.constant 0 : i32
        %dma_start3A_25 = tpu.memref_slice %arg10[%dma_start3A_23, %dma_start3A_24] : memref<10000x128xf32, #tpu.memory_space<vmem_shared>> -> memref<10000x128xf32, #tpu.memory_space<vmem_shared>>
        tpu.enqueue_indirect_dma source(%arg9 : memref<80x128xf32, #tpu.memory_space<vmem>>) target(%dma_start3A_25 : memref<10000x128xf32, #tpu.memory_space<vmem_shared>>) offsets(%dma_start3A_22 : memref<80xi32, #tpu.memory_space<vmem>>) semaphore(%run_scoped3A : memref<!tpu.dma_semaphore, #tpu.memory_space<semaphore_mem>>) {add = true}
        %dma_wait3A = arith.constant 0 : i32
        %dma_wait3A_26 = tpu.memref_slice %arg8[%scan3A_20, %dma_wait3A] : memref<125x80xi32, #tpu.memory_space<vmem>> -> memref<1x80xi32, #tpu.memory_space<vmem>>
        %dma_wait3A_27 = tpu.memref_squeeze %dma_wait3A_26 : memref<1x80xi32, #tpu.memory_space<vmem>> -> memref<80xi32, #tpu.memory_space<vmem>>
        %dma_wait3A_28 = arith.constant 0 : i32
        %dma_wait3A_29 = arith.constant 0 : i32
        %dma_wait3A_30 = tpu.memref_slice %arg10[%dma_wait3A_28, %dma_wait3A_29] : memref<10000x128xf32, #tpu.memory_space<vmem_shared>> -> memref<10000x128xf32, #tpu.memory_space<vmem_shared>>
        tpu.wait_indirect_dma semaphore(%run_scoped3A : memref<!tpu.dma_semaphore, #tpu.memory_space<semaphore_mem>>) src(%arg9 : memref<80x128xf32, #tpu.memory_space<vmem>>) dst(%dma_wait3A_30 : memref<10000x128xf32, #tpu.memory_space<vmem_shared>>)
        tpu.yield
      }) : () -> ()
    }
    %scan3A_9 = arith.constant 125 : i32
    %barrier3A_10 = arith.constant 0 : index
    tpu.barrier barrier_id(%barrier3A_10)
    %mul3A_11 = arith.constant 624 : i32
    %mul3A_12 = arith.muli %arg1, %mul3A_11 : i32
    %mul3A_13 = arith.constant 624 : i32
    %mul3A_14 = arith.muli %arg1, %mul3A_13 : i32
    "tpu.region"() ({
      %run_scoped3A = tpu.sem_alloc : memref<!tpu.dma_semaphore, #tpu.memory_space<semaphore_mem>>
      %dma_start3A = arith.constant 0 : i32
      %dma_start3A_20 = arith.constant 0 : i32
      %dma_start3A_21 = tpu.memref_slice %arg6[%arg0, %dma_start3A, %dma_start3A_20] : memref<2x10000x128xf32, #tpu.memory_space<hbm>> -> memref<1x10000x128xf32, #tpu.memory_space<hbm>>
      %dma_start3A_22 = tpu.memref_squeeze %dma_start3A_21 : memref<1x10000x128xf32, #tpu.memory_space<hbm>> -> memref<10000x128xf32, #tpu.memory_space<hbm>>
      %dma_start3A_23 = arith.constant 0 : i32
      %dma_start3A_24 = tpu.memref_slice %dma_start3A_22[%mul3A_14, %dma_start3A_23] : memref<10000x128xf32, #tpu.memory_space<hbm>> -> memref<624x128xf32, #tpu.memory_space<hbm>>
      %dma_start3A_25 = arith.constant 0 : i32
      %dma_start3A_26 = tpu.memref_slice %arg10[%mul3A_12, %dma_start3A_25] : memref<10000x128xf32, #tpu.memory_space<vmem_shared>> -> memref<624x128xf32, #tpu.memory_space<vmem_shared>>
      tpu.enqueue_dma source(%dma_start3A_26 : memref<624x128xf32, #tpu.memory_space<vmem_shared>>) target(%dma_start3A_24 : memref<624x128xf32, #tpu.memory_space<hbm>>) target_semaphore(%run_scoped3A : memref<!tpu.dma_semaphore, #tpu.memory_space<semaphore_mem>>)
      %dma_wait3A = arith.constant 0 : i32
      %dma_wait3A_27 = arith.constant 0 : i32
      %dma_wait3A_28 = tpu.memref_slice %arg6[%arg0, %dma_wait3A, %dma_wait3A_27] : memref<2x10000x128xf32, #tpu.memory_space<hbm>> -> memref<1x10000x128xf32, #tpu.memory_space<hbm>>
      %dma_wait3A_29 = tpu.memref_squeeze %dma_wait3A_28 : memref<1x10000x128xf32, #tpu.memory_space<hbm>> -> memref<10000x128xf32, #tpu.memory_space<hbm>>
      %dma_wait3A_30 = arith.constant 0 : i32
      %dma_wait3A_31 = tpu.memref_slice %dma_wait3A_29[%mul3A_14, %dma_wait3A_30] : memref<10000x128xf32, #tpu.memory_space<hbm>> -> memref<624x128xf32, #tpu.memory_space<hbm>>
      %dma_wait3A_32 = arith.constant 0 : i32
      %dma_wait3A_33 = tpu.memref_slice %arg10[%mul3A_12, %dma_wait3A_32] : memref<10000x128xf32, #tpu.memory_space<vmem_shared>> -> memref<624x128xf32, #tpu.memory_space<vmem_shared>>
      tpu.wait_dma2 semaphore(%run_scoped3A : memref<!tpu.dma_semaphore, #tpu.memory_space<semaphore_mem>>) src(%dma_wait3A_33 : memref<624x128xf32, #tpu.memory_space<vmem_shared>>) dst(%dma_wait3A_31 : memref<624x128xf32, #tpu.memory_space<hbm>>)
      tpu.yield
    }) : () -> ()
    %eq3A_15 = arith.constant 15 : i32
    %eq3A_16 = arith.cmpi eq, %arg1, %eq3A_15 : i32
    %convert_element_type3A_17 = arith.extui %eq3A_16 : i1 to i32
    %cond3A_18 = arith.constant 0 : i32
    %cond3A_19 = arith.cmpi ne, %convert_element_type3A_17, %cond3A_18 : i32
    scf.if %cond3A_19 {
      "tpu.region"() ({
        %run_scoped3A = tpu.sem_alloc : memref<!tpu.dma_semaphore, #tpu.memory_space<semaphore_mem>>
        %dma_start3A = arith.constant 0 : i32
        %dma_start3A_20 = arith.constant 0 : i32
        %dma_start3A_21 = tpu.memref_slice %arg6[%arg0, %dma_start3A, %dma_start3A_20] : memref<2x10000x128xf32, #tpu.memory_space<hbm>> -> memref<1x10000x128xf32, #tpu.memory_space<hbm>>
        %dma_start3A_22 = tpu.memref_squeeze %dma_start3A_21 : memref<1x10000x128xf32, #tpu.memory_space<hbm>> -> memref<10000x128xf32, #tpu.memory_space<hbm>>
        %dma_start3A_23 = arith.constant 9984 : i32
        %dma_start3A_24 = arith.constant 0 : i32
        %dma_start3A_25 = tpu.memref_slice %dma_start3A_22[%dma_start3A_23, %dma_start3A_24] : memref<10000x128xf32, #tpu.memory_space<hbm>> -> memref<16x128xf32, #tpu.memory_space<hbm>>
        %dma_start3A_26 = arith.constant 9984 : i32
        %dma_start3A_27 = arith.constant 0 : i32
        %dma_start3A_28 = tpu.memref_slice %arg10[%dma_start3A_26, %dma_start3A_27] : memref<10000x128xf32, #tpu.memory_space<vmem_shared>> -> memref<16x128xf32, #tpu.memory_space<vmem_shared>>
        tpu.enqueue_dma source(%dma_start3A_28 : memref<16x128xf32, #tpu.memory_space<vmem_shared>>) target(%dma_start3A_25 : memref<16x128xf32, #tpu.memory_space<hbm>>) target_semaphore(%run_scoped3A : memref<!tpu.dma_semaphore, #tpu.memory_space<semaphore_mem>>)
        %dma_wait3A = arith.constant 0 : i32
        %dma_wait3A_29 = arith.constant 0 : i32
        %dma_wait3A_30 = tpu.memref_slice %arg6[%arg0, %dma_wait3A, %dma_wait3A_29] : memref<2x10000x128xf32, #tpu.memory_space<hbm>> -> memref<1x10000x128xf32, #tpu.memory_space<hbm>>
        %dma_wait3A_31 = tpu.memref_squeeze %dma_wait3A_30 : memref<1x10000x128xf32, #tpu.memory_space<hbm>> -> memref<10000x128xf32, #tpu.memory_space<hbm>>
        %dma_wait3A_32 = arith.constant 9984 : i32
        %dma_wait3A_33 = arith.constant 0 : i32
        %dma_wait3A_34 = tpu.memref_slice %dma_wait3A_31[%dma_wait3A_32, %dma_wait3A_33] : memref<10000x128xf32, #tpu.memory_space<hbm>> -> memref<16x128xf32, #tpu.memory_space<hbm>>
        %dma_wait3A_35 = arith.constant 9984 : i32
        %dma_wait3A_36 = arith.constant 0 : i32
        %dma_wait3A_37 = tpu.memref_slice %arg10[%dma_wait3A_35, %dma_wait3A_36] : memref<10000x128xf32, #tpu.memory_space<vmem_shared>> -> memref<16x128xf32, #tpu.memory_space<vmem_shared>>
        tpu.wait_dma2 semaphore(%run_scoped3A : memref<!tpu.dma_semaphore, #tpu.memory_space<semaphore_mem>>) src(%dma_wait3A_37 : memref<16x128xf32, #tpu.memory_space<vmem_shared>>) dst(%dma_wait3A_34 : memref<16x128xf32, #tpu.memory_space<hbm>>)
        tpu.yield
      }) : () -> ()
    } else {
    }
    return
  }
}

module attributes {stable_mosaic.version = 14 : i64} {
  func.func @_pre_body(%arg0: i32, %arg1: memref<2000x128xf32, #tpu.memory_space<vmem>>, %arg2: memref<128x256xf32, #tpu.memory_space<vmem>>, %arg3: memref<128x256xf32, #tpu.memory_space<vmem>>, %arg4: memref<2000x128xi32, #tpu.memory_space<vmem>>, %arg5: memref<2000x128xi32, #tpu.memory_space<vmem>>) attributes {dimension_semantics = [#tpu.dimension_semantics<arbitrary>], iteration_bounds = array<i64: 5>, scalar_prefetch = 0 : i64, scratch_operands = 0 : i64, tpu.core_type = #tpu.core_type<tc>, window_params = [{transform_indices = @transform_0, window_bounds = array<i64: 2000, 128>}, {pipeline_mode = #tpu.pipeline_mode<synchronous>, transform_indices = @transform_1, window_bounds = array<i64: 128, 256>}, {pipeline_mode = #tpu.pipeline_mode<synchronous>, transform_indices = @transform_2, window_bounds = array<i64: 128, 256>}, {transform_indices = @transform_3, window_bounds = array<i64: 2000, 128>}, {transform_indices = @transform_4, window_bounds = array<i64: 2000, 128>}]} {
    %get3A = arith.constant 0 : index
    %get3A_0 = arith.constant 0 : index
    %get3A_1 = vector.load %arg1[%get3A, %get3A_0] : memref<2000x128xf32, #tpu.memory_space<vmem>>, vector<2000x128xf32>
    %get3A_2 = arith.constant 0 : index
    %get3A_3 = arith.constant 0 : index
    %get3A_4 = vector.load %arg2[%get3A_2, %get3A_3] : memref<128x256xf32, #tpu.memory_space<vmem>>, vector<128x256xf32>
    %dot_general3A = arith.constant dense<0.000000e+00> : vector<2000x256xf32>
    %dot_general3A_5 = tpu.matmul %get3A_1, %get3A_4, %dot_general3A {dimension_numbers = #tpu.dot_dimension_numbers<[1], [0], [0], [1], [0, 0, 1, 1], [], []>, transpose_lhs_hint = false} : vector<2000x128xf32>, vector<128x256xf32>, vector<2000x256xf32> -> vector<2000x256xf32>
    %slice3A = vector.extract_strided_slice %dot_general3A_5 {offsets = [0, 0], sizes = [2000, 128], strides = [1, 1]} : vector<2000x256xf32> to vector<2000x128xf32>
    %bitcast_convert_type3A = tpu.bitcast %slice3A : vector<2000x128xf32> -> vector<2000x128xi32>
    %slice3A_6 = vector.extract_strided_slice %dot_general3A_5 {offsets = [0, 128], sizes = [2000, 128], strides = [1, 1]} : vector<2000x256xf32> to vector<2000x128xf32>
    %bitcast_convert_type3A_7 = tpu.bitcast %slice3A_6 : vector<2000x128xf32> -> vector<2000x128xi32>
    %add3A = arith.constant 32767 : i32
    %add3A_8 = vector.broadcast %add3A : i32 to vector<2000x128xi32>
    %add3A_9 = arith.addi %bitcast_convert_type3A, %add3A_8 : vector<2000x128xi32>
    %shift_right_logical3A = arith.constant 16 : i32
    %shift_right_logical3A_10 = vector.broadcast %shift_right_logical3A : i32 to vector<2000x128xi32>
    %shift_right_logical3A_11 = arith.shrui %bitcast_convert_type3A, %shift_right_logical3A_10 : vector<2000x128xi32>
    %and3A = arith.constant 1 : i32
    %and3A_12 = vector.broadcast %and3A : i32 to vector<2000x128xi32>
    %and3A_13 = arith.andi %shift_right_logical3A_11, %and3A_12 : vector<2000x128xi32>
    %add3A_14 = arith.addi %add3A_9, %and3A_13 : vector<2000x128xi32>
    %shift_right_logical3A_15 = arith.constant 16 : i32
    %shift_right_logical3A_16 = vector.broadcast %shift_right_logical3A_15 : i32 to vector<2000x128xi32>
    %shift_right_logical3A_17 = arith.shrui %add3A_14, %shift_right_logical3A_16 : vector<2000x128xi32>
    %add3A_18 = arith.constant 32767 : i32
    %add3A_19 = vector.broadcast %add3A_18 : i32 to vector<2000x128xi32>
    %add3A_20 = arith.addi %bitcast_convert_type3A_7, %add3A_19 : vector<2000x128xi32>
    %shift_right_logical3A_21 = arith.constant 16 : i32
    %shift_right_logical3A_22 = vector.broadcast %shift_right_logical3A_21 : i32 to vector<2000x128xi32>
    %shift_right_logical3A_23 = arith.shrui %bitcast_convert_type3A_7, %shift_right_logical3A_22 : vector<2000x128xi32>
    %and3A_24 = arith.constant 1 : i32
    %and3A_25 = vector.broadcast %and3A_24 : i32 to vector<2000x128xi32>
    %and3A_26 = arith.andi %shift_right_logical3A_23, %and3A_25 : vector<2000x128xi32>
    %add3A_27 = arith.addi %add3A_20, %and3A_26 : vector<2000x128xi32>
    %and3A_28 = arith.constant -65536 : i32
    %and3A_29 = vector.broadcast %and3A_28 : i32 to vector<2000x128xi32>
    %and3A_30 = arith.andi %add3A_27, %and3A_29 : vector<2000x128xi32>
    %or3A = arith.ori %shift_right_logical3A_17, %and3A_30 : vector<2000x128xi32>
    %swap3A = arith.constant 0 : index
    %swap3A_31 = arith.constant 0 : index
    %swap3A_32 = vector.load %arg4[%swap3A, %swap3A_31] : memref<2000x128xi32, #tpu.memory_space<vmem>>, vector<2000x128xi32>
    tpu.vector_store %arg4[%swap3A, %swap3A_31], %or3A {strides = array<i32>} : memref<2000x128xi32, #tpu.memory_space<vmem>>, vector<2000x128xi32>,
    %get3A_33 = arith.constant 0 : index
    %get3A_34 = arith.constant 0 : index
    %get3A_35 = vector.load %arg3[%get3A_33, %get3A_34] : memref<128x256xf32, #tpu.memory_space<vmem>>, vector<128x256xf32>
    %dot_general3A_36 = arith.constant dense<0.000000e+00> : vector<2000x256xf32>
    %dot_general3A_37 = tpu.matmul %get3A_1, %get3A_35, %dot_general3A_36 {dimension_numbers = #tpu.dot_dimension_numbers<[1], [0], [0], [1], [0, 0, 1, 1], [], []>, transpose_lhs_hint = false} : vector<2000x128xf32>, vector<128x256xf32>, vector<2000x256xf32> -> vector<2000x256xf32>
    %slice3A_38 = vector.extract_strided_slice %dot_general3A_37 {offsets = [0, 0], sizes = [2000, 128], strides = [1, 1]} : vector<2000x256xf32> to vector<2000x128xf32>
    %bitcast_convert_type3A_39 = tpu.bitcast %slice3A_38 : vector<2000x128xf32> -> vector<2000x128xi32>
    %slice3A_40 = vector.extract_strided_slice %dot_general3A_37 {offsets = [0, 128], sizes = [2000, 128], strides = [1, 1]} : vector<2000x256xf32> to vector<2000x128xf32>
    %bitcast_convert_type3A_41 = tpu.bitcast %slice3A_40 : vector<2000x128xf32> -> vector<2000x128xi32>
    %add3A_42 = arith.constant 32767 : i32
    %add3A_43 = vector.broadcast %add3A_42 : i32 to vector<2000x128xi32>
    %add3A_44 = arith.addi %bitcast_convert_type3A_39, %add3A_43 : vector<2000x128xi32>
    %shift_right_logical3A_45 = arith.constant 16 : i32
    %shift_right_logical3A_46 = vector.broadcast %shift_right_logical3A_45 : i32 to vector<2000x128xi32>
    %shift_right_logical3A_47 = arith.shrui %bitcast_convert_type3A_39, %shift_right_logical3A_46 : vector<2000x128xi32>
    %and3A_48 = arith.constant 1 : i32
    %and3A_49 = vector.broadcast %and3A_48 : i32 to vector<2000x128xi32>
    %and3A_50 = arith.andi %shift_right_logical3A_47, %and3A_49 : vector<2000x128xi32>
    %add3A_51 = arith.addi %add3A_44, %and3A_50 : vector<2000x128xi32>
    %shift_right_logical3A_52 = arith.constant 16 : i32
    %shift_right_logical3A_53 = vector.broadcast %shift_right_logical3A_52 : i32 to vector<2000x128xi32>
    %shift_right_logical3A_54 = arith.shrui %add3A_51, %shift_right_logical3A_53 : vector<2000x128xi32>
    %add3A_55 = arith.constant 32767 : i32
    %add3A_56 = vector.broadcast %add3A_55 : i32 to vector<2000x128xi32>
    %add3A_57 = arith.addi %bitcast_convert_type3A_41, %add3A_56 : vector<2000x128xi32>
    %shift_right_logical3A_58 = arith.constant 16 : i32
    %shift_right_logical3A_59 = vector.broadcast %shift_right_logical3A_58 : i32 to vector<2000x128xi32>
    %shift_right_logical3A_60 = arith.shrui %bitcast_convert_type3A_41, %shift_right_logical3A_59 : vector<2000x128xi32>
    %and3A_61 = arith.constant 1 : i32
    %and3A_62 = vector.broadcast %and3A_61 : i32 to vector<2000x128xi32>
    %and3A_63 = arith.andi %shift_right_logical3A_60, %and3A_62 : vector<2000x128xi32>
    %add3A_64 = arith.addi %add3A_57, %and3A_63 : vector<2000x128xi32>
    %and3A_65 = arith.constant -65536 : i32
    %and3A_66 = vector.broadcast %and3A_65 : i32 to vector<2000x128xi32>
    %and3A_67 = arith.andi %add3A_64, %and3A_66 : vector<2000x128xi32>
    %or3A_68 = arith.ori %shift_right_logical3A_54, %and3A_67 : vector<2000x128xi32>
    %swap3A_69 = arith.constant 0 : index
    %swap3A_70 = arith.constant 0 : index
    %swap3A_71 = vector.load %arg5[%swap3A_69, %swap3A_70] : memref<2000x128xi32, #tpu.memory_space<vmem>>, vector<2000x128xi32>
    tpu.vector_store %arg5[%swap3A_69, %swap3A_70], %or3A_68 {strides = array<i32>} : memref<2000x128xi32, #tpu.memory_space<vmem>>, vector<2000x128xi32>,
    return
  }
  func.func @transform_0(%arg0: i32) -> (i32, i32) {
    %c0_i32 = arith.constant 0 : i32
    %c0_i32_0 = arith.constant 0 : i32
    return %arg0, %c0_i32 : i32, i32
  }
  func.func @transform_1(%arg0: i32) -> (i32, i32) {
    %c0_i32 = arith.constant 0 : i32
    %c0_i32_0 = arith.constant 0 : i32
    %c0_i32_1 = arith.constant 0 : i32
    return %c0_i32, %c0_i32_0 : i32, i32
  }
  func.func @transform_2(%arg0: i32) -> (i32, i32) {
    %c0_i32 = arith.constant 0 : i32
    %c0_i32_0 = arith.constant 0 : i32
    %c0_i32_1 = arith.constant 0 : i32
    return %c0_i32, %c0_i32_0 : i32, i32
  }
  func.func @transform_3(%arg0: i32) -> (i32, i32) {
    %c0_i32 = arith.constant 0 : i32
    %c0_i32_0 = arith.constant 0 : i32
    return %arg0, %c0_i32 : i32, i32
  }
  func.func @transform_4(%arg0: i32) -> (i32, i32) {
    %c0_i32 = arith.constant 0 : i32
    %c0_i32_0 = arith.constant 0 : i32
    return %arg0, %c0_i32 : i32, i32
  }
}

module attributes {stable_mosaic.version = 14 : i64} {
  func.func @_act_body(%arg0: i32, %arg1: memref<4000x128xi32, #tpu.memory_space<vmem>>, %arg2: memref<4000x128xi32, #tpu.memory_space<vmem>>, %arg3: memref<4000x16xf32, #tpu.memory_space<vmem>>, %arg4: memref<16x256xf32, #tpu.memory_space<vmem>>, %arg5: memref<1x256xf32, #tpu.memory_space<vmem>>, %arg6: memref<4000x128xf32, #tpu.memory_space<vmem>>) attributes {dimension_semantics = [#tpu.dimension_semantics<arbitrary>], iteration_bounds = array<i64: 80>, scalar_prefetch = 0 : i64, scratch_operands = 0 : i64, tpu.core_type = #tpu.core_type<tc>, window_params = [{transform_indices = @transform_0, window_bounds = array<i64: 4000, 128>}, {transform_indices = @transform_1, window_bounds = array<i64: 4000, 128>}, {transform_indices = @transform_2, window_bounds = array<i64: 4000, 16>}, {pipeline_mode = #tpu.pipeline_mode<synchronous>, transform_indices = @transform_3, window_bounds = array<i64: 16, 256>}, {pipeline_mode = #tpu.pipeline_mode<synchronous>, transform_indices = @transform_4, window_bounds = array<i64: 1, 256>}, {transform_indices = @transform_5, window_bounds = array<i64: 4000, 128>}]} {
    %get3A = arith.constant 0 : index
    %get3A_0 = arith.constant 0 : index
    %get3A_1 = vector.load %arg1[%get3A, %get3A_0] : memref<4000x128xi32, #tpu.memory_space<vmem>>, vector<4000x128xi32>
    %get3A_2 = arith.constant 0 : index
    %get3A_3 = arith.constant 0 : index
    %get3A_4 = vector.load %arg2[%get3A_2, %get3A_3] : memref<4000x128xi32, #tpu.memory_space<vmem>>, vector<4000x128xi32>
    %get3A_5 = arith.constant 0 : index
    %get3A_6 = arith.constant 0 : index
    %get3A_7 = vector.load %arg3[%get3A_5, %get3A_6] : memref<4000x16xf32, #tpu.memory_space<vmem>>, vector<4000x16xf32>
    %get3A_8 = arith.constant 0 : index
    %get3A_9 = arith.constant 0 : index
    %get3A_10 = vector.load %arg4[%get3A_8, %get3A_9] : memref<16x256xf32, #tpu.memory_space<vmem>>, vector<16x256xf32>
    %dot_general3A = arith.constant dense<0.000000e+00> : vector<4000x256xf32>
    %dot_general3A_11 = tpu.matmul %get3A_7, %get3A_10, %dot_general3A {dimension_numbers = #tpu.dot_dimension_numbers<[1], [0], [0], [1], [0, 0, 1, 1], [], []>, transpose_lhs_hint = false} : vector<4000x16xf32>, vector<16x256xf32>, vector<4000x256xf32> -> vector<4000x256xf32>
    %get3A_12 = arith.constant 0 : index
    %get3A_13 = arith.constant 0 : index
    %get3A_14 = vector.load %arg5[%get3A_12, %get3A_13] : memref<1x256xf32, #tpu.memory_space<vmem>>, vector<1x256xf32>
    %add3A = vector.broadcast %get3A_14 : vector<1x256xf32> to vector<4000x256xf32>
    %add3A_15 = arith.addf %dot_general3A_11, %add3A : vector<4000x256xf32>
    %shift_left3A = arith.constant 16 : i32
    %shift_left3A_16 = vector.broadcast %shift_left3A : i32 to vector<4000x128xi32>
    %shift_left3A_17 = arith.shli %get3A_1, %shift_left3A_16 : vector<4000x128xi32>
    %bitcast_convert_type3A = tpu.bitcast %shift_left3A_17 : vector<4000x128xi32> -> vector<4000x128xf32>
    %shift_left3A_18 = arith.constant 16 : i32
    %shift_left3A_19 = vector.broadcast %shift_left3A_18 : i32 to vector<4000x128xi32>
    %shift_left3A_20 = arith.shli %get3A_4, %shift_left3A_19 : vector<4000x128xi32>
    %bitcast_convert_type3A_21 = tpu.bitcast %shift_left3A_20 : vector<4000x128xi32> -> vector<4000x128xf32>
    %add3A_22 = arith.addf %bitcast_convert_type3A, %bitcast_convert_type3A_21 : vector<4000x128xf32>
    %slice3A = vector.extract_strided_slice %add3A_15 {offsets = [0, 0], sizes = [4000, 128], strides = [1, 1]} : vector<4000x256xf32> to vector<4000x128xf32>
    %add3A_23 = arith.addf %add3A_22, %slice3A : vector<4000x128xf32>
    %and3A = arith.constant -65536 : i32
    %and3A_24 = vector.broadcast %and3A : i32 to vector<4000x128xi32>
    %and3A_25 = arith.andi %get3A_1, %and3A_24 : vector<4000x128xi32>
    %bitcast_convert_type3A_26 = tpu.bitcast %and3A_25 : vector<4000x128xi32> -> vector<4000x128xf32>
    %and3A_27 = arith.constant -65536 : i32
    %and3A_28 = vector.broadcast %and3A_27 : i32 to vector<4000x128xi32>
    %and3A_29 = arith.andi %get3A_4, %and3A_28 : vector<4000x128xi32>
    %bitcast_convert_type3A_30 = tpu.bitcast %and3A_29 : vector<4000x128xi32> -> vector<4000x128xf32>
    %add3A_31 = arith.addf %bitcast_convert_type3A_26, %bitcast_convert_type3A_30 : vector<4000x128xf32>
    %slice3A_32 = vector.extract_strided_slice %add3A_15 {offsets = [0, 128], sizes = [4000, 128], strides = [1, 1]} : vector<4000x256xf32> to vector<4000x128xf32>
    %add3A_33 = arith.addf %add3A_31, %slice3A_32 : vector<4000x128xf32>
    %logistic3A = arith.negf %add3A_23 : vector<4000x128xf32>
    %logistic3A_34 = math.exp %logistic3A : vector<4000x128xf32>
    %logistic3A_35 = arith.constant 1.000000e+00 : f32
    %logistic3A_36 = vector.broadcast %logistic3A_35 : f32 to vector<4000x128xf32>
    %logistic3A_37 = arith.addf %logistic3A_36, %logistic3A_34 : vector<4000x128xf32>
    %logistic3A_38 = arith.divf %logistic3A_36, %logistic3A_37 : vector<4000x128xf32>
    %custom_jvp_call3A = arith.constant 0.000000e+00 : f32
    %max3A = vector.broadcast %custom_jvp_call3A : f32 to vector<4000x128xf32>
    %max3A_39 = arith.maximumf %add3A_33, %max3A : vector<4000x128xf32>
    %sub3A = vector.broadcast %custom_jvp_call3A : f32 to vector<4000x128xf32>
    %sub3A_40 = arith.subf %add3A_33, %sub3A : vector<4000x128xf32>
    %ne3A = arith.cmpf one, %sub3A_40, %sub3A_40 : vector<4000x128xf32>
    %add3A_41 = vector.broadcast %custom_jvp_call3A : f32 to vector<4000x128xf32>
    %add3A_42 = arith.addf %add3A_33, %add3A_41 : vector<4000x128xf32>
    %abs3A = math.absf %sub3A_40 : vector<4000x128xf32>
    %neg3A = arith.constant 0.000000e+00 : f32
    %neg3A_43 = vector.broadcast %neg3A : f32 to vector<4000x128xf32>
    %neg3A_44 = arith.subf %neg3A_43, %abs3A : vector<4000x128xf32>
    %exp3A = math.exp %neg3A_44 : vector<4000x128xf32>
    %log1p3A = math.log1p %exp3A : vector<4000x128xf32>
    %add3A_45 = arith.addf %max3A_39, %log1p3A : vector<4000x128xf32>
    %select_n3A = arith.select %ne3A, %add3A_42, %add3A_45 : vector<4000x128xi1>, vector<4000x128xf32>
    %mul3A = arith.mulf %logistic3A_38, %select_n3A : vector<4000x128xf32>
    %swap3A = arith.constant 0 : index
    %swap3A_46 = arith.constant 0 : index
    %swap3A_47 = vector.load %arg6[%swap3A, %swap3A_46] : memref<4000x128xf32, #tpu.memory_space<vmem>>, vector<4000x128xf32>
    tpu.vector_store %arg6[%swap3A, %swap3A_46], %mul3A {strides = array<i32>} : memref<4000x128xf32, #tpu.memory_space<vmem>>, vector<4000x128xf32>,
    return
  }
  func.func @transform_0(%arg0: i32) -> (i32, i32) {
    %c0_i32 = arith.constant 0 : i32
    %c0_i32_0 = arith.constant 0 : i32
    return %arg0, %c0_i32 : i32, i32
  }
  func.func @transform_1(%arg0: i32) -> (i32, i32) {
    %c0_i32 = arith.constant 0 : i32
    %c0_i32_0 = arith.constant 0 : i32
    return %arg0, %c0_i32 : i32, i32
  }
  func.func @transform_2(%arg0: i32) -> (i32, i32) {
    %c0_i32 = arith.constant 0 : i32
    %c0_i32_0 = arith.constant 0 : i32
    return %arg0, %c0_i32 : i32, i32
  }
  func.func @transform_3(%arg0: i32) -> (i32, i32) {
    %c0_i32 = arith.constant 0 : i32
    %c0_i32_0 = arith.constant 0 : i32
    %c0_i32_1 = arith.constant 0 : i32
    return %c0_i32, %c0_i32_0 : i32, i32
  }
  func.func @transform_4(%arg0: i32) -> (i32, i32) {
    %c0_i32 = arith.constant 0 : i32
    %c0_i32_0 = arith.constant 0 : i32
    %c0_i32_1 = arith.constant 0 : i32
    return %c0_i32, %c0_i32_0 : i32, i32
  }
  func.func @transform_5(%arg0: i32) -> (i32, i32) {
    %c0_i32 = arith.constant 0 : i32
    %c0_i32_0 = arith.constant 0 : i32
    return %arg0, %c0_i32 : i32, i32
  }
}

module attributes {stable_mosaic.version = 14 : i64} {
  func.func @_mid_body(%arg0: i32, %arg1: memref<2000x128xf32, #tpu.memory_space<vmem>>, %arg2: memref<2x2000x128xf32, #tpu.memory_space<vmem>>, %arg3: memref<1x128xf32, #tpu.memory_space<vmem>>, %arg4: memref<1x128xf32, #tpu.memory_space<vmem>>, %arg5: memref<128x256xf32, #tpu.memory_space<vmem>>, %arg6: memref<128x256xf32, #tpu.memory_space<vmem>>, %arg7: memref<2000x128xf32, #tpu.memory_space<vmem>>, %arg8: memref<2000x128xi32, #tpu.memory_space<vmem>>, %arg9: memref<2000x128xi32, #tpu.memory_space<vmem>>) attributes {dimension_semantics = [#tpu.dimension_semantics<arbitrary>], iteration_bounds = array<i64: 5>, scalar_prefetch = 0 : i64, scratch_operands = 0 : i64, tpu.core_type = #tpu.core_type<tc>, window_params = [{transform_indices = @transform_0, window_bounds = array<i64: 2000, 128>}, {transform_indices = @transform_1, window_bounds = array<i64: 2, 2000, 128>}, {pipeline_mode = #tpu.pipeline_mode<synchronous>, transform_indices = @transform_2, window_bounds = array<i64: 1, 128>}, {pipeline_mode = #tpu.pipeline_mode<synchronous>, transform_indices = @transform_3, window_bounds = array<i64: 1, 128>}, {pipeline_mode = #tpu.pipeline_mode<synchronous>, transform_indices = @transform_4, window_bounds = array<i64: 128, 256>}, {pipeline_mode = #tpu.pipeline_mode<synchronous>, transform_indices = @transform_5, window_bounds = array<i64: 128, 256>}, {transform_indices = @transform_6, window_bounds = array<i64: 2000, 128>}, {transform_indices = @transform_7, window_bounds = array<i64: 2000, 128>}, {transform_indices = @transform_8, window_bounds = array<i64: 2000, 128>}]} {
    %get3A = arith.constant 0 : index
    %get3A_0 = arith.constant 0 : index
    %get3A_1 = arith.constant 0 : index
    %get3A_2 = vector.load %arg2[%get3A, %get3A_0, %get3A_1] : memref<2x2000x128xf32, #tpu.memory_space<vmem>>, vector<1x2000x128xf32>
    %get3A_3 = vector.shape_cast %get3A_2 : vector<1x2000x128xf32> to vector<2000x128xf32>
    %get3A_4 = arith.constant 1 : index
    %get3A_5 = arith.constant 0 : index
    %get3A_6 = arith.constant 0 : index
    %get3A_7 = vector.load %arg2[%get3A_4, %get3A_5, %get3A_6] : memref<2x2000x128xf32, #tpu.memory_space<vmem>>, vector<1x2000x128xf32>
    %get3A_8 = vector.shape_cast %get3A_7 : vector<1x2000x128xf32> to vector<2000x128xf32>
    %add3A = arith.addf %get3A_3, %get3A_8 : vector<2000x128xf32>
    %mul3A = arith.constant 0.999994993 : f32
    %mul3A_9 = vector.broadcast %mul3A : f32 to vector<2000x128xf32>
    %mul3A_10 = arith.mulf %add3A, %mul3A_9 : vector<2000x128xf32>
    %get3A_11 = arith.constant 0 : index
    %get3A_12 = arith.constant 0 : index
    %get3A_13 = vector.load %arg1[%get3A_11, %get3A_12] : memref<2000x128xf32, #tpu.memory_space<vmem>>, vector<2000x128xf32>
    %get3A_14 = arith.constant 0 : index
    %get3A_15 = arith.constant 0 : index
    %get3A_16 = vector.load %arg3[%get3A_14, %get3A_15] : memref<1x128xf32, #tpu.memory_space<vmem>>, vector<1x128xf32>
    %mul3A_17 = vector.broadcast %get3A_16 : vector<1x128xf32> to vector<2000x128xf32>
    %mul3A_18 = arith.mulf %mul3A_17, %mul3A_10 : vector<2000x128xf32>
    %add3A_19 = arith.addf %get3A_13, %mul3A_18 : vector<2000x128xf32>
    %get3A_20 = arith.constant 0 : index
    %get3A_21 = arith.constant 0 : index
    %get3A_22 = vector.load %arg4[%get3A_20, %get3A_21] : memref<1x128xf32, #tpu.memory_space<vmem>>, vector<1x128xf32>
    %add3A_23 = vector.broadcast %get3A_22 : vector<1x128xf32> to vector<2000x128xf32>
    %add3A_24 = arith.addf %add3A_19, %add3A_23 : vector<2000x128xf32>
    %max3A = arith.constant 0.000000e+00 : f32
    %max3A_25 = vector.broadcast %max3A : f32 to vector<2000x128xf32>
    %max3A_26 = arith.maximumf %add3A_24, %max3A_25 : vector<2000x128xf32>
    %swap3A = arith.constant 0 : index
    %swap3A_27 = arith.constant 0 : index
    %swap3A_28 = vector.load %arg7[%swap3A, %swap3A_27] : memref<2000x128xf32, #tpu.memory_space<vmem>>, vector<2000x128xf32>
    tpu.vector_store %arg7[%swap3A, %swap3A_27], %max3A_26 {strides = array<i32>} : memref<2000x128xf32, #tpu.memory_space<vmem>>, vector<2000x128xf32>,
    %get3A_29 = arith.constant 0 : index
    %get3A_30 = arith.constant 0 : index
    %get3A_31 = vector.load %arg5[%get3A_29, %get3A_30] : memref<128x256xf32, #tpu.memory_space<vmem>>, vector<128x256xf32>
    %dot_general3A = arith.constant dense<0.000000e+00> : vector<2000x256xf32>
    %dot_general3A_32 = tpu.matmul %max3A_26, %get3A_31, %dot_general3A {dimension_numbers = #tpu.dot_dimension_numbers<[1], [0], [0], [1], [0, 0, 1, 1], [], []>, transpose_lhs_hint = false} : vector<2000x128xf32>, vector<128x256xf32>, vector<2000x256xf32> -> vector<2000x256xf32>
    %slice3A = vector.extract_strided_slice %dot_general3A_32 {offsets = [0, 0], sizes = [2000, 128], strides = [1, 1]} : vector<2000x256xf32> to vector<2000x128xf32>
    %bitcast_convert_type3A = tpu.bitcast %slice3A : vector<2000x128xf32> -> vector<2000x128xi32>
    %slice3A_33 = vector.extract_strided_slice %dot_general3A_32 {offsets = [0, 128], sizes = [2000, 128], strides = [1, 1]} : vector<2000x256xf32> to vector<2000x128xf32>
    %bitcast_convert_type3A_34 = tpu.bitcast %slice3A_33 : vector<2000x128xf32> -> vector<2000x128xi32>
    %add3A_35 = arith.constant 32767 : i32
    %add3A_36 = vector.broadcast %add3A_35 : i32 to vector<2000x128xi32>
    %add3A_37 = arith.addi %bitcast_convert_type3A, %add3A_36 : vector<2000x128xi32>
    %shift_right_logical3A = arith.constant 16 : i32
    %shift_right_logical3A_38 = vector.broadcast %shift_right_logical3A : i32 to vector<2000x128xi32>
    %shift_right_logical3A_39 = arith.shrui %bitcast_convert_type3A, %shift_right_logical3A_38 : vector<2000x128xi32>
    %and3A = arith.constant 1 : i32
    %and3A_40 = vector.broadcast %and3A : i32 to vector<2000x128xi32>
    %and3A_41 = arith.andi %shift_right_logical3A_39, %and3A_40 : vector<2000x128xi32>
    %add3A_42 = arith.addi %add3A_37, %and3A_41 : vector<2000x128xi32>
    %shift_right_logical3A_43 = arith.constant 16 : i32
    %shift_right_logical3A_44 = vector.broadcast %shift_right_logical3A_43 : i32 to vector<2000x128xi32>
    %shift_right_logical3A_45 = arith.shrui %add3A_42, %shift_right_logical3A_44 : vector<2000x128xi32>
    %add3A_46 = arith.constant 32767 : i32
    %add3A_47 = vector.broadcast %add3A_46 : i32 to vector<2000x128xi32>
    %add3A_48 = arith.addi %bitcast_convert_type3A_34, %add3A_47 : vector<2000x128xi32>
    %shift_right_logical3A_49 = arith.constant 16 : i32
    %shift_right_logical3A_50 = vector.broadcast %shift_right_logical3A_49 : i32 to vector<2000x128xi32>
    %shift_right_logical3A_51 = arith.shrui %bitcast_convert_type3A_34, %shift_right_logical3A_50 : vector<2000x128xi32>
    %and3A_52 = arith.constant 1 : i32
    %and3A_53 = vector.broadcast %and3A_52 : i32 to vector<2000x128xi32>
    %and3A_54 = arith.andi %shift_right_logical3A_51, %and3A_53 : vector<2000x128xi32>
    %add3A_55 = arith.addi %add3A_48, %and3A_54 : vector<2000x128xi32>
    %and3A_56 = arith.constant -65536 : i32
    %and3A_57 = vector.broadcast %and3A_56 : i32 to vector<2000x128xi32>
    %and3A_58 = arith.andi %add3A_55, %and3A_57 : vector<2000x128xi32>
    %or3A = arith.ori %shift_right_logical3A_45, %and3A_58 : vector<2000x128xi32>
    %swap3A_59 = arith.constant 0 : index
    %swap3A_60 = arith.constant 0 : index
    %swap3A_61 = vector.load %arg8[%swap3A_59, %swap3A_60] : memref<2000x128xi32, #tpu.memory_space<vmem>>, vector<2000x128xi32>
    tpu.vector_store %arg8[%swap3A_59, %swap3A_60], %or3A {strides = array<i32>} : memref<2000x128xi32, #tpu.memory_space<vmem>>, vector<2000x128xi32>,
    %get3A_62 = arith.constant 0 : index
    %get3A_63 = arith.constant 0 : index
    %get3A_64 = vector.load %arg6[%get3A_62, %get3A_63] : memref<128x256xf32, #tpu.memory_space<vmem>>, vector<128x256xf32>
    %dot_general3A_65 = arith.constant dense<0.000000e+00> : vector<2000x256xf32>
    %dot_general3A_66 = tpu.matmul %max3A_26, %get3A_64, %dot_general3A_65 {dimension_numbers = #tpu.dot_dimension_numbers<[1], [0], [0], [1], [0, 0, 1, 1], [], []>, transpose_lhs_hint = false} : vector<2000x128xf32>, vector<128x256xf32>, vector<2000x256xf32> -> vector<2000x256xf32>
    %slice3A_67 = vector.extract_strided_slice %dot_general3A_66 {offsets = [0, 0], sizes = [2000, 128], strides = [1, 1]} : vector<2000x256xf32> to vector<2000x128xf32>
    %bitcast_convert_type3A_68 = tpu.bitcast %slice3A_67 : vector<2000x128xf32> -> vector<2000x128xi32>
    %slice3A_69 = vector.extract_strided_slice %dot_general3A_66 {offsets = [0, 128], sizes = [2000, 128], strides = [1, 1]} : vector<2000x256xf32> to vector<2000x128xf32>
    %bitcast_convert_type3A_70 = tpu.bitcast %slice3A_69 : vector<2000x128xf32> -> vector<2000x128xi32>
    %add3A_71 = arith.constant 32767 : i32
    %add3A_72 = vector.broadcast %add3A_71 : i32 to vector<2000x128xi32>
    %add3A_73 = arith.addi %bitcast_convert_type3A_68, %add3A_72 : vector<2000x128xi32>
    %shift_right_logical3A_74 = arith.constant 16 : i32
    %shift_right_logical3A_75 = vector.broadcast %shift_right_logical3A_74 : i32 to vector<2000x128xi32>
    %shift_right_logical3A_76 = arith.shrui %bitcast_convert_type3A_68, %shift_right_logical3A_75 : vector<2000x128xi32>
    %and3A_77 = arith.constant 1 : i32
    %and3A_78 = vector.broadcast %and3A_77 : i32 to vector<2000x128xi32>
    %and3A_79 = arith.andi %shift_right_logical3A_76, %and3A_78 : vector<2000x128xi32>
    %add3A_80 = arith.addi %add3A_73, %and3A_79 : vector<2000x128xi32>
    %shift_right_logical3A_81 = arith.constant 16 : i32
    %shift_right_logical3A_82 = vector.broadcast %shift_right_logical3A_81 : i32 to vector<2000x128xi32>
    %shift_right_logical3A_83 = arith.shrui %add3A_80, %shift_right_logical3A_82 : vector<2000x128xi32>
    %add3A_84 = arith.constant 32767 : i32
    %add3A_85 = vector.broadcast %add3A_84 : i32 to vector<2000x128xi32>
    %add3A_86 = arith.addi %bitcast_convert_type3A_70, %add3A_85 : vector<2000x128xi32>
    %shift_right_logical3A_87 = arith.constant 16 : i32
    %shift_right_logical3A_88 = vector.broadcast %shift_right_logical3A_87 : i32 to vector<2000x128xi32>
    %shift_right_logical3A_89 = arith.shrui %bitcast_convert_type3A_70, %shift_right_logical3A_88 : vector<2000x128xi32>
    %and3A_90 = arith.constant 1 : i32
    %and3A_91 = vector.broadcast %and3A_90 : i32 to vector<2000x128xi32>
    %and3A_92 = arith.andi %shift_right_logical3A_89, %and3A_91 : vector<2000x128xi32>
    %add3A_93 = arith.addi %add3A_86, %and3A_92 : vector<2000x128xi32>
    %and3A_94 = arith.constant -65536 : i32
    %and3A_95 = vector.broadcast %and3A_94 : i32 to vector<2000x128xi32>
    %and3A_96 = arith.andi %add3A_93, %and3A_95 : vector<2000x128xi32>
    %or3A_97 = arith.ori %shift_right_logical3A_83, %and3A_96 : vector<2000x128xi32>
    %swap3A_98 = arith.constant 0 : index
    %swap3A_99 = arith.constant 0 : index
    %swap3A_100 = vector.load %arg9[%swap3A_98, %swap3A_99] : memref<2000x128xi32, #tpu.memory_space<vmem>>, vector<2000x128xi32>
    tpu.vector_store %arg9[%swap3A_98, %swap3A_99], %or3A_97 {strides = array<i32>} : memref<2000x128xi32, #tpu.memory_space<vmem>>, vector<2000x128xi32>,
    return
  }
  func.func @transform_0(%arg0: i32) -> (i32, i32) {
    %c0_i32 = arith.constant 0 : i32
    %c0_i32_0 = arith.constant 0 : i32
    return %arg0, %c0_i32 : i32, i32
  }
  func.func @transform_1(%arg0: i32) -> (i32, i32, i32) {
    %c0_i32 = arith.constant 0 : i32
    %c0_i32_0 = arith.constant 0 : i32
    %c0_i32_1 = arith.constant 0 : i32
    return %c0_i32, %arg0, %c0_i32_0 : i32, i32, i32
  }
  func.func @transform_2(%arg0: i32) -> (i32, i32) {
    %c0_i32 = arith.constant 0 : i32
    %c0_i32_0 = arith.constant 0 : i32
    %c0_i32_1 = arith.constant 0 : i32
    return %c0_i32, %c0_i32_0 : i32, i32
  }
  func.func @transform_3(%arg0: i32) -> (i32, i32) {
    %c0_i32 = arith.constant 0 : i32
    %c0_i32_0 = arith.constant 0 : i32
    %c0_i32_1 = arith.constant 0 : i32
    return %c0_i32, %c0_i32_0 : i32, i32
  }
  func.func @transform_4(%arg0: i32) -> (i32, i32) {
    %c0_i32 = arith.constant 0 : i32
    %c0_i32_0 = arith.constant 0 : i32
    %c0_i32_1 = arith.constant 0 : i32
    return %c0_i32, %c0_i32_0 : i32, i32
  }
  func.func @transform_5(%arg0: i32) -> (i32, i32) {
    %c0_i32 = arith.constant 0 : i32
    %c0_i32_0 = arith.constant 0 : i32
    %c0_i32_1 = arith.constant 0 : i32
    return %c0_i32, %c0_i32_0 : i32, i32
  }
  func.func @transform_6(%arg0: i32) -> (i32, i32) {
    %c0_i32 = arith.constant 0 : i32
    %c0_i32_0 = arith.constant 0 : i32
    return %arg0, %c0_i32 : i32, i32
  }
  func.func @transform_7(%arg0: i32) -> (i32, i32) {
    %c0_i32 = arith.constant 0 : i32
    %c0_i32_0 = arith.constant 0 : i32
    return %arg0, %c0_i32 : i32, i32
  }
  func.func @transform_8(%arg0: i32) -> (i32, i32) {
    %c0_i32 = arith.constant 0 : i32
    %c0_i32_0 = arith.constant 0 : i32
    return %arg0, %c0_i32 : i32, i32
  }
}

module attributes {stable_mosaic.version = 14 : i64} {
  func.func @_gcn_prep_body(%arg0: i32, %arg1: memref<2000x128xf32, #tpu.memory_space<vmem>>, %arg2: memref<2x2000x128xf32, #tpu.memory_space<vmem>>, %arg3: memref<1x128xf32, #tpu.memory_space<vmem>>, %arg4: memref<1x128xf32, #tpu.memory_space<vmem>>, %arg5: memref<2000x1xf32, #tpu.memory_space<vmem>>, %arg6: memref<128x128xf32, #tpu.memory_space<vmem>>, %arg7: memref<2000x128xf32, #tpu.memory_space<vmem>>, %arg8: memref<2000x128xf32, #tpu.memory_space<vmem>>) attributes {dimension_semantics = [#tpu.dimension_semantics<arbitrary>], iteration_bounds = array<i64: 5>, scalar_prefetch = 0 : i64, scratch_operands = 0 : i64, tpu.core_type = #tpu.core_type<tc>, window_params = [{transform_indices = @transform_0, window_bounds = array<i64: 2000, 128>}, {transform_indices = @transform_1, window_bounds = array<i64: 2, 2000, 128>}, {pipeline_mode = #tpu.pipeline_mode<synchronous>, transform_indices = @transform_2, window_bounds = array<i64: 1, 128>}, {pipeline_mode = #tpu.pipeline_mode<synchronous>, transform_indices = @transform_3, window_bounds = array<i64: 1, 128>}, {transform_indices = @transform_4, window_bounds = array<i64: 2000, 1>}, {pipeline_mode = #tpu.pipeline_mode<synchronous>, transform_indices = @transform_5, window_bounds = array<i64: 128, 128>}, {transform_indices = @transform_6, window_bounds = array<i64: 2000, 128>}, {transform_indices = @transform_7, window_bounds = array<i64: 2000, 128>}]} {
    %get3A = arith.constant 0 : index
    %get3A_0 = arith.constant 0 : index
    %get3A_1 = arith.constant 0 : index
    %get3A_2 = vector.load %arg2[%get3A, %get3A_0, %get3A_1] : memref<2x2000x128xf32, #tpu.memory_space<vmem>>, vector<1x2000x128xf32>
    %get3A_3 = vector.shape_cast %get3A_2 : vector<1x2000x128xf32> to vector<2000x128xf32>
    %get3A_4 = arith.constant 1 : index
    %get3A_5 = arith.constant 0 : index
    %get3A_6 = arith.constant 0 : index
    %get3A_7 = vector.load %arg2[%get3A_4, %get3A_5, %get3A_6] : memref<2x2000x128xf32, #tpu.memory_space<vmem>>, vector<1x2000x128xf32>
    %get3A_8 = vector.shape_cast %get3A_7 : vector<1x2000x128xf32> to vector<2000x128xf32>
    %add3A = arith.addf %get3A_3, %get3A_8 : vector<2000x128xf32>
    %mul3A = arith.constant 0.999994993 : f32
    %mul3A_9 = vector.broadcast %mul3A : f32 to vector<2000x128xf32>
    %mul3A_10 = arith.mulf %add3A, %mul3A_9 : vector<2000x128xf32>
    %get3A_11 = arith.constant 0 : index
    %get3A_12 = arith.constant 0 : index
    %get3A_13 = vector.load %arg1[%get3A_11, %get3A_12] : memref<2000x128xf32, #tpu.memory_space<vmem>>, vector<2000x128xf32>
    %get3A_14 = arith.constant 0 : index
    %get3A_15 = arith.constant 0 : index
    %get3A_16 = vector.load %arg3[%get3A_14, %get3A_15] : memref<1x128xf32, #tpu.memory_space<vmem>>, vector<1x128xf32>
    %mul3A_17 = vector.broadcast %get3A_16 : vector<1x128xf32> to vector<2000x128xf32>
    %mul3A_18 = arith.mulf %mul3A_17, %mul3A_10 : vector<2000x128xf32>
    %add3A_19 = arith.addf %get3A_13, %mul3A_18 : vector<2000x128xf32>
    %get3A_20 = arith.constant 0 : index
    %get3A_21 = arith.constant 0 : index
    %get3A_22 = vector.load %arg4[%get3A_20, %get3A_21] : memref<1x128xf32, #tpu.memory_space<vmem>>, vector<1x128xf32>
    %add3A_23 = vector.broadcast %get3A_22 : vector<1x128xf32> to vector<2000x128xf32>
    %add3A_24 = arith.addf %add3A_19, %add3A_23 : vector<2000x128xf32>
    %max3A = arith.constant 0.000000e+00 : f32
    %max3A_25 = vector.broadcast %max3A : f32 to vector<2000x128xf32>
    %max3A_26 = arith.maximumf %add3A_24, %max3A_25 : vector<2000x128xf32>
    %get3A_27 = arith.constant 0 : index
    %get3A_28 = arith.constant 0 : index
    %get3A_29 = vector.load %arg5[%get3A_27, %get3A_28] : memref<2000x1xf32, #tpu.memory_space<vmem>>, vector<2000x1xf32>
    %add3A_30 = arith.constant 1.000000e+00 : f32
    %add3A_31 = vector.broadcast %add3A_30 : f32 to vector<2000x1xf32>
    %add3A_32 = arith.addf %get3A_29, %add3A_31 : vector<2000x1xf32>
    %rsqrt3A = math.rsqrt %add3A_32 : vector<2000x1xf32>
    %get3A_33 = arith.constant 0 : index
    %get3A_34 = arith.constant 0 : index
    %get3A_35 = vector.load %arg6[%get3A_33, %get3A_34] : memref<128x128xf32, #tpu.memory_space<vmem>>, vector<128x128xf32>
    %dot_general3A = arith.constant dense<0.000000e+00> : vector<2000x128xf32>
    %dot_general3A_36 = tpu.matmul %max3A_26, %get3A_35, %dot_general3A {dimension_numbers = #tpu.dot_dimension_numbers<[1], [0], [0], [1], [0, 0, 1, 1], [], []>, transpose_lhs_hint = false} : vector<2000x128xf32>, vector<128x128xf32>, vector<2000x128xf32> -> vector<2000x128xf32>
    %mul3A_37 = vector.broadcast %rsqrt3A : vector<2000x1xf32> to vector<2000x128xf32>
    %mul3A_38 = arith.mulf %mul3A_37, %dot_general3A_36 : vector<2000x128xf32>
    %swap3A = arith.constant 0 : index
    %swap3A_39 = arith.constant 0 : index
    %swap3A_40 = vector.load %arg7[%swap3A, %swap3A_39] : memref<2000x128xf32, #tpu.memory_space<vmem>>, vector<2000x128xf32>
    tpu.vector_store %arg7[%swap3A, %swap3A_39], %mul3A_38 {strides = array<i32>} : memref<2000x128xf32, #tpu.memory_space<vmem>>, vector<2000x128xf32>,
    %broadcast_in_dim3A = vector.shape_cast %rsqrt3A : vector<2000x1xf32> to vector<2000x1xf32>
    %broadcast_in_dim3A_41 = vector.broadcast %broadcast_in_dim3A : vector<2000x1xf32> to vector<2000x128xf32>
    %swap3A_42 = arith.constant 0 : index
    %swap3A_43 = arith.constant 0 : index
    %swap3A_44 = vector.load %arg8[%swap3A_42, %swap3A_43] : memref<2000x128xf32, #tpu.memory_space<vmem>>, vector<2000x128xf32>
    tpu.vector_store %arg8[%swap3A_42, %swap3A_43], %broadcast_in_dim3A_41 {strides = array<i32>} : memref<2000x128xf32, #tpu.memory_space<vmem>>, vector<2000x128xf32>,
    return
  }
  func.func @transform_0(%arg0: i32) -> (i32, i32) {
    %c0_i32 = arith.constant 0 : i32
    %c0_i32_0 = arith.constant 0 : i32
    return %arg0, %c0_i32 : i32, i32
  }
  func.func @transform_1(%arg0: i32) -> (i32, i32, i32) {
    %c0_i32 = arith.constant 0 : i32
    %c0_i32_0 = arith.constant 0 : i32
    %c0_i32_1 = arith.constant 0 : i32
    return %c0_i32, %arg0, %c0_i32_0 : i32, i32, i32
  }
  func.func @transform_2(%arg0: i32) -> (i32, i32) {
    %c0_i32 = arith.constant 0 : i32
    %c0_i32_0 = arith.constant 0 : i32
    %c0_i32_1 = arith.constant 0 : i32
    return %c0_i32, %c0_i32_0 : i32, i32
  }
  func.func @transform_3(%arg0: i32) -> (i32, i32) {
    %c0_i32 = arith.constant 0 : i32
    %c0_i32_0 = arith.constant 0 : i32
    %c0_i32_1 = arith.constant 0 : i32
    return %c0_i32, %c0_i32_0 : i32, i32
  }
  func.func @transform_4(%arg0: i32) -> (i32, i32) {
    %c0_i32 = arith.constant 0 : i32
    %c0_i32_0 = arith.constant 0 : i32
    return %arg0, %c0_i32 : i32, i32
  }
  func.func @transform_5(%arg0: i32) -> (i32, i32) {
    %c0_i32 = arith.constant 0 : i32
    %c0_i32_0 = arith.constant 0 : i32
    %c0_i32_1 = arith.constant 0 : i32
    return %c0_i32, %c0_i32_0 : i32, i32
  }
  func.func @transform_6(%arg0: i32) -> (i32, i32) {
    %c0_i32 = arith.constant 0 : i32
    %c0_i32_0 = arith.constant 0 : i32
    return %arg0, %c0_i32 : i32, i32
  }
  func.func @transform_7(%arg0: i32) -> (i32, i32) {
    %c0_i32 = arith.constant 0 : i32
    %c0_i32_0 = arith.constant 0 : i32
    return %arg0, %c0_i32 : i32, i32
  }
}

module attributes {stable_mosaic.version = 14 : i64} {
  func.func @_gcn_mid_body(%arg0: i32, %arg1: memref<2x2000x128xf32, #tpu.memory_space<vmem>>, %arg2: memref<2000x128xf32, #tpu.memory_space<vmem>>, %arg3: memref<2000x128xf32, #tpu.memory_space<vmem>>, %arg4: memref<1x128xf32, #tpu.memory_space<vmem>>, %arg5: memref<128x128xf32, #tpu.memory_space<vmem>>, %arg6: memref<2000x128xf32, #tpu.memory_space<vmem>>) attributes {dimension_semantics = [#tpu.dimension_semantics<arbitrary>], iteration_bounds = array<i64: 5>, scalar_prefetch = 0 : i64, scratch_operands = 0 : i64, tpu.core_type = #tpu.core_type<tc>, window_params = [{transform_indices = @transform_0, window_bounds = array<i64: 2, 2000, 128>}, {transform_indices = @transform_1, window_bounds = array<i64: 2000, 128>}, {transform_indices = @transform_2, window_bounds = array<i64: 2000, 128>}, {pipeline_mode = #tpu.pipeline_mode<synchronous>, transform_indices = @transform_3, window_bounds = array<i64: 1, 128>}, {pipeline_mode = #tpu.pipeline_mode<synchronous>, transform_indices = @transform_4, window_bounds = array<i64: 128, 128>}, {transform_indices = @transform_5, window_bounds = array<i64: 2000, 128>}]} {
    %get3A = arith.constant 0 : index
    %get3A_0 = arith.constant 0 : index
    %get3A_1 = arith.constant 0 : index
    %get3A_2 = vector.load %arg1[%get3A, %get3A_0, %get3A_1] : memref<2x2000x128xf32, #tpu.memory_space<vmem>>, vector<1x2000x128xf32>
    %get3A_3 = vector.shape_cast %get3A_2 : vector<1x2000x128xf32> to vector<2000x128xf32>
    %get3A_4 = arith.constant 1 : index
    %get3A_5 = arith.constant 0 : index
    %get3A_6 = arith.constant 0 : index
    %get3A_7 = vector.load %arg1[%get3A_4, %get3A_5, %get3A_6] : memref<2x2000x128xf32, #tpu.memory_space<vmem>>, vector<1x2000x128xf32>
    %get3A_8 = vector.shape_cast %get3A_7 : vector<1x2000x128xf32> to vector<2000x128xf32>
    %add3A = arith.addf %get3A_3, %get3A_8 : vector<2000x128xf32>
    %get3A_9 = arith.constant 0 : index
    %get3A_10 = arith.constant 0 : index
    %get3A_11 = vector.load %arg2[%get3A_9, %get3A_10] : memref<2000x128xf32, #tpu.memory_space<vmem>>, vector<2000x128xf32>
    %add3A_12 = arith.addf %add3A, %get3A_11 : vector<2000x128xf32>
    %get3A_13 = arith.constant 0 : index
    %get3A_14 = arith.constant 0 : index
    %get3A_15 = vector.load %arg3[%get3A_13, %get3A_14] : memref<2000x128xf32, #tpu.memory_space<vmem>>, vector<2000x128xf32>
    %mul3A = arith.mulf %get3A_15, %add3A_12 : vector<2000x128xf32>
    %get3A_16 = arith.constant 0 : index
    %get3A_17 = arith.constant 0 : index
    %get3A_18 = vector.load %arg4[%get3A_16, %get3A_17] : memref<1x128xf32, #tpu.memory_space<vmem>>, vector<1x128xf32>
    %add3A_19 = vector.broadcast %get3A_18 : vector<1x128xf32> to vector<2000x128xf32>
    %add3A_20 = arith.addf %mul3A, %add3A_19 : vector<2000x128xf32>
    %max3A = arith.constant 0.000000e+00 : f32
    %max3A_21 = vector.broadcast %max3A : f32 to vector<2000x128xf32>
    %max3A_22 = arith.maximumf %add3A_20, %max3A_21 : vector<2000x128xf32>
    %get3A_23 = arith.constant 0 : index
    %get3A_24 = arith.constant 0 : index
    %get3A_25 = vector.load %arg3[%get3A_23, %get3A_24] : memref<2000x128xf32, #tpu.memory_space<vmem>>, vector<2000x128xf32>
    %get3A_26 = arith.constant 0 : index
    %get3A_27 = arith.constant 0 : index
    %get3A_28 = vector.load %arg5[%get3A_26, %get3A_27] : memref<128x128xf32, #tpu.memory_space<vmem>>, vector<128x128xf32>
    %dot_general3A = arith.constant dense<0.000000e+00> : vector<2000x128xf32>
    %dot_general3A_29 = tpu.matmul %max3A_22, %get3A_28, %dot_general3A {dimension_numbers = #tpu.dot_dimension_numbers<[1], [0], [0], [1], [0, 0, 1, 1], [], []>, transpose_lhs_hint = false} : vector<2000x128xf32>, vector<128x128xf32>, vector<2000x128xf32> -> vector<2000x128xf32>
    %mul3A_30 = arith.mulf %get3A_25, %dot_general3A_29 : vector<2000x128xf32>
    %swap3A = arith.constant 0 : index
    %swap3A_31 = arith.constant 0 : index
    %swap3A_32 = vector.load %arg6[%swap3A, %swap3A_31] : memref<2000x128xf32, #tpu.memory_space<vmem>>, vector<2000x128xf32>
    tpu.vector_store %arg6[%swap3A, %swap3A_31], %mul3A_30 {strides = array<i32>} : memref<2000x128xf32, #tpu.memory_space<vmem>>, vector<2000x128xf32>,
    return
  }
  func.func @transform_0(%arg0: i32) -> (i32, i32, i32) {
    %c0_i32 = arith.constant 0 : i32
    %c0_i32_0 = arith.constant 0 : i32
    %c0_i32_1 = arith.constant 0 : i32
    return %c0_i32, %arg0, %c0_i32_0 : i32, i32, i32
  }
  func.func @transform_1(%arg0: i32) -> (i32, i32) {
    %c0_i32 = arith.constant 0 : i32
    %c0_i32_0 = arith.constant 0 : i32
    return %arg0, %c0_i32 : i32, i32
  }
  func.func @transform_2(%arg0: i32) -> (i32, i32) {
    %c0_i32 = arith.constant 0 : i32
    %c0_i32_0 = arith.constant 0 : i32
    return %arg0, %c0_i32 : i32, i32
  }
  func.func @transform_3(%arg0: i32) -> (i32, i32) {
    %c0_i32 = arith.constant 0 : i32
    %c0_i32_0 = arith.constant 0 : i32
    %c0_i32_1 = arith.constant 0 : i32
    return %c0_i32, %c0_i32_0 : i32, i32
  }
  func.func @transform_4(%arg0: i32) -> (i32, i32) {
    %c0_i32 = arith.constant 0 : i32
    %c0_i32_0 = arith.constant 0 : i32
    %c0_i32_1 = arith.constant 0 : i32
    return %c0_i32, %c0_i32_0 : i32, i32
  }
  func.func @transform_5(%arg0: i32) -> (i32, i32) {
    %c0_i32 = arith.constant 0 : i32
    %c0_i32_0 = arith.constant 0 : i32
    return %arg0, %c0_i32 : i32, i32
  }
}

module attributes {stable_mosaic.version = 14 : i64} {
  func.func @_final_body(%arg0: i32, %arg1: memref<2x2000x128xf32, #tpu.memory_space<vmem>>, %arg2: memref<2000x128xf32, #tpu.memory_space<vmem>>, %arg3: memref<2000x128xf32, #tpu.memory_space<vmem>>, %arg4: memref<1x128xf32, #tpu.memory_space<vmem>>, %arg5: memref<1x128xf32, #tpu.memory_space<vmem>>, %arg6: memref<128x128xf32, #tpu.memory_space<vmem>>, %arg7: memref<128x128xf32, #tpu.memory_space<vmem>>, %arg8: memref<1x128xf32, #tpu.memory_space<vmem>>, %arg9: memref<128x1xf32, #tpu.memory_space<vmem>>, %arg10: memref<1x1xf32, #tpu.memory_space<vmem>>, %arg11: memref<2000x1xf32, #tpu.memory_space<vmem>>) attributes {dimension_semantics = [#tpu.dimension_semantics<arbitrary>], iteration_bounds = array<i64: 5>, scalar_prefetch = 0 : i64, scratch_operands = 0 : i64, tpu.core_type = #tpu.core_type<tc>, window_params = [{transform_indices = @transform_0, window_bounds = array<i64: 2, 2000, 128>}, {transform_indices = @transform_1, window_bounds = array<i64: 2000, 128>}, {transform_indices = @transform_2, window_bounds = array<i64: 2000, 128>}, {pipeline_mode = #tpu.pipeline_mode<synchronous>, transform_indices = @transform_3, window_bounds = array<i64: 1, 128>}, {pipeline_mode = #tpu.pipeline_mode<synchronous>, transform_indices = @transform_4, window_bounds = array<i64: 1, 128>}, {pipeline_mode = #tpu.pipeline_mode<synchronous>, transform_indices = @transform_5, window_bounds = array<i64: 128, 128>}, {pipeline_mode = #tpu.pipeline_mode<synchronous>, transform_indices = @transform_6, window_bounds = array<i64: 128, 128>}, {pipeline_mode = #tpu.pipeline_mode<synchronous>, transform_indices = @transform_7, window_bounds = array<i64: 1, 128>}, {pipeline_mode = #tpu.pipeline_mode<synchronous>, transform_indices = @transform_8, window_bounds = array<i64: 128, 1>}, {pipeline_mode = #tpu.pipeline_mode<synchronous>, transform_indices = @transform_9, window_bounds = array<i64: 1, 1>}, {transform_indices = @transform_10, window_bounds = array<i64: 2000, 1>}]} {
    %get3A = arith.constant 0 : index
    %get3A_0 = arith.constant 0 : index
    %get3A_1 = arith.constant 0 : index
    %get3A_2 = vector.load %arg1[%get3A, %get3A_0, %get3A_1] : memref<2x2000x128xf32, #tpu.memory_space<vmem>>, vector<1x2000x128xf32>
    %get3A_3 = vector.shape_cast %get3A_2 : vector<1x2000x128xf32> to vector<2000x128xf32>
    %get3A_4 = arith.constant 1 : index
    %get3A_5 = arith.constant 0 : index
    %get3A_6 = arith.constant 0 : index
    %get3A_7 = vector.load %arg1[%get3A_4, %get3A_5, %get3A_6] : memref<2x2000x128xf32, #tpu.memory_space<vmem>>, vector<1x2000x128xf32>
    %get3A_8 = vector.shape_cast %get3A_7 : vector<1x2000x128xf32> to vector<2000x128xf32>
    %add3A = arith.addf %get3A_3, %get3A_8 : vector<2000x128xf32>
    %get3A_9 = arith.constant 0 : index
    %get3A_10 = arith.constant 0 : index
    %get3A_11 = vector.load %arg2[%get3A_9, %get3A_10] : memref<2000x128xf32, #tpu.memory_space<vmem>>, vector<2000x128xf32>
    %add3A_12 = arith.addf %add3A, %get3A_11 : vector<2000x128xf32>
    %get3A_13 = arith.constant 0 : index
    %get3A_14 = arith.constant 0 : index
    %get3A_15 = vector.load %arg3[%get3A_13, %get3A_14] : memref<2000x128xf32, #tpu.memory_space<vmem>>, vector<2000x128xf32>
    %mul3A = arith.mulf %get3A_15, %add3A_12 : vector<2000x128xf32>
    %get3A_16 = arith.constant 0 : index
    %get3A_17 = arith.constant 0 : index
    %get3A_18 = vector.load %arg4[%get3A_16, %get3A_17] : memref<1x128xf32, #tpu.memory_space<vmem>>, vector<1x128xf32>
    %add3A_19 = vector.broadcast %get3A_18 : vector<1x128xf32> to vector<2000x128xf32>
    %add3A_20 = arith.addf %mul3A, %add3A_19 : vector<2000x128xf32>
    %max3A = arith.constant 0.000000e+00 : f32
    %max3A_21 = vector.broadcast %max3A : f32 to vector<2000x128xf32>
    %max3A_22 = arith.maximumf %add3A_20, %max3A_21 : vector<2000x128xf32>
    %get3A_23 = arith.constant 0 : index
    %get3A_24 = arith.constant 0 : index
    %get3A_25 = vector.load %arg5[%get3A_23, %get3A_24] : memref<1x128xf32, #tpu.memory_space<vmem>>, vector<1x128xf32>
    %get3A_26 = arith.constant 0 : index
    %get3A_27 = arith.constant 0 : index
    %get3A_28 = vector.load %arg7[%get3A_26, %get3A_27] : memref<128x128xf32, #tpu.memory_space<vmem>>, vector<128x128xf32>
    %dot_general3A = arith.constant dense<0.000000e+00> : vector<1x128xf32>
    %dot_general3A_29 = tpu.matmul %get3A_25, %get3A_28, %dot_general3A {dimension_numbers = #tpu.dot_dimension_numbers<[1], [0], [0], [1], [0, 0, 1, 1], [], []>, transpose_lhs_hint = false} : vector<1x128xf32>, vector<128x128xf32>, vector<1x128xf32> -> vector<1x128xf32>
    %get3A_30 = arith.constant 0 : index
    %get3A_31 = arith.constant 0 : index
    %get3A_32 = vector.load %arg8[%get3A_30, %get3A_31] : memref<1x128xf32, #tpu.memory_space<vmem>>, vector<1x128xf32>
    %add3A_33 = arith.addf %dot_general3A_29, %get3A_32 : vector<1x128xf32>
    %get3A_34 = arith.constant 0 : index
    %get3A_35 = arith.constant 0 : index
    %get3A_36 = vector.load %arg6[%get3A_34, %get3A_35] : memref<128x128xf32, #tpu.memory_space<vmem>>, vector<128x128xf32>
    %dot_general3A_37 = arith.constant dense<0.000000e+00> : vector<2000x128xf32>
    %dot_general3A_38 = tpu.matmul %max3A_22, %get3A_36, %dot_general3A_37 {dimension_numbers = #tpu.dot_dimension_numbers<[1], [0], [0], [1], [0, 0, 1, 1], [], []>, transpose_lhs_hint = false} : vector<2000x128xf32>, vector<128x128xf32>, vector<2000x128xf32> -> vector<2000x128xf32>
    %add3A_39 = vector.broadcast %add3A_33 : vector<1x128xf32> to vector<2000x128xf32>
    %add3A_40 = arith.addf %dot_general3A_38, %add3A_39 : vector<2000x128xf32>
    %max3A_41 = arith.constant 0.000000e+00 : f32
    %max3A_42 = vector.broadcast %max3A_41 : f32 to vector<2000x128xf32>
    %max3A_43 = arith.maximumf %add3A_40, %max3A_42 : vector<2000x128xf32>
    %get3A_44 = arith.constant 0 : index
    %get3A_45 = arith.constant 0 : index
    %get3A_46 = vector.load %arg9[%get3A_44, %get3A_45] : memref<128x1xf32, #tpu.memory_space<vmem>>, vector<128x1xf32>
    %dot_general3A_47 = arith.constant dense<0.000000e+00> : vector<2000x1xf32>
    %dot_general3A_48 = tpu.matmul %max3A_43, %get3A_46, %dot_general3A_47 {dimension_numbers = #tpu.dot_dimension_numbers<[1], [0], [0], [1], [0, 0, 1, 1], [], []>, transpose_lhs_hint = false} : vector<2000x128xf32>, vector<128x1xf32>, vector<2000x1xf32> -> vector<2000x1xf32>
    %get3A_49 = arith.constant 0 : index
    %get3A_50 = arith.constant 0 : index
    %get3A_51 = vector.load %arg10[%get3A_49, %get3A_50] : memref<1x1xf32, #tpu.memory_space<vmem>>, vector<1x1xf32>
    %add3A_52 = vector.broadcast %get3A_51 : vector<1x1xf32> to vector<2000x1xf32>
    %add3A_53 = arith.addf %dot_general3A_48, %add3A_52 : vector<2000x1xf32>
    %swap3A = arith.constant 0 : index
    %swap3A_54 = arith.constant 0 : index
    %swap3A_55 = vector.load %arg11[%swap3A, %swap3A_54] : memref<2000x1xf32, #tpu.memory_space<vmem>>, vector<2000x1xf32>
    tpu.vector_store %arg11[%swap3A, %swap3A_54], %add3A_53 {strides = array<i32>} : memref<2000x1xf32, #tpu.memory_space<vmem>>, vector<2000x1xf32>,
    return
  }
  func.func @transform_0(%arg0: i32) -> (i32, i32, i32) {
    %c0_i32 = arith.constant 0 : i32
    %c0_i32_0 = arith.constant 0 : i32
    %c0_i32_1 = arith.constant 0 : i32
    return %c0_i32, %arg0, %c0_i32_0 : i32, i32, i32
  }
  func.func @transform_1(%arg0: i32) -> (i32, i32) {
    %c0_i32 = arith.constant 0 : i32
    %c0_i32_0 = arith.constant 0 : i32
    return %arg0, %c0_i32 : i32, i32
  }
  func.func @transform_2(%arg0: i32) -> (i32, i32) {
    %c0_i32 = arith.constant 0 : i32
    %c0_i32_0 = arith.constant 0 : i32
    return %arg0, %c0_i32 : i32, i32
  }
  func.func @transform_3(%arg0: i32) -> (i32, i32) {
    %c0_i32 = arith.constant 0 : i32
    %c0_i32_0 = arith.constant 0 : i32
    %c0_i32_1 = arith.constant 0 : i32
    return %c0_i32, %c0_i32_0 : i32, i32
  }
  func.func @transform_4(%arg0: i32) -> (i32, i32) {
    %c0_i32 = arith.constant 0 : i32
    %c0_i32_0 = arith.constant 0 : i32
    %c0_i32_1 = arith.constant 0 : i32
    return %c0_i32, %c0_i32_0 : i32, i32
  }
  func.func @transform_5(%arg0: i32) -> (i32, i32) {
    %c0_i32 = arith.constant 0 : i32
    %c0_i32_0 = arith.constant 0 : i32
    %c0_i32_1 = arith.constant 0 : i32
    return %c0_i32, %c0_i32_0 : i32, i32
  }
  func.func @transform_6(%arg0: i32) -> (i32, i32) {
    %c0_i32 = arith.constant 0 : i32
    %c0_i32_0 = arith.constant 0 : i32
    %c0_i32_1 = arith.constant 0 : i32
    return %c0_i32, %c0_i32_0 : i32, i32
  }
  func.func @transform_7(%arg0: i32) -> (i32, i32) {
    %c0_i32 = arith.constant 0 : i32
    %c0_i32_0 = arith.constant 0 : i32
    %c0_i32_1 = arith.constant 0 : i32
    return %c0_i32, %c0_i32_0 : i32, i32
  }
  func.func @transform_8(%arg0: i32) -> (i32, i32) {
    %c0_i32 = arith.constant 0 : i32
    %c0_i32_0 = arith.constant 0 : i32
    %c0_i32_1 = arith.constant 0 : i32
    return %c0_i32, %c0_i32_0 : i32, i32
  }
  func.func @transform_9(%arg0: i32) -> (i32, i32) {
    %c0_i32 = arith.constant 0 : i32
    %c0_i32_0 = arith.constant 0 : i32
    %c0_i32_1 = arith.constant 0 : i32
    return %c0_i32, %c0_i32_0 : i32, i32
  }
  func.func @transform_10(%arg0: i32) -> (i32, i32) {
    %c0_i32 = arith.constant 0 : i32
    %c0_i32_0 = arith.constant 0 : i32
    return %arg0, %c0_i32 : i32, i32
  }
}

</mosaic_0001>

<sc_bundles>
// kernel: kernel.15.cloned.1.call-start
scs
__scs_entry_jumppad:
0x0: {  	(pc) =	sbr.rel $0x88, $3  }
0x1: {  	(tag) =	ssettag $0x0;
	lr =	simm.s32 $0x1  }
0x2: {  	[smem:$0x3F89] =	sst lr;
	_ =	strace $0xD0000000  }
0x3: {  	_ = 	snop  }
0x4: {  	_ = 	snop  }
0x5: {  	_ = 	snop  }
0x6: {  	_ = 	snop  }
0x7: {  	_ = 	snop  }
__scs_overlays_trampoline_lowered:
0x8: {  	[smem:$0x3F98] =	sst s0  }
0x9: {  	[smem:$0x3F99] =	sst s1  }
0xa: {  	[smem:$0x3F9A] =	sst s2  }
0xb: {  	[smem:$0x3F9B] =	sst s3  }
0xc: {  	[smem:$0x3F9C] =	sst s4  }
0xd: {  	[smem:$0x3F9D] =	sst s5  }
0xe: {  	[smem:$0x3F9E] =	sst s6  }
0xf: {  	[smem:$0x3F9F] =	sst s7  }
0x10: {  	[smem:$0x3FA0] =	sst s8  }
0x11: {  	[smem:$0x3FA1] =	sst s9;
	s0 =	simm.s32 @!p0 $0x0  }
0x12: {  	s1 =	sld [smem:$0x3F87];
	s0 =	simm.s32 @p0 $0x1  }
0x13: {  	[smem:$0x3FA2] =	sst s0;
	s0 =	simm.s32 @!p1 $0x0  }
0x14: {  	s2 =	sld [smem:$0x3F86];
	s0 =	simm.s32 @p1 $0x1  }
0x15: {  	[smem:$0x3FA3] =	sst s0;
	s0 =	simm.s32 @!p2 $0x0  }
0x16: {  	s3 =	sld [smem:$0x3FDB];
	s0 =	simm.s32 @p2 $0x1  }
0x17: {  	s4 =	simm.s32 $0x1BF5;
	[smem:$0x3FA5] =	sst s0  }
0x18: {  	s0 =	sld [smem:$0x3F88];
	_ =	swait.ge [sflag:s4], $0x0  }
0x19: {  	s7 =	sld [smem:$0x3F89]  }
0x1a: {  	s8 =	sadd.s32 $0xFFFFE003, lr  }
0x1b: {  	s9 =	sadd.s32 $0xFFFFFEF7, lr;
	s5 =	simm.s32 $0xFFFFFFFF;
	p2 =	slt.u32 s8, $0xFFFFF086  }
0x1c: {  	p1 =	slt.u32 s9, $0xF7A;
	s5 =	simm.s32 @!p2 $0x0  }
0x1d: {  	s5 =	simm.s32 @p1 $0x1;
	p0 =	seq.s32 s7, s2  }
0x1e: {  	s7 =	smul.u32 @!p0 $0xF7A, s2;
	p2 =	seq.s32 @!p0 s5, $0x0  }
0x1f: {  	s9 =	smul.u32 $0xF7A, s1;
	s8 =	simm.s32 @!p0 $0x1BF5;
	p2 =	por !p2, p0  }
0x20: {  	[sflag:s8] =	ssyncset.s32 @!p0 $0xFFFFF086;
	s6 =	sadd.s32 @!p0 s3, s7;
	s7 =	simm.s32 @!p0 $0x108  }
0x21: {  	s3 =	sadd.s32 s3, s9;
	s6 =	sadd.s32 @!p0 $0x88, s6;
	s7 =	simm.s32 @p2 $0x1082  }
0x22: {  	[simem:s7], [sflag:s8] =	dma.local @!p0 [hbm:s6], $0xF7A  }
0x23: {  	s9 =	sor.u32 $0xD0000000, s2;
	s6 =	simm.s32 $0x108;
	_ =	swait.ge @!p0 [sflag:s8], $0x0  }
0x24: {  	s3 =	sadd.s32 $0x88, s3;
	s6 =	simm.s32 @!p1 $0x1082;
	[sflag:s4] =	ssyncset.s32 $0xFFFFF086  }
0x25: {  	[simem:s6], [sflag:s4] =	dma.local [hbm:s3], $0xF7A  }
0x26: {  	[smem:$0x3F89] =	sst s1;
	(tag) =	ssettag s2;
	_ =	strace s9  }
0x27: {  	s1 =	sld [smem:$0x3F99]  }
0x28: {  	s2 =	sld [smem:$0x3F9A]  }
0x29: {  	s4 =	sld [smem:$0x3F9C]  }
0x2a: {  	p0 =	seq.s32 s5, $0x0;
	s5 =	sld [smem:$0x3F9D]  }
0x2b: {  	s6 =	sld [smem:$0x3F9E]  }
0x2c: {  	s7 =	sld [smem:$0x3F9F]  }
0x2d: {  	s3 =	simm.s32 $0x108;
	s8 =	sld [smem:$0x3FA0]  }
0x2e: {  	s3 =	simm.s32 @!p0 $0x1082;
	s9 =	sld [smem:$0x3FA1]  }
0x2f: {  	lr =	sadd.s32 s0, s3;
	s0 =	sld [smem:$0x3F98]  }
0x30: {  	s3 =	sld [smem:$0x3F9B]  }
0x31: {  	[smem:$0x3FA4] =	sst s10  }
0x32: {  	s10 =	sld [smem:$0x3FA2];
	_ =	sdelay $0x3  }
0x33: {  	p0 =	seq.s32 s10, $0x1;
	s10 =	sld [smem:$0x3FA4];
	_ =	sdelay $0x3  }
0x34: {  	[smem:$0x3FA4] =	sst s10  }
0x35: {  	s10 =	sld [smem:$0x3FA3];
	_ =	sdelay $0x3  }
0x36: {  	p1 =	seq.s32 s10, $0x1;
	s10 =	sld [smem:$0x3FA4];
	_ =	sdelay $0x3  }
0x37: {  	[smem:$0x3FA4] =	sst s10  }
0x38: {  	s10 =	sld [smem:$0x3FA5]  }
0x39: {  	_ = 	snop;
	(pc) =	sbr.ind lr, $3  }
0x3a: {  	_ = 	snop  }
0x3b: {  	_ = 	snop  }
0x3c: {  	p2 =	seq.s32 s10, $0x1;
	s10 =	sld [smem:$0x3FA4]  }
0x3d: {  	_ =	shalt  }
0x3e: {  	_ =	shalt  }
0x3f: {  	_ =	shalt  }
0x40: {  	_ =	shalt  }
0x41: {  	_ =	shalt  }
0x42: {  	_ =	shalt  }
0x43: {  	_ =	shalt  }
0x44: {  	_ =	shalt  }
0x45: {  	_ =	shalt  }
0x46: {  	_ =	shalt  }
0x47: {  	_ =	shalt  }
0x48: {  	_ =	shalt  }
0x49: {  	_ =	shalt  }
0x4a: {  	_ =	shalt  }
0x4b: {  	_ =	shalt  }
0x4c: {  	_ =	shalt  }
0x4d: {  	_ =	shalt  }
0x4e: {  	_ =	shalt  }
0x4f: {  	_ =	shalt  }
0x50: {  	_ =	shalt  }
0x51: {  	_ =	shalt  }
0x52: {  	_ =	shalt  }
0x53: {  	_ =	shalt  }
0x54: {  	_ =	shalt  }
0x55: {  	_ =	shalt  }
0x56: {  	_ =	shalt  }
0x57: {  	_ =	shalt  }
0x58: {  	_ =	shalt  }
0x59: {  	_ =	shalt  }
0x5a: {  	_ =	shalt  }
0x5b: {  	_ =	shalt  }
0x5c: {  	_ =	shalt  }
0x5d: {  	_ =	shalt  }
0x5e: {  	_ =	shalt  }
0x5f: {  	_ =	shalt  }
0x60: {  	_ =	shalt  }
0x61: {  	_ =	shalt  }
0x62: {  	_ =	shalt  }
0x63: {  	_ =	shalt  }
0x64: {  	_ =	shalt  }
0x65: {  	_ =	shalt  }
0x66: {  	_ =	shalt  }
0x67: {  	_ =	shalt  }
0x68: {  	_ =	shalt  }
0x69: {  	_ =	shalt  }
0x6a: {  	_ =	shalt  }
0x6b: {  	_ =	shalt  }
0x6c: {  	_ =	shalt  }
0x6d: {  	_ =	shalt  }
0x6e: {  	_ =	shalt  }
0x6f: {  	_ =	shalt  }
0x70: {  	_ =	shalt  }
0x71: {  	_ =	shalt  }
0x72: {  	_ =	shalt  }
0x73: {  	_ =	shalt  }
0x74: {  	_ =	shalt  }
0x75: {  	_ =	shalt  }
0x76: {  	_ =	shalt  }
0x77: {  	_ =	shalt  }
0x78: {  	_ =	shalt  }
0x79: {  	_ =	shalt  }
0x7a: {  	_ =	shalt  }
0x7b: {  	_ =	shalt  }
0x7c: {  	_ =	shalt  }
0x7d: {  	_ =	shalt  }
0x7e: {  	_ =	shalt  }
0x7f: {  	_ =	shalt  }
0x80: {  	_ =	shalt  }
0x81: {  	_ =	shalt  }
0x82: {  	_ =	shalt  }
0x83: {  	_ =	shalt  }
0x84: {  	_ =	shalt  }
0x85: {  	_ =	shalt  }
0x86: {  	_ =	shalt  }
0x87: {  	_ =	shalt  }
.Lfunc_end0:
.L_simem_size_0:
called_computation.1_lowered:
.L_overlay_start_0:
0x88: {  	s2 =	sld [smem:$0x3FD9]  }
0x89: {  	s3 =	sld [smem:$0x3FFE];
	_ =	sdelay $0x1  }
0x8a: {  	s1 =	srdreg.scid  }
0x8b: {  	s0 =	sand.u32 $0x1, s1  }
0x8c: {  	s16 =	sshll.u32 s0, $0xA;
	s2 =	sadd.s32 s3, s2  }
0x8d: {  	s2 =	sadd.s32 s2, s16  }
0x8e: {  	[smem:$0x3FB0] =	sst s2  }
0x8f: {  	_ = 	snop  }
0x90: {  	(tm) =	ssettm $0x1  }
0x91: {  	s17 =	sld [smem:$0x3FFB];
	_ =	sdelay $0x3  }
0x92: {  	_ =	strace s17  }
0x93: {  	s2 =	sld [smem:$0x3FFC];
	_ =	sdelay $0x3  }
0x94: {  	_ =	strace s2  }
0x95: {  	s2 =	sld [smem:$0x3FFD];
	_ =	sdelay $0x3  }
0x96: {  	_ =	strace s2  }
0x97: {  	_ =	strace $0x8FFFFFFF  }
0x98: {  	s18 =	sld [smem:$0x3FDB];
	_ =	sdelay $0x1  }
0x99: {  	s19 =	simm.s32 $_scs_section_size  }
0x9a: {  	s4 =	simm.s32 $_size__tile_overlayer_lowered;
	s5 =	simm.s32 $_tile_overlayer_lowered  }
0x9b: {  	s22 =	simm.s32 $0x1BFF;
	s21 =	sshll.u32 s5, $0x1;
	s2 =	sadd.s32 s19, s18  }
0x9c: {  	s6 =	simm.s32 $0x0;
	s20 =	sshll.u32 s4, $0x1;
	s4 =	sadd.s32 s21, s2  }
0x9d: {  	[timem:s6], [sflag:s22] =	dma.local [hbm:s4], s20  }
0x9e: {  	_ =	swait.ge [sflag:s22], s20  }
0x9f: {  	s3 =	ssub.s32 $0x0, s20;
	[sflag:s22] =	ssyncset.done $0x0  }
0xa0: {  	[sflag:s22] =	ssyncadd.s32 s3;
	_ =	sdelay $0x1  }
0xa1: {  	s23 =	simm.s32 $0x1B8B  }
0xa2: {  	_ =	swait.ge [sflag:s23], $0x1  }
0xa3: {  	[sflag:s23] =	ssyncset.done $0x0  }
0xa4: {  	s25 =	simm.s32 $0x1B8E;
	s24 =	sld [smem:$0x3FFE];
	[sflag:s23] =	ssyncadd.s32 $0xFFFFFFFF  }
0xa5: {  	s26 =	simm.s32 $execute0_lowered;
	[smem:$0x3FD2] =	sst s25  }
0xa6: {  	s4 =	sshll.u32 s26, $0x1;
	_ =	strace $0x80000046;
	[dreg:$0x1] =	wrdreg $0xFFFFFFFF  }
0xa7: {  	s28 =	simm.s32 $_size_execute0_lowered;
	s2 =	sadd.s32 s2, s4;
	[dreg:$0x0] =	wrdreg $0x0  }
0xa8: {  	s4 =	sshll.u32 s28, $0x1;
	[dreg:$0x2] =	wrdreg s2  }
0xa9: {  	[dreg:$0x3] =	wrdreg s4  }
0xaa: {  	[dreg:$0x4] =	wrdreg $0xC0  }
0xab: {  	_ =	task [dreg:s6], $0x5FFFF  }
0xac: {  	[dreg:$0x1] =	wrdreg $0xFFFFFFFF  }
0xad: {  	[dreg:$0x0] =	wrdreg $0x60  }
0xae: {  	[dreg:$0x2] =	wrdreg s24  }
0xaf: {  	[dreg:$0x3] =	wrdreg $0x9  }
0xb0: {  	_ =	task.clear_ibuf [dreg:s6], $0x4FFFF;
	_ =	strace $0x90000046  }
0xb1: {  	s29 =	simm.s32 $0x9;
	_ =	strace $0x80000048  }
0xb2: {  	_ =	swait.ge [sflag:s29], $0x1  }
0xb3: {  	[sflag:s29] =	ssyncadd.s32 $0xFFFFFFFF  }
0xb4: {  	_ =	strace $0x90000048  }
0xb5: {  	_ =	sfence  }
0xb6: {  	s30 =	sld [smem:$0x0];
	_ =	sdelay $0x2  }
0xb7: {  	s31 =	sshll.u32 s1, $0xD;
	s1 =	sshrl.u32 s1, $0x2  }
0xb8: {  	s3 =	sand.u32 $0x4000, s31;
	s1 =	sadd.s32 s1, s30  }
0xb9: {  	s0 =	sor.u32 s3, s0;
	s1 =	sshll.u32 s1, $0x11  }
0xba: {  	s0 =	sor.u32 s1, s0  }
0xbb: {  	s0 =	sadd.s32 $0x8F2B, s0  }
0xbc: {  	[sflag:s0] =	ssyncadd.remote.s32 $0x1  }
0xbd: {  	_ =	sfence.sel $0xFFFF  }
0xbe: {  	[dreg:$0x0] =	wrdreg $0xFFFFFFFF;
	(pc) =	sbr.abs _section_cstart, $3  }
0xbf: {  	[dreg:$0x1] =	wrdreg $0xFFFFFFFF  }
0xc0: {  	_ =	task.clear_ibuf [dreg:s6], $0x2FFFF;
	_ =	strace $0x9FFFFFFF  }
0xc1: {  	(tm) =	ssettm $0x7FFFFFFF  }
tec
execute0_lowered:
.L_overlay_start_1:
0x0: {  	(tag) =	ssettag $0x1  }
0x1: {  	s0 =	rddreg [dreg:$0x0]  }
0x2: {  	s1 =	simm.s32 $0x0;
	s2 =	srdreg.scid;
	s11 =	stileid.u32  }
0x3: {  	s16 =	simm.s32 $0x9;
	s17 =	simm.s32 $0x4000;
	s18 =	simm.s32 $0x50  }
0x4: {  	s28 =	simm.s32 $0x2;
	s29 =	simm.s32 $0x4;
	s30 =	simm.s32 $0x5  }
0x5: {  	s31 =	simm.s32 $0x7;
	[smem:$0x7FF] =	sst s1;
	s2 =	sand.u32 $0x1, s2  }
0x6: {  	s3 =	sadd.s32 $0x32800, s0;
	s6 =	sshll.u32 s11, $0xB;
	s13 =	sadd.s32 $0x80C00, s0  }
0x7: {  	s25 =	smul.u32 $0x27100, s11;
	_ =	strace $0x80000047;
	s4 =	sshll.u32 s2, $0x4  }
0x8: {  	s5 =	sshll.u32 s2, $0xF;
	s8 =	ssub.s32 $0x2, s2;
	s2 =	smul.u32 $0x271000, s2  }
0x9: {  	s7 =	sor.u32 s11, s4;
	s4 =	sadd.s32 $0x59A00, s0;
	s5 =	sor.u32 s6, s5  }
0xa: {  	s9 =	sshrl.u32 s8, $0x1;
	s19 =	smul.u32 $0x138800, s7;
	s5 =	sadd.s32 s5, s0  }
0xb: {  	s0 =	sadd.s32 $0x562C00, s0;
	s9 =	ssub.s32 s8, s9;
	s22 =	smul.u32 $0x27100, s7  }
0xc: {  	s26 =	sadd.s32 s2, s13;
	s20 =	sadd.s32 $0x12800, s5;
	s5 =	sadd.s32 $0x22800, s5  }
0xd: {  	s23 =	smax.u32 s9, $0x1;
	s14 =	sadd.s32 s25, s26;
	[dreg:$0x2] =	wrdreg s20  }
0xe: {  	s26 =	simm.s32 $0xF800;
	s6 =	sshrl.u32 s19, $0x3;
	[dreg:$0x3] =	wrdreg s5  }
0xf: {  	[dreg:$0x6] =	wrdreg s23;
	s10 =	sadd.s32 s13, s22;
	s24 =	sadd.s32 $0x500, s22  }
0x10: {  	s11 =	sadd.s32 s0, s22;
	s19 =	simm.s32 $0x8000;
	s20 =	simm.s32 $0xD000  }
0x11: {  	s22 =	simm.s32 $0x3;
	s23 =	simm.s32 $0x6;
	s6 =	sadd.s32 $0x26C00, s6  }
0x12: {  	s12 =	sadd.s32 s13, s24;
	s21 =	sadd.s32 s13, s6;
	s6 =	sadd.s32 s0, s6  }
0x13: {  	s13 =	sadd.s32 s0, s24;
	s0 =	sadd.s32 s2, s0;
	[dreg:$0x4] =	wrdreg s21  }
0x14: {  	s24 =	simm.s32 $0xA800;
	[dreg:$0x5] =	wrdreg s6;
	s15 =	sadd.s32 s25, s0  }
0x15: {  	s21 =	simm.s32 $0x1;
	s25 =	simm.s32 $0x8;
	s0 =	simm.s32 $0x0  }
.LBB2_1:
0x16: {  	s2 =	rddreg [dreg:$0x2]  }
0x17: {  	[tilespmem:s1], [sflag:$0x9] =	stream.linear.gather [hbm4b:s2+s1], $0x3E80, $0x38;
	[tilespmem:$0x12000] =	vst v63  }
0x18: {  	_ =	swait.ge [sflag:s16], $0x3E80  }
0x19: {  	[sflag:s16] =	ssyncset.done $0x0  }
0x1a: {  	s6 =	rddreg [dreg:$0x3];
	[sflag:s16] =	ssyncadd.s32 $0xFFFFC180  }
0x1b: {  	[tilespmem:s17], [sflag:$0x9] =	stream.linear.gather [hbm4b:s6+s1], $0x3E80, $0x38;
	[tilespmem:$0x12000] =	vst v63  }
0x1c: {  	_ =	swait.ge [sflag:s16], $0x3E80  }
0x1d: {  	[sflag:s16] =	ssyncset.done $0x0  }
0x1e: {  	[sflag:s16] =	ssyncadd.s32 $0xFFFFC180  }
0x1f: {  	[tilespmem:s19], [sflag:$0x1] =	stream.indirect.gather [hbm4b:s3+s18], $0x80, s1, s18, $0xb8;
	[tilespmem:$0x12000] =	vst v63  }
0x20: {  	_ = 	snop  }
0x21: {  	[tilespmem:s20], [sflag:$0x3] =	stream.indirect.gather [hbm4b:s4+s18], $0x80, s17, s18, $0xb8;
	[tilespmem:$0x12000] =	vst v63  }
0x22: {  	_ =	swait.ge [sflag:s21], $0x2800  }
0x23: {  	[sflag:s21] =	ssyncset.done $0x0  }
0x24: {  	[sflag:s21] =	ssyncadd.s32 $0xFFFFD800  }
0x25: {  	_ =	swait.ge [sflag:s22], $0x2800  }
0x26: {  	[sflag:s22] =	ssyncset.done $0x0  }
0x27: {  	s7 =	simm.s32 $0x80;
	[sflag:s22] =	ssyncadd.s32 $0xFFFFD800  }
0x28: {  	[tilespmem:s24], [sflag:$0x2] =	stream.indirect.gather [hbm4b:s3+s18], $0x80, s7, s18, $0xb8;
	[tilespmem:$0x12000] =	vst v63  }
0x29: {  	s8 =	simm.s32 $0x4080  }
0x2a: {  	[tilespmem:s26], [sflag:$0x4] =	stream.indirect.gather [hbm4b:s4+s18], $0x80, s8, s18, $0xb8;
	[tilespmem:$0x12000] =	vst v63  }
0x2b: {  	_ = 	snop  }
0x2c: {  	[hbm4b:s10+s1] =	stream.linear.scatter [tilespmem:s19], [sflag:$0x5], $0x2800, $0x38;
	[tilespmem:$0x12000] =	vst v63  }
0x2d: {  	_ = 	snop  }
0x2e: {  	[hbm4b:s11+s1] =	stream.linear.scatter [tilespmem:s20], [sflag:$0x7], $0x2800, $0x38;
	[tilespmem:$0x12000] =	vst v63  }
0x2f: {  	_ =	swait.ge [sflag:s28], $0x2800  }
0x30: {  	[sflag:s28] =	ssyncset.done $0x0  }
0x31: {  	[sflag:s28] =	ssyncadd.s32 $0xFFFFD800  }
0x32: {  	_ =	swait.ge [sflag:s29], $0x2800  }
0x33: {  	[sflag:s29] =	ssyncset.done $0x0  }
0x34: {  	[sflag:s29] =	ssyncadd.s32 $0xFFFFD800  }
0x35: {  	_ =	swait.ge [sflag:s30], $0x2800  }
0x36: {  	[sflag:s30] =	ssyncset.done $0x0  }
0x37: {  	[sflag:s30] =	ssyncadd.s32 $0xFFFFD800  }
0x38: {  	_ =	swait.ge [sflag:s31], $0x2800  }
0x39: {  	[sflag:s31] =	ssyncset.done $0x0  }
0x3a: {  	s9 =	simm.s32 $0x100;
	[sflag:s31] =	ssyncadd.s32 $0xFFFFD800  }
0x3b: {  	[tilespmem:s19], [sflag:$0x1] =	stream.indirect.gather [hbm4b:s3+s18], $0x80, s9, s18, $0xb8;
	[tilespmem:$0x12000] =	vst v63  }
0x3c: {  	s5 =	simm.s32 $0x4100  }
0x3d: {  	[tilespmem:s20], [sflag:$0x3] =	stream.indirect.gather [hbm4b:s4+s18], $0x80, s5, s18, $0xb8;
	[tilespmem:$0x12000] =	vst v63  }
0x3e: {  	_ = 	snop  }
0x3f: {  	[hbm4b:s12+s1] =	stream.linear.scatter [tilespmem:s24], [sflag:$0x6], $0x2800, $0x38;
	[tilespmem:$0x12000] =	vst v63  }
0x40: {  	_ = 	snop  }
0x41: {  	[hbm4b:s13+s1] =	stream.linear.scatter [tilespmem:s26], [sflag:$0x8], $0x2800, $0x38;
	[tilespmem:$0x12000] =	vst v63  }
0x42: {  	_ =	swait.ge [sflag:s21], $0x2800  }
0x43: {  	[sflag:s21] =	ssyncset.done $0x0  }
0x44: {  	[sflag:s21] =	ssyncadd.s32 $0xFFFFD800  }
0x45: {  	_ =	swait.ge [sflag:s22], $0x2800  }
0x46: {  	[sflag:s22] =	ssyncset.done $0x0  }
0x47: {  	[sflag:s22] =	ssyncadd.s32 $0xFFFFD800  }
0x48: {  	_ =	swait.ge [sflag:s23], $0x2800  }
0x49: {  	[sflag:s23] =	ssyncset.done $0x0  }
0x4a: {  	[sflag:s23] =	ssyncadd.s32 $0xFFFFD800  }
0x4b: {  	_ =	swait.ge [sflag:s25], $0x2800  }
0x4c: {  	[sflag:s25] =	ssyncset.done $0x0  }
0x4d: {  	s6 =	simm.s32 $0x180;
	[sflag:s25] =	ssyncadd.s32 $0xFFFFD800  }
0x4e: {  	[tilespmem:s24], [sflag:$0x2] =	stream.indirect.gather [hbm4b:s3+s18], $0x80, s6, s18, $0xb8;
	[tilespmem:$0x12000] =	vst v63  }
0x4f: {  	s7 =	simm.s32 $0x4180;
	s5 =	sadd.s32 $0x0, s14  }
0x50: {  	[tilespmem:s26], [sflag:$0x4] =	stream.indirect.gather [hbm4b:s4+s18], $0x80, s7, s18, $0xb8;
	[tilespmem:$0x12000] =	vst v63  }
0x51: {  	s8 =	sadd.s32 $0xA00, s5;
	s6 =	sadd.s32 $0x0, s15  }
0x52: {  	[hbm4b:s8+s1] =	stream.linear.scatter [tilespmem:s19], [sflag:$0x5], $0x2800, $0x38;
	[tilespmem:$0x12000] =	vst v63  }
0x53: {  	s9 =	sadd.s32 $0xA00, s6  }
0x54: {  	[hbm4b:s9+s1] =	stream.linear.scatter [tilespmem:s20], [sflag:$0x7], $0x2800, $0x38;
	[tilespmem:$0x12000] =	vst v63  }
0x55: {  	_ =	swait.ge [sflag:s28], $0x2800  }
0x56: {  	[sflag:s28] =	ssyncset.done $0x0  }
0x57: {  	[sflag:s28] =	ssyncadd.s32 $0xFFFFD800  }
0x58: {  	_ =	swait.ge [sflag:s29], $0x2800  }
0x59: {  	[sflag:s29] =	ssyncset.done $0x0  }
0x5a: {  	[sflag:s29] =	ssyncadd.s32 $0xFFFFD800  }
0x5b: {  	_ =	swait.ge [sflag:s30], $0x2800  }
0x5c: {  	[sflag:s30] =	ssyncset.done $0x0  }
0x5d: {  	[sflag:s30] =	ssyncadd.s32 $0xFFFFD800  }
0x5e: {  	_ =	swait.ge [sflag:s31], $0x2800  }
0x5f: {  	[sflag:s31] =	ssyncset.done $0x0  }
0x60: {  	s7 =	simm.s32 $0x200;
	[sflag:s31] =	ssyncadd.s32 $0xFFFFD800  }
0x61: {  	[tilespmem:s19], [sflag:$0x1] =	stream.indirect.gather [hbm4b:s3+s18], $0x80, s7, s18, $0xb8;
	[tilespmem:$0x12000] =	vst v63  }
0x62: {  	s2 =	simm.s32 $0xA00;
	s8 =	simm.s32 $0x4200;
	s9 =	sadd.s32 $0xF00, s5  }
0x63: {  	[tilespmem:s20], [sflag:$0x3] =	stream.indirect.gather [hbm4b:s4+s18], $0x80, s8, s18, $0xb8;
	[tilespmem:$0x12000] =	vst v63  }
0x64: {  	s5 =	simm.s32 $0x280;
	s7 =	sadd.s32 $0xF00, s6;
	s6 =	simm.s32 $0x4280  }
0x65: {  	[hbm4b:s9+s1] =	stream.linear.scatter [tilespmem:s24], [sflag:$0x6], $0x2800, $0x38;
	[tilespmem:$0x12000] =	vst v63  }
.LBB2_2:
0x66: {  	[hbm4b:s7+s1] =	stream.linear.scatter [tilespmem:s26], [sflag:$0x8], $0x2800, $0x38;
	[tilespmem:$0x12000] =	vst v63  }
0x67: {  	s7 =	smov.u32 s2  }
0x68: {  	p0 =	sne.s32 s2, $0x25800;
	s2 =	sadd.s32 $0xA00, s2;
	_ =	swait.ge [sflag:s21], $0x2800  }
0x69: {  	[sflag:s21] =	ssyncset.done $0x0  }
0x6a: {  	[sflag:s21] =	ssyncadd.s32 $0xFFFFD800  }
0x6b: {  	_ =	swait.ge [sflag:s22], $0x2800  }
0x6c: {  	[sflag:s22] =	ssyncset.done $0x0  }
0x6d: {  	[sflag:s22] =	ssyncadd.s32 $0xFFFFD800  }
0x6e: {  	_ =	swait.ge [sflag:s23], $0x2800  }
0x6f: {  	[sflag:s23] =	ssyncset.done $0x0  }
0x70: {  	[sflag:s23] =	ssyncadd.s32 $0xFFFFD800  }
0x71: {  	_ =	swait.ge [sflag:s25], $0x2800  }
0x72: {  	[sflag:s25] =	ssyncset.done $0x0  }
0x73: {  	[sflag:s25] =	ssyncadd.s32 $0xFFFFD800  }
0x74: {  	[tilespmem:s24], [sflag:$0x2] =	stream.indirect.gather [hbm4b:s3+s18], $0x80, s5, s18, $0xb8;
	[tilespmem:$0x12000] =	vst v63  }
0x75: {  	s8 =	sadd.s32 s7, s14  }
0x76: {  	[tilespmem:s26], [sflag:$0x4] =	stream.indirect.gather [hbm4b:s4+s18], $0x80, s6, s18, $0xb8;
	[tilespmem:$0x12000] =	vst v63  }
0x77: {  	s7 =	sadd.s32 s7, s15;
	s9 =	sadd.s32 $0xA00, s8  }
0x78: {  	[hbm4b:s9+s1] =	stream.linear.scatter [tilespmem:s19], [sflag:$0x5], $0x2800, $0x38;
	[tilespmem:$0x12000] =	vst v63  }
0x79: {  	s9 =	sadd.s32 $0xA00, s7  }
0x7a: {  	[hbm4b:s9+s1] =	stream.linear.scatter [tilespmem:s20], [sflag:$0x7], $0x2800, $0x38;
	[tilespmem:$0x12000] =	vst v63  }
0x7b: {  	_ =	swait.ge [sflag:s28], $0x2800  }
0x7c: {  	[sflag:s28] =	ssyncset.done $0x0  }
0x7d: {  	[sflag:s28] =	ssyncadd.s32 $0xFFFFD800  }
0x7e: {  	_ =	swait.ge [sflag:s29], $0x2800  }
0x7f: {  	[sflag:s29] =	ssyncset.done $0x0  }
0x80: {  	[sflag:s29] =	ssyncadd.s32 $0xFFFFD800  }
0x81: {  	_ =	swait.ge [sflag:s30], $0x2800  }
0x82: {  	[sflag:s30] =	ssyncset.done $0x0  }
0x83: {  	[sflag:s30] =	ssyncadd.s32 $0xFFFFD800  }
0x84: {  	_ =	swait.ge [sflag:s31], $0x2800  }
0x85: {  	[sflag:s31] =	ssyncset.done $0x0  }
0x86: {  	s9 =	sadd.s32 $0x80, s5;
	[sflag:s31] =	ssyncadd.s32 $0xFFFFD800  }
0x87: {  	[tilespmem:s19], [sflag:$0x1] =	stream.indirect.gather [hbm4b:s3+s18], $0x80, s9, s18, $0xb8;
	[tilespmem:$0x12000] =	vst v63  }
.Ltmp0:
0x88: {  	s9 =	sadd.s32 $0x80, s6;
	(pc) =	sbr.rel @p0 .LBB2_2-.Ltmp0, $4  }
0x89: {  	[tilespmem:s20], [sflag:$0x3] =	stream.indirect.gather [hbm4b:s4+s18], $0x80, s9, s18, $0xb8;
	[tilespmem:$0x12000] =	vst v63  }
0x8a: {  	s8 =	sadd.s32 $0xF00, s8  }
0x8b: {  	[hbm4b:s8+s1] =	stream.linear.scatter [tilespmem:s24], [sflag:$0x6], $0x2800, $0x38;
	[tilespmem:$0x12000] =	vst v63  }
0x8c: {  	s7 =	sadd.s32 $0xF00, s7;
	s5 =	sadd.s32 $0x100, s5;
	s6 =	sadd.s32 $0x100, s6  }
0x8d: {  	[hbm4b:s7+s1] =	stream.linear.scatter [tilespmem:s26], [sflag:$0x8], $0x2800, $0x38;
	[tilespmem:$0x12000] =	vst v63  }
0x8e: {  	_ =	swait.ge [sflag:s21], $0x2800  }
0x8f: {  	[sflag:s21] =	ssyncset.done $0x0  }
0x90: {  	[sflag:s21] =	ssyncadd.s32 $0xFFFFD800  }
0x91: {  	_ =	swait.ge [sflag:s22], $0x2800  }
0x92: {  	[sflag:s22] =	ssyncset.done $0x0  }
0x93: {  	[sflag:s22] =	ssyncadd.s32 $0xFFFFD800  }
0x94: {  	_ =	swait.ge [sflag:s23], $0x2800  }
0x95: {  	[sflag:s23] =	ssyncset.done $0x0  }
0x96: {  	[sflag:s23] =	ssyncadd.s32 $0xFFFFD800  }
0x97: {  	_ =	swait.ge [sflag:s25], $0x2800  }
0x98: {  	[sflag:s25] =	ssyncset.done $0x0  }
0x99: {  	s2 =	rddreg [dreg:$0x4];
	[sflag:s25] =	ssyncadd.s32 $0xFFFFD800  }
0x9a: {  	[hbm4b:s2+s1] =	stream.linear.scatter [tilespmem:s19], [sflag:$0x9], $0x2800, $0x38;
	[tilespmem:$0x12000] =	vst v63  }
0x9b: {  	_ =	swait.ge [sflag:s16], $0x2800  }
0x9c: {  	[sflag:s16] =	ssyncset.done $0x0  }
0x9d: {  	s8 =	rddreg [dreg:$0x5];
	[sflag:s16] =	ssyncadd.s32 $0xFFFFD800  }
0x9e: {  	[hbm4b:s8+s1] =	stream.linear.scatter [tilespmem:s20], [sflag:$0x9], $0x2800, $0x38;
	[tilespmem:$0x12000] =	vst v63  }
0x9f: {  	_ =	swait.ge [sflag:s16], $0x2800  }
0xa0: {  	s0 =	sadd.s32 $0x1, s0;
	s9 =	rddreg [dreg:$0x6]  }
0xa1: {  	p0 =	sne.s32 s0, s9  }
.Ltmp1:
0xa2: {  	_ = 	snop;
	(pc) =	sbr.rel @p0 .LBB2_1-.Ltmp1, $3  }
0xa3: {  	_ =	sdelay $0x1  }
0xa4: {  	[sflag:s16] =	ssyncset.done $0x0  }
0xa5: {  	[sflag:s16] =	ssyncadd.s32 $0xFFFFD800  }
0xa6: {  	_ =	sfence.sel $0x180000  }
0xa7: {  	[bflag:$0x0] =	sbarrier.arrive $0xFFFF  }
0xa8: {  	_ =	strace $0x90000047  }
0xa9: {  	s0 =	stileid.u32;
	[bflag:$0x2] =	sbarrier.arrive $0xFFFF  }
0xaa: {  	p0 =	sne.s32 s0, $0x0;
	s0 =	rddreg [dreg:$0x1]  }
0xab: {  	s0 =	sadd.s32 @!p0 $0x100000, s0  }
0xac: {  	[sflag:s0] =	ssyncadd.tile.s32 @!p0 $0x1;
	_ =	shalt  }
.Lfunc_end2:
_tile_overlayer_lowered:
.L_overlay_start_2:
0xad: {  	(tag) =	ssettag $0x2  }
0xae: {  	s0 =	rddreg [dreg:$0x0];
	s2 =	stileid.u32  }
0xaf: {  	s1 =	rddreg [dreg:$0x1];
	p0 =	sne.s32 s2, $0x0  }
0xb0: {  	s3 =	rddreg [dreg:$0x2];
	[bflag:$0x3] =	sbarrier.arrive $0xFFFF;
	s2 =	simm.s32 @!p0 $0x1C09  }
0xb1: {  	[timem:s3], [sflag:s2] =	dma.local @!p0 [hbm:s0], s1  }
0xb2: {  	s0 =	simm.s32 @!p0 $0x9  }
0xb3: {  	_ =	swait.ge @!p0 [sflag:s0], s1  }
0xb4: {  	s1 =	ssub.s32 @!p0 $0x0, s1;
	[sflag:s0] =	ssyncset.done @!p0 $0x0  }
0xb5: {  	[sflag:s0] =	ssyncadd.s32 @!p0 s1  }
0xb6: {  	[bflag:$0x3] =	sbarrier.arrive $0xFFFF  }
0xb7: {  	_ =	shalt  }

// kernel: kernel.18.cloned.1.call-start
scs
__scs_entry_jumppad:
0x0: {  	(pc) =	sbr.rel $0x88, $3  }
0x1: {  	(tag) =	ssettag $0x0;
	lr =	simm.s32 $0x1  }
0x2: {  	[smem:$0x3F89] =	sst lr;
	_ =	strace $0xD0000000  }
0x3: {  	_ = 	snop  }
0x4: {  	_ = 	snop  }
0x5: {  	_ = 	snop  }
0x6: {  	_ = 	snop  }
0x7: {  	_ = 	snop  }
__scs_overlays_trampoline_lowered:
0x8: {  	[smem:$0x3F98] =	sst s0  }
0x9: {  	[smem:$0x3F99] =	sst s1  }
0xa: {  	[smem:$0x3F9A] =	sst s2  }
0xb: {  	[smem:$0x3F9B] =	sst s3  }
0xc: {  	[smem:$0x3F9C] =	sst s4  }
0xd: {  	[smem:$0x3F9D] =	sst s5  }
0xe: {  	[smem:$0x3F9E] =	sst s6  }
0xf: {  	[smem:$0x3F9F] =	sst s7  }
0x10: {  	[smem:$0x3FA0] =	sst s8  }
0x11: {  	[smem:$0x3FA1] =	sst s9;
	s0 =	simm.s32 @!p0 $0x0  }
0x12: {  	s1 =	sld [smem:$0x3F87];
	s0 =	simm.s32 @p0 $0x1  }
0x13: {  	[smem:$0x3FA2] =	sst s0;
	s0 =	simm.s32 @!p1 $0x0  }
0x14: {  	s2 =	sld [smem:$0x3F86];
	s0 =	simm.s32 @p1 $0x1  }
0x15: {  	[smem:$0x3FA3] =	sst s0;
	s0 =	simm.s32 @!p2 $0x0  }
0x16: {  	s3 =	sld [smem:$0x3FDB];
	s0 =	simm.s32 @p2 $0x1  }
0x17: {  	s4 =	simm.s32 $0x1BF5;
	[smem:$0x3FA5] =	sst s0  }
0x18: {  	s0 =	sld [smem:$0x3F88];
	_ =	swait.ge [sflag:s4], $0x0  }
0x19: {  	s7 =	sld [smem:$0x3F89]  }
0x1a: {  	s8 =	sadd.s32 $0xFFFFE003, lr  }
0x1b: {  	s9 =	sadd.s32 $0xFFFFFEF7, lr;
	s5 =	simm.s32 $0xFFFFFFFF;
	p2 =	slt.u32 s8, $0xFFFFF086  }
0x1c: {  	p1 =	slt.u32 s9, $0xF7A;
	s5 =	simm.s32 @!p2 $0x0  }
0x1d: {  	s5 =	simm.s32 @p1 $0x1;
	p0 =	seq.s32 s7, s2  }
0x1e: {  	s7 =	smul.u32 @!p0 $0xF7A, s2;
	p2 =	seq.s32 @!p0 s5, $0x0  }
0x1f: {  	s9 =	smul.u32 $0xF7A, s1;
	s8 =	simm.s32 @!p0 $0x1BF5;
	p2 =	por !p2, p0  }
0x20: {  	[sflag:s8] =	ssyncset.s32 @!p0 $0xFFFFF086;
	s6 =	sadd.s32 @!p0 s3, s7;
	s7 =	simm.s32 @!p0 $0x108  }
0x21: {  	s3 =	sadd.s32 s3, s9;
	s6 =	sadd.s32 @!p0 $0x88, s6;
	s7 =	simm.s32 @p2 $0x1082  }
0x22: {  	[simem:s7], [sflag:s8] =	dma.local @!p0 [hbm:s6], $0xF7A  }
0x23: {  	s9 =	sor.u32 $0xD0000000, s2;
	s6 =	simm.s32 $0x108;
	_ =	swait.ge @!p0 [sflag:s8], $0x0  }
0x24: {  	s3 =	sadd.s32 $0x88, s3;
	s6 =	simm.s32 @!p1 $0x1082;
	[sflag:s4] =	ssyncset.s32 $0xFFFFF086  }
0x25: {  	[simem:s6], [sflag:s4] =	dma.local [hbm:s3], $0xF7A  }
0x26: {  	[smem:$0x3F89] =	sst s1;
	(tag) =	ssettag s2;
	_ =	strace s9  }
0x27: {  	s1 =	sld [smem:$0x3F99]  }
0x28: {  	s2 =	sld [smem:$0x3F9A]  }
0x29: {  	s4 =	sld [smem:$0x3F9C]  }
0x2a: {  	p0 =	seq.s32 s5, $0x0;
	s5 =	sld [smem:$0x3F9D]  }
0x2b: {  	s6 =	sld [smem:$0x3F9E]  }
0x2c: {  	s7 =	sld [smem:$0x3F9F]  }
0x2d: {  	s3 =	simm.s32 $0x108;
	s8 =	sld [smem:$0x3FA0]  }
0x2e: {  	s3 =	simm.s32 @!p0 $0x1082;
	s9 =	sld [smem:$0x3FA1]  }
0x2f: {  	lr =	sadd.s32 s0, s3;
	s0 =	sld [smem:$0x3F98]  }
0x30: {  	s3 =	sld [smem:$0x3F9B]  }
0x31: {  	[smem:$0x3FA4] =	sst s10  }
0x32: {  	s10 =	sld [smem:$0x3FA2];
	_ =	sdelay $0x3  }
0x33: {  	p0 =	seq.s32 s10, $0x1;
	s10 =	sld [smem:$0x3FA4];
	_ =	sdelay $0x3  }
0x34: {  	[smem:$0x3FA4] =	sst s10  }
0x35: {  	s10 =	sld [smem:$0x3FA3];
	_ =	sdelay $0x3  }
0x36: {  	p1 =	seq.s32 s10, $0x1;
	s10 =	sld [smem:$0x3FA4];
	_ =	sdelay $0x3  }
0x37: {  	[smem:$0x3FA4] =	sst s10  }
0x38: {  	s10 =	sld [smem:$0x3FA5]  }
0x39: {  	_ = 	snop;
	(pc) =	sbr.ind lr, $3  }
0x3a: {  	_ = 	snop  }
0x3b: {  	_ = 	snop  }
0x3c: {  	p2 =	seq.s32 s10, $0x1;
	s10 =	sld [smem:$0x3FA4]  }
0x3d: {  	_ =	shalt  }
0x3e: {  	_ =	shalt  }
0x3f: {  	_ =	shalt  }
0x40: {  	_ =	shalt  }
0x41: {  	_ =	shalt  }
0x42: {  	_ =	shalt  }
0x43: {  	_ =	shalt  }
0x44: {  	_ =	shalt  }
0x45: {  	_ =	shalt  }
0x46: {  	_ =	shalt  }
0x47: {  	_ =	shalt  }
0x48: {  	_ =	shalt  }
0x49: {  	_ =	shalt  }
0x4a: {  	_ =	shalt  }
0x4b: {  	_ =	shalt  }
0x4c: {  	_ =	shalt  }
0x4d: {  	_ =	shalt  }
0x4e: {  	_ =	shalt  }
0x4f: {  	_ =	shalt  }
0x50: {  	_ =	shalt  }
0x51: {  	_ =	shalt  }
0x52: {  	_ =	shalt  }
0x53: {  	_ =	shalt  }
0x54: {  	_ =	shalt  }
0x55: {  	_ =	shalt  }
0x56: {  	_ =	shalt  }
0x57: {  	_ =	shalt  }
0x58: {  	_ =	shalt  }
0x59: {  	_ =	shalt  }
0x5a: {  	_ =	shalt  }
0x5b: {  	_ =	shalt  }
0x5c: {  	_ =	shalt  }
0x5d: {  	_ =	shalt  }
0x5e: {  	_ =	shalt  }
0x5f: {  	_ =	shalt  }
0x60: {  	_ =	shalt  }
0x61: {  	_ =	shalt  }
0x62: {  	_ =	shalt  }
0x63: {  	_ =	shalt  }
0x64: {  	_ =	shalt  }
0x65: {  	_ =	shalt  }
0x66: {  	_ =	shalt  }
0x67: {  	_ =	shalt  }
0x68: {  	_ =	shalt  }
0x69: {  	_ =	shalt  }
0x6a: {  	_ =	shalt  }
0x6b: {  	_ =	shalt  }
0x6c: {  	_ =	shalt  }
0x6d: {  	_ =	shalt  }
0x6e: {  	_ =	shalt  }
0x6f: {  	_ =	shalt  }
0x70: {  	_ =	shalt  }
0x71: {  	_ =	shalt  }
0x72: {  	_ =	shalt  }
0x73: {  	_ =	shalt  }
0x74: {  	_ =	shalt  }
0x75: {  	_ =	shalt  }
0x76: {  	_ =	shalt  }
0x77: {  	_ =	shalt  }
0x78: {  	_ =	shalt  }
0x79: {  	_ =	shalt  }
0x7a: {  	_ =	shalt  }
0x7b: {  	_ =	shalt  }
0x7c: {  	_ =	shalt  }
0x7d: {  	_ =	shalt  }
0x7e: {  	_ =	shalt  }
0x7f: {  	_ =	shalt  }
0x80: {  	_ =	shalt  }
0x81: {  	_ =	shalt  }
0x82: {  	_ =	shalt  }
0x83: {  	_ =	shalt  }
0x84: {  	_ =	shalt  }
0x85: {  	_ =	shalt  }
0x86: {  	_ =	shalt  }
0x87: {  	_ =	shalt  }
.Lfunc_end0:
.L_simem_size_0:
called_computation.2_lowered:
.L_overlay_start_0:
0x88: {  	s2 =	sld [smem:$0x3FD9]  }
0x89: {  	s3 =	sld [smem:$0x3FFE];
	_ =	sdelay $0x1  }
0x8a: {  	s1 =	srdreg.scid  }
0x8b: {  	s0 =	sand.u32 $0x1, s1  }
0x8c: {  	s16 =	sshll.u32 s0, $0xA;
	s2 =	sadd.s32 s3, s2  }
0x8d: {  	s2 =	sadd.s32 s2, s16  }
0x8e: {  	[smem:$0x3FB0] =	sst s2  }
0x8f: {  	_ = 	snop  }
0x90: {  	(tm) =	ssettm $0x1  }
0x91: {  	s17 =	sld [smem:$0x3FFB];
	_ =	sdelay $0x3  }
0x92: {  	_ =	strace s17  }
0x93: {  	s2 =	sld [smem:$0x3FFC];
	_ =	sdelay $0x3  }
0x94: {  	_ =	strace s2  }
0x95: {  	s2 =	sld [smem:$0x3FFD];
	_ =	sdelay $0x3  }
0x96: {  	_ =	strace s2  }
0x97: {  	_ =	strace $0x8FFFFFFF  }
0x98: {  	s18 =	sld [smem:$0x3FDB];
	_ =	sdelay $0x1  }
0x99: {  	s19 =	simm.s32 $_scs_section_size  }
0x9a: {  	s4 =	simm.s32 $_size__tile_overlayer_lowered;
	s5 =	simm.s32 $_tile_overlayer_lowered  }
0x9b: {  	s22 =	simm.s32 $0x1BFF;
	s21 =	sshll.u32 s5, $0x1;
	s2 =	sadd.s32 s19, s18  }
0x9c: {  	s6 =	simm.s32 $0x0;
	s20 =	sshll.u32 s4, $0x1;
	s4 =	sadd.s32 s21, s2  }
0x9d: {  	[timem:s6], [sflag:s22] =	dma.local [hbm:s4], s20  }
0x9e: {  	_ =	swait.ge [sflag:s22], s20  }
0x9f: {  	s3 =	ssub.s32 $0x0, s20;
	[sflag:s22] =	ssyncset.done $0x0  }
0xa0: {  	[sflag:s22] =	ssyncadd.s32 s3;
	_ =	sdelay $0x1  }
0xa1: {  	s23 =	simm.s32 $0x1B8B  }
0xa2: {  	_ =	swait.ge [sflag:s23], $0x1  }
0xa3: {  	[sflag:s23] =	ssyncset.done $0x0  }
0xa4: {  	s25 =	simm.s32 $0x1B8E;
	s24 =	sld [smem:$0x3FFE];
	[sflag:s23] =	ssyncadd.s32 $0xFFFFFFFF  }
0xa5: {  	s26 =	simm.s32 $execute0_lowered;
	[smem:$0x3FD2] =	sst s25  }
0xa6: {  	s4 =	sshll.u32 s26, $0x1;
	_ =	strace $0x80000049;
	[dreg:$0x1] =	wrdreg $0xFFFFFFFF  }
0xa7: {  	s28 =	simm.s32 $_size_execute0_lowered;
	s2 =	sadd.s32 s2, s4;
	[dreg:$0x0] =	wrdreg $0x0  }
0xa8: {  	s4 =	sshll.u32 s28, $0x1;
	[dreg:$0x2] =	wrdreg s2  }
0xa9: {  	[dreg:$0x3] =	wrdreg s4  }
0xaa: {  	[dreg:$0x4] =	wrdreg $0xC0  }
0xab: {  	_ =	task [dreg:s6], $0x5FFFF  }
0xac: {  	[dreg:$0x1] =	wrdreg $0xFFFFFFFF  }
0xad: {  	[dreg:$0x0] =	wrdreg $0x60  }
0xae: {  	[dreg:$0x2] =	wrdreg s24  }
0xaf: {  	[dreg:$0x3] =	wrdreg $0x68000  }
0xb0: {  	[dreg:$0x4] =	wrdreg $0x9  }
0xb1: {  	_ =	task.clear_ibuf [dreg:s6], $0x5FFFF;
	_ =	strace $0x90000049  }
0xb2: {  	s29 =	simm.s32 $0x9;
	_ =	strace $0x8000004B  }
0xb3: {  	_ =	swait.ge [sflag:s29], $0x1  }
0xb4: {  	[sflag:s29] =	ssyncadd.s32 $0xFFFFFFFF  }
0xb5: {  	_ =	strace $0x9000004B  }
0xb6: {  	_ =	sfence  }
0xb7: {  	s30 =	sld [smem:$0x0];
	_ =	sdelay $0x2  }
0xb8: {  	s31 =	sshll.u32 s1, $0xD;
	s1 =	sshrl.u32 s1, $0x2  }
0xb9: {  	s3 =	sand.u32 $0x4000, s31;
	s1 =	sadd.s32 s1, s30  }
0xba: {  	s0 =	sor.u32 s3, s0;
	s1 =	sshll.u32 s1, $0x11  }
0xbb: {  	s0 =	sor.u32 s1, s0  }
0xbc: {  	s0 =	sadd.s32 $0x8F2B, s0  }
0xbd: {  	[sflag:s0] =	ssyncadd.remote.s32 $0x1  }
0xbe: {  	_ =	sfence.sel $0xFFFF  }
0xbf: {  	[dreg:$0x0] =	wrdreg $0xFFFFFFFF;
	(pc) =	sbr.abs _section_cstart, $3  }
0xc0: {  	[dreg:$0x1] =	wrdreg $0xFFFFFFFF  }
0xc1: {  	_ =	task.clear_ibuf [dreg:s6], $0x2FFFF;
	_ =	strace $0x9FFFFFFF  }
0xc2: {  	(tm) =	ssettm $0x7FFFFFFF  }
0xc3: {  	_ =	shalt  }
tec
execute0_lowered:
.L_overlay_start_1:
0x0: {  	(tag) =	ssettag $0x1  }
0x1: {  	s6 =	rddreg [dreg:$0x0]  }
0x2: {  	s1 =	rddreg [dreg:$0x1];
	s3 =	srdreg.scid  }
0x3: {  	s0 =	rddreg [dreg:$0x2];
	s2 =	simm.s32 $0x0;
	s4 =	sand.u32 $0x1, s3  }
0x4: {  	s14 =	simm.s32 $0x50;
	s3 =	stileid.u32;
	s5 =	smul.u32 $0x271000, s4  }
0x5: {  	s17 =	simm.s32 $0x0;
	[smem:$0x7FF] =	sst s2;
	s15 =	smul.u32 $0x2700, s3  }
0x6: {  	s13 =	sadd.s32 $0x138000, s1;
	_ =	strace $0x8000004A;
	s28 =	smul.u32 $0x27100, s4  }
0x7: {  	s7 =	sshll.u32 s3, $0xB;
	s10 =	ssub.s32 $0x2, s4;
	s11 =	smul.u32 $0x4E000, s3  }
0x8: {  	s4 =	sshll.u32 s4, $0xF;
	s30 =	smul.u32 $0x27100, s3;
	p0 =	sne.s32 s3, $0xF  }
0x9: {  	s31 =	sshll.u32 s3, $0x6;
	s26 =	sadd.s32 s7, s6;
	s12 =	sshrl.u32 s10, $0x1  }
0xa: {  	s8 =	sadd.s32 s5, s6;
	s9 =	sadd.s32 s15, s6;
	s7 =	sadd.s32 s28, s6  }
0xb: {  	s10 =	ssub.s32 s10, s12;
	s4 =	sadd.s32 s4, s26;
	s29 =	sshrl.u32 s11, $0x2  }
0xc: {  	s6 =	sadd.s32 $0x59800, s6;
	s12 =	sshrl.u32 @!p0 s13, $0x3;
	s13 =	simm.s32 $0x4000  }
0xd: {  	s4 =	sadd.s32 $0x12800, s4;
	s11 =	sadd.s32 s29, s1;
	s5 =	sadd.s32 $0x32800, s9  }
0xe: {  	s16 =	sadd.s32 $0x59A00, s7;
	s7 =	smax.u32 s10, $0x1;
	s8 =	sadd.s32 s30, s8  }
0xf: {  	s9 =	simm.s32 $0x1;
	s10 =	sor.u32 $0x1C01, s31;
	s8 =	sadd.s32 $0xF26C00, s8  }
0x10: {  	s11 =	sshrl.u32 s11, $0x3;
	s15 =	sadd.s32 s15, s16;
	s16 =	sadd.s32 @!p0 $0x27000, s16  }
.LBB2_1:
0x11: {  	[tilespmem:s2], [sflag:$0x1] =	stream.linear.gather [hbm4b:s4+s2], $0x3E80, $0x38;
	[tilespmem:$0x1A080] =	vst v63  }
0x12: {  	_ =	swait.ge [sflag:s9], $0x3E80  }
0x13: {  	[sflag:s9] =	ssyncset.done $0x0  }
0x14: {  	[sflag:s9] =	ssyncadd.s32 $0xFFFFC180  }
0x15: {  	[spmem:s11], [sflag:s10] =	dma.local [hbm:s5], $0x2700  }
0x16: {  	_ =	swait.ge [sflag:s9], $0x2700  }
0x17: {  	[sflag:s9] =	ssyncset.done $0x0  }
0x18: {  	s18 =	simm.s32 @!p0 $0x1;
	[sflag:s9] =	ssyncadd.s32 $0xFFFFD900  }
0x19: {  	[spmem:s12], [sflag:s10] =	dma.local @!p0 [hbm:s6], $0x100  }
0x1a: {  	_ =	swait.ge @!p0 [sflag:s18], $0x100  }
0x1b: {  	[sflag:s18] =	ssyncset.done @!p0 $0x0  }
0x1c: {  	[sflag:s18] =	ssyncadd.s32 @!p0 $0xFFFFFF00  }
0x1d: {  	[bflag:$0x0] =	sbarrier.arrive $0xFFFF  }
0x1e: {  	[tilespmem:s13], [sflag:$0x1] =	stream.linear.gather [hbm4b:s8+s2], $0x2800, $0x38;
	[tilespmem:$0x1A080] =	vst v63  }
0x1f: {  	_ =	swait.ge [sflag:s9], $0x2800  }
0x20: {  	[sflag:s9] =	ssyncset.done $0x0  }
0x21: {  	s31 =	simm.s32 $0x0;
	[sflag:s9] =	ssyncadd.s32 $0xFFFFD800  }
0x22: {  	[spmem:s1] =	stream.indirect.scatter.add.f32 [tilespmem:s13], [sflag:$0x1], $0x80, s31, s14, $0xb8;
	[tilespmem:$0x1A080] =	vst v63  }
0x23: {  	_ =	swait.ge [sflag:s9], $0x2800  }
0x24: {  	s19 =	smov.u32 s8;
	s18 =	simm.s32 $0x200;
	[sflag:s9] =	ssyncset.done $0x0  }
.LBB2_2:
0x25: {  	p1 =	sne.s32 s18, $0xF800;
	[sflag:s9] =	ssyncadd.s32 $0xFFFFD800;
	s19 =	sadd.s32 $0x500, s19  }
0x26: {  	[tilespmem:s13], [sflag:$0x1] =	stream.linear.gather [hbm4b:s19+s2], $0x2800, $0x38;
	[tilespmem:$0x1A080] =	vst v63  }
0x27: {  	s20 =	smov.u32 s18;
	s18 =	sadd.s32 $0x200, s18;
	_ =	swait.ge [sflag:s9], $0x2800  }
.Ltmp0:
0x28: {  	[sflag:s9] =	ssyncset.done $0x0;
	(pc) =	sbr.rel @p1 .LBB2_2-.Ltmp0, $4  }
0x29: {  	s20 =	sshra.s32 s20, $0x2;
	[sflag:s9] =	ssyncadd.s32 $0xFFFFD800  }
0x2a: {  	[spmem:s1] =	stream.indirect.scatter.add.f32 [tilespmem:s13], [sflag:$0x1], $0x80, s20, s14, $0xb8;
	[tilespmem:$0x1A080] =	vst v63  }
0x2b: {  	_ =	swait.ge [sflag:s9], $0x2800  }
0x2c: {  	[sflag:s9] =	ssyncset.done $0x0  }
0x2d: {  	[sflag:s9] =	ssyncadd.s32 $0xFFFFD800  }
0x2e: {  	[bflag:$0x0] =	sbarrier.arrive $0xFFFF  }
0x2f: {  	[hbm:s15], [sflag:s10] =	dma.local [spmem:s11], $0x2700  }
0x30: {  	s17 =	sadd.s32 $0x1, s17;
	_ =	swait.ge [sflag:s9], $0x2700  }
0x31: {  	p1 =	sne.s32 s17, s7;
	[sflag:s9] =	ssyncset.done $0x0  }
.Ltmp1:
0x32: {  	s18 =	simm.s32 @!p0 $0x1;
	[sflag:s9] =	ssyncadd.s32 $0xFFFFD900;
	(pc) =	sbr.rel @p1 .LBB2_1-.Ltmp1, $4  }
0x33: {  	[hbm:s16], [sflag:s10] =	dma.local @!p0 [spmem:s12], $0x100  }
0x34: {  	_ =	swait.ge @!p0 [sflag:s18], $0x100  }
0x35: {  	[sflag:s18] =	ssyncset.done @!p0 $0x0  }
0x36: {  	[sflag:s18] =	ssyncadd.s32 @!p0 $0xFFFFFF00  }
0x37: {  	_ =	sfence.sel $0x180000  }
0x38: {  	[bflag:$0x0] =	sbarrier.arrive $0xFFFF  }
0x39: {  	p0 =	sne.s32 s3, $0x0;
	_ =	strace $0x9000004A  }
0x3a: {  	s0 =	sadd.s32 @!p0 $0x100000, s0;
	[bflag:$0x2] =	sbarrier.arrive $0xFFFF  }
0x3b: {  	[sflag:s0] =	ssyncadd.tile.s32 @!p0 $0x1;
	_ =	shalt  }
.Lfunc_end2:
_tile_overlayer_lowered:
.L_overlay_start_2:
0x3c: {  	(tag) =	ssettag $0x2  }
0x3d: {  	s0 =	rddreg [dreg:$0x0];
	s2 =	stileid.u32  }
0x3e: {  	s1 =	rddreg [dreg:$0x1];
	p0 =	sne.s32 s2, $0x0  }
0x3f: {  	s3 =	rddreg [dreg:$0x2];
	[bflag:$0x3] =	sbarrier.arrive $0xFFFF;
	s2 =	simm.s32 @!p0 $0x1C01  }
0x40: {  	[timem:s3], [sflag:s2] =	dma.local @!p0 [hbm:s0], s1  }
0x41: {  	s0 =	simm.s32 @!p0 $0x1  }
0x42: {  	_ =	swait.ge @!p0 [sflag:s0], s1  }
0x43: {  	s1 =	ssub.s32 @!p0 $0x0, s1;
	[sflag:s0] =	ssyncset.done @!p0 $0x0  }
0x44: {  	[sflag:s0] =	ssyncadd.s32 @!p0 s1  }
0x45: {  	[bflag:$0x3] =	sbarrier.arrive $0xFFFF  }
0x46: {  	_ =	shalt  }

// kernel: kernel.21.cloned.1.call-start
scs
__scs_entry_jumppad:
0x0: {  	(pc) =	sbr.rel $0x88, $3  }
0x1: {  	(tag) =	ssettag $0x0;
	lr =	simm.s32 $0x1  }
0x2: {  	[smem:$0x3F89] =	sst lr;
	_ =	strace $0xD0000000  }
0x3: {  	_ = 	snop  }
0x4: {  	_ = 	snop  }
0x5: {  	_ = 	snop  }
0x6: {  	_ = 	snop  }
0x7: {  	_ = 	snop  }
__scs_overlays_trampoline_lowered:
0x8: {  	[smem:$0x3F98] =	sst s0  }
0x9: {  	[smem:$0x3F99] =	sst s1  }
0xa: {  	[smem:$0x3F9A] =	sst s2  }
0xb: {  	[smem:$0x3F9B] =	sst s3  }
0xc: {  	[smem:$0x3F9C] =	sst s4  }
0xd: {  	[smem:$0x3F9D] =	sst s5  }
0xe: {  	[smem:$0x3F9E] =	sst s6  }
0xf: {  	[smem:$0x3F9F] =	sst s7  }
0x10: {  	[smem:$0x3FA0] =	sst s8  }
0x11: {  	[smem:$0x3FA1] =	sst s9;
	s0 =	simm.s32 @!p0 $0x0  }
0x12: {  	s1 =	sld [smem:$0x3F87];
	s0 =	simm.s32 @p0 $0x1  }
0x13: {  	[smem:$0x3FA2] =	sst s0;
	s0 =	simm.s32 @!p1 $0x0  }
0x14: {  	s2 =	sld [smem:$0x3F86];
	s0 =	simm.s32 @p1 $0x1  }
0x15: {  	[smem:$0x3FA3] =	sst s0;
	s0 =	simm.s32 @!p2 $0x0  }
0x16: {  	s3 =	sld [smem:$0x3FDB];
	s0 =	simm.s32 @p2 $0x1  }
0x17: {  	s4 =	simm.s32 $0x1BF5;
	[smem:$0x3FA5] =	sst s0  }
0x18: {  	s0 =	sld [smem:$0x3F88];
	_ =	swait.ge [sflag:s4], $0x0  }
0x19: {  	s7 =	sld [smem:$0x3F89]  }
0x1a: {  	s8 =	sadd.s32 $0xFFFFE003, lr  }
0x1b: {  	s9 =	sadd.s32 $0xFFFFFEF7, lr;
	s5 =	simm.s32 $0xFFFFFFFF;
	p2 =	slt.u32 s8, $0xFFFFF086  }
0x1c: {  	p1 =	slt.u32 s9, $0xF7A;
	s5 =	simm.s32 @!p2 $0x0  }
0x1d: {  	s5 =	simm.s32 @p1 $0x1;
	p0 =	seq.s32 s7, s2  }
0x1e: {  	s7 =	smul.u32 @!p0 $0xF7A, s2;
	p2 =	seq.s32 @!p0 s5, $0x0  }
0x1f: {  	s9 =	smul.u32 $0xF7A, s1;
	s8 =	simm.s32 @!p0 $0x1BF5;
	p2 =	por !p2, p0  }
0x20: {  	[sflag:s8] =	ssyncset.s32 @!p0 $0xFFFFF086;
	s6 =	sadd.s32 @!p0 s3, s7;
	s7 =	simm.s32 @!p0 $0x108  }
0x21: {  	s3 =	sadd.s32 s3, s9;
	s6 =	sadd.s32 @!p0 $0x88, s6;
	s7 =	simm.s32 @p2 $0x1082  }
0x22: {  	[simem:s7], [sflag:s8] =	dma.local @!p0 [hbm:s6], $0xF7A  }
0x23: {  	s9 =	sor.u32 $0xD0000000, s2;
	s6 =	simm.s32 $0x108;
	_ =	swait.ge @!p0 [sflag:s8], $0x0  }
0x24: {  	s3 =	sadd.s32 $0x88, s3;
	s6 =	simm.s32 @!p1 $0x1082;
	[sflag:s4] =	ssyncset.s32 $0xFFFFF086  }
0x25: {  	[simem:s6], [sflag:s4] =	dma.local [hbm:s3], $0xF7A  }
0x26: {  	[smem:$0x3F89] =	sst s1;
	(tag) =	ssettag s2;
	_ =	strace s9  }
0x27: {  	s1 =	sld [smem:$0x3F99]  }
0x28: {  	s2 =	sld [smem:$0x3F9A]  }
0x29: {  	s4 =	sld [smem:$0x3F9C]  }
0x2a: {  	p0 =	seq.s32 s5, $0x0;
	s5 =	sld [smem:$0x3F9D]  }
0x2b: {  	s6 =	sld [smem:$0x3F9E]  }
0x2c: {  	s7 =	sld [smem:$0x3F9F]  }
0x2d: {  	s3 =	simm.s32 $0x108;
	s8 =	sld [smem:$0x3FA0]  }
0x2e: {  	s3 =	simm.s32 @!p0 $0x1082;
	s9 =	sld [smem:$0x3FA1]  }
0x2f: {  	lr =	sadd.s32 s0, s3;
	s0 =	sld [smem:$0x3F98]  }
0x30: {  	s3 =	sld [smem:$0x3F9B]  }
0x31: {  	[smem:$0x3FA4] =	sst s10  }
0x32: {  	s10 =	sld [smem:$0x3FA2];
	_ =	sdelay $0x3  }
0x33: {  	p0 =	seq.s32 s10, $0x1;
	s10 =	sld [smem:$0x3FA4];
	_ =	sdelay $0x3  }
0x34: {  	[smem:$0x3FA4] =	sst s10  }
0x35: {  	s10 =	sld [smem:$0x3FA3];
	_ =	sdelay $0x3  }
0x36: {  	p1 =	seq.s32 s10, $0x1;
	s10 =	sld [smem:$0x3FA4];
	_ =	sdelay $0x3  }
0x37: {  	[smem:$0x3FA4] =	sst s10  }
0x38: {  	s10 =	sld [smem:$0x3FA5]  }
0x39: {  	_ = 	snop;
	(pc) =	sbr.ind lr, $3  }
0x3a: {  	_ = 	snop  }
0x3b: {  	_ = 	snop  }
0x3c: {  	p2 =	seq.s32 s10, $0x1;
	s10 =	sld [smem:$0x3FA4]  }
0x3d: {  	_ =	shalt  }
0x3e: {  	_ =	shalt  }
0x3f: {  	_ =	shalt  }
0x40: {  	_ =	shalt  }
0x41: {  	_ =	shalt  }
0x42: {  	_ =	shalt  }
0x43: {  	_ =	shalt  }
0x44: {  	_ =	shalt  }
0x45: {  	_ =	shalt  }
0x46: {  	_ =	shalt  }
0x47: {  	_ =	shalt  }
0x48: {  	_ =	shalt  }
0x49: {  	_ =	shalt  }
0x4a: {  	_ =	shalt  }
0x4b: {  	_ =	shalt  }
0x4c: {  	_ =	shalt  }
0x4d: {  	_ =	shalt  }
0x4e: {  	_ =	shalt  }
0x4f: {  	_ =	shalt  }
0x50: {  	_ =	shalt  }
0x51: {  	_ =	shalt  }
0x52: {  	_ =	shalt  }
0x53: {  	_ =	shalt  }
0x54: {  	_ =	shalt  }
0x55: {  	_ =	shalt  }
0x56: {  	_ =	shalt  }
0x57: {  	_ =	shalt  }
0x58: {  	_ =	shalt  }
0x59: {  	_ =	shalt  }
0x5a: {  	_ =	shalt  }
0x5b: {  	_ =	shalt  }
0x5c: {  	_ =	shalt  }
0x5d: {  	_ =	shalt  }
0x5e: {  	_ =	shalt  }
0x5f: {  	_ =	shalt  }
0x60: {  	_ =	shalt  }
0x61: {  	_ =	shalt  }
0x62: {  	_ =	shalt  }
0x63: {  	_ =	shalt  }
0x64: {  	_ =	shalt  }
0x65: {  	_ =	shalt  }
0x66: {  	_ =	shalt  }
0x67: {  	_ =	shalt  }
0x68: {  	_ =	shalt  }
0x69: {  	_ =	shalt  }
0x6a: {  	_ =	shalt  }
0x6b: {  	_ =	shalt  }
0x6c: {  	_ =	shalt  }
0x6d: {  	_ =	shalt  }
0x6e: {  	_ =	shalt  }
0x6f: {  	_ =	shalt  }
0x70: {  	_ =	shalt  }
0x71: {  	_ =	shalt  }
0x72: {  	_ =	shalt  }
0x73: {  	_ =	shalt  }
0x74: {  	_ =	shalt  }
0x75: {  	_ =	shalt  }
0x76: {  	_ =	shalt  }
0x77: {  	_ =	shalt  }
0x78: {  	_ =	shalt  }
0x79: {  	_ =	shalt  }
0x7a: {  	_ =	shalt  }
0x7b: {  	_ =	shalt  }
0x7c: {  	_ =	shalt  }
0x7d: {  	_ =	shalt  }
0x7e: {  	_ =	shalt  }
0x7f: {  	_ =	shalt  }
0x80: {  	_ =	shalt  }
0x81: {  	_ =	shalt  }
0x82: {  	_ =	shalt  }
0x83: {  	_ =	shalt  }
0x84: {  	_ =	shalt  }
0x85: {  	_ =	shalt  }
0x86: {  	_ =	shalt  }
0x87: {  	_ =	shalt  }
.Lfunc_end0:
.L_simem_size_0:
called_computation.3_lowered:
.L_overlay_start_0:
0x88: {  	s2 =	sld [smem:$0x3FD9]  }
0x89: {  	s3 =	sld [smem:$0x3FFE];
	_ =	sdelay $0x1  }
0x8a: {  	s1 =	srdreg.scid  }
0x8b: {  	s0 =	sand.u32 $0x1, s1  }
0x8c: {  	s16 =	sshll.u32 s0, $0xA;
	s2 =	sadd.s32 s3, s2  }
0x8d: {  	s2 =	sadd.s32 s2, s16  }
0x8e: {  	[smem:$0x3FB0] =	sst s2  }
0x8f: {  	_ = 	snop  }
0x90: {  	(tm) =	ssettm $0x1  }
0x91: {  	s17 =	sld [smem:$0x3FFB];
	_ =	sdelay $0x3  }
0x92: {  	_ =	strace s17  }
0x93: {  	s2 =	sld [smem:$0x3FFC];
	_ =	sdelay $0x3  }
0x94: {  	_ =	strace s2  }
0x95: {  	s2 =	sld [smem:$0x3FFD];
	_ =	sdelay $0x3  }
0x96: {  	_ =	strace s2  }
0x97: {  	_ =	strace $0x8FFFFFFF  }
0x98: {  	s18 =	sld [smem:$0x3FDB];
	_ =	sdelay $0x1  }
0x99: {  	s19 =	simm.s32 $_scs_section_size  }
0x9a: {  	s4 =	simm.s32 $_size__tile_overlayer_lowered;
	s5 =	simm.s32 $_tile_overlayer_lowered  }
0x9b: {  	s22 =	simm.s32 $0x1BFF;
	s21 =	sshll.u32 s5, $0x1;
	s2 =	sadd.s32 s19, s18  }
0x9c: {  	s6 =	simm.s32 $0x0;
	s20 =	sshll.u32 s4, $0x1;
	s4 =	sadd.s32 s21, s2  }
0x9d: {  	[timem:s6], [sflag:s22] =	dma.local [hbm:s4], s20  }
0x9e: {  	_ =	swait.ge [sflag:s22], s20  }
0x9f: {  	s3 =	ssub.s32 $0x0, s20;
	[sflag:s22] =	ssyncset.done $0x0  }
0xa0: {  	[sflag:s22] =	ssyncadd.s32 s3;
	_ =	sdelay $0x1  }
0xa1: {  	s23 =	simm.s32 $0x1B8B  }
0xa2: {  	_ =	swait.ge [sflag:s23], $0x1  }
0xa3: {  	[sflag:s23] =	ssyncset.done $0x0  }
0xa4: {  	s25 =	simm.s32 $0x1B8E;
	s24 =	sld [smem:$0x3FFE];
	[sflag:s23] =	ssyncadd.s32 $0xFFFFFFFF  }
0xa5: {  	s26 =	simm.s32 $execute0_lowered;
	[smem:$0x3FD2] =	sst s25  }
0xa6: {  	s4 =	sshll.u32 s26, $0x1;
	_ =	strace $0x8000004C;
	[dreg:$0x1] =	wrdreg $0xFFFFFFFF  }
0xa7: {  	s28 =	simm.s32 $_size_execute0_lowered;
	s2 =	sadd.s32 s2, s4;
	[dreg:$0x0] =	wrdreg $0x0  }
0xa8: {  	s4 =	sshll.u32 s28, $0x1;
	[dreg:$0x2] =	wrdreg s2  }
0xa9: {  	[dreg:$0x3] =	wrdreg s4  }
0xaa: {  	[dreg:$0x4] =	wrdreg $0xC0  }
0xab: {  	_ =	task [dreg:s6], $0x5FFFF  }
0xac: {  	[dreg:$0x1] =	wrdreg $0xFFFFFFFF  }
0xad: {  	[dreg:$0x0] =	wrdreg $0x60  }
0xae: {  	[dreg:$0x2] =	wrdreg s24  }
0xaf: {  	[dreg:$0x3] =	wrdreg $0xA  }
0xb0: {  	_ =	task.clear_ibuf [dreg:s6], $0x4FFFF;
	_ =	strace $0x9000004C  }
0xb1: {  	s29 =	simm.s32 $0xA;
	_ =	strace $0x8000004E  }
0xb2: {  	_ =	swait.ge [sflag:s29], $0x1  }
0xb3: {  	[sflag:s29] =	ssyncadd.s32 $0xFFFFFFFF  }
0xb4: {  	_ =	strace $0x9000004E  }
0xb5: {  	_ =	sfence  }
0xb6: {  	s30 =	sld [smem:$0x0];
	_ =	sdelay $0x2  }
0xb7: {  	s31 =	sshll.u32 s1, $0xD;
	s1 =	sshrl.u32 s1, $0x2  }
0xb8: {  	s3 =	sand.u32 $0x4000, s31;
	s1 =	sadd.s32 s1, s30  }
0xb9: {  	s0 =	sor.u32 s3, s0;
	s1 =	sshll.u32 s1, $0x11  }
0xba: {  	s0 =	sor.u32 s1, s0  }
0xbb: {  	s0 =	sadd.s32 $0x8F2B, s0  }
0xbc: {  	[sflag:s0] =	ssyncadd.remote.s32 $0x1  }
0xbd: {  	_ =	sfence.sel $0xFFFF  }
0xbe: {  	[dreg:$0x0] =	wrdreg $0xFFFFFFFF;
	(pc) =	sbr.abs _section_cstart, $3  }
0xbf: {  	[dreg:$0x1] =	wrdreg $0xFFFFFFFF  }
0xc0: {  	_ =	task.clear_ibuf [dreg:s6], $0x2FFFF;
	_ =	strace $0x9FFFFFFF  }
0xc1: {  	(tm) =	ssettm $0x7FFFFFFF  }
tec
execute0_lowered:
.L_overlay_start_1:
0x0: {  	(tag) =	ssettag $0x1  }
0x1: {  	s0 =	rddreg [dreg:$0x0]  }
0x2: {  	s1 =	simm.s32 $0x0;
	s2 =	srdreg.scid;
	s11 =	stileid.u32  }
0x3: {  	s16 =	simm.s32 $0x9;
	s17 =	simm.s32 $0x4000;
	s18 =	simm.s32 $0x50  }
0x4: {  	s28 =	simm.s32 $0x2;
	s29 =	simm.s32 $0x4;
	s30 =	simm.s32 $0x5  }
0x5: {  	s31 =	simm.s32 $0x7;
	[smem:$0x7FF] =	sst s1;
	s2 =	sand.u32 $0x1, s2  }
0x6: {  	s3 =	sadd.s32 $0x59A00, s0;
	s6 =	sshll.u32 s11, $0xB;
	s13 =	sadd.s32 $0xCF000, s0  }
0x7: {  	s25 =	smul.u32 $0x27100, s11;
	_ =	strace $0x8000004D;
	s4 =	sshll.u32 s2, $0x4  }
0x8: {  	s5 =	sshll.u32 s2, $0xF;
	s8 =	ssub.s32 $0x2, s2;
	s2 =	smul.u32 $0x271000, s2  }
0x9: {  	s7 =	sor.u32 s11, s4;
	s4 =	sadd.s32 $0x80C00, s0;
	s5 =	sor.u32 s6, s5  }
0xa: {  	s9 =	sshrl.u32 s8, $0x1;
	s19 =	smul.u32 $0x138800, s7;
	s5 =	sadd.s32 s5, s0  }
0xb: {  	s0 =	sadd.s32 $0xF26C00, s0;
	s9 =	ssub.s32 s8, s9;
	s22 =	smul.u32 $0x27100, s7  }
0xc: {  	s26 =	sadd.s32 s2, s13;
	s20 =	sadd.s32 $0x12800, s5;
	s5 =	sadd.s32 $0x22800, s5  }
0xd: {  	s23 =	smax.u32 s9, $0x1;
	s14 =	sadd.s32 s25, s26;
	[dreg:$0x2] =	wrdreg s20  }
0xe: {  	s26 =	simm.s32 $0xF800;
	s6 =	sshrl.u32 s19, $0x3;
	[dreg:$0x3] =	wrdreg s5  }
0xf: {  	[dreg:$0x6] =	wrdreg s23;
	s10 =	sadd.s32 s13, s22;
	s24 =	sadd.s32 $0x500, s22  }
0x10: {  	s11 =	sadd.s32 s0, s22;
	s19 =	simm.s32 $0x8000;
	s20 =	simm.s32 $0xD000  }
0x11: {  	s22 =	simm.s32 $0x3;
	s23 =	simm.s32 $0x6;
	s6 =	sadd.s32 $0x26C00, s6  }
0x12: {  	s12 =	sadd.s32 s13, s24;
	s21 =	sadd.s32 s13, s6;
	s6 =	sadd.s32 s0, s6  }
0x13: {  	s13 =	sadd.s32 s0, s24;
	s0 =	sadd.s32 s2, s0;
	[dreg:$0x4] =	wrdreg s21  }
0x14: {  	s24 =	simm.s32 $0xA800;
	[dreg:$0x5] =	wrdreg s6;
	s15 =	sadd.s32 s25, s0  }
0x15: {  	s21 =	simm.s32 $0x1;
	s25 =	simm.s32 $0x8;
	s0 =	simm.s32 $0x0  }
.LBB2_1:
0x16: {  	s2 =	rddreg [dreg:$0x2]  }
0x17: {  	[tilespmem:s1], [sflag:$0x9] =	stream.linear.gather [hbm4b:s2+s1], $0x3E80, $0x38;
	[tilespmem:$0x12000] =	vst v63  }
0x18: {  	_ =	swait.ge [sflag:s16], $0x3E80  }
0x19: {  	[sflag:s16] =	ssyncset.done $0x0  }
0x1a: {  	s6 =	rddreg [dreg:$0x3];
	[sflag:s16] =	ssyncadd.s32 $0xFFFFC180  }
0x1b: {  	[tilespmem:s17], [sflag:$0x9] =	stream.linear.gather [hbm4b:s6+s1], $0x3E80, $0x38;
	[tilespmem:$0x12000] =	vst v63  }
0x1c: {  	_ =	swait.ge [sflag:s16], $0x3E80  }
0x1d: {  	[sflag:s16] =	ssyncset.done $0x0  }
0x1e: {  	[sflag:s16] =	ssyncadd.s32 $0xFFFFC180  }
0x1f: {  	[tilespmem:s19], [sflag:$0x1] =	stream.indirect.gather [hbm4b:s3+s18], $0x80, s1, s18, $0xb8;
	[tilespmem:$0x12000] =	vst v63  }
0x20: {  	_ = 	snop  }
0x21: {  	[tilespmem:s20], [sflag:$0x3] =	stream.indirect.gather [hbm4b:s4+s18], $0x80, s17, s18, $0xb8;
	[tilespmem:$0x12000] =	vst v63  }
0x22: {  	_ =	swait.ge [sflag:s21], $0x2800  }
0x23: {  	[sflag:s21] =	ssyncset.done $0x0  }
0x24: {  	[sflag:s21] =	ssyncadd.s32 $0xFFFFD800  }
0x25: {  	_ =	swait.ge [sflag:s22], $0x2800  }
0x26: {  	[sflag:s22] =	ssyncset.done $0x0  }
0x27: {  	s7 =	simm.s32 $0x80;
	[sflag:s22] =	ssyncadd.s32 $0xFFFFD800  }
0x28: {  	[tilespmem:s24], [sflag:$0x2] =	stream.indirect.gather [hbm4b:s3+s18], $0x80, s7, s18, $0xb8;
	[tilespmem:$0x12000] =	vst v63  }
0x29: {  	s8 =	simm.s32 $0x4080  }
0x2a: {  	[tilespmem:s26], [sflag:$0x4] =	stream.indirect.gather [hbm4b:s4+s18], $0x80, s8, s18, $0xb8;
	[tilespmem:$0x12000] =	vst v63  }
0x2b: {  	_ = 	snop  }
0x2c: {  	[hbm4b:s10+s1] =	stream.linear.scatter [tilespmem:s19], [sflag:$0x5], $0x2800, $0x38;
	[tilespmem:$0x12000] =	vst v63  }
0x2d: {  	_ = 	snop  }
0x2e: {  	[hbm4b:s11+s1] =	stream.linear.scatter [tilespmem:s20], [sflag:$0x7], $0x2800, $0x38;
	[tilespmem:$0x12000] =	vst v63  }
0x2f: {  	_ =	swait.ge [sflag:s28], $0x2800  }
0x30: {  	[sflag:s28] =	ssyncset.done $0x0  }
0x31: {  	[sflag:s28] =	ssyncadd.s32 $0xFFFFD800  }
0x32: {  	_ =	swait.ge [sflag:s29], $0x2800  }
0x33: {  	[sflag:s29] =	ssyncset.done $0x0  }
0x34: {  	[sflag:s29] =	ssyncadd.s32 $0xFFFFD800  }
0x35: {  	_ =	swait.ge [sflag:s30], $0x2800  }
0x36: {  	[sflag:s30] =	ssyncset.done $0x0  }
0x37: {  	[sflag:s30] =	ssyncadd.s32 $0xFFFFD800  }
0x38: {  	_ =	swait.ge [sflag:s31], $0x2800  }
0x39: {  	[sflag:s31] =	ssyncset.done $0x0  }
0x3a: {  	s9 =	simm.s32 $0x100;
	[sflag:s31] =	ssyncadd.s32 $0xFFFFD800  }
0x3b: {  	[tilespmem:s19], [sflag:$0x1] =	stream.indirect.gather [hbm4b:s3+s18], $0x80, s9, s18, $0xb8;
	[tilespmem:$0x12000] =	vst v63  }
0x3c: {  	s5 =	simm.s32 $0x4100  }
0x3d: {  	[tilespmem:s20], [sflag:$0x3] =	stream.indirect.gather [hbm4b:s4+s18], $0x80, s5, s18, $0xb8;
	[tilespmem:$0x12000] =	vst v63  }
0x3e: {  	_ = 	snop  }
0x3f: {  	[hbm4b:s12+s1] =	stream.linear.scatter [tilespmem:s24], [sflag:$0x6], $0x2800, $0x38;
	[tilespmem:$0x12000] =	vst v63  }
0x40: {  	_ = 	snop  }
0x41: {  	[hbm4b:s13+s1] =	stream.linear.scatter [tilespmem:s26], [sflag:$0x8], $0x2800, $0x38;
	[tilespmem:$0x12000] =	vst v63  }
0x42: {  	_ =	swait.ge [sflag:s21], $0x2800  }
0x43: {  	[sflag:s21] =	ssyncset.done $0x0  }
0x44: {  	[sflag:s21] =	ssyncadd.s32 $0xFFFFD800  }
0x45: {  	_ =	swait.ge [sflag:s22], $0x2800  }
0x46: {  	[sflag:s22] =	ssyncset.done $0x0  }
0x47: {  	[sflag:s22] =	ssyncadd.s32 $0xFFFFD800  }
0x48: {  	_ =	swait.ge [sflag:s23], $0x2800  }
0x49: {  	[sflag:s23] =	ssyncset.done $0x0  }
0x4a: {  	[sflag:s23] =	ssyncadd.s32 $0xFFFFD800  }
0x4b: {  	_ =	swait.ge [sflag:s25], $0x2800  }
0x4c: {  	[sflag:s25] =	ssyncset.done $0x0  }
0x4d: {  	s6 =	simm.s32 $0x180;
	[sflag:s25] =	ssyncadd.s32 $0xFFFFD800  }
0x4e: {  	[tilespmem:s24], [sflag:$0x2] =	stream.indirect.gather [hbm4b:s3+s18], $0x80, s6, s18, $0xb8;
	[tilespmem:$0x12000] =	vst v63  }
0x4f: {  	s7 =	simm.s32 $0x4180;
	s5 =	sadd.s32 $0x0, s14  }
0x50: {  	[tilespmem:s26], [sflag:$0x4] =	stream.indirect.gather [hbm4b:s4+s18], $0x80, s7, s18, $0xb8;
	[tilespmem:$0x12000] =	vst v63  }
0x51: {  	s8 =	sadd.s32 $0xA00, s5;
	s6 =	sadd.s32 $0x0, s15  }
0x52: {  	[hbm4b:s8+s1] =	stream.linear.scatter [tilespmem:s19], [sflag:$0x5], $0x2800, $0x38;
	[tilespmem:$0x12000] =	vst v63  }
0x53: {  	s9 =	sadd.s32 $0xA00, s6  }
0x54: {  	[hbm4b:s9+s1] =	stream.linear.scatter [tilespmem:s20], [sflag:$0x7], $0x2800, $0x38;
	[tilespmem:$0x12000] =	vst v63  }
0x55: {  	_ =	swait.ge [sflag:s28], $0x2800  }
0x56: {  	[sflag:s28] =	ssyncset.done $0x0  }
0x57: {  	[sflag:s28] =	ssyncadd.s32 $0xFFFFD800  }
0x58: {  	_ =	swait.ge [sflag:s29], $0x2800  }
0x59: {  	[sflag:s29] =	ssyncset.done $0x0  }
0x5a: {  	[sflag:s29] =	ssyncadd.s32 $0xFFFFD800  }
0x5b: {  	_ =	swait.ge [sflag:s30], $0x2800  }
0x5c: {  	[sflag:s30] =	ssyncset.done $0x0  }
0x5d: {  	[sflag:s30] =	ssyncadd.s32 $0xFFFFD800  }
0x5e: {  	_ =	swait.ge [sflag:s31], $0x2800  }
0x5f: {  	[sflag:s31] =	ssyncset.done $0x0  }
0x60: {  	s7 =	simm.s32 $0x200;
	[sflag:s31] =	ssyncadd.s32 $0xFFFFD800  }
0x61: {  	[tilespmem:s19], [sflag:$0x1] =	stream.indirect.gather [hbm4b:s3+s18], $0x80, s7, s18, $0xb8;
	[tilespmem:$0x12000] =	vst v63  }
0x62: {  	s2 =	simm.s32 $0xA00;
	s8 =	simm.s32 $0x4200;
	s9 =	sadd.s32 $0xF00, s5  }
0x63: {  	[tilespmem:s20], [sflag:$0x3] =	stream.indirect.gather [hbm4b:s4+s18], $0x80, s8, s18, $0xb8;
	[tilespmem:$0x12000] =	vst v63  }
0x64: {  	s5 =	simm.s32 $0x280;
	s7 =	sadd.s32 $0xF00, s6;
	s6 =	simm.s32 $0x4280  }
0x65: {  	[hbm4b:s9+s1] =	stream.linear.scatter [tilespmem:s24], [sflag:$0x6], $0x2800, $0x38;
	[tilespmem:$0x12000] =	vst v63  }
.LBB2_2:
0x66: {  	[hbm4b:s7+s1] =	stream.linear.scatter [tilespmem:s26], [sflag:$0x8], $0x2800, $0x38;
	[tilespmem:$0x12000] =	vst v63  }
0x67: {  	s7 =	smov.u32 s2  }
0x68: {  	p0 =	sne.s32 s2, $0x25800;
	s2 =	sadd.s32 $0xA00, s2;
	_ =	swait.ge [sflag:s21], $0x2800  }
0x69: {  	[sflag:s21] =	ssyncset.done $0x0  }
0x6a: {  	[sflag:s21] =	ssyncadd.s32 $0xFFFFD800  }
0x6b: {  	_ =	swait.ge [sflag:s22], $0x2800  }
0x6c: {  	[sflag:s22] =	ssyncset.done $0x0  }
0x6d: {  	[sflag:s22] =	ssyncadd.s32 $0xFFFFD800  }
0x6e: {  	_ =	swait.ge [sflag:s23], $0x2800  }
0x6f: {  	[sflag:s23] =	ssyncset.done $0x0  }
0x70: {  	[sflag:s23] =	ssyncadd.s32 $0xFFFFD800  }
0x71: {  	_ =	swait.ge [sflag:s25], $0x2800  }
0x72: {  	[sflag:s25] =	ssyncset.done $0x0  }
0x73: {  	[sflag:s25] =	ssyncadd.s32 $0xFFFFD800  }
0x74: {  	[tilespmem:s24], [sflag:$0x2] =	stream.indirect.gather [hbm4b:s3+s18], $0x80, s5, s18, $0xb8;
	[tilespmem:$0x12000] =	vst v63  }
0x75: {  	s8 =	sadd.s32 s7, s14  }
0x76: {  	[tilespmem:s26], [sflag:$0x4] =	stream.indirect.gather [hbm4b:s4+s18], $0x80, s6, s18, $0xb8;
	[tilespmem:$0x12000] =	vst v63  }
0x77: {  	s7 =	sadd.s32 s7, s15;
	s9 =	sadd.s32 $0xA00, s8  }
0x78: {  	[hbm4b:s9+s1] =	stream.linear.scatter [tilespmem:s19], [sflag:$0x5], $0x2800, $0x38;
	[tilespmem:$0x12000] =	vst v63  }
0x79: {  	s9 =	sadd.s32 $0xA00, s7  }
0x7a: {  	[hbm4b:s9+s1] =	stream.linear.scatter [tilespmem:s20], [sflag:$0x7], $0x2800, $0x38;
	[tilespmem:$0x12000] =	vst v63  }
0x7b: {  	_ =	swait.ge [sflag:s28], $0x2800  }
0x7c: {  	[sflag:s28] =	ssyncset.done $0x0  }
0x7d: {  	[sflag:s28] =	ssyncadd.s32 $0xFFFFD800  }
0x7e: {  	_ =	swait.ge [sflag:s29], $0x2800  }
0x7f: {  	[sflag:s29] =	ssyncset.done $0x0  }
0x80: {  	[sflag:s29] =	ssyncadd.s32 $0xFFFFD800  }
0x81: {  	_ =	swait.ge [sflag:s30], $0x2800  }
0x82: {  	[sflag:s30] =	ssyncset.done $0x0  }
0x83: {  	[sflag:s30] =	ssyncadd.s32 $0xFFFFD800  }
0x84: {  	_ =	swait.ge [sflag:s31], $0x2800  }
0x85: {  	[sflag:s31] =	ssyncset.done $0x0  }
0x86: {  	s9 =	sadd.s32 $0x80, s5;
	[sflag:s31] =	ssyncadd.s32 $0xFFFFD800  }
0x87: {  	[tilespmem:s19], [sflag:$0x1] =	stream.indirect.gather [hbm4b:s3+s18], $0x80, s9, s18, $0xb8;
	[tilespmem:$0x12000] =	vst v63  }
.Ltmp0:
0x88: {  	s9 =	sadd.s32 $0x80, s6;
	(pc) =	sbr.rel @p0 .LBB2_2-.Ltmp0, $4  }
0x89: {  	[tilespmem:s20], [sflag:$0x3] =	stream.indirect.gather [hbm4b:s4+s18], $0x80, s9, s18, $0xb8;
	[tilespmem:$0x12000] =	vst v63  }
0x8a: {  	s8 =	sadd.s32 $0xF00, s8  }
0x8b: {  	[hbm4b:s8+s1] =	stream.linear.scatter [tilespmem:s24], [sflag:$0x6], $0x2800, $0x38;
	[tilespmem:$0x12000] =	vst v63  }
0x8c: {  	s7 =	sadd.s32 $0xF00, s7;
	s5 =	sadd.s32 $0x100, s5;
	s6 =	sadd.s32 $0x100, s6  }
0x8d: {  	[hbm4b:s7+s1] =	stream.linear.scatter [tilespmem:s26], [sflag:$0x8], $0x2800, $0x38;
	[tilespmem:$0x12000] =	vst v63  }
0x8e: {  	_ =	swait.ge [sflag:s21], $0x2800  }
0x8f: {  	[sflag:s21] =	ssyncset.done $0x0  }
0x90: {  	[sflag:s21] =	ssyncadd.s32 $0xFFFFD800  }
0x91: {  	_ =	swait.ge [sflag:s22], $0x2800  }
0x92: {  	[sflag:s22] =	ssyncset.done $0x0  }
0x93: {  	[sflag:s22] =	ssyncadd.s32 $0xFFFFD800  }
0x94: {  	_ =	swait.ge [sflag:s23], $0x2800  }
0x95: {  	[sflag:s23] =	ssyncset.done $0x0  }
0x96: {  	[sflag:s23] =	ssyncadd.s32 $0xFFFFD800  }
0x97: {  	_ =	swait.ge [sflag:s25], $0x2800  }
0x98: {  	[sflag:s25] =	ssyncset.done $0x0  }
0x99: {  	s2 =	rddreg [dreg:$0x4];
	[sflag:s25] =	ssyncadd.s32 $0xFFFFD800  }
0x9a: {  	[hbm4b:s2+s1] =	stream.linear.scatter [tilespmem:s19], [sflag:$0x9], $0x2800, $0x38;
	[tilespmem:$0x12000] =	vst v63  }
0x9b: {  	_ =	swait.ge [sflag:s16], $0x2800  }
0x9c: {  	[sflag:s16] =	ssyncset.done $0x0  }
0x9d: {  	s8 =	rddreg [dreg:$0x5];
	[sflag:s16] =	ssyncadd.s32 $0xFFFFD800  }
0x9e: {  	[hbm4b:s8+s1] =	stream.linear.scatter [tilespmem:s20], [sflag:$0x9], $0x2800, $0x38;
	[tilespmem:$0x12000] =	vst v63  }
0x9f: {  	_ =	swait.ge [sflag:s16], $0x2800  }
0xa0: {  	s0 =	sadd.s32 $0x1, s0;
	s9 =	rddreg [dreg:$0x6]  }
0xa1: {  	p0 =	sne.s32 s0, s9  }
.Ltmp1:
0xa2: {  	_ = 	snop;
	(pc) =	sbr.rel @p0 .LBB2_1-.Ltmp1, $3  }
0xa3: {  	_ =	sdelay $0x1  }
0xa4: {  	[sflag:s16] =	ssyncset.done $0x0  }
0xa5: {  	[sflag:s16] =	ssyncadd.s32 $0xFFFFD800  }
0xa6: {  	_ =	sfence.sel $0x180000  }
0xa7: {  	[bflag:$0x0] =	sbarrier.arrive $0xFFFF  }
0xa8: {  	_ =	strace $0x9000004D  }
0xa9: {  	s0 =	stileid.u32;
	[bflag:$0x2] =	sbarrier.arrive $0xFFFF  }
0xaa: {  	p0 =	sne.s32 s0, $0x0;
	s0 =	rddreg [dreg:$0x1]  }
0xab: {  	s0 =	sadd.s32 @!p0 $0x100000, s0  }
0xac: {  	[sflag:s0] =	ssyncadd.tile.s32 @!p0 $0x1;
	_ =	shalt  }
.Lfunc_end2:
_tile_overlayer_lowered:
.L_overlay_start_2:
0xad: {  	(tag) =	ssettag $0x2  }
0xae: {  	s0 =	rddreg [dreg:$0x0];
	s2 =	stileid.u32  }
0xaf: {  	s1 =	rddreg [dreg:$0x1];
	p0 =	sne.s32 s2, $0x0  }
0xb0: {  	s3 =	rddreg [dreg:$0x2];
	[bflag:$0x3] =	sbarrier.arrive $0xFFFF;
	s2 =	simm.s32 @!p0 $0x1C09  }
0xb1: {  	[timem:s3], [sflag:s2] =	dma.local @!p0 [hbm:s0], s1  }
0xb2: {  	s0 =	simm.s32 @!p0 $0x9  }
0xb3: {  	_ =	swait.ge @!p0 [sflag:s0], s1  }
0xb4: {  	s1 =	ssub.s32 @!p0 $0x0, s1;
	[sflag:s0] =	ssyncset.done @!p0 $0x0  }
0xb5: {  	[sflag:s0] =	ssyncadd.s32 @!p0 s1  }
0xb6: {  	[bflag:$0x3] =	sbarrier.arrive $0xFFFF  }
0xb7: {  	_ =	shalt  }

// kernel: kernel.24.cloned.1.call-start
scs
__scs_entry_jumppad:
0x0: {  	(pc) =	sbr.rel $0x88, $3  }
0x1: {  	(tag) =	ssettag $0x0;
	lr =	simm.s32 $0x1  }
0x2: {  	[smem:$0x3F89] =	sst lr;
	_ =	strace $0xD0000000  }
0x3: {  	_ = 	snop  }
0x4: {  	_ = 	snop  }
0x5: {  	_ = 	snop  }
0x6: {  	_ = 	snop  }
0x7: {  	_ = 	snop  }
__scs_overlays_trampoline_lowered:
0x8: {  	[smem:$0x3F98] =	sst s0  }
0x9: {  	[smem:$0x3F99] =	sst s1  }
0xa: {  	[smem:$0x3F9A] =	sst s2  }
0xb: {  	[smem:$0x3F9B] =	sst s3  }
0xc: {  	[smem:$0x3F9C] =	sst s4  }
0xd: {  	[smem:$0x3F9D] =	sst s5  }
0xe: {  	[smem:$0x3F9E] =	sst s6  }
0xf: {  	[smem:$0x3F9F] =	sst s7  }
0x10: {  	[smem:$0x3FA0] =	sst s8  }
0x11: {  	[smem:$0x3FA1] =	sst s9;
	s0 =	simm.s32 @!p0 $0x0  }
0x12: {  	s1 =	sld [smem:$0x3F87];
	s0 =	simm.s32 @p0 $0x1  }
0x13: {  	[smem:$0x3FA2] =	sst s0;
	s0 =	simm.s32 @!p1 $0x0  }
0x14: {  	s2 =	sld [smem:$0x3F86];
	s0 =	simm.s32 @p1 $0x1  }
0x15: {  	[smem:$0x3FA3] =	sst s0;
	s0 =	simm.s32 @!p2 $0x0  }
0x16: {  	s3 =	sld [smem:$0x3FDB];
	s0 =	simm.s32 @p2 $0x1  }
0x17: {  	s4 =	simm.s32 $0x1BF5;
	[smem:$0x3FA5] =	sst s0  }
0x18: {  	s0 =	sld [smem:$0x3F88];
	_ =	swait.ge [sflag:s4], $0x0  }
0x19: {  	s7 =	sld [smem:$0x3F89]  }
0x1a: {  	s8 =	sadd.s32 $0xFFFFE003, lr  }
0x1b: {  	s9 =	sadd.s32 $0xFFFFFEF7, lr;
	s5 =	simm.s32 $0xFFFFFFFF;
	p2 =	slt.u32 s8, $0xFFFFF086  }
0x1c: {  	p1 =	slt.u32 s9, $0xF7A;
	s5 =	simm.s32 @!p2 $0x0  }
0x1d: {  	s5 =	simm.s32 @p1 $0x1;
	p0 =	seq.s32 s7, s2  }
0x1e: {  	s7 =	smul.u32 @!p0 $0xF7A, s2;
	p2 =	seq.s32 @!p0 s5, $0x0  }
0x1f: {  	s9 =	smul.u32 $0xF7A, s1;
	s8 =	simm.s32 @!p0 $0x1BF5;
	p2 =	por !p2, p0  }
0x20: {  	[sflag:s8] =	ssyncset.s32 @!p0 $0xFFFFF086;
	s6 =	sadd.s32 @!p0 s3, s7;
	s7 =	simm.s32 @!p0 $0x108  }
0x21: {  	s3 =	sadd.s32 s3, s9;
	s6 =	sadd.s32 @!p0 $0x88, s6;
	s7 =	simm.s32 @p2 $0x1082  }
0x22: {  	[simem:s7], [sflag:s8] =	dma.local @!p0 [hbm:s6], $0xF7A  }
0x23: {  	s9 =	sor.u32 $0xD0000000, s2;
	s6 =	simm.s32 $0x108;
	_ =	swait.ge @!p0 [sflag:s8], $0x0  }
0x24: {  	s3 =	sadd.s32 $0x88, s3;
	s6 =	simm.s32 @!p1 $0x1082;
	[sflag:s4] =	ssyncset.s32 $0xFFFFF086  }
0x25: {  	[simem:s6], [sflag:s4] =	dma.local [hbm:s3], $0xF7A  }
0x26: {  	[smem:$0x3F89] =	sst s1;
	(tag) =	ssettag s2;
	_ =	strace s9  }
0x27: {  	s1 =	sld [smem:$0x3F99]  }
0x28: {  	s2 =	sld [smem:$0x3F9A]  }
0x29: {  	s4 =	sld [smem:$0x3F9C]  }
0x2a: {  	p0 =	seq.s32 s5, $0x0;
	s5 =	sld [smem:$0x3F9D]  }
0x2b: {  	s6 =	sld [smem:$0x3F9E]  }
0x2c: {  	s7 =	sld [smem:$0x3F9F]  }
0x2d: {  	s3 =	simm.s32 $0x108;
	s8 =	sld [smem:$0x3FA0]  }
0x2e: {  	s3 =	simm.s32 @!p0 $0x1082;
	s9 =	sld [smem:$0x3FA1]  }
0x2f: {  	lr =	sadd.s32 s0, s3;
	s0 =	sld [smem:$0x3F98]  }
0x30: {  	s3 =	sld [smem:$0x3F9B]  }
0x31: {  	[smem:$0x3FA4] =	sst s10  }
0x32: {  	s10 =	sld [smem:$0x3FA2];
	_ =	sdelay $0x3  }
0x33: {  	p0 =	seq.s32 s10, $0x1;
	s10 =	sld [smem:$0x3FA4];
	_ =	sdelay $0x3  }
0x34: {  	[smem:$0x3FA4] =	sst s10  }
0x35: {  	s10 =	sld [smem:$0x3FA3];
	_ =	sdelay $0x3  }
0x36: {  	p1 =	seq.s32 s10, $0x1;
	s10 =	sld [smem:$0x3FA4];
	_ =	sdelay $0x3  }
0x37: {  	[smem:$0x3FA4] =	sst s10  }
0x38: {  	s10 =	sld [smem:$0x3FA5]  }
0x39: {  	_ = 	snop;
	(pc) =	sbr.ind lr, $3  }
0x3a: {  	_ = 	snop  }
0x3b: {  	_ = 	snop  }
0x3c: {  	p2 =	seq.s32 s10, $0x1;
	s10 =	sld [smem:$0x3FA4]  }
0x3d: {  	_ =	shalt  }
0x3e: {  	_ =	shalt  }
0x3f: {  	_ =	shalt  }
0x40: {  	_ =	shalt  }
0x41: {  	_ =	shalt  }
0x42: {  	_ =	shalt  }
0x43: {  	_ =	shalt  }
0x44: {  	_ =	shalt  }
0x45: {  	_ =	shalt  }
0x46: {  	_ =	shalt  }
0x47: {  	_ =	shalt  }
0x48: {  	_ =	shalt  }
0x49: {  	_ =	shalt  }
0x4a: {  	_ =	shalt  }
0x4b: {  	_ =	shalt  }
0x4c: {  	_ =	shalt  }
0x4d: {  	_ =	shalt  }
0x4e: {  	_ =	shalt  }
0x4f: {  	_ =	shalt  }
0x50: {  	_ =	shalt  }
0x51: {  	_ =	shalt  }
0x52: {  	_ =	shalt  }
0x53: {  	_ =	shalt  }
0x54: {  	_ =	shalt  }
0x55: {  	_ =	shalt  }
0x56: {  	_ =	shalt  }
0x57: {  	_ =	shalt  }
0x58: {  	_ =	shalt  }
0x59: {  	_ =	shalt  }
0x5a: {  	_ =	shalt  }
0x5b: {  	_ =	shalt  }
0x5c: {  	_ =	shalt  }
0x5d: {  	_ =	shalt  }
0x5e: {  	_ =	shalt  }
0x5f: {  	_ =	shalt  }
0x60: {  	_ =	shalt  }
0x61: {  	_ =	shalt  }
0x62: {  	_ =	shalt  }
0x63: {  	_ =	shalt  }
0x64: {  	_ =	shalt  }
0x65: {  	_ =	shalt  }
0x66: {  	_ =	shalt  }
0x67: {  	_ =	shalt  }
0x68: {  	_ =	shalt  }
0x69: {  	_ =	shalt  }
0x6a: {  	_ =	shalt  }
0x6b: {  	_ =	shalt  }
0x6c: {  	_ =	shalt  }
0x6d: {  	_ =	shalt  }
0x6e: {  	_ =	shalt  }
0x6f: {  	_ =	shalt  }
0x70: {  	_ =	shalt  }
0x71: {  	_ =	shalt  }
0x72: {  	_ =	shalt  }
0x73: {  	_ =	shalt  }
0x74: {  	_ =	shalt  }
0x75: {  	_ =	shalt  }
0x76: {  	_ =	shalt  }
0x77: {  	_ =	shalt  }
0x78: {  	_ =	shalt  }
0x79: {  	_ =	shalt  }
0x7a: {  	_ =	shalt  }
0x7b: {  	_ =	shalt  }
0x7c: {  	_ =	shalt  }
0x7d: {  	_ =	shalt  }
0x7e: {  	_ =	shalt  }
0x7f: {  	_ =	shalt  }
0x80: {  	_ =	shalt  }
0x81: {  	_ =	shalt  }
0x82: {  	_ =	shalt  }
0x83: {  	_ =	shalt  }
0x84: {  	_ =	shalt  }
0x85: {  	_ =	shalt  }
0x86: {  	_ =	shalt  }
0x87: {  	_ =	shalt  }
.Lfunc_end0:
.L_simem_size_0:
called_computation.4_lowered:
.L_overlay_start_0:
0x88: {  	s2 =	sld [smem:$0x3FD9]  }
0x89: {  	s3 =	sld [smem:$0x3FFE];
	_ =	sdelay $0x1  }
0x8a: {  	s1 =	srdreg.scid  }
0x8b: {  	s0 =	sand.u32 $0x1, s1  }
0x8c: {  	s17 =	sshll.u32 s0, $0xA;
	s2 =	sadd.s32 s3, s2  }
0x8d: {  	s2 =	sadd.s32 s2, s17  }
0x8e: {  	[smem:$0x3FB0] =	sst s2  }
0x8f: {  	_ = 	snop  }
0x90: {  	(tm) =	ssettm $0x1  }
0x91: {  	s18 =	sld [smem:$0x3FFB];
	_ =	sdelay $0x3  }
0x92: {  	_ =	strace s18  }
0x93: {  	s2 =	sld [smem:$0x3FFC];
	_ =	sdelay $0x3  }
0x94: {  	_ =	strace s2  }
0x95: {  	s2 =	sld [smem:$0x3FFD];
	_ =	sdelay $0x3  }
0x96: {  	_ =	strace s2  }
0x97: {  	_ =	strace $0x8FFFFFFF  }
0x98: {  	s19 =	sld [smem:$0x3FDB];
	_ =	sdelay $0x1  }
0x99: {  	s20 =	simm.s32 $_scs_section_size  }
0x9a: {  	s4 =	simm.s32 $_size__tile_overlayer_lowered;
	s5 =	simm.s32 $_tile_overlayer_lowered  }
0x9b: {  	s6 =	simm.s32 $0x1BFF;
	s21 =	sshll.u32 s5, $0x1;
	s3 =	sadd.s32 s20, s19  }
0x9c: {  	s22 =	simm.s32 $0x0;
	s4 =	sshll.u32 s4, $0x1;
	s5 =	sadd.s32 s21, s3  }
0x9d: {  	[timem:s22], [sflag:s6] =	dma.local [hbm:s5], s4  }
0x9e: {  	_ =	swait.ge [sflag:s6], s4  }
0x9f: {  	s4 =	ssub.s32 $0x0, s4;
	[sflag:s6] =	ssyncset.done $0x0  }
0xa0: {  	[sflag:s6] =	ssyncadd.s32 s4;
	_ =	sdelay $0x1  }
0xa1: {  	s23 =	simm.s32 $0x1B8B  }
0xa2: {  	_ =	swait.ge [sflag:s23], $0x1  }
0xa3: {  	[sflag:s23] =	ssyncset.done $0x0  }
0xa4: {  	[sflag:s23] =	ssyncadd.s32 $0xFFFFFFFF  }
0xa5: {  	s4 =	sld [smem:$0x0]  }
0xa6: {  	s5 =	sand.u32 $0xFFFFFFFE, s1  }
0xa7: {  	p0 =	sne.s32 s1, s5  }
0xa8: {  	s5 =	sshll.u32 @p0 s5, $0xE  }
0xa9: {  	s5 =	sadd.s32 @p0 $0x11B8D, s5;
	s6 =	sshll.u32 @p0 s4, $0x11  }
0xaa: {  	s5 =	sor.u32 @p0 s6, s5  }
0xab: {  	[sflag:s5] =	ssyncadd.remote.s32 @p0 $0x1;
	_ =	sdelay $0x1  }
0xac: {  	s5 =	simm.s32 @p0 $0x1B8D  }
0xad: {  	_ =	swait.eq @p0 [sflag:s5], $0x1  }
0xae: {  	[sflag:s5] =	ssyncadd.s32 @p0 $0xFFFFFFFF  }
0xaf: {  	s6 =	sshll.u32 @!p0 s1, $0xE  }
0xb0: {  	s6 =	sor.u32 @!p0 $0x4000, s6;
	s5 =	simm.s32 @!p0 $0x1B8D  }
0xb1: {  	s4 =	sshll.u32 @!p0 s4, $0x11;
	s6 =	sadd.s32 @!p0 $0x11B8D, s6;
	_ =	swait.eq @!p0 [sflag:s5], $0x1  }
0xb2: {  	s4 =	sor.u32 @!p0 s4, s6;
	[sflag:s5] =	ssyncadd.s32 @!p0 $0xFFFFFFFF  }
0xb3: {  	s25 =	simm.s32 $0x1B8E;
	s24 =	sld [smem:$0x3FFE];
	[sflag:s4] =	ssyncadd.remote.s32 @!p0 $0x1  }
0xb4: {  	s26 =	simm.s32 $execute0_lowered;
	[smem:$0x3FD2] =	sst s25  }
0xb5: {  	s5 =	sshll.u32 s26, $0x1;
	_ =	strace $0x80000052;
	[dreg:$0x1] =	wrdreg $0xFFFFFFFF  }
0xb6: {  	s28 =	simm.s32 $_size_execute0_lowered;
	s3 =	sadd.s32 s3, s5;
	[dreg:$0x0] =	wrdreg $0x0  }
0xb7: {  	s5 =	sshll.u32 s28, $0x1;
	[dreg:$0x2] =	wrdreg s3  }
0xb8: {  	[dreg:$0x3] =	wrdreg s5  }
0xb9: {  	[dreg:$0x4] =	wrdreg $0xC0  }
0xba: {  	_ =	task [dreg:s22], $0x5FFFF  }
0xbb: {  	[dreg:$0x1] =	wrdreg $0xFFFFFFFF  }
0xbc: {  	[dreg:$0x0] =	wrdreg $0x60  }
0xbd: {  	[dreg:$0x2] =	wrdreg s24  }
0xbe: {  	[dreg:$0x3] =	wrdreg $0x68000  }
0xbf: {  	[dreg:$0x4] =	wrdreg $0xA  }
0xc0: {  	_ =	task.clear_ibuf [dreg:s22], $0x5FFFF;
	_ =	strace $0x90000052  }
0xc1: {  	s29 =	simm.s32 $0xA;
	_ =	strace $0x80000054  }
0xc2: {  	_ =	swait.ge [sflag:s29], $0x1  }
0xc3: {  	[sflag:s29] =	ssyncadd.s32 $0xFFFFFFFF  }
0xc4: {  	_ =	strace $0x90000054  }
0xc5: {  	_ =	sfence  }
0xc6: {  	s30 =	sld [smem:$0x0];
	_ =	sdelay $0x2  }
0xc7: {  	s31 =	sshll.u32 s1, $0xD;
	s1 =	sshrl.u32 s1, $0x2  }
0xc8: {  	s4 =	sand.u32 $0x4000, s31;
	s1 =	sadd.s32 s1, s30  }
0xc9: {  	s0 =	sor.u32 s4, s0;
	s1 =	sshll.u32 s1, $0x11  }
0xca: {  	s0 =	sor.u32 s1, s0  }
0xcb: {  	s0 =	sadd.s32 $0x8F2B, s0  }
0xcc: {  	[sflag:s0] =	ssyncadd.remote.s32 $0x1  }
0xcd: {  	_ =	sfence.sel $0xFFFF  }
0xce: {  	[dreg:$0x0] =	wrdreg $0xFFFFFFFF;
	(pc) =	sbr.abs _section_cstart, $3  }
0xcf: {  	[dreg:$0x1] =	wrdreg $0xFFFFFFFF  }
0xd0: {  	_ =	task.clear_ibuf [dreg:s22], $0x2FFFF;
	_ =	strace $0x9FFFFFFF  }
0xd1: {  	(tm) =	ssettm $0x7FFFFFFF  }
tec
execute0_lowered:
.L_overlay_start_1:
0x0: {  	(tag) =	ssettag $0x1  }
0x1: {  	s6 =	rddreg [dreg:$0x0]  }
0x2: {  	s1 =	rddreg [dreg:$0x1];
	s3 =	srdreg.scid  }
0x3: {  	s0 =	rddreg [dreg:$0x2];
	s2 =	simm.s32 $0x0;
	s4 =	sand.u32 $0x1, s3  }
0x4: {  	s14 =	simm.s32 $0x50;
	s3 =	stileid.u32;
	s5 =	smul.u32 $0x271000, s4  }
0x5: {  	s17 =	simm.s32 $0x0;
	[smem:$0x7FF] =	sst s2;
	s15 =	smul.u32 $0x2700, s3  }
0x6: {  	s13 =	sadd.s32 $0x138000, s1;
	_ =	strace $0x80000053;
	s28 =	smul.u32 $0x27100, s4  }
0x7: {  	s7 =	sshll.u32 s3, $0xB;
	s10 =	ssub.s32 $0x2, s4;
	s11 =	smul.u32 $0x4E000, s3  }
0x8: {  	s4 =	sshll.u32 s4, $0xF;
	s30 =	smul.u32 $0x27100, s3;
	p0 =	sne.s32 s3, $0xF  }
0x9: {  	s31 =	sshll.u32 s3, $0x6;
	s26 =	sadd.s32 s7, s6;
	s12 =	sshrl.u32 s10, $0x1  }
0xa: {  	s8 =	sadd.s32 s5, s6;
	s9 =	sadd.s32 s15, s6;
	s7 =	sadd.s32 s28, s6  }
0xb: {  	s10 =	ssub.s32 s10, s12;
	s4 =	sadd.s32 s4, s26;
	s29 =	sshrl.u32 s11, $0x2  }
0xc: {  	s6 =	sadd.s32 $0x59800, s6;
	s12 =	sshrl.u32 @!p0 s13, $0x3;
	s13 =	simm.s32 $0x4000  }
0xd: {  	s4 =	sadd.s32 $0x12800, s4;
	s11 =	sadd.s32 s29, s1;
	s5 =	sadd.s32 $0x32800, s9  }
0xe: {  	s16 =	sadd.s32 $0x59A00, s7;
	s7 =	smax.u32 s10, $0x1;
	s8 =	sadd.s32 s30, s8  }
0xf: {  	s9 =	simm.s32 $0x1;
	s10 =	sor.u32 $0x1C01, s31;
	s8 =	sadd.s32 $0x1408C00, s8  }
0x10: {  	s11 =	sshrl.u32 s11, $0x3;
	s15 =	sadd.s32 s15, s16;
	s16 =	sadd.s32 @!p0 $0x27000, s16  }
.LBB2_1:
0x11: {  	[tilespmem:s2], [sflag:$0x1] =	stream.linear.gather [hbm4b:s4+s2], $0x3E80, $0x38;
	[tilespmem:$0x1A080] =	vst v63  }
0x12: {  	_ =	swait.ge [sflag:s9], $0x3E80  }
0x13: {  	[sflag:s9] =	ssyncset.done $0x0  }
0x14: {  	[sflag:s9] =	ssyncadd.s32 $0xFFFFC180  }
0x15: {  	[spmem:s11], [sflag:s10] =	dma.local [hbm:s5], $0x2700  }
0x16: {  	_ =	swait.ge [sflag:s9], $0x2700  }
0x17: {  	[sflag:s9] =	ssyncset.done $0x0  }
0x18: {  	s18 =	simm.s32 @!p0 $0x1;
	[sflag:s9] =	ssyncadd.s32 $0xFFFFD900  }
0x19: {  	[spmem:s12], [sflag:s10] =	dma.local @!p0 [hbm:s6], $0x100  }
0x1a: {  	_ =	swait.ge @!p0 [sflag:s18], $0x100  }
0x1b: {  	[sflag:s18] =	ssyncset.done @!p0 $0x0  }
0x1c: {  	[sflag:s18] =	ssyncadd.s32 @!p0 $0xFFFFFF00  }
0x1d: {  	[bflag:$0x0] =	sbarrier.arrive $0xFFFF  }
0x1e: {  	[tilespmem:s13], [sflag:$0x1] =	stream.linear.gather [hbm4b:s8+s2], $0x2800, $0x38;
	[tilespmem:$0x1A080] =	vst v63  }
0x1f: {  	_ =	swait.ge [sflag:s9], $0x2800  }
0x20: {  	[sflag:s9] =	ssyncset.done $0x0  }
0x21: {  	s31 =	simm.s32 $0x0;
	[sflag:s9] =	ssyncadd.s32 $0xFFFFD800  }
0x22: {  	[spmem:s1] =	stream.indirect.scatter.add.f32 [tilespmem:s13], [sflag:$0x1], $0x80, s31, s14, $0xb8;
	[tilespmem:$0x1A080] =	vst v63  }
0x23: {  	_ =	swait.ge [sflag:s9], $0x2800  }
0x24: {  	s19 =	smov.u32 s8;
	s18 =	simm.s32 $0x200;
	[sflag:s9] =	ssyncset.done $0x0  }
.LBB2_2:
0x25: {  	p1 =	sne.s32 s18, $0xF800;
	[sflag:s9] =	ssyncadd.s32 $0xFFFFD800;
	s19 =	sadd.s32 $0x500, s19  }
0x26: {  	[tilespmem:s13], [sflag:$0x1] =	stream.linear.gather [hbm4b:s19+s2], $0x2800, $0x38;
	[tilespmem:$0x1A080] =	vst v63  }
0x27: {  	s20 =	smov.u32 s18;
	s18 =	sadd.s32 $0x200, s18;
	_ =	swait.ge [sflag:s9], $0x2800  }
.Ltmp0:
0x28: {  	[sflag:s9] =	ssyncset.done $0x0;
	(pc) =	sbr.rel @p1 .LBB2_2-.Ltmp0, $4  }
0x29: {  	s20 =	sshra.s32 s20, $0x2;
	[sflag:s9] =	ssyncadd.s32 $0xFFFFD800  }
0x2a: {  	[spmem:s1] =	stream.indirect.scatter.add.f32 [tilespmem:s13], [sflag:$0x1], $0x80, s20, s14, $0xb8;
	[tilespmem:$0x1A080] =	vst v63  }
0x2b: {  	_ =	swait.ge [sflag:s9], $0x2800  }
0x2c: {  	[sflag:s9] =	ssyncset.done $0x0  }
0x2d: {  	[sflag:s9] =	ssyncadd.s32 $0xFFFFD800  }
0x2e: {  	[bflag:$0x0] =	sbarrier.arrive $0xFFFF  }
0x2f: {  	[hbm:s15], [sflag:s10] =	dma.local [spmem:s11], $0x2700  }
0x30: {  	s17 =	sadd.s32 $0x1, s17;
	_ =	swait.ge [sflag:s9], $0x2700  }
0x31: {  	p1 =	sne.s32 s17, s7;
	[sflag:s9] =	ssyncset.done $0x0  }
.Ltmp1:
0x32: {  	s18 =	simm.s32 @!p0 $0x1;
	[sflag:s9] =	ssyncadd.s32 $0xFFFFD900;
	(pc) =	sbr.rel @p1 .LBB2_1-.Ltmp1, $4  }
0x33: {  	[hbm:s16], [sflag:s10] =	dma.local @!p0 [spmem:s12], $0x100  }
0x34: {  	_ =	swait.ge @!p0 [sflag:s18], $0x100  }
0x35: {  	[sflag:s18] =	ssyncset.done @!p0 $0x0  }
0x36: {  	[sflag:s18] =	ssyncadd.s32 @!p0 $0xFFFFFF00  }
0x37: {  	_ =	sfence.sel $0x180000  }
0x38: {  	[bflag:$0x0] =	sbarrier.arrive $0xFFFF  }
0x39: {  	p0 =	sne.s32 s3, $0x0;
	_ =	strace $0x90000053  }
0x3a: {  	s0 =	sadd.s32 @!p0 $0x100000, s0;
	[bflag:$0x2] =	sbarrier.arrive $0xFFFF  }
0x3b: {  	[sflag:s0] =	ssyncadd.tile.s32 @!p0 $0x1;
	_ =	shalt  }
.Lfunc_end2:
_tile_overlayer_lowered:
.L_overlay_start_2:
0x3c: {  	(tag) =	ssettag $0x2  }
0x3d: {  	s0 =	rddreg [dreg:$0x0];
	s2 =	stileid.u32  }
0x3e: {  	s1 =	rddreg [dreg:$0x1];
	p0 =	sne.s32 s2, $0x0  }
0x3f: {  	s3 =	rddreg [dreg:$0x2];
	[bflag:$0x3] =	sbarrier.arrive $0xFFFF;
	s2 =	simm.s32 @!p0 $0x1C01  }
0x40: {  	[timem:s3], [sflag:s2] =	dma.local @!p0 [hbm:s0], s1  }
0x41: {  	s0 =	simm.s32 @!p0 $0x1  }
0x42: {  	_ =	swait.ge @!p0 [sflag:s0], s1  }
0x43: {  	s1 =	ssub.s32 @!p0 $0x0, s1;
	[sflag:s0] =	ssyncset.done @!p0 $0x0  }
0x44: {  	[sflag:s0] =	ssyncadd.s32 @!p0 s1  }
0x45: {  	[bflag:$0x3] =	sbarrier.arrive $0xFFFF  }
0x46: {  	_ =	shalt  }

// kernel: kernel.27.cloned.1.call-start
scs
__scs_entry_jumppad:
0x0: {  	(pc) =	sbr.rel $0x88, $3  }
0x1: {  	(tag) =	ssettag $0x0;
	lr =	simm.s32 $0x1  }
0x2: {  	[smem:$0x3F89] =	sst lr;
	_ =	strace $0xD0000000  }
0x3: {  	_ = 	snop  }
0x4: {  	_ = 	snop  }
0x5: {  	_ = 	snop  }
0x6: {  	_ = 	snop  }
0x7: {  	_ = 	snop  }
__scs_overlays_trampoline_lowered:
0x8: {  	[smem:$0x3F98] =	sst s0  }
0x9: {  	[smem:$0x3F99] =	sst s1  }
0xa: {  	[smem:$0x3F9A] =	sst s2  }
0xb: {  	[smem:$0x3F9B] =	sst s3  }
0xc: {  	[smem:$0x3F9C] =	sst s4  }
0xd: {  	[smem:$0x3F9D] =	sst s5  }
0xe: {  	[smem:$0x3F9E] =	sst s6  }
0xf: {  	[smem:$0x3F9F] =	sst s7  }
0x10: {  	[smem:$0x3FA0] =	sst s8  }
0x11: {  	[smem:$0x3FA1] =	sst s9;
	s0 =	simm.s32 @!p0 $0x0  }
0x12: {  	s1 =	sld [smem:$0x3F87];
	s0 =	simm.s32 @p0 $0x1  }
0x13: {  	[smem:$0x3FA2] =	sst s0;
	s0 =	simm.s32 @!p1 $0x0  }
0x14: {  	s2 =	sld [smem:$0x3F86];
	s0 =	simm.s32 @p1 $0x1  }
0x15: {  	[smem:$0x3FA3] =	sst s0;
	s0 =	simm.s32 @!p2 $0x0  }
0x16: {  	s3 =	sld [smem:$0x3FDB];
	s0 =	simm.s32 @p2 $0x1  }
0x17: {  	s4 =	simm.s32 $0x1BF5;
	[smem:$0x3FA5] =	sst s0  }
0x18: {  	s0 =	sld [smem:$0x3F88];
	_ =	swait.ge [sflag:s4], $0x0  }
0x19: {  	s7 =	sld [smem:$0x3F89]  }
0x1a: {  	s8 =	sadd.s32 $0xFFFFE003, lr  }
0x1b: {  	s9 =	sadd.s32 $0xFFFFFEF7, lr;
	s5 =	simm.s32 $0xFFFFFFFF;
	p2 =	slt.u32 s8, $0xFFFFF086  }
0x1c: {  	p1 =	slt.u32 s9, $0xF7A;
	s5 =	simm.s32 @!p2 $0x0  }
0x1d: {  	s5 =	simm.s32 @p1 $0x1;
	p0 =	seq.s32 s7, s2  }
0x1e: {  	s7 =	smul.u32 @!p0 $0xF7A, s2;
	p2 =	seq.s32 @!p0 s5, $0x0  }
0x1f: {  	s9 =	smul.u32 $0xF7A, s1;
	s8 =	simm.s32 @!p0 $0x1BF5;
	p2 =	por !p2, p0  }
0x20: {  	[sflag:s8] =	ssyncset.s32 @!p0 $0xFFFFF086;
	s6 =	sadd.s32 @!p0 s3, s7;
	s7 =	simm.s32 @!p0 $0x108  }
0x21: {  	s3 =	sadd.s32 s3, s9;
	s6 =	sadd.s32 @!p0 $0x88, s6;
	s7 =	simm.s32 @p2 $0x1082  }
0x22: {  	[simem:s7], [sflag:s8] =	dma.local @!p0 [hbm:s6], $0xF7A  }
0x23: {  	s9 =	sor.u32 $0xD0000000, s2;
	s6 =	simm.s32 $0x108;
	_ =	swait.ge @!p0 [sflag:s8], $0x0  }
0x24: {  	s3 =	sadd.s32 $0x88, s3;
	s6 =	simm.s32 @!p1 $0x1082;
	[sflag:s4] =	ssyncset.s32 $0xFFFFF086  }
0x25: {  	[simem:s6], [sflag:s4] =	dma.local [hbm:s3], $0xF7A  }
0x26: {  	[smem:$0x3F89] =	sst s1;
	(tag) =	ssettag s2;
	_ =	strace s9  }
0x27: {  	s1 =	sld [smem:$0x3F99]  }
0x28: {  	s2 =	sld [smem:$0x3F9A]  }
0x29: {  	s4 =	sld [smem:$0x3F9C]  }
0x2a: {  	p0 =	seq.s32 s5, $0x0;
	s5 =	sld [smem:$0x3F9D]  }
0x2b: {  	s6 =	sld [smem:$0x3F9E]  }
0x2c: {  	s7 =	sld [smem:$0x3F9F]  }
0x2d: {  	s3 =	simm.s32 $0x108;
	s8 =	sld [smem:$0x3FA0]  }
0x2e: {  	s3 =	simm.s32 @!p0 $0x1082;
	s9 =	sld [smem:$0x3FA1]  }
0x2f: {  	lr =	sadd.s32 s0, s3;
	s0 =	sld [smem:$0x3F98]  }
0x30: {  	s3 =	sld [smem:$0x3F9B]  }
0x31: {  	[smem:$0x3FA4] =	sst s10  }
0x32: {  	s10 =	sld [smem:$0x3FA2];
	_ =	sdelay $0x3  }
0x33: {  	p0 =	seq.s32 s10, $0x1;
	s10 =	sld [smem:$0x3FA4];
	_ =	sdelay $0x3  }
0x34: {  	[smem:$0x3FA4] =	sst s10  }
0x35: {  	s10 =	sld [smem:$0x3FA3];
	_ =	sdelay $0x3  }
0x36: {  	p1 =	seq.s32 s10, $0x1;
	s10 =	sld [smem:$0x3FA4];
	_ =	sdelay $0x3  }
0x37: {  	[smem:$0x3FA4] =	sst s10  }
0x38: {  	s10 =	sld [smem:$0x3FA5]  }
0x39: {  	_ = 	snop;
	(pc) =	sbr.ind lr, $3  }
0x3a: {  	_ = 	snop  }
0x3b: {  	_ = 	snop  }
0x3c: {  	p2 =	seq.s32 s10, $0x1;
	s10 =	sld [smem:$0x3FA4]  }
0x3d: {  	_ =	shalt  }
0x3e: {  	_ =	shalt  }
0x3f: {  	_ =	shalt  }
0x40: {  	_ =	shalt  }
0x41: {  	_ =	shalt  }
0x42: {  	_ =	shalt  }
0x43: {  	_ =	shalt  }
0x44: {  	_ =	shalt  }
0x45: {  	_ =	shalt  }
0x46: {  	_ =	shalt  }
0x47: {  	_ =	shalt  }
0x48: {  	_ =	shalt  }
0x49: {  	_ =	shalt  }
0x4a: {  	_ =	shalt  }
0x4b: {  	_ =	shalt  }
0x4c: {  	_ =	shalt  }
0x4d: {  	_ =	shalt  }
0x4e: {  	_ =	shalt  }
0x4f: {  	_ =	shalt  }
0x50: {  	_ =	shalt  }
0x51: {  	_ =	shalt  }
0x52: {  	_ =	shalt  }
0x53: {  	_ =	shalt  }
0x54: {  	_ =	shalt  }
0x55: {  	_ =	shalt  }
0x56: {  	_ =	shalt  }
0x57: {  	_ =	shalt  }
0x58: {  	_ =	shalt  }
0x59: {  	_ =	shalt  }
0x5a: {  	_ =	shalt  }
0x5b: {  	_ =	shalt  }
0x5c: {  	_ =	shalt  }
0x5d: {  	_ =	shalt  }
0x5e: {  	_ =	shalt  }
0x5f: {  	_ =	shalt  }
0x60: {  	_ =	shalt  }
0x61: {  	_ =	shalt  }
0x62: {  	_ =	shalt  }
0x63: {  	_ =	shalt  }
0x64: {  	_ =	shalt  }
0x65: {  	_ =	shalt  }
0x66: {  	_ =	shalt  }
0x67: {  	_ =	shalt  }
0x68: {  	_ =	shalt  }
0x69: {  	_ =	shalt  }
0x6a: {  	_ =	shalt  }
0x6b: {  	_ =	shalt  }
0x6c: {  	_ =	shalt  }
0x6d: {  	_ =	shalt  }
0x6e: {  	_ =	shalt  }
0x6f: {  	_ =	shalt  }
0x70: {  	_ =	shalt  }
0x71: {  	_ =	shalt  }
0x72: {  	_ =	shalt  }
0x73: {  	_ =	shalt  }
0x74: {  	_ =	shalt  }
0x75: {  	_ =	shalt  }
0x76: {  	_ =	shalt  }
0x77: {  	_ =	shalt  }
0x78: {  	_ =	shalt  }
0x79: {  	_ =	shalt  }
0x7a: {  	_ =	shalt  }
0x7b: {  	_ =	shalt  }
0x7c: {  	_ =	shalt  }
0x7d: {  	_ =	shalt  }
0x7e: {  	_ =	shalt  }
0x7f: {  	_ =	shalt  }
0x80: {  	_ =	shalt  }
0x81: {  	_ =	shalt  }
0x82: {  	_ =	shalt  }
0x83: {  	_ =	shalt  }
0x84: {  	_ =	shalt  }
0x85: {  	_ =	shalt  }
0x86: {  	_ =	shalt  }
0x87: {  	_ =	shalt  }
.Lfunc_end0:
.L_simem_size_0:
called_computation.5_lowered:
.L_overlay_start_0:
0x88: {  	s2 =	sld [smem:$0x3FD9]  }
0x89: {  	s3 =	sld [smem:$0x3FFE];
	_ =	sdelay $0x1  }
0x8a: {  	s1 =	srdreg.scid  }
0x8b: {  	s0 =	sand.u32 $0x1, s1  }
0x8c: {  	s16 =	sshll.u32 s0, $0xA;
	s2 =	sadd.s32 s3, s2  }
0x8d: {  	s2 =	sadd.s32 s2, s16  }
0x8e: {  	[smem:$0x3FB0] =	sst s2  }
0x8f: {  	_ = 	snop  }
0x90: {  	(tm) =	ssettm $0x1  }
0x91: {  	s17 =	sld [smem:$0x3FFB];
	_ =	sdelay $0x3  }
0x92: {  	_ =	strace s17  }
0x93: {  	s2 =	sld [smem:$0x3FFC];
	_ =	sdelay $0x3  }
0x94: {  	_ =	strace s2  }
0x95: {  	s2 =	sld [smem:$0x3FFD];
	_ =	sdelay $0x3  }
0x96: {  	_ =	strace s2  }
0x97: {  	_ =	strace $0x8FFFFFFF  }
0x98: {  	s18 =	sld [smem:$0x3FDB];
	_ =	sdelay $0x1  }
0x99: {  	s19 =	simm.s32 $_scs_section_size  }
0x9a: {  	s4 =	simm.s32 $_size__tile_overlayer_lowered;
	s5 =	simm.s32 $_tile_overlayer_lowered  }
0x9b: {  	s22 =	simm.s32 $0x1BFF;
	s21 =	sshll.u32 s5, $0x1;
	s2 =	sadd.s32 s19, s18  }
0x9c: {  	s6 =	simm.s32 $0x0;
	s20 =	sshll.u32 s4, $0x1;
	s4 =	sadd.s32 s21, s2  }
0x9d: {  	[timem:s6], [sflag:s22] =	dma.local [hbm:s4], s20  }
0x9e: {  	_ =	swait.ge [sflag:s22], s20  }
0x9f: {  	s3 =	ssub.s32 $0x0, s20;
	[sflag:s22] =	ssyncset.done $0x0  }
0xa0: {  	[sflag:s22] =	ssyncadd.s32 s3;
	_ =	sdelay $0x1  }
0xa1: {  	s23 =	simm.s32 $0x1B8B  }
0xa2: {  	_ =	swait.ge [sflag:s23], $0x1  }
0xa3: {  	[sflag:s23] =	ssyncset.done $0x0  }
0xa4: {  	s25 =	simm.s32 $0x1B8E;
	s24 =	sld [smem:$0x3FFE];
	[sflag:s23] =	ssyncadd.s32 $0xFFFFFFFF  }
0xa5: {  	s26 =	simm.s32 $execute0_lowered;
	[smem:$0x3FD2] =	sst s25  }
0xa6: {  	s4 =	sshll.u32 s26, $0x1;
	_ =	strace $0x80000055;
	[dreg:$0x1] =	wrdreg $0xFFFFFFFF  }
0xa7: {  	s28 =	simm.s32 $_size_execute0_lowered;
	s2 =	sadd.s32 s2, s4;
	[dreg:$0x0] =	wrdreg $0x0  }
0xa8: {  	s4 =	sshll.u32 s28, $0x1;
	[dreg:$0x2] =	wrdreg s2  }
0xa9: {  	[dreg:$0x3] =	wrdreg s4  }
0xaa: {  	[dreg:$0x4] =	wrdreg $0xC0  }
0xab: {  	_ =	task [dreg:s6], $0x5FFFF  }
0xac: {  	[dreg:$0x1] =	wrdreg $0xFFFFFFFF  }
0xad: {  	[dreg:$0x0] =	wrdreg $0x60  }
0xae: {  	[dreg:$0x2] =	wrdreg s24  }
0xaf: {  	[dreg:$0x3] =	wrdreg $0xA8000  }
0xb0: {  	[dreg:$0x4] =	wrdreg $0x9  }
0xb1: {  	_ =	task.clear_ibuf [dreg:s6], $0x5FFFF;
	_ =	strace $0x90000055  }
0xb2: {  	s29 =	simm.s32 $0x9;
	_ =	strace $0x80000057  }
0xb3: {  	_ =	swait.ge [sflag:s29], $0x1  }
0xb4: {  	[sflag:s29] =	ssyncadd.s32 $0xFFFFFFFF  }
0xb5: {  	_ =	strace $0x90000057  }
0xb6: {  	_ =	sfence  }
0xb7: {  	s30 =	sld [smem:$0x0];
	_ =	sdelay $0x2  }
0xb8: {  	s31 =	sshll.u32 s1, $0xD;
	s1 =	sshrl.u32 s1, $0x2  }
0xb9: {  	s3 =	sand.u32 $0x4000, s31;
	s1 =	sadd.s32 s1, s30  }
0xba: {  	s0 =	sor.u32 s3, s0;
	s1 =	sshll.u32 s1, $0x11  }
0xbb: {  	s0 =	sor.u32 s1, s0  }
0xbc: {  	s0 =	sadd.s32 $0x8F2B, s0  }
0xbd: {  	[sflag:s0] =	ssyncadd.remote.s32 $0x1  }
0xbe: {  	_ =	sfence.sel $0xFFFF  }
0xbf: {  	[dreg:$0x0] =	wrdreg $0xFFFFFFFF;
	(pc) =	sbr.abs _section_cstart, $3  }
0xc0: {  	[dreg:$0x1] =	wrdreg $0xFFFFFFFF  }
0xc1: {  	_ =	task.clear_ibuf [dreg:s6], $0x2FFFF;
	_ =	strace $0x9FFFFFFF  }
0xc2: {  	(tm) =	ssettm $0x7FFFFFFF  }
0xc3: {  	_ =	shalt  }
tec
execute0_lowered:
.L_overlay_start_1:
0x0: {  	(tag) =	ssettag $0x1  }
0x1: {  	s8 =	rddreg [dreg:$0x0]  }
0x2: {  	s1 =	rddreg [dreg:$0x1]  }
0x3: {  	s0 =	rddreg [dreg:$0x2];
	s2 =	simm.s32 $0x0  }
0x4: {  	s5 =	srdreg.scid;
	s3 =	stileid.u32;
	s15 =	simm.s32 $0x50  }
0x5: {  	s16 =	simm.s32 $0x8000;
	s19 =	simm.s32 $0x0;
	[smem:$0x7FF] =	sst s2  }
0x6: {  	s4 =	sadd.s32 $0x59A00, s8;
	s5 =	sand.u32 $0x1, s5;
	s17 =	smul.u32 $0x2700, s3  }
0x7: {  	s7 =	sshll.u32 s3, $0xB;
	s10 =	smul.u32 $0x4E000, s3;
	s14 =	sadd.s32 $0x138000, s1  }
0x8: {  	p0 =	sne.s32 s3, $0xF;
	s31 =	sshll.u32 s3, $0x6;
	_ =	strace $0x80000056  }
0x9: {  	s6 =	sshll.u32 s5, $0xF;
	s29 =	smul.u32 $0x27100, s5;
	s5 =	ssub.s32 $0x2, s5  }
0xa: {  	s14 =	sshrl.u32 @!p0 s14, $0x3;
	s6 =	sor.u32 s7, s6;
	s9 =	sshrl.u32 s5, $0x1  }
0xb: {  	s11 =	sadd.s32 s17, s8;
	s30 =	sshrl.u32 s10, $0x2;
	s10 =	simm.s32 $0x1  }
0xc: {  	s6 =	sadd.s32 s6, s8;
	s12 =	sadd.s32 s29, s8;
	s9 =	ssub.s32 s5, s9  }
0xd: {  	s13 =	sadd.s32 s30, s1;
	s7 =	sadd.s32 $0x32800, s11;
	s8 =	sadd.s32 $0x59800, s8  }
0xe: {  	s11 =	simm.s32 $0x4000;
	s5 =	sadd.s32 $0x22800, s6;
	s6 =	sadd.s32 $0x12800, s6  }
0xf: {  	s18 =	sadd.s32 $0x80C00, s12;
	s9 =	smax.u32 s9, $0x1;
	s12 =	sor.u32 $0x1C01, s31  }
0x10: {  	s13 =	sshrl.u32 s13, $0x3;
	s17 =	sadd.s32 s17, s18;
	s18 =	sadd.s32 @!p0 $0x27000, s18  }
.LBB2_1:
0x11: {  	[tilespmem:s2], [sflag:$0x1] =	stream.linear.gather [hbm4b:s5+s2], $0x3E80, $0x38;
	[tilespmem:$0x1E080] =	vst v63  }
0x12: {  	_ =	swait.ge [sflag:s10], $0x3E80  }
0x13: {  	[sflag:s10] =	ssyncset.done $0x0  }
0x14: {  	[sflag:s10] =	ssyncadd.s32 $0xFFFFC180  }
0x15: {  	[tilespmem:s11], [sflag:$0x1] =	stream.linear.gather [hbm4b:s6+s2], $0x3E80, $0x38;
	[tilespmem:$0x1E080] =	vst v63  }
0x16: {  	_ =	swait.ge [sflag:s10], $0x3E80  }
0x17: {  	[sflag:s10] =	ssyncset.done $0x0  }
0x18: {  	[sflag:s10] =	ssyncadd.s32 $0xFFFFC180  }
0x19: {  	[spmem:s13], [sflag:s12] =	dma.local [hbm:s7], $0x2700  }
0x1a: {  	_ =	swait.ge [sflag:s10], $0x2700  }
0x1b: {  	[sflag:s10] =	ssyncset.done $0x0  }
0x1c: {  	s20 =	simm.s32 @!p0 $0x1;
	[sflag:s10] =	ssyncadd.s32 $0xFFFFD900  }
0x1d: {  	[spmem:s14], [sflag:s12] =	dma.local @!p0 [hbm:s8], $0x100  }
0x1e: {  	_ =	swait.ge @!p0 [sflag:s20], $0x100  }
0x1f: {  	[sflag:s20] =	ssyncset.done @!p0 $0x0  }
0x20: {  	[sflag:s20] =	ssyncadd.s32 @!p0 $0xFFFFFF00  }
0x21: {  	s30 =	simm.s32 $0x0;
	[bflag:$0x0] =	sbarrier.arrive $0xFFFF  }
0x22: {  	[tilespmem:s16], [sflag:$0x1] =	stream.indirect.gather [hbm4b:s4+s15], $0x80, s30, s15, $0xb8;
	[tilespmem:$0x1E080] =	vst v63  }
0x23: {  	_ =	swait.ge [sflag:s10], $0x2800  }
0x24: {  	[sflag:s10] =	ssyncset.done $0x0  }
0x25: {  	s31 =	simm.s32 $0x4000;
	[sflag:s10] =	ssyncadd.s32 $0xFFFFD800  }
0x26: {  	[spmem:s1] =	stream.indirect.scatter.add.f32 [tilespmem:s16], [sflag:$0x1], $0x80, s31, s15, $0xb8;
	[tilespmem:$0x1E080] =	vst v63  }
0x27: {  	_ =	swait.ge [sflag:s10], $0x2800  }
0x28: {  	s21 =	simm.s32 $0x400;
	s20 =	simm.s32 $0x200;
	[sflag:s10] =	ssyncset.done $0x0  }
.LBB2_2:
0x29: {  	s22 =	sshra.s32 s20, $0x2  }
0x2a: {  	[sflag:s10] =	ssyncadd.s32 $0xFFFFD800;
	s20 =	smov.u32 s21;
	s23 =	sadd.s32 $0x200, s21  }
0x2b: {  	[tilespmem:s16], [sflag:$0x1] =	stream.indirect.gather [hbm4b:s4+s15], $0x80, s22, s15, $0xb8;
	[tilespmem:$0x1E080] =	vst v63  }
0x2c: {  	p1 =	sne.s32 s21, $0xF800;
	_ =	swait.ge [sflag:s10], $0x2800  }
.Ltmp0:
0x2d: {  	[sflag:s10] =	ssyncset.done $0x0;
	(pc) =	sbr.rel @p1 .LBB2_2-.Ltmp0, $4  }
0x2e: {  	s21 =	sadd.s32 $0x4000, s22;
	[sflag:s10] =	ssyncadd.s32 $0xFFFFD800  }
0x2f: {  	[spmem:s1] =	stream.indirect.scatter.add.f32 [tilespmem:s16], [sflag:$0x1], $0x80, s21, s15, $0xb8;
	[tilespmem:$0x1E080] =	vst v63  }
0x30: {  	_ =	swait.ge [sflag:s10], $0x2800  }
0x31: {  	s21 =	smov.u32 s23;
	[sflag:s10] =	ssyncset.done $0x0  }
0x32: {  	s20 =	sshra.s32 s20, $0x2;
	[sflag:s10] =	ssyncadd.s32 $0xFFFFD800  }
0x33: {  	[tilespmem:s16], [sflag:$0x1] =	stream.indirect.gather [hbm4b:s4+s15], $0x80, s20, s15, $0xb8;
	[tilespmem:$0x1E080] =	vst v63  }
0x34: {  	_ =	swait.ge [sflag:s10], $0x2800  }
0x35: {  	[sflag:s10] =	ssyncset.done $0x0  }
0x36: {  	s20 =	sadd.s32 $0x4000, s20;
	[sflag:s10] =	ssyncadd.s32 $0xFFFFD800  }
0x37: {  	[spmem:s1] =	stream.indirect.scatter.add.f32 [tilespmem:s16], [sflag:$0x1], $0x80, s20, s15, $0xb8;
	[tilespmem:$0x1E080] =	vst v63  }
0x38: {  	_ =	swait.ge [sflag:s10], $0x2800  }
0x39: {  	[sflag:s10] =	ssyncset.done $0x0  }
0x3a: {  	[sflag:s10] =	ssyncadd.s32 $0xFFFFD800  }
0x3b: {  	[bflag:$0x0] =	sbarrier.arrive $0xFFFF  }
0x3c: {  	[hbm:s17], [sflag:s12] =	dma.local [spmem:s13], $0x2700  }
0x3d: {  	s19 =	sadd.s32 $0x1, s19;
	_ =	swait.ge [sflag:s10], $0x2700  }
0x3e: {  	p1 =	sne.s32 s19, s9;
	[sflag:s10] =	ssyncset.done $0x0  }
.Ltmp1:
0x3f: {  	s20 =	simm.s32 @!p0 $0x1;
	[sflag:s10] =	ssyncadd.s32 $0xFFFFD900;
	(pc) =	sbr.rel @p1 .LBB2_1-.Ltmp1, $4  }
0x40: {  	[hbm:s18], [sflag:s12] =	dma.local @!p0 [spmem:s14], $0x100  }
0x41: {  	_ =	swait.ge @!p0 [sflag:s20], $0x100  }
0x42: {  	[sflag:s20] =	ssyncset.done @!p0 $0x0  }
0x43: {  	[sflag:s20] =	ssyncadd.s32 @!p0 $0xFFFFFF00  }
0x44: {  	_ =	sfence.sel $0x180000  }
0x45: {  	[bflag:$0x0] =	sbarrier.arrive $0xFFFF  }
0x46: {  	p0 =	sne.s32 s3, $0x0;
	_ =	strace $0x90000056  }
0x47: {  	s0 =	sadd.s32 @!p0 $0x100000, s0;
	[bflag:$0x2] =	sbarrier.arrive $0xFFFF  }
0x48: {  	[sflag:s0] =	ssyncadd.tile.s32 @!p0 $0x1;
	_ =	shalt  }
.Lfunc_end2:
_tile_overlayer_lowered:
.L_overlay_start_2:
0x49: {  	(tag) =	ssettag $0x2  }
0x4a: {  	s0 =	rddreg [dreg:$0x0];
	s2 =	stileid.u32  }
0x4b: {  	s1 =	rddreg [dreg:$0x1];
	p0 =	sne.s32 s2, $0x0  }
0x4c: {  	s3 =	rddreg [dreg:$0x2];
	[bflag:$0x3] =	sbarrier.arrive $0xFFFF;
	s2 =	simm.s32 @!p0 $0x1C01  }
0x4d: {  	[timem:s3], [sflag:s2] =	dma.local @!p0 [hbm:s0], s1  }
0x4e: {  	s0 =	simm.s32 @!p0 $0x1  }
0x4f: {  	_ =	swait.ge @!p0 [sflag:s0], s1  }
0x50: {  	s1 =	ssub.s32 @!p0 $0x0, s1;
	[sflag:s0] =	ssyncset.done @!p0 $0x0  }
0x51: {  	[sflag:s0] =	ssyncadd.s32 @!p0 s1  }
0x52: {  	[bflag:$0x3] =	sbarrier.arrive $0xFFFF  }
0x53: {  	_ =	shalt  }

// kernel: kernel.30.cloned.1.call-start
scs
__scs_entry_jumppad:
0x0: {  	(pc) =	sbr.rel $0x88, $3  }
0x1: {  	(tag) =	ssettag $0x0;
	lr =	simm.s32 $0x1  }
0x2: {  	[smem:$0x3F89] =	sst lr;
	_ =	strace $0xD0000000  }
0x3: {  	_ = 	snop  }
0x4: {  	_ = 	snop  }
0x5: {  	_ = 	snop  }
0x6: {  	_ = 	snop  }
0x7: {  	_ = 	snop  }
__scs_overlays_trampoline_lowered:
0x8: {  	[smem:$0x3F98] =	sst s0  }
0x9: {  	[smem:$0x3F99] =	sst s1  }
0xa: {  	[smem:$0x3F9A] =	sst s2  }
0xb: {  	[smem:$0x3F9B] =	sst s3  }
0xc: {  	[smem:$0x3F9C] =	sst s4  }
0xd: {  	[smem:$0x3F9D] =	sst s5  }
0xe: {  	[smem:$0x3F9E] =	sst s6  }
0xf: {  	[smem:$0x3F9F] =	sst s7  }
0x10: {  	[smem:$0x3FA0] =	sst s8  }
0x11: {  	[smem:$0x3FA1] =	sst s9;
	s0 =	simm.s32 @!p0 $0x0  }
0x12: {  	s1 =	sld [smem:$0x3F87];
	s0 =	simm.s32 @p0 $0x1  }
0x13: {  	[smem:$0x3FA2] =	sst s0;
	s0 =	simm.s32 @!p1 $0x0  }
0x14: {  	s2 =	sld [smem:$0x3F86];
	s0 =	simm.s32 @p1 $0x1  }
0x15: {  	[smem:$0x3FA3] =	sst s0;
	s0 =	simm.s32 @!p2 $0x0  }
0x16: {  	s3 =	sld [smem:$0x3FDB];
	s0 =	simm.s32 @p2 $0x1  }
0x17: {  	s4 =	simm.s32 $0x1BF5;
	[smem:$0x3FA5] =	sst s0  }
0x18: {  	s0 =	sld [smem:$0x3F88];
	_ =	swait.ge [sflag:s4], $0x0  }
0x19: {  	s7 =	sld [smem:$0x3F89]  }
0x1a: {  	s8 =	sadd.s32 $0xFFFFE003, lr  }
0x1b: {  	s9 =	sadd.s32 $0xFFFFFEF7, lr;
	s5 =	simm.s32 $0xFFFFFFFF;
	p2 =	slt.u32 s8, $0xFFFFF086  }
0x1c: {  	p1 =	slt.u32 s9, $0xF7A;
	s5 =	simm.s32 @!p2 $0x0  }
0x1d: {  	s5 =	simm.s32 @p1 $0x1;
	p0 =	seq.s32 s7, s2  }
0x1e: {  	s7 =	smul.u32 @!p0 $0xF7A, s2;
	p2 =	seq.s32 @!p0 s5, $0x0  }
0x1f: {  	s9 =	smul.u32 $0xF7A, s1;
	s8 =	simm.s32 @!p0 $0x1BF5;
	p2 =	por !p2, p0  }
0x20: {  	[sflag:s8] =	ssyncset.s32 @!p0 $0xFFFFF086;
	s6 =	sadd.s32 @!p0 s3, s7;
	s7 =	simm.s32 @!p0 $0x108  }
0x21: {  	s3 =	sadd.s32 s3, s9;
	s6 =	sadd.s32 @!p0 $0x88, s6;
	s7 =	simm.s32 @p2 $0x1082  }
0x22: {  	[simem:s7], [sflag:s8] =	dma.local @!p0 [hbm:s6], $0xF7A  }
0x23: {  	s9 =	sor.u32 $0xD0000000, s2;
	s6 =	simm.s32 $0x108;
	_ =	swait.ge @!p0 [sflag:s8], $0x0  }
0x24: {  	s3 =	sadd.s32 $0x88, s3;
	s6 =	simm.s32 @!p1 $0x1082;
	[sflag:s4] =	ssyncset.s32 $0xFFFFF086  }
0x25: {  	[simem:s6], [sflag:s4] =	dma.local [hbm:s3], $0xF7A  }
0x26: {  	[smem:$0x3F89] =	sst s1;
	(tag) =	ssettag s2;
	_ =	strace s9  }
0x27: {  	s1 =	sld [smem:$0x3F99]  }
0x28: {  	s2 =	sld [smem:$0x3F9A]  }
0x29: {  	s4 =	sld [smem:$0x3F9C]  }
0x2a: {  	p0 =	seq.s32 s5, $0x0;
	s5 =	sld [smem:$0x3F9D]  }
0x2b: {  	s6 =	sld [smem:$0x3F9E]  }
0x2c: {  	s7 =	sld [smem:$0x3F9F]  }
0x2d: {  	s3 =	simm.s32 $0x108;
	s8 =	sld [smem:$0x3FA0]  }
0x2e: {  	s3 =	simm.s32 @!p0 $0x1082;
	s9 =	sld [smem:$0x3FA1]  }
0x2f: {  	lr =	sadd.s32 s0, s3;
	s0 =	sld [smem:$0x3F98]  }
0x30: {  	s3 =	sld [smem:$0x3F9B]  }
0x31: {  	[smem:$0x3FA4] =	sst s10  }
0x32: {  	s10 =	sld [smem:$0x3FA2];
	_ =	sdelay $0x3  }
0x33: {  	p0 =	seq.s32 s10, $0x1;
	s10 =	sld [smem:$0x3FA4];
	_ =	sdelay $0x3  }
0x34: {  	[smem:$0x3FA4] =	sst s10  }
0x35: {  	s10 =	sld [smem:$0x3FA3];
	_ =	sdelay $0x3  }
0x36: {  	p1 =	seq.s32 s10, $0x1;
	s10 =	sld [smem:$0x3FA4];
	_ =	sdelay $0x3  }
0x37: {  	[smem:$0x3FA4] =	sst s10  }
0x38: {  	s10 =	sld [smem:$0x3FA5]  }
0x39: {  	_ = 	snop;
	(pc) =	sbr.ind lr, $3  }
0x3a: {  	_ = 	snop  }
0x3b: {  	_ = 	snop  }
0x3c: {  	p2 =	seq.s32 s10, $0x1;
	s10 =	sld [smem:$0x3FA4]  }
0x3d: {  	_ =	shalt  }
0x3e: {  	_ =	shalt  }
0x3f: {  	_ =	shalt  }
0x40: {  	_ =	shalt  }
0x41: {  	_ =	shalt  }
0x42: {  	_ =	shalt  }
0x43: {  	_ =	shalt  }
0x44: {  	_ =	shalt  }
0x45: {  	_ =	shalt  }
0x46: {  	_ =	shalt  }
0x47: {  	_ =	shalt  }
0x48: {  	_ =	shalt  }
0x49: {  	_ =	shalt  }
0x4a: {  	_ =	shalt  }
0x4b: {  	_ =	shalt  }
0x4c: {  	_ =	shalt  }
0x4d: {  	_ =	shalt  }
0x4e: {  	_ =	shalt  }
0x4f: {  	_ =	shalt  }
0x50: {  	_ =	shalt  }
0x51: {  	_ =	shalt  }
0x52: {  	_ =	shalt  }
0x53: {  	_ =	shalt  }
0x54: {  	_ =	shalt  }
0x55: {  	_ =	shalt  }
0x56: {  	_ =	shalt  }
0x57: {  	_ =	shalt  }
0x58: {  	_ =	shalt  }
0x59: {  	_ =	shalt  }
0x5a: {  	_ =	shalt  }
0x5b: {  	_ =	shalt  }
0x5c: {  	_ =	shalt  }
0x5d: {  	_ =	shalt  }
0x5e: {  	_ =	shalt  }
0x5f: {  	_ =	shalt  }
0x60: {  	_ =	shalt  }
0x61: {  	_ =	shalt  }
0x62: {  	_ =	shalt  }
0x63: {  	_ =	shalt  }
0x64: {  	_ =	shalt  }
0x65: {  	_ =	shalt  }
0x66: {  	_ =	shalt  }
0x67: {  	_ =	shalt  }
0x68: {  	_ =	shalt  }
0x69: {  	_ =	shalt  }
0x6a: {  	_ =	shalt  }
0x6b: {  	_ =	shalt  }
0x6c: {  	_ =	shalt  }
0x6d: {  	_ =	shalt  }
0x6e: {  	_ =	shalt  }
0x6f: {  	_ =	shalt  }
0x70: {  	_ =	shalt  }
0x71: {  	_ =	shalt  }
0x72: {  	_ =	shalt  }
0x73: {  	_ =	shalt  }
0x74: {  	_ =	shalt  }
0x75: {  	_ =	shalt  }
0x76: {  	_ =	shalt  }
0x77: {  	_ =	shalt  }
0x78: {  	_ =	shalt  }
0x79: {  	_ =	shalt  }
0x7a: {  	_ =	shalt  }
0x7b: {  	_ =	shalt  }
0x7c: {  	_ =	shalt  }
0x7d: {  	_ =	shalt  }
0x7e: {  	_ =	shalt  }
0x7f: {  	_ =	shalt  }
0x80: {  	_ =	shalt  }
0x81: {  	_ =	shalt  }
0x82: {  	_ =	shalt  }
0x83: {  	_ =	shalt  }
0x84: {  	_ =	shalt  }
0x85: {  	_ =	shalt  }
0x86: {  	_ =	shalt  }
0x87: {  	_ =	shalt  }
.Lfunc_end0:
.L_simem_size_0:
called_computation.6_lowered:
.L_overlay_start_0:
0x88: {  	s2 =	sld [smem:$0x3FD9]  }
0x89: {  	s3 =	sld [smem:$0x3FFE];
	_ =	sdelay $0x1  }
0x8a: {  	s1 =	srdreg.scid  }
0x8b: {  	s0 =	sand.u32 $0x1, s1  }
0x8c: {  	s16 =	sshll.u32 s0, $0xA;
	s2 =	sadd.s32 s3, s2  }
0x8d: {  	s2 =	sadd.s32 s2, s16  }
0x8e: {  	[smem:$0x3FB0] =	sst s2  }
0x8f: {  	_ = 	snop  }
0x90: {  	(tm) =	ssettm $0x1  }
0x91: {  	s17 =	sld [smem:$0x3FFB];
	_ =	sdelay $0x3  }
0x92: {  	_ =	strace s17  }
0x93: {  	s2 =	sld [smem:$0x3FFC];
	_ =	sdelay $0x3  }
0x94: {  	_ =	strace s2  }
0x95: {  	s2 =	sld [smem:$0x3FFD];
	_ =	sdelay $0x3  }
0x96: {  	_ =	strace s2  }
0x97: {  	_ =	strace $0x8FFFFFFF  }
0x98: {  	s18 =	sld [smem:$0x3FDB];
	_ =	sdelay $0x1  }
0x99: {  	s19 =	simm.s32 $_scs_section_size  }
0x9a: {  	s4 =	simm.s32 $_size__tile_overlayer_lowered;
	s5 =	simm.s32 $_tile_overlayer_lowered  }
0x9b: {  	s22 =	simm.s32 $0x1BFF;
	s21 =	sshll.u32 s5, $0x1;
	s2 =	sadd.s32 s19, s18  }
0x9c: {  	s6 =	simm.s32 $0x0;
	s20 =	sshll.u32 s4, $0x1;
	s4 =	sadd.s32 s21, s2  }
0x9d: {  	[timem:s6], [sflag:s22] =	dma.local [hbm:s4], s20  }
0x9e: {  	_ =	swait.ge [sflag:s22], s20  }
0x9f: {  	s3 =	ssub.s32 $0x0, s20;
	[sflag:s22] =	ssyncset.done $0x0  }
0xa0: {  	[sflag:s22] =	ssyncadd.s32 s3;
	_ =	sdelay $0x1  }
0xa1: {  	s23 =	simm.s32 $0x1B8B  }
0xa2: {  	_ =	swait.ge [sflag:s23], $0x1  }
0xa3: {  	[sflag:s23] =	ssyncset.done $0x0  }
0xa4: {  	s25 =	simm.s32 $0x1B8E;
	s24 =	sld [smem:$0x3FFE];
	[sflag:s23] =	ssyncadd.s32 $0xFFFFFFFF  }
0xa5: {  	s26 =	simm.s32 $execute0_lowered;
	[smem:$0x3FD2] =	sst s25  }
0xa6: {  	s4 =	sshll.u32 s26, $0x1;
	_ =	strace $0x80000058;
	[dreg:$0x1] =	wrdreg $0xFFFFFFFF  }
0xa7: {  	s28 =	simm.s32 $_size_execute0_lowered;
	s2 =	sadd.s32 s2, s4;
	[dreg:$0x0] =	wrdreg $0x0  }
0xa8: {  	s4 =	sshll.u32 s28, $0x1;
	[dreg:$0x2] =	wrdreg s2  }
0xa9: {  	[dreg:$0x3] =	wrdreg s4  }
0xaa: {  	[dreg:$0x4] =	wrdreg $0xC0  }
0xab: {  	_ =	task [dreg:s6], $0x5FFFF  }
0xac: {  	[dreg:$0x1] =	wrdreg $0xFFFFFFFF  }
0xad: {  	[dreg:$0x0] =	wrdreg $0x60  }
0xae: {  	[dreg:$0x2] =	wrdreg s24  }
0xaf: {  	[dreg:$0x3] =	wrdreg $0xA8000  }
0xb0: {  	[dreg:$0x4] =	wrdreg $0x9  }
0xb1: {  	_ =	task.clear_ibuf [dreg:s6], $0x5FFFF;
	_ =	strace $0x90000058  }
0xb2: {  	s29 =	simm.s32 $0x9;
	_ =	strace $0x8000005A  }
0xb3: {  	_ =	swait.ge [sflag:s29], $0x1  }
0xb4: {  	[sflag:s29] =	ssyncadd.s32 $0xFFFFFFFF  }
0xb5: {  	_ =	strace $0x9000005A  }
0xb6: {  	_ =	sfence  }
0xb7: {  	s30 =	sld [smem:$0x0];
	_ =	sdelay $0x2  }
0xb8: {  	s31 =	sshll.u32 s1, $0xD;
	s1 =	sshrl.u32 s1, $0x2  }
0xb9: {  	s3 =	sand.u32 $0x4000, s31;
	s1 =	sadd.s32 s1, s30  }
0xba: {  	s0 =	sor.u32 s3, s0;
	s1 =	sshll.u32 s1, $0x11  }
0xbb: {  	s0 =	sor.u32 s1, s0  }
0xbc: {  	s0 =	sadd.s32 $0x8F2B, s0  }
0xbd: {  	[sflag:s0] =	ssyncadd.remote.s32 $0x1  }
0xbe: {  	_ =	sfence.sel $0xFFFF  }
0xbf: {  	[dreg:$0x0] =	wrdreg $0xFFFFFFFF;
	(pc) =	sbr.abs _section_cstart, $3  }
0xc0: {  	[dreg:$0x1] =	wrdreg $0xFFFFFFFF  }
0xc1: {  	_ =	task.clear_ibuf [dreg:s6], $0x2FFFF;
	_ =	strace $0x9FFFFFFF  }
0xc2: {  	(tm) =	ssettm $0x7FFFFFFF  }
0xc3: {  	_ =	shalt  }
tec
execute0_lowered:
.L_overlay_start_1:
0x0: {  	(tag) =	ssettag $0x1  }
0x1: {  	s8 =	rddreg [dreg:$0x0]  }
0x2: {  	s1 =	rddreg [dreg:$0x1]  }
0x3: {  	s0 =	rddreg [dreg:$0x2];
	s2 =	simm.s32 $0x0  }
0x4: {  	s5 =	srdreg.scid;
	s3 =	stileid.u32;
	s15 =	simm.s32 $0x50  }
0x5: {  	s16 =	simm.s32 $0x8000;
	s19 =	simm.s32 $0x0;
	[smem:$0x7FF] =	sst s2  }
0x6: {  	s4 =	sadd.s32 $0x59A00, s8;
	s5 =	sand.u32 $0x1, s5;
	s17 =	smul.u32 $0x2700, s3  }
0x7: {  	s7 =	sshll.u32 s3, $0xB;
	s10 =	smul.u32 $0x4E000, s3;
	s14 =	sadd.s32 $0x138000, s1  }
0x8: {  	p0 =	sne.s32 s3, $0xF;
	s31 =	sshll.u32 s3, $0x6;
	_ =	strace $0x80000059  }
0x9: {  	s6 =	sshll.u32 s5, $0xF;
	s29 =	smul.u32 $0x27100, s5;
	s5 =	ssub.s32 $0x2, s5  }
0xa: {  	s14 =	sshrl.u32 @!p0 s14, $0x3;
	s6 =	sor.u32 s7, s6;
	s9 =	sshrl.u32 s5, $0x1  }
0xb: {  	s11 =	sadd.s32 s17, s8;
	s30 =	sshrl.u32 s10, $0x2;
	s10 =	simm.s32 $0x1  }
0xc: {  	s6 =	sadd.s32 s6, s8;
	s12 =	sadd.s32 s29, s8;
	s9 =	ssub.s32 s5, s9  }
0xd: {  	s13 =	sadd.s32 s30, s1;
	s7 =	sadd.s32 $0x32800, s11;
	s8 =	sadd.s32 $0x59800, s8  }
0xe: {  	s11 =	simm.s32 $0x4000;
	s5 =	sadd.s32 $0x22800, s6;
	s6 =	sadd.s32 $0x12800, s6  }
0xf: {  	s18 =	sadd.s32 $0x80C00, s12;
	s9 =	smax.u32 s9, $0x1;
	s12 =	sor.u32 $0x1C01, s31  }
0x10: {  	s13 =	sshrl.u32 s13, $0x3;
	s17 =	sadd.s32 s17, s18;
	s18 =	sadd.s32 @!p0 $0x27000, s18  }
.LBB2_1:
0x11: {  	[tilespmem:s2], [sflag:$0x1] =	stream.linear.gather [hbm4b:s5+s2], $0x3E80, $0x38;
	[tilespmem:$0x1E080] =	vst v63  }
0x12: {  	_ =	swait.ge [sflag:s10], $0x3E80  }
0x13: {  	[sflag:s10] =	ssyncset.done $0x0  }
0x14: {  	[sflag:s10] =	ssyncadd.s32 $0xFFFFC180  }
0x15: {  	[tilespmem:s11], [sflag:$0x1] =	stream.linear.gather [hbm4b:s6+s2], $0x3E80, $0x38;
	[tilespmem:$0x1E080] =	vst v63  }
0x16: {  	_ =	swait.ge [sflag:s10], $0x3E80  }
0x17: {  	[sflag:s10] =	ssyncset.done $0x0  }
0x18: {  	[sflag:s10] =	ssyncadd.s32 $0xFFFFC180  }
0x19: {  	[spmem:s13], [sflag:s12] =	dma.local [hbm:s7], $0x2700  }
0x1a: {  	_ =	swait.ge [sflag:s10], $0x2700  }
0x1b: {  	[sflag:s10] =	ssyncset.done $0x0  }
0x1c: {  	s20 =	simm.s32 @!p0 $0x1;
	[sflag:s10] =	ssyncadd.s32 $0xFFFFD900  }
0x1d: {  	[spmem:s14], [sflag:s12] =	dma.local @!p0 [hbm:s8], $0x100  }
0x1e: {  	_ =	swait.ge @!p0 [sflag:s20], $0x100  }
0x1f: {  	[sflag:s20] =	ssyncset.done @!p0 $0x0  }
0x20: {  	[sflag:s20] =	ssyncadd.s32 @!p0 $0xFFFFFF00  }
0x21: {  	s30 =	simm.s32 $0x0;
	[bflag:$0x0] =	sbarrier.arrive $0xFFFF  }
0x22: {  	[tilespmem:s16], [sflag:$0x1] =	stream.indirect.gather [hbm4b:s4+s15], $0x80, s30, s15, $0xb8;
	[tilespmem:$0x1E080] =	vst v63  }
0x23: {  	_ =	swait.ge [sflag:s10], $0x2800  }
0x24: {  	[sflag:s10] =	ssyncset.done $0x0  }
0x25: {  	s31 =	simm.s32 $0x4000;
	[sflag:s10] =	ssyncadd.s32 $0xFFFFD800  }
0x26: {  	[spmem:s1] =	stream.indirect.scatter.add.f32 [tilespmem:s16], [sflag:$0x1], $0x80, s31, s15, $0xb8;
	[tilespmem:$0x1E080] =	vst v63  }
0x27: {  	_ =	swait.ge [sflag:s10], $0x2800  }
0x28: {  	s21 =	simm.s32 $0x400;
	s20 =	simm.s32 $0x200;
	[sflag:s10] =	ssyncset.done $0x0  }
.LBB2_2:
0x29: {  	s22 =	sshra.s32 s20, $0x2  }
0x2a: {  	[sflag:s10] =	ssyncadd.s32 $0xFFFFD800;
	s20 =	smov.u32 s21;
	s23 =	sadd.s32 $0x200, s21  }
0x2b: {  	[tilespmem:s16], [sflag:$0x1] =	stream.indirect.gather [hbm4b:s4+s15], $0x80, s22, s15, $0xb8;
	[tilespmem:$0x1E080] =	vst v63  }
0x2c: {  	p1 =	sne.s32 s21, $0xF800;
	_ =	swait.ge [sflag:s10], $0x2800  }
.Ltmp0:
0x2d: {  	[sflag:s10] =	ssyncset.done $0x0;
	(pc) =	sbr.rel @p1 .LBB2_2-.Ltmp0, $4  }
0x2e: {  	s21 =	sadd.s32 $0x4000, s22;
	[sflag:s10] =	ssyncadd.s32 $0xFFFFD800  }
0x2f: {  	[spmem:s1] =	stream.indirect.scatter.add.f32 [tilespmem:s16], [sflag:$0x1], $0x80, s21, s15, $0xb8;
	[tilespmem:$0x1E080] =	vst v63  }
0x30: {  	_ =	swait.ge [sflag:s10], $0x2800  }
0x31: {  	s21 =	smov.u32 s23;
	[sflag:s10] =	ssyncset.done $0x0  }
0x32: {  	s20 =	sshra.s32 s20, $0x2;
	[sflag:s10] =	ssyncadd.s32 $0xFFFFD800  }
0x33: {  	[tilespmem:s16], [sflag:$0x1] =	stream.indirect.gather [hbm4b:s4+s15], $0x80, s20, s15, $0xb8;
	[tilespmem:$0x1E080] =	vst v63  }
0x34: {  	_ =	swait.ge [sflag:s10], $0x2800  }
0x35: {  	[sflag:s10] =	ssyncset.done $0x0  }
0x36: {  	s20 =	sadd.s32 $0x4000, s20;
	[sflag:s10] =	ssyncadd.s32 $0xFFFFD800  }
0x37: {  	[spmem:s1] =	stream.indirect.scatter.add.f32 [tilespmem:s16], [sflag:$0x1], $0x80, s20, s15, $0xb8;
	[tilespmem:$0x1E080] =	vst v63  }
0x38: {  	_ =	swait.ge [sflag:s10], $0x2800  }
0x39: {  	[sflag:s10] =	ssyncset.done $0x0  }
0x3a: {  	[sflag:s10] =	ssyncadd.s32 $0xFFFFD800  }
0x3b: {  	[bflag:$0x0] =	sbarrier.arrive $0xFFFF  }
0x3c: {  	[hbm:s17], [sflag:s12] =	dma.local [spmem:s13], $0x2700  }
0x3d: {  	s19 =	sadd.s32 $0x1, s19;
	_ =	swait.ge [sflag:s10], $0x2700  }
0x3e: {  	p1 =	sne.s32 s19, s9;
	[sflag:s10] =	ssyncset.done $0x0  }
.Ltmp1:
0x3f: {  	s20 =	simm.s32 @!p0 $0x1;
	[sflag:s10] =	ssyncadd.s32 $0xFFFFD900;
	(pc) =	sbr.rel @p1 .LBB2_1-.Ltmp1, $4  }
0x40: {  	[hbm:s18], [sflag:s12] =	dma.local @!p0 [spmem:s14], $0x100  }
0x41: {  	_ =	swait.ge @!p0 [sflag:s20], $0x100  }
0x42: {  	[sflag:s20] =	ssyncset.done @!p0 $0x0  }
0x43: {  	[sflag:s20] =	ssyncadd.s32 @!p0 $0xFFFFFF00  }
0x44: {  	_ =	sfence.sel $0x180000  }
0x45: {  	[bflag:$0x0] =	sbarrier.arrive $0xFFFF  }
0x46: {  	p0 =	sne.s32 s3, $0x0;
	_ =	strace $0x90000059  }
0x47: {  	s0 =	sadd.s32 @!p0 $0x100000, s0;
	[bflag:$0x2] =	sbarrier.arrive $0xFFFF  }
0x48: {  	[sflag:s0] =	ssyncadd.tile.s32 @!p0 $0x1;
	_ =	shalt  }
.Lfunc_end2:
_tile_overlayer_lowered:
.L_overlay_start_2:
0x49: {  	(tag) =	ssettag $0x2  }
0x4a: {  	s0 =	rddreg [dreg:$0x0];
	s2 =	stileid.u32  }
0x4b: {  	s1 =	rddreg [dreg:$0x1];
	p0 =	sne.s32 s2, $0x0  }
0x4c: {  	s3 =	rddreg [dreg:$0x2];
	[bflag:$0x3] =	sbarrier.arrive $0xFFFF;
	s2 =	simm.s32 @!p0 $0x1C01  }
0x4d: {  	[timem:s3], [sflag:s2] =	dma.local @!p0 [hbm:s0], s1  }
0x4e: {  	s0 =	simm.s32 @!p0 $0x1  }
0x4f: {  	_ =	swait.ge @!p0 [sflag:s0], s1  }
0x50: {  	s1 =	ssub.s32 @!p0 $0x0, s1;
	[sflag:s0] =	ssyncset.done @!p0 $0x0  }
0x51: {  	[sflag:s0] =	ssyncadd.s32 @!p0 s1  }
0x52: {  	[bflag:$0x3] =	sbarrier.arrive $0xFFFF  }
0x53: {  	_ =	shalt  }

// kernel: scatter_offload_async_start
scs
__scs_entry_jumppad:
0x0: {  	(pc) =	sbr.rel $0x88, $3  }
0x1: {  	(tag) =	ssettag $0x0;
	lr =	simm.s32 $0x1  }
0x2: {  	[smem:$0x3F89] =	sst lr;
	_ =	strace $0xD0000000  }
0x3: {  	_ = 	snop  }
0x4: {  	_ = 	snop  }
0x5: {  	_ = 	snop  }
0x6: {  	_ = 	snop  }
0x7: {  	_ = 	snop  }
__scs_overlays_trampoline_lowered:
0x8: {  	[smem:$0x3F98] =	sst s0  }
0x9: {  	[smem:$0x3F99] =	sst s1  }
0xa: {  	[smem:$0x3F9A] =	sst s2  }
0xb: {  	[smem:$0x3F9B] =	sst s3  }
0xc: {  	[smem:$0x3F9C] =	sst s4  }
0xd: {  	[smem:$0x3F9D] =	sst s5  }
0xe: {  	[smem:$0x3F9E] =	sst s6  }
0xf: {  	[smem:$0x3F9F] =	sst s7  }
0x10: {  	[smem:$0x3FA0] =	sst s8  }
0x11: {  	[smem:$0x3FA1] =	sst s9;
	s0 =	simm.s32 @!p0 $0x0  }
0x12: {  	s1 =	sld [smem:$0x3F87];
	s0 =	simm.s32 @p0 $0x1  }
0x13: {  	[smem:$0x3FA2] =	sst s0;
	s0 =	simm.s32 @!p1 $0x0  }
0x14: {  	s2 =	sld [smem:$0x3F86];
	s0 =	simm.s32 @p1 $0x1  }
0x15: {  	[smem:$0x3FA3] =	sst s0;
	s0 =	simm.s32 @!p2 $0x0  }
0x16: {  	s3 =	sld [smem:$0x3FDB];
	s0 =	simm.s32 @p2 $0x1  }
0x17: {  	s4 =	simm.s32 $0x1BF5;
	[smem:$0x3FA5] =	sst s0  }
0x18: {  	s0 =	sld [smem:$0x3F88];
	_ =	swait.ge [sflag:s4], $0x0  }
0x19: {  	s7 =	sld [smem:$0x3F89]  }
0x1a: {  	s8 =	sadd.s32 $0xFFFFE003, lr  }
0x1b: {  	s9 =	sadd.s32 $0xFFFFFEF7, lr;
	s5 =	simm.s32 $0xFFFFFFFF;
	p2 =	slt.u32 s8, $0xFFFFF086  }
0x1c: {  	p1 =	slt.u32 s9, $0xF7A;
	s5 =	simm.s32 @!p2 $0x0  }
0x1d: {  	s5 =	simm.s32 @p1 $0x1;
	p0 =	seq.s32 s7, s2  }
0x1e: {  	s7 =	smul.u32 @!p0 $0xF7A, s2;
	p2 =	seq.s32 @!p0 s5, $0x0  }
0x1f: {  	s9 =	smul.u32 $0xF7A, s1;
	s8 =	simm.s32 @!p0 $0x1BF5;
	p2 =	por !p2, p0  }
0x20: {  	[sflag:s8] =	ssyncset.s32 @!p0 $0xFFFFF086;
	s6 =	sadd.s32 @!p0 s3, s7;
	s7 =	simm.s32 @!p0 $0x108  }
0x21: {  	s3 =	sadd.s32 s3, s9;
	s6 =	sadd.s32 @!p0 $0x88, s6;
	s7 =	simm.s32 @p2 $0x1082  }
0x22: {  	[simem:s7], [sflag:s8] =	dma.local @!p0 [hbm:s6], $0xF7A  }
0x23: {  	s9 =	sor.u32 $0xD0000000, s2;
	s6 =	simm.s32 $0x108;
	_ =	swait.ge @!p0 [sflag:s8], $0x0  }
0x24: {  	s3 =	sadd.s32 $0x88, s3;
	s6 =	simm.s32 @!p1 $0x1082;
	[sflag:s4] =	ssyncset.s32 $0xFFFFF086  }
0x25: {  	[simem:s6], [sflag:s4] =	dma.local [hbm:s3], $0xF7A  }
0x26: {  	[smem:$0x3F89] =	sst s1;
	(tag) =	ssettag s2;
	_ =	strace s9  }
0x27: {  	s1 =	sld [smem:$0x3F99]  }
0x28: {  	s2 =	sld [smem:$0x3F9A]  }
0x29: {  	s4 =	sld [smem:$0x3F9C]  }
0x2a: {  	p0 =	seq.s32 s5, $0x0;
	s5 =	sld [smem:$0x3F9D]  }
0x2b: {  	s6 =	sld [smem:$0x3F9E]  }
0x2c: {  	s7 =	sld [smem:$0x3F9F]  }
0x2d: {  	s3 =	simm.s32 $0x108;
	s8 =	sld [smem:$0x3FA0]  }
0x2e: {  	s3 =	simm.s32 @!p0 $0x1082;
	s9 =	sld [smem:$0x3FA1]  }
0x2f: {  	lr =	sadd.s32 s0, s3;
	s0 =	sld [smem:$0x3F98]  }
0x30: {  	s3 =	sld [smem:$0x3F9B]  }
0x31: {  	[smem:$0x3FA4] =	sst s10  }
0x32: {  	s10 =	sld [smem:$0x3FA2];
	_ =	sdelay $0x3  }
0x33: {  	p0 =	seq.s32 s10, $0x1;
	s10 =	sld [smem:$0x3FA4];
	_ =	sdelay $0x3  }
0x34: {  	[smem:$0x3FA4] =	sst s10  }
0x35: {  	s10 =	sld [smem:$0x3FA3];
	_ =	sdelay $0x3  }
0x36: {  	p1 =	seq.s32 s10, $0x1;
	s10 =	sld [smem:$0x3FA4];
	_ =	sdelay $0x3  }
0x37: {  	[smem:$0x3FA4] =	sst s10  }
0x38: {  	s10 =	sld [smem:$0x3FA5]  }
0x39: {  	_ = 	snop;
	(pc) =	sbr.ind lr, $3  }
0x3a: {  	_ = 	snop  }
0x3b: {  	_ = 	snop  }
0x3c: {  	p2 =	seq.s32 s10, $0x1;
	s10 =	sld [smem:$0x3FA4]  }
0x3d: {  	_ =	shalt  }
0x3e: {  	_ =	shalt  }
0x3f: {  	_ =	shalt  }
0x40: {  	_ =	shalt  }
0x41: {  	_ =	shalt  }
0x42: {  	_ =	shalt  }
0x43: {  	_ =	shalt  }
0x44: {  	_ =	shalt  }
0x45: {  	_ =	shalt  }
0x46: {  	_ =	shalt  }
0x47: {  	_ =	shalt  }
0x48: {  	_ =	shalt  }
0x49: {  	_ =	shalt  }
0x4a: {  	_ =	shalt  }
0x4b: {  	_ =	shalt  }
0x4c: {  	_ =	shalt  }
0x4d: {  	_ =	shalt  }
0x4e: {  	_ =	shalt  }
0x4f: {  	_ =	shalt  }
0x50: {  	_ =	shalt  }
0x51: {  	_ =	shalt  }
0x52: {  	_ =	shalt  }
0x53: {  	_ =	shalt  }
0x54: {  	_ =	shalt  }
0x55: {  	_ =	shalt  }
0x56: {  	_ =	shalt  }
0x57: {  	_ =	shalt  }
0x58: {  	_ =	shalt  }
0x59: {  	_ =	shalt  }
0x5a: {  	_ =	shalt  }
0x5b: {  	_ =	shalt  }
0x5c: {  	_ =	shalt  }
0x5d: {  	_ =	shalt  }
0x5e: {  	_ =	shalt  }
0x5f: {  	_ =	shalt  }
0x60: {  	_ =	shalt  }
0x61: {  	_ =	shalt  }
0x62: {  	_ =	shalt  }
0x63: {  	_ =	shalt  }
0x64: {  	_ =	shalt  }
0x65: {  	_ =	shalt  }
0x66: {  	_ =	shalt  }
0x67: {  	_ =	shalt  }
0x68: {  	_ =	shalt  }
0x69: {  	_ =	shalt  }
0x6a: {  	_ =	shalt  }
0x6b: {  	_ =	shalt  }
0x6c: {  	_ =	shalt  }
0x6d: {  	_ =	shalt  }
0x6e: {  	_ =	shalt  }
0x6f: {  	_ =	shalt  }
0x70: {  	_ =	shalt  }
0x71: {  	_ =	shalt  }
0x72: {  	_ =	shalt  }
0x73: {  	_ =	shalt  }
0x74: {  	_ =	shalt  }
0x75: {  	_ =	shalt  }
0x76: {  	_ =	shalt  }
0x77: {  	_ =	shalt  }
0x78: {  	_ =	shalt  }
0x79: {  	_ =	shalt  }
0x7a: {  	_ =	shalt  }
0x7b: {  	_ =	shalt  }
0x7c: {  	_ =	shalt  }
0x7d: {  	_ =	shalt  }
0x7e: {  	_ =	shalt  }
0x7f: {  	_ =	shalt  }
0x80: {  	_ =	shalt  }
0x81: {  	_ =	shalt  }
0x82: {  	_ =	shalt  }
0x83: {  	_ =	shalt  }
0x84: {  	_ =	shalt  }
0x85: {  	_ =	shalt  }
0x86: {  	_ =	shalt  }
0x87: {  	_ =	shalt  }
.Lfunc_end0:
.L_simem_size_0:
called_computation_lowered:
.L_overlay_start_0:
0x88: {  	s0 =	sld [smem:$0x3FD9]  }
0x89: {  	s1 =	sld [smem:$0x3FFE];
	_ =	sdelay $0x3  }
0x8a: {  	s0 =	sadd.s32 s1, s0  }
0x8b: {  	[smem:$0x3FB0] =	sst s0  }
0x8c: {  	_ = 	snop  }
0x8d: {  	(tm) =	ssettm $0x1  }
0x8e: {  	s15 =	sld [smem:$0x3FFB];
	_ =	sdelay $0x3  }
0x8f: {  	_ =	strace s15  }
0x90: {  	s0 =	sld [smem:$0x3FFC];
	_ =	sdelay $0x3  }
0x91: {  	_ =	strace s0  }
0x92: {  	s0 =	sld [smem:$0x3FFD];
	_ =	sdelay $0x3  }
0x93: {  	_ =	strace s0  }
0x94: {  	_ =	strace $0x8FFFFFFF  }
0x95: {  	s16 =	sld [smem:$0x3FDB];
	_ =	sdelay $0x1  }
0x96: {  	s17 =	simm.s32 $_scs_section_size  }
0x97: {  	s2 =	simm.s32 $_size__tile_overlayer_lowered;
	s3 =	simm.s32 $_tile_overlayer_lowered  }
0x98: {  	s20 =	simm.s32 $0x1BFF;
	s19 =	sshll.u32 s3, $0x1;
	s0 =	sadd.s32 s17, s16  }
0x99: {  	s4 =	simm.s32 $0x0;
	s18 =	sshll.u32 s2, $0x1;
	s2 =	sadd.s32 s19, s0  }
0x9a: {  	[timem:s4], [sflag:s20] =	dma.local [hbm:s2], s18  }
0x9b: {  	_ =	swait.ge [sflag:s20], s18  }
0x9c: {  	s1 =	ssub.s32 $0x0, s18;
	[sflag:s20] =	ssyncset.done $0x0  }
0x9d: {  	[sflag:s20] =	ssyncadd.s32 s1;
	_ =	sdelay $0x1  }
0x9e: {  	s21 =	simm.s32 $0x1B8B  }
0x9f: {  	_ =	swait.ge [sflag:s21], $0x1  }
0xa0: {  	[sflag:s21] =	ssyncset.done $0x0  }
0xa1: {  	s23 =	simm.s32 $0x1B8E;
	s22 =	sld [smem:$0x3FFE];
	[sflag:s21] =	ssyncadd.s32 $0xFFFFFFFF  }
0xa2: {  	s24 =	simm.s32 $execute0_lowered;
	[smem:$0x3FD2] =	sst s23  }
0xa3: {  	s2 =	sshll.u32 s24, $0x1;
	_ =	strace $0x8000004F;
	[dreg:$0x1] =	wrdreg $0xFFFFFFFF  }
0xa4: {  	s25 =	simm.s32 $_size_execute0_lowered;
	s0 =	sadd.s32 s0, s2;
	[dreg:$0x0] =	wrdreg $0x0  }
0xa5: {  	s2 =	sshll.u32 s25, $0x1;
	[dreg:$0x2] =	wrdreg s0  }
0xa6: {  	[dreg:$0x3] =	wrdreg s2  }
0xa7: {  	[dreg:$0x4] =	wrdreg $0xC0  }
0xa8: {  	_ =	task [dreg:s4], $0x5FFFF  }
0xa9: {  	[dreg:$0x1] =	wrdreg $0xFFFFFFFF  }
0xaa: {  	[dreg:$0x0] =	wrdreg $0x60  }
0xab: {  	[dreg:$0x2] =	wrdreg s22  }
0xac: {  	[dreg:$0x3] =	wrdreg $0x9  }
0xad: {  	_ =	task.clear_ibuf [dreg:s4], $0x4FFFF;
	_ =	strace $0x9000004F  }
0xae: {  	s26 =	simm.s32 $0x9;
	_ =	strace $0x80000051  }
0xaf: {  	_ =	swait.ge [sflag:s26], $0x1  }
0xb0: {  	[sflag:s26] =	ssyncadd.s32 $0xFFFFFFFF  }
0xb1: {  	_ =	strace $0x90000051  }
0xb2: {  	_ =	sfence  }
0xb3: {  	s28 =	sld [smem:$0x0];
	_ =	sdelay $0x1  }
0xb4: {  	s29 =	srdreg.scid  }
0xb5: {  	s30 =	sshll.u32 s29, $0xD;
	s31 =	sshrl.u32 s29, $0x2  }
0xb6: {  	s1 =	sand.u32 $0x1, s29;
	s2 =	sand.u32 $0x4000, s30;
	s0 =	sadd.s32 s31, s28  }
0xb7: {  	s1 =	sor.u32 s2, s1;
	s0 =	sshll.u32 s0, $0x11  }
0xb8: {  	s0 =	sor.u32 s0, s1  }
0xb9: {  	s0 =	sadd.s32 $0x8F2B, s0  }
0xba: {  	[sflag:s0] =	ssyncadd.remote.s32 $0x1  }
0xbb: {  	_ =	sfence.sel $0xFFFF  }
0xbc: {  	[dreg:$0x0] =	wrdreg $0xFFFFFFFF;
	(pc) =	sbr.abs _section_cstart, $3  }
0xbd: {  	[dreg:$0x1] =	wrdreg $0xFFFFFFFF  }
0xbe: {  	_ =	task.clear_ibuf [dreg:s4], $0x2FFFF;
	_ =	strace $0x9FFFFFFF  }
0xbf: {  	(tm) =	ssettm $0x7FFFFFFF  }
tec
execute0_lowered:
.L_overlay_start_1:
0x0: {  	(tag) =	ssettag $0x1  }
0x1: {  	s0 =	rddreg [dreg:$0x0];
	_ =	strace $0x80000050;
	s15 =	stileid.u32  }
0x2: {  	s2 =	simm.s32 $0x1;
	s1 =	smin.u32 s15, $0x8;
	s3 =	sshll.u32 s15, $0x1  }
0x3: {  	v1 =	vimm.s32 $0xFFFFFFFF;
	[sflag:s2] =	ssyncpa.u1 $0x0;
	s1 =	sadd.s32 s1, s3  }
0x4: {  	p0 =	slt.u32 s15, $0x8;
	[tilespmem:$0x10] =	vst v1;
	s4 =	smul.u32 $0x1F40, s1;
	s1 =	simm.s32 $0x5DC0  }
0x5: {  	v0 =	vimm.f32 $0.0e+00;
	[tilespmem:$0x20] =	vst v1;
	s1 =	simm.s32 @!p0 $0x3E80  }
0x6: {  	[tilespmem:$0x30] =	vst v0;
	s1 =	sadd.s32 s1, s4  }
0x7: {  	[tilespmem:$0x40] =	vst v0;
	s5 =	smin.u32 s1, $0x4E200  }
0x8: {  	s7 =	simm.s32 $0x2;
	s8 =	simm.s32 $0x8;
	[tilespmem:$0x50] =	vst v0;
	s9 =	ssub.s32 s5, s4  }
0x9: {  	s31 =	simm.s32 $0x9;
	s16 =	simm.s32 $0x0;
	[tilespmem:$0x60] =	vst v1;
	p0 =	sgt.s32 s9, $0x0  }
0xa: {  	s17 =	simm.s32 $0xF0;
	s18 =	simm.s32 $0xFFFFFFFF;
	[tilespmem:$0x70] =	vst v1;
	s9 =	simm.s32 @!p0 $0x0  }
0xb: {  	s19 =	simm.s32 $0xFFFFC280;
	s20 =	simm.s32 $0xFFFFFFFE;
	[tilespmem:$0x80] =	vst v1;
	s30 =	smulhi.u32 $0x10624DD3, s9  }
0xc: {  	s21 =	simm.s32 $0xF;
	s25 =	simm.s32 $0x0;
	s24 =	simm.s32 $0x0;
	v1 =	vimm.s32 $0x0;
	[tilespmem:$0xB0] =	vst v0  }
0xd: {  	s6 =	sadd.s32 $0x8A00, s0;
	s15 =	sshllo.u32 s15, $0x1;
	[tilespmem:$0x90] =	vst v1;
	s10 =	sshrl.u32 s30, $0x9  }
0xe: {  	[tilespmem:$0xA0] =	vst v1;
	[sflag:s7] =	ssyncpa.u1 $0x0;
	s7 =	simm.s32 $0x7;
	s11 =	smul.u32 $0x1F40, s10  }
.Ltmp0:
0xf: {  	s13 =	sor.u32 $0x80, s3;
	[sflag:s7] =	ssyncpa.u1 $0x0;
	(pc) =	sbr.rel .LBB2_1-.Ltmp0, $4  }
0x10: {  	s14 =	sor.u32 $0x81, s3;
	[sflag:s8] =	ssyncpa.u1 $0x0;
	p0 =	sne.s32 s9, s11  }
0x11: {  	s23 =	smov.u32 s4;
	s1 =	sadd.s32 $0x5BB000, s0;
	s2 =	simm.s32 @!p0 $0x0  }
0x12: {  	vm0 =	vmmov $0xffff;
	v2 =	vlaneseq.u32;
	[sflag:s31] =	ssyncpa.u1 $0x0;
	s9 =	sadd.s32 $0x5B1000, s0;
	s10 =	sadd.s32 s2, s10  }
0x13: {  	vm1 =	vmxor vm1, vm1;
	vm2 =	vmmov $0x1;
	vm3 =	vcmask $0x3F3C;
	p0 =	por $0x0, $0x0;
	s11 =	sadd.s32 $0x1, s10;
	s12 =	sadd.s32 $0x2, s10  }
.LBB2_9:
0x14: {  	p1 =	slt.u32 s24, $0x3  }
0x15: {  	s0 =	simm.s32 @!p1 $0x2  }
0x16: {  	_ =	swait.ge @!p1 [sflag:s0], $0x1F40  }
0x17: {  	[sflag:s0] =	ssyncset.done @!p1 $0x0  }
0x18: {  	[sflag:s0] =	ssyncadd.s32 @!p1 $0xFFFFE0C0;
	s0 =	simm.s32 @!p1 $0x9  }
0x19: {  	_ =	swait.ge @!p1 [sflag:s0], $0x10  }
0x1a: {  	[sflag:s0] =	ssyncset.done @!p1 $0x0  }
0x1b: {  	[sflag:s0] =	ssyncadd.s32 @!p1 $0xFFFFFFF0;
	p1 =	sne.s32 s24, s12  }
.Ltmp1:
0x1c: {  	s2 =	sadd.s32 $0x1F40, s23;
	(pc) =	sbr.rel @!p1 .LBB2_10-.Ltmp1, $4  }
0x1d: {  	s22 =	smov.u32 s4;
	s31 =	sadd.s32 $0x1, s24;
	s17 =	sadd.s32 $0x1F40, s17  }
0x1e: {  	s18 =	sadd.s32 $0x1, s18;
	s25 =	smov.u32 s23;
	p2 =	slt.s32 s2, s5  }
0x1f: {  	p0 =	por !p0, !p0;
	s19 =	sadd.s32 $0x1F40, s19;
	s22 =	smov.u32 @p2 s2  }
0x20: {  	s20 =	sadd.s32 $0x1, s20;
	s23 =	smov.u32 s22;
	s24 =	smov.u32 s31  }
.LBB2_1:
0x21: {  	p1 =	sge.u32 s24, s10  }
0x22: {  	s0 =	smulhi.u32 @!p1 $0xAAAAAAAB, s24;
	_ =	sdelay $0x1  }
0x23: {  	s0 =	sshrl.u32 @!p1 s0, $0x1  }
0x24: {  	s0 =	smul.u32 @!p1 $0x3, s0;
	_ =	sdelay $0x1  }
0x25: {  	s0 =	ssub.s32 @!p1 s24, s0  }
0x26: {  	s0 =	smul.u32 @!p1 $0x7D00, s0;
	_ =	sdelay $0x1  }
0x27: {  	s2 =	sshrl.u32 @!p1 s23, $0x3;
	s0 =	sshrl.u32 @!p1 s0, $0x2  }
0x28: {  	s22 =	sand.u32 @!p1 $0x7, s23;
	s2 =	sadd.s32 @!p1 s6, s2;
	s0 =	sadd.s32 @!p1 $0x100, s0  }
0x29: {  	[tilespmem:s0], [sflag:$0x7] =	stream.linear.gather @!p1 [hbm4b:s2+s22], $0x1F40, $0x38;
	[tilespmem:$0x11A60] =	vst v63  }
0x2a: {  	s0 =	sadd.s32 $0xFFFFFFFF, s24  }
0x2b: {  	p1 =	sge.u32 s0, s10  }
.Ltmp2:
0x2c: {  	_ = 	snop;
	(pc) =	sbr.rel @p1 .LBB2_5-.Ltmp2, $1  }
0x2d: {  	_ =	sdelay $0x3  }
0x2e: {  	s2 =	smulhi.u32 $0xAAAAAAAB, s0;
	_ =	sdelay $0x1  }
0x2f: {  	s2 =	sshrl.u32 s2, $0x1  }
0x30: {  	s2 =	smul.u32 $0x3, s2;
	_ =	sdelay $0x1  }
0x31: {  	s2 =	ssub.s32 s0, s2  }
0x32: {  	s2 =	smul.u32 $0x7D00, s2  }
0x33: {  	_ =	swait.ge [sflag:s7], $0x1F40  }
0x34: {  	[sflag:s7] =	ssyncset.done $0x0;
	s2 =	sshrl.u32 s2, $0x2  }
0x35: {  	[sflag:s7] =	ssyncadd.s32 $0xFFFFE0C0;
	(ifvalue) =	ssetifvalue $0xFFFFFFFF;
	v3 =	vld.msk [tilespmem:s2+$0x100 ss:$0x1], $0xffff;
	_ =	sdelay $0x2  }
0x36: {  	s30 =	smulhi.u32 $0xAAAAAAAB, s18;
	p1 =	sne.s32 s24, $0x1  }
0x37: {  	v4 =	vimm.s32 @!p1 $0x0  }
0x38: {  	s2 =	sshrl.u32 s30, $0x1;
	v4 =	vperm.xlane @!p1 v3, v4  }
0x39: {  	s22 =	sshll.u32 s24, $0x4;
	s2 =	smul.u32 $0xFFFE8900, s2;
	vm4 =	vlt.u32 v3, $0x2800  }
0x3a: {  	s22 =	sand.u32 $0x10, s22;
	v3 =	vnsel vm4, $0xFFFFFFFE, v3;
	vm4 =	vlt.u32 @!p1 v4, $0x2800  }
0x3b: {  	s2 =	sshra.s32 s2, $0x2;
	[tilespmem:s22+$0x60] =	vst v3;
	v3 =	vnsel @!p1 vm4, $0xFFFFFFFE, v4  }
0x3c: {  	s28 =	sadd.s32 s2, s17;
	[tilespmem:$0x80] =	vst @!p1 v3  }
0x3d: {  	v3 =	vld.msk [tilespmem:s28+$0x0 ss:$0x1], $0xffff;
	_ =	sdelay $0x4  }
0x3e: {  	(xrf1) =	vunique.msk.u32 $0xffff, v3;
	_ =	sdelay $0xd  }
0x3f: {  	v4 =	vimm.s32 $0xFFFFFFFF;
	v5, _, _ =	vpop (xrf1)  }
0x40: {  	vm5 =	vne.s32 v3, v4;
	vm4 =	veq.s32 v5, v2  }
0x41: {  	vm6 =	vlt.u32 v3, $0x2800;
	vm4 =	vmand vm5, vm4  }
0x42: {  	vm4 =	vmand vm6, vm4  }
0x43: {  	v4 =	vnsel vm4, $0xFFFFFFFF, v3  }
0x44: {  	s31 =	sand.u32 $0x1, s0  }
0x45: {  	s0 =	simm.s32 $0x1F40;
	p1 =	seq.s32 s31, $0x1  }
0x46: {  	s0 =	simm.s32 @!p1 $0x0  }
0x47: {  	s26 =	sadd.s32 $0x7DF0, s0;
	(ifvalue) =	ssetifvalue $0xFFFFFFFF  }
0x48: {  	v3 =	vperm.xlane v3, v1;
	[tilespmem:s26], [sflag:$0x8] =	stream.indirect_vreg.gather [hbm4b:s1+s16], $0x1, v4, vm0, $0x4038;
	v4 =	vnsel vm6, $0xFFFFFFFE, v4;
	[tilespmem:$0x11A60] =	vst v63  }
0x49: {  	s2 =	simm.s32 $0x0;
	s22 =	sadd.s32 $0xFFFFFFF0, s28;
	[tilespmem:s28+$0x0] =	vst v4  }
.LBB2_3:
0x4a: {  	v4 =	vld.msk [tilespmem:s22+$0x0 ss:$0x1], $0xffff;
	s2 =	sadd.s32 $0x10, s2;
	v5 =	vmov v3;
	s28 =	smov.u32 s22  }
0x4b: {  	p1 =	slt.u32 s2, $0x1F30;
	_ =	sdelay $0x4  }
0x4c: {  	v3 =	vperm.xlane v4, v1;
	(xrf1) =	vunique.msk.u32 $0xffff, v4;
	_ =	sdelay $0xd  }
0x4d: {  	v6, _, _ =	vpop (xrf1)  }
0x4e: {  	vm5 =	vne.s32 v4, v5;
	vm4 =	veq.s32 v6, v2  }
0x4f: {  	vm6 =	vlt.u32 v4, $0x2800;
	vm4 =	vmand vm5, vm4  }
0x50: {  	vm4 =	vmand vm6, vm4  }
0x51: {  	v4 =	vnsel vm4, $0xFFFFFFFF, v4  }
.Ltmp3:
0x52: {  	v5 =	vnsel vm6, $0xFFFFFFFE, v4;
	(pc) =	sbr.rel @p1 .LBB2_3-.Ltmp3, $3  }
0x53: {  	_ =	sdelay $0x1  }
0x54: {  	s22 =	sadd.s32 $0xFFFFFFF0, s22;
	s26 =	sadd.s32 $0xFFFFFFF0, s26;
	(ifvalue) =	ssetifvalue $0xFFFFFFFF  }
0x55: {  	[tilespmem:s26], [sflag:$0x8] =	stream.indirect_vreg.gather [hbm4b:s1+s16], $0x1, v4, vm0, $0x4038;
	[tilespmem:s28+$0x0] =	vst v5  }
0x56: {  	s2 =	sshrl.u32 s25, $0x3  }
0x57: {  	s0 =	sadd.s32 $0x9D40, s0;
	s2 =	sadd.s32 s9, s2  }
0x58: {  	[tilespmem:s0], [sflag:$0x8] =	stream.linear.gather [hbm:s2], $0x1F40, $0x38;
	[tilespmem:$0x11A60] =	vst v63  }
.LBB2_5:
0x59: {  	p1 =	slt.u32 s24, $0x2  }
0x5a: {  	p2 =	sge.u32 @!p1 s24, s12  }
0x5b: {  	p1 =	por p1, p2  }
.Ltmp4:
0x5c: {  	_ = 	snop;
	(pc) =	sbr.rel @p1 .LBB2_9-.Ltmp4, $1  }
0x5d: {  	_ =	sdelay $0x3  }
0x5e: {  	s0 =	sadd.s32 $0xFFFFFFFE, s24  }
0x5f: {  	s2 =	smulhi.u32 $0xAAAAAAAB, s0;
	_ =	sdelay $0x1  }
0x60: {  	s2 =	sshrl.u32 s2, $0x1  }
0x61: {  	s2 =	smul.u32 $0x3, s2;
	_ =	sdelay $0x1  }
0x62: {  	s0 =	ssub.s32 s0, s2  }
0x63: {  	_ =	swait.ge [sflag:s8], $0x3E80;
	s0 =	smul.u32 $0x1F40, s0  }
0x64: {  	p1 =	sne.s32 s24, s11;
	[sflag:s8] =	ssyncset.done $0x0  }
0x65: {  	[sflag:s8] =	ssyncadd.s32 $0xFFFFC180;
	s2 =	sadd.s32 @!p1 $0x203F, s0  }
0x66: {  	[spmem:s14] =	stream.linear.scatter @!p1 [tilespmem:s2], [sflag:$0x1], $0x1, $0x38;
	[tilespmem:$0x11A60] =	vst v63  }
0x67: {  	s2 =	simm.s32 @!p1 $0x1  }
0x68: {  	_ =	swait.ge @!p1 [sflag:s2], $0x1  }
0x69: {  	s22 =	sshll.u32 s24, $0x4;
	[sflag:s2] =	ssyncset.done @!p1 $0x0  }
0x6a: {  	s25 =	sand.u32 $0x10, s22;
	[sflag:s2] =	ssyncadd.s32 @!p1 $0xFFFFFFFF  }
0x6b: {  	s2 =	sxor.u32 $0x10, s25;
	v4 =	vld [tilespmem:s25+$0x10]  }
0x6c: {  	v5 =	vld [tilespmem:s2+$0x60]  }
0x6d: {  	v3 =	vld [tilespmem:$0x80];
	_ =	sdelay $0x2  }
0x6e: {  	(v2sf) =	vpush v4, $0x0  }
0x6f: {  	(v2sf) =	vpush v5, $0x0  }
0x70: {  	(v2sf) =	vpush v3, $0x0;
	_ =	sdelay $0xc  }
0x71: {  	s22 =	spop (v2sf)  }
0x72: {  	s26 =	spop (v2sf)  }
0x73: {  	s28 =	spop (v2sf)  }
0x74: {  	p2 =	seq.s32 s22, s26;
	p3 =	seq.s32 s28, s22  }
0x75: {  	p3 =	por p2, p3  }
0x76: {  	s26 =	sand.u32 $0x1, s24;
	v4 =	vpsel p3, $0xFFFFFFFF, v4  }
0x77: {  	s29 =	smul.u32 $0x1F40, s26;
	[tilespmem:s25+$0x10] =	vst.msk $0x1, v4  }
0x78: {  	v4 =	vld [tilespmem:$0x30]  }
0x79: {  	v5 =	vld [tilespmem:s29+$0x9D40]  }
0x7a: {  	v6 =	vld [tilespmem:s25+$0x40];
	_ =	sdelay $0x3  }
0x7b: {  	vm4 =	vmmov vm1;
	v5 =	vadd.f32 v5, v4  }
0x7c: {  	vm5 =	vmmov vm2;
	vm4 =	vmmov @p2 vm2;
	s22 =	sshll.u32 s26, $0x4;
	v4 =	vadd.f32 v6, v4  }
0x7d: {  	s26 =	sor.u32 $0x11A40, s22;
	vm5 =	vmmov @p3 vm1;
	[tilespmem:s29+$0x9D40] =	vst.msk vm4, v5  }
0x7e: {  	[tilespmem:s26+$0x0] =	vst.msk vm5, v4  }
0x7f: {  	v4 =	vld [tilespmem:s29+$0x7DF0];
	_ =	sdelay $0x3  }
0x80: {  	v5 =	vimm.f32 $0.0e+00  }
0x81: {  	v4 =	vshift.insert v4, v5, s21  }
0x82: {  	s22 =	sor.u32 $0x40, s2  }
0x83: {  	[tilespmem:s22+$0x0] =	vst.msk $0x1, v4  }
0x84: {  	[tilespmem:s29+$0x7DFF] =	vst.msk $0x1, v5  }
0x85: {  	v4 =	vld [tilespmem:s0+$0x2030];
	_ =	sdelay $0x1  }
0x86: {  	s22 =	smulhi.u32 $0xAAAAAAAB, s20;
	s0 =	simm.s32 $0x1  }
0x87: {  	s0 =	simm.s32 @!p0 $0x0  }
0x88: {  	s22 =	sshrl.u32 s22, $0x1;
	s0 =	smul.u32 $0x7D00, s0  }
0x89: {  	s22 =	smul.u32 $0xFFFE8900, s22;
	v4 =	vshift.insert v4, v1, s21  }
0x8a: {  	s0 =	sshrl.u32 s0, $0x2  }
0x8b: {  	s22 =	sshra.s32 s22, $0x2;
	s30 =	sadd.s32 $0x9D40, s0;
	[tilespmem:s2+$0x10] =	vst.msk $0x1, v4  }
0x8c: {  	s22 =	sadd.s32 s22, s19;
	v6 =	vld [tilespmem:s30+$0x0]  }
0x8d: {  	v7 =	vld [tilespmem:s22+$0x0];
	_ =	sdelay $0x3  }
0x8e: {  	v5 =	vadd.f32 v6, v5  }
0x8f: {  	vm4 =	vne.s32 v7, $0xFFFFFFFF  }
0x90: {  	(xrf2) =	vadd.seg.scan.f32 vm4, v5;
	_ =	sdelay $0x3  }
0x91: {  	s31 =	sadd.s32 $0x5EC0, s0;
	v5 =	vperm.xlane v4, v1  }
0x92: {  	v6 =	vld [tilespmem:s31+$0x0]  }
0x93: {  	vm5 =	veq.s32 v7, v3;
	vm6 =	veq.s32 v7, v5  }
0x94: {  	vm7 =	vgt.u32 v7, $0xFFFFFFFD;
	vm6 =	vmor vm6, vm5  }
0x95: {  	vm6 =	vmor vm6, vm7  }
0x96: {  	v9 =	vld [tilespmem:$0xA0];
	v7 =	vsel vm6, $0xFFFFFFFF, v7  }
0x97: {  	v10 =	vld [tilespmem:$0x90];
	v6 =	vsel vm5, $0x0, v6;
	v8, _, _ =	vpop (xrf2)  }
0x98: {  	v6 =	vadd.f32 v8, v6  }
0x99: {  	s0 =	sadd.s32 $0xDBC0, s0  }
0x9a: {  	vm4 =	vmand vm4, vm3;
	[tilespmem:s0+$0x0] =	vst v6;
	(ifvalue) =	ssetifvalue $0xFFFFFFFF  }
0x9b: {  	vm6 =	veq.s32 v9, $0x1;
	[hbm4b:s1+s16] =	stream.indirect_vreg.scatter [tilespmem:s0], [sflag:$0x2], $0x1, v7, vm0, $0x4038;
	v7 =	vsel vm4, $0x0, v8;
	[tilespmem:$0x11A60] =	vst v63  }
0x9c: {  	s2 =	simm.s32 $0x0;
	s22 =	sadd.s32 $0x10, s22;
	vm4 =	vmor vm6, vm5;
	v6 =	vsel vm5, v8, v10;
	v7 =	vshift.insert v7, v0, s21  }
.LBB2_7:
0x9d: {  	v8 =	vld [tilespmem:s22+$0x0];
	s30 =	sadd.s32 $0x10, s30  }
0x9e: {  	s31 =	sadd.s32 $0x10, s31;
	v9 =	vld [tilespmem:s30+$0x0]  }
0x9f: {  	s2 =	sadd.s32 $0x10, s2;
	v10 =	vld [tilespmem:s31+$0x0]  }
0xa0: {  	p2 =	slt.u32 s2, $0x1F30;
	_ =	sdelay $0x2  }
0xa1: {  	v7 =	vadd.f32 v9, v7  }
0xa2: {  	vm5 =	vne.s32 v8, $0xFFFFFFFF  }
0xa3: {  	vm6 =	vmand vm5, vm3;
	(xrf2) =	vadd.seg.scan.f32 vm5, v7;
	_ =	sdelay $0x5  }
0xa4: {  	vm7 =	veq.s32 v8, v5;
	vm5 =	veq.s32 v8, v3  }
0xa5: {  	vm8 =	vgt.u32 v8, $0xFFFFFFFD;
	vm4 =	vmor vm4, vm5;
	vm7 =	vmor vm7, vm5  }
0xa6: {  	vm7 =	vmor vm7, vm8  }
0xa7: {  	v8 =	vsel vm7, $0xFFFFFFFF, v8  }
.Ltmp5:
0xa8: {  	v7 =	vsel vm5, $0x0, v10;
	v9, _, _ =	vpop (xrf2);
	(pc) =	sbr.rel @p2 .LBB2_7-.Ltmp5, $4  }
0xa9: {  	v6 =	vsel vm5, v9, v6;
	v10 =	vadd.f32 v9, v7;
	v7 =	vsel vm6, $0x0, v9  }
0xaa: {  	s0 =	sadd.s32 $0x10, s0;
	v7 =	vshift.insert v7, v0, s21  }
0xab: {  	s22 =	sadd.s32 $0x10, s22;
	[tilespmem:s0+$0x0] =	vst v10;
	(ifvalue) =	ssetifvalue $0xFFFFFFFF  }
0xac: {  	[hbm4b:s1+s16] =	stream.indirect_vreg.scatter [tilespmem:s0], [sflag:$0x2], $0x1, v8, vm0, $0x4038;
	[tilespmem:$0x11A60] =	vst v63  }
0xad: {  	v3 =	vld [tilespmem:s29+$0xFAF0];
	_ =	sdelay $0x4  }
0xae: {  	v3 =	vshift.insert v3, v0, s21  }
0xaf: {  	s0 =	simm.s32 $0x30  }
0xb0: {  	[tilespmem:s0+$0x0] =	vst.msk $0x1, v3  }
0xb1: {  	v3 =	vsel vm4, $0x1, v1;
	[tilespmem:$0x90] =	vst v6  }
0xb2: {  	s0 =	sadd.s32 @!p1 $0xFAFF, s29;
	[tilespmem:$0xA0] =	vst v3  }
0xb3: {  	[spmem:s15] =	stream.linear.scatter @!p1 [tilespmem:s0], [sflag:$0x1], $0x1, $0x38;
	[tilespmem:$0x11A60] =	vst v63  }
0xb4: {  	s0 =	simm.s32 @!p1 $0x1  }
0xb5: {  	v3 =	vmctz.xlane @!p1 vm4;
	_ =	swait.ge @!p1 [sflag:s0], $0x1  }
0xb6: {  	(v2sf) =	vpush @!p1 v4, $0x0  }
0xb7: {  	(v2sf) =	vpush @!p1 v3, $0x0;
	_ =	sdelay $0xd  }
0xb8: {  	s2 =	spop @!p1 (v2sf)  }
0xb9: {  	s22 =	spop @!p1 (v2sf)  }
0xba: {  	p2 =	sne.s32 @!p1 s28, s2;
	p3 =	slt.s32 @!p1 s22, $0xF  }
0xbb: {  	[sflag:s0] =	ssyncset.done @!p1 $0x0;
	p2 =	por p2, p1;
	p3 =	por !p3, p1  }
0xbc: {  	[sflag:s0] =	ssyncadd.s32 @!p1 $0xFFFFFFFF;
	v3 =	vimm.s32 @!p2 $0xFFFFFFFF;
	s22 =	simm.s32 @p3 $0xF  }
0xbd: {  	[tilespmem:$0x80] =	vst @!p2 v3;
	s2 =	sadd.s32 @!p1 $0x90, s22  }
0xbe: {  	[spmem:s3] =	stream.linear.scatter @!p1 [tilespmem:s2], [sflag:$0x1], $0x1, $0x38;
	[tilespmem:$0x11A60] =	vst v63  }
0xbf: {  	_ =	swait.ge @!p1 [sflag:s0], $0x1  }
0xc0: {  	[sflag:s0] =	ssyncset.done @!p1 $0x0  }
0xc1: {  	s2 =	simm.s32 @!p1 $0x80;
	[sflag:s0] =	ssyncadd.s32 @!p1 $0xFFFFFFFF  }
0xc2: {  	[spmem:s13] =	stream.linear.scatter @!p1 [tilespmem:s2], [sflag:$0x1], $0x1, $0x38;
	[tilespmem:$0x11A60] =	vst v63  }
0xc3: {  	_ =	swait.ge @!p1 [sflag:s0], $0x1  }
0xc4: {  	[sflag:s0] =	ssyncset.done @!p1 $0x0  }
0xc5: {  	[sflag:s0] =	ssyncadd.s32 @!p1 $0xFFFFFFFF;
	(ifvalue) =	ssetifvalue $0xFFFFFFFF;
	v3 =	vld [tilespmem:s25+$0x10];
	_ =	sdelay $0x3  }
.Ltmp6:
0xc6: {  	_ = 	snop;
	(pc) =	sbr.rel .LBB2_9-.Ltmp6, $3  }
0xc7: {  	_ =	sdelay $0x1  }
0xc8: {  	(ifvalue) =	ssetifvalue $0xFFFFFFFF  }
0xc9: {  	[hbm4b:s1+s16] =	stream.indirect_vreg.scatter [tilespmem:s26], [sflag:$0x9], $0x1, v3, vm0, $0x4038;
	[tilespmem:$0x11A60] =	vst v63  }
.LBB2_10:
0xca: {  	_ =	sfence.sel $0x180000  }
0xcb: {  	s0 =	simm.s32 $0x7;
	[bflag:$0x0] =	sbarrier.arrive $0xFFFF  }
0xcc: {  	s26 =	simm.s32 $0x8;
	[sflag:s0] =	ssyncpa.u1 $0x1  }
0xcd: {  	s28 =	simm.s32 $0x9;
	[sflag:s26] =	ssyncpa.u1 $0x1  }
0xce: {  	[sflag:s28] =	ssyncpa.u1 $0x1  }
0xcf: {  	_ =	sfence.stream.spmem  }
0xd0: {  	s29 =	simm.s32 $0x3;
	[bflag:$0x0] =	sbarrier.arrive $0xFFFF  }
0xd1: {  	s30 =	simm.s32 $0x4;
	[sflag:s29] =	ssyncpa.u1 $0x1  }
0xd2: {  	s31 =	simm.s32 $0x3C;
	s2 =	stileid.u32;
	[sflag:s30] =	ssyncpa.u1 $0x1  }
0xd3: {  	p0 =	sne.s32 s2, $0x0;
	[sflag:s31] =	ssyncpa.u1 $0x1  }
0xd4: {  	s0 =	simm.s32 @p0 $0x1;
	_ =	sfence @p0  }
0xd5: {  	[sflag:s0] =	ssyncpa.u1 @p0 $0x1;
	s0 =	simm.s32 @p0 $0x2  }
0xd6: {  	[sflag:s0] =	ssyncpa.u1 @p0 $0x1  }
0xd7: {  	_ =	strace @p0 $0x90000050  }
0xd8: {  	[bflag:$0x2] =	sbarrier.arrive @p0 $0xFFFF  }
0xd9: {  	_ =	shalt @p0  }
.LBB2_11:
0xda: {  	_ =	sfence.stream.spmem;
	s0 =	simm.s32 $0x5  }
0xdb: {  	s2 =	simm.s32 $0x80;
	s3 =	simm.s32 $0xC0;
	[sflag:s0] =	ssyncpa.u1 $0x0  }
0xdc: {  	[tilespmem:s3], [sflag:$0x5] =	stream.linear.gather [spmem:s2], $0x20, $0x38;
	[tilespmem:$0x11A60] =	vst v63  }
0xdd: {  	s2 =	simm.s32 $0x0;
	s3 =	simm.s32 $0xE0  }
0xde: {  	[tilespmem:s3], [sflag:$0x5] =	stream.linear.gather [spmem:s2], $0x20, $0x38;
	[tilespmem:$0x11A60] =	vst v63  }
.Ltmp7:
0xdf: {  	_ = 	snop;
	(pc) =	sbr.rel .LBB2_12-.Ltmp7, $4  }
0xe0: {  	_ =	swait.ge [sflag:s0], $0x40  }
0xe1: {  	[sflag:s0] =	ssyncset.done $0x0  }
0xe2: {  	s31 =	simm.s32 $0x6;
	[sflag:s0] =	ssyncadd.s32 $0xFFFFFFC0  }
0xe3: {  	s4 =	simm.s32 $0x0;
	[sflag:s31] =	ssyncpa.u1 $0x0  }
.LBB2_17:
0xe4: {  	p0 =	sgt.u32 s5, $0x27FF  }
0xe5: {  	s0 =	sshrl.u32 @!p0 s5, $0x3  }
0xe6: {  	s5 =	sand.u32 @!p0 $0x7, s5;
	s6 =	simm.s32 @!p0 $0xB0;
	s0 =	sadd.s32 @!p0 s1, s0  }
0xe7: {  	[tilespmem:s6], [sflag:$0x6] =	stream.linear.gather @!p0 [hbm4b:s0+s5], $0x1, $0x38;
	[tilespmem:$0x11A60] =	vst v63  }
0xe8: {  	s0 =	simm.s32 @!p0 $0x6  }
0xe9: {  	_ =	swait.ge @!p0 [sflag:s0], $0x1  }
0xea: {  	[sflag:s0] =	ssyncset.done @!p0 $0x0  }
0xeb: {  	[sflag:s0] =	ssyncadd.s32 @!p0 $0xFFFFFFFF  }
0xec: {  	v2 =	vmov @!p0 s4;
	v1 =	vld.msk @!p0 [tilespmem:$0xB0], $0x1;
	_ =	sdelay $0x3  }
0xed: {  	s0 =	simm.s32 @!p0 $0xE0  }
0xee: {  	[tilespmem:v2+s0+$0x0], v1 =	vst.idx.ret.add.f32.msk @!p0 $0x1, v1  }
0xef: {  	[tilespmem:s2+$0xC0] =	vst.msk $0x1, v0  }
0xf0: {  	v0 =	vld.msk [tilespmem:s4+$0xE0], $0x1;
	_ =	sdelay $0x4  }
0xf1: {  	[tilespmem:s2+$0xE0] =	vst.msk $0x1, v0;
	s2 =	sadd.s32 $0x1, s2  }
.LBB2_19:
0xf2: {  	s4 =	sadd.s32 $0x1, s4  }
0xf3: {  	p0 =	sne.s32 s4, $0x20  }
.Ltmp8:
0xf4: {  	_ = 	snop;
	(pc) =	sbr.rel @!p0 .LBB2_20-.Ltmp8, $1  }
0xf5: {  	_ =	sdelay $0x3  }
.LBB2_12:
0xf6: {  	v0 =	vld.msk [tilespmem:s4+$0xC0], $0x1;
	_ =	sdelay $0x4  }
0xf7: {  	(v2sf) =	vpush v0, $0x0;
	_ =	sdelay $0xe  }
0xf8: {  	s5 =	spop (v2sf)  }
0xf9: {  	p0 =	seq.s32 s5, $0xFFFFFFFF  }
.Ltmp9:
0xfa: {  	_ = 	snop;
	(pc) =	sbr.rel @p0 .LBB2_19-.Ltmp9, $1  }
0xfb: {  	_ =	sdelay $0x3  }
0xfc: {  	p0 =	slt.s32 s2, $0x1  }
.Ltmp10:
0xfd: {  	_ = 	snop;
	(pc) =	sbr.rel @p0 .LBB2_17-.Ltmp10, $1  }
0xfe: {  	_ =	sdelay $0x3  }
0xff: {  	s0 =	simm.s32 $0xC0;
	p0 =	por $0x0, $0x0  }
0x100: {  	v1 =	vld.msk @!p0 [tilespmem:s0+$0x0], $0x1;
	_ =	sdelay $0x4  }
0x101: {  	(v2sf) =	vpush @!p0 v1, $0x0;
	_ =	sdelay $0xd  }
0x102: {  	p2 =	sne.s32 s2, $0x1  }
.Ltmp11:
0x103: {  	s6 =	spop @!p0 (v2sf);
	(pc) =	sbr.rel @!p2 .LBB2_16-.Ltmp11, $4  }
0x104: {  	p1 =	seq.s32 @!p0 s5, s6  }
0x105: {  	s6 =	simm.s32 $0x0;
	p1 =	por !p1, p0  }
0x106: {  	s8 =	simm.s32 $0xFFFFFFFF;
	s6 =	simm.s32 @p1 $0xFFFFFFFF  }
0x107: {  	s7 =	simm.s32 $0x1;
	s6 =	smov.u32 @p0 s8  }
.LBB2_15:
0x108: {  	s8 =	smov.u32 s6;
	p0 =	sne.s32 s6, $0xFFFFFFFF  }
0x109: {  	s0 =	sadd.s32 $0x1, s0;
	s6 =	smov.u32 s7;
	s7 =	sadd.s32 $0x1, s7  }
0x10a: {  	p1 =	sne.s32 s2, s7;
	v1 =	vld.msk @!p0 [tilespmem:s0+$0x0], $0x1;
	_ =	sdelay $0x4  }
0x10b: {  	(v2sf) =	vpush @!p0 v1, $0x0;
	_ =	sdelay $0xe  }
.Ltmp12:
0x10c: {  	s9 =	spop @!p0 (v2sf);
	(pc) =	sbr.rel @p1 .LBB2_15-.Ltmp12, $4  }
0x10d: {  	p2 =	seq.s32 @!p0 s5, s9  }
0x10e: {  	p2 =	por !p2, p0  }
0x10f: {  	s6 =	simm.s32 @p2 $0xFFFFFFFF  }
0x110: {  	s6 =	smov.u32 @p0 s8  }
.LBB2_16:
0x111: {  	p0 =	sne.s32 s6, $0xFFFFFFFF  }
.Ltmp13:
0x112: {  	_ = 	snop;
	(pc) =	sbr.rel @!p0 .LBB2_17-.Ltmp13, $1  }
0x113: {  	_ =	sdelay $0x3  }
0x114: {  	v0 =	vld.msk [tilespmem:s4+$0xE0], $0x1;
	v1 =	vmov s6  }
.Ltmp14:
0x115: {  	_ = 	snop;
	(pc) =	sbr.rel .LBB2_19-.Ltmp14, $2  }
0x116: {  	_ =	sdelay $0x2  }
0x117: {  	[tilespmem:v1+s3+$0x0], v0 =	vst.idx.ret.add.f32.msk $0x1, v0  }
.LBB2_20:
0x118: {  	p0 =	slt.s32 s2, $0x1  }
.Ltmp15:
0x119: {  	_ = 	snop;
	(pc) =	sbr.rel @p0 .LBB2_24-.Ltmp15, $3  }
0x11a: {  	_ =	sdelay $0x1  }
0x11b: {  	s0 =	simm.s32 $0x6  }
0x11c: {  	s3 =	simm.s32 $0x0;
	[sflag:s0] =	ssyncpa.u1 $0x1  }
0x11d: {  	s0 =	simm.s32 $0xC0  }
0x11e: {  	v0 =	vld.msk [tilespmem:s0+$0x0], $0x1;
	_ =	sdelay $0x4  }
0x11f: {  	(v2sf) =	vpush v0, $0x0;
	_ =	sdelay $0xe  }
0x120: {  	s2 =	sadd.s32 $0xFFFFFFFF, s2;
	s4 =	spop (v2sf)  }
0x121: {  	p1 =	sne.s32 s2, $0x0;
	p0 =	sgt.u32 s4, $0x27FF  }
.Ltmp16:
0x122: {  	s5 =	sshrl.u32 @!p0 s4, $0x3;
	(pc) =	sbr.rel @!p1 .LBB2_23-.Ltmp16, $4  }
0x123: {  	s0 =	simm.s32 $0xE0;
	s4 =	sand.u32 @!p0 $0x7, s4;
	s5 =	sadd.s32 @!p0 s1, s5  }
0x124: {  	[hbm4b:s5+s4] =	stream.linear.scatter @!p0 [tilespmem:s0], [sflag:$0x5], $0x1, $0x38;
	[tilespmem:$0x11A60] =	vst v63  }
0x125: {  	s5 =	simm.s32 $0x0  }
0x126: {  	s4 =	simm.s32 $0xC1;
	s5 =	simm.s32 @!p0 $0x4  }
.LBB2_22:
0x127: {  	v0 =	vld.msk [tilespmem:s4+$0x0], $0x1;
	s2 =	sadd.s32 $0xFFFFFFFF, s2;
	s3 =	sadd.s32 s3, s5  }
0x128: {  	p0 =	sne.s32 s2, $0x0;
	_ =	sdelay $0x3  }
0x129: {  	(v2sf) =	vpush v0, $0x0;
	_ =	sdelay $0xe  }
.Ltmp17:
0x12a: {  	s6 =	spop (v2sf);
	(pc) =	sbr.rel @p0 .LBB2_22-.Ltmp17, $4  }
0x12b: {  	s5 =	simm.s32 $0x0;
	p1 =	sgt.u32 s6, $0x27FF  }
0x12c: {  	s0 =	sadd.s32 $0x1, s0;
	s5 =	simm.s32 @!p1 $0x4;
	s7 =	sshrl.u32 @!p1 s6, $0x3  }
0x12d: {  	s4 =	sadd.s32 $0x1, s4;
	s6 =	sand.u32 @!p1 $0x7, s6;
	s7 =	sadd.s32 @!p1 s1, s7  }
0x12e: {  	[hbm4b:s7+s6] =	stream.linear.scatter @!p1 [tilespmem:s0], [sflag:$0x5], $0x1, $0x38;
	[tilespmem:$0x11A60] =	vst v63  }
.LBB2_23:
0x12f: {  	s0 =	sadd.s32 s3, s5  }
0x130: {  	s3 =	sshrl.u32 s0, $0x2  }
.LBB2_24:
0x131: {  	s0 =	simm.s32 $0x5  }
0x132: {  	_ =	swait.ge [sflag:s0], s3  }
0x133: {  	s1 =	ssub.s32 $0x0, s3;
	[sflag:s0] =	ssyncset.done $0x0  }
0x134: {  	[sflag:s0] =	ssyncadd.s32 s1  }
0x135: {  	[sflag:s0] =	ssyncpa.u1 $0x1  }
0x136: {  	s29 =	simm.s32 $0x1;
	_ =	sfence  }
0x137: {  	s30 =	simm.s32 $0x2;
	[sflag:s29] =	ssyncpa.u1 $0x1  }
0x138: {  	[sflag:s30] =	ssyncpa.u1 $0x1  }
0x139: {  	_ =	strace $0x90000050  }
0x13a: {  	[bflag:$0x2] =	sbarrier.arrive $0xFFFF  }
0x13b: {  	s31 =	rddreg [dreg:$0x1]  }
0x13c: {  	s0 =	sadd.s32 $0x100000, s31  }
0x13d: {  	[sflag:s0] =	ssyncadd.tile.s32 $0x1;
	_ =	shalt  }
.Lfunc_end2:
_tile_overlayer_lowered:
.L_overlay_start_2:
0x13e: {  	(tag) =	ssettag $0x2  }
0x13f: {  	s0 =	rddreg [dreg:$0x0];
	s2 =	stileid.u32  }
0x140: {  	s1 =	rddreg [dreg:$0x1];
	p0 =	sne.s32 s2, $0x0  }
0x141: {  	s3 =	rddreg [dreg:$0x2];
	[bflag:$0x3] =	sbarrier.arrive $0xFFFF;
	s2 =	simm.s32 @!p0 $0x1C01  }
0x142: {  	[timem:s3], [sflag:s2] =	dma.local @!p0 [hbm:s0], s1  }
0x143: {  	s0 =	simm.s32 @!p0 $0x1  }
0x144: {  	_ =	swait.ge @!p0 [sflag:s0], s1  }
0x145: {  	s1 =	ssub.s32 @!p0 $0x0, s1;
	[sflag:s0] =	ssyncset.done @!p0 $0x0  }
0x146: {  	[sflag:s0] =	ssyncadd.s32 @!p0 s1  }
0x147: {  	[bflag:$0x3] =	sbarrier.arrive $0xFFFF  }
0x148: {  	_ =	shalt  }

</sc_bundles>
